<compile_context>
chip_gen: v7x
topology: tpu7x:2x2x1
jax: 0.10.2.dev20260603
libtpu: 0.0.44.dev20260713+nightly
codegen_flags: <defaults>
</compile_context>

<pallas_src>
import functools

import jax
import jax.numpy as jnp
from jax import lax
from jax.experimental import pallas as pl
from jax.experimental.pallas import tpu as pltpu
from jax.experimental.pallas import tpu_sc as plsc

N = 10000
E = 320000
D = 128
H = 12
HP = 16
NEG = -1e30

NC = 2
NS = 16
NW = NC * NS
E_W = E // NW
KB = 200
NBLK = E_W // KB
KS = 80
NBLKS = E_W // KS
ZR = 40
KE = 2000
GE = E // KE


def _mesh():
    return plsc.VectorSubcoreMesh(core_axis_name="c", subcore_axis_name="s")


def _gather_body(xb_hbm, a_hbm, src_hbm, dst_hbm, xj_hbm, l_hbm,
                 srcv, dstv, xjv, ajv, aiv, lv, sg, so):
    wid = lax.axis_index("s") * NC + lax.axis_index("c")
    base = wid * E_W
    lane = lax.iota(jnp.int32, HP)
    is12 = lane == 12

    def fetch(b, s):
        off = base + b * KB
        pltpu.sync_copy(src_hbm.at[pl.ds(off, KB)], srcv.at[s, pl.ds(0, KB)])
        pltpu.sync_copy(dst_hbm.at[pl.ds(off, KB)], dstv.at[s, pl.ds(0, KB)])
        idx_s = srcv.at[s, pl.ds(0, KB)]
        idx_d = dstv.at[s, pl.ds(0, KB)]
        pltpu.async_copy(xb_hbm.at[idx_s], xjv.at[s], sg.at[s])
        pltpu.async_copy(a_hbm.at[idx_s], ajv.at[s], sg.at[s])
        pltpu.async_copy(a_hbm.at[idx_d], aiv.at[s], sg.at[s])

    def wait_fetch(s):
        idx_s = srcv.at[s, pl.ds(0, KB)]
        idx_d = dstv.at[s, pl.ds(0, KB)]
        pltpu.make_async_copy(xb_hbm.at[idx_s], xjv.at[s], sg.at[s]).wait()
        pltpu.make_async_copy(a_hbm.at[idx_s], ajv.at[s], sg.at[s]).wait()
        pltpu.make_async_copy(a_hbm.at[idx_d], aiv.at[s], sg.at[s]).wait()

    def wait_out(s):
        pltpu.make_async_copy(xjv.at[s], xj_hbm.at[pl.ds(0, KB)], so.at[s]).wait()
        pltpu.make_async_copy(lv.at[s], l_hbm.at[pl.ds(0, KB)], so.at[s]).wait()

    fetch(0, 0)

    def blk(b, _):
        s = lax.rem(b, 2)
        s2 = 1 - s

        @pl.when(b + 1 < NBLK)
        def _():
            @pl.when(b >= 1)
            def _():
                wait_out(s2)
            fetch(b + 1, s2)

        wait_fetch(s)
        srcv_s, dstv_s = srcv.at[s], dstv.at[s]
        aiv_s, ajv_s, lv_s = aiv.at[s], ajv.at[s], lv.at[s]

        def grp16(g, nj):
            sv = srcv_s[pl.ds(g * 16, 16)]
            dv = dstv_s[pl.ds(g * 16, 16)]
            wv = jnp.where(sv != dv, 1.0, 0.0).astype(jnp.float32)
            for j in range(nj):
                e = g * 16 + j
                l = aiv_s[e, :] - ajv_s[e, :]
                lv_s[e, :] = jnp.where(is12, wv[j], l)

        def grp(g, _):
            grp16(g, 16)
            return 0

        lax.fori_loop(0, KB // 16, grp, 0)
        if KB % 16:
            grp16(KB // 16, KB % 16)
        off = base + b * KB
        pltpu.async_copy(xjv.at[s], xj_hbm.at[pl.ds(off, KB)], so.at[s])
        pltpu.async_copy(lv.at[s], l_hbm.at[pl.ds(off, KB)], so.at[s])
        return 0

    lax.fori_loop(0, NBLK, blk, 0)
    wait_out(0)
    wait_out(1)


def _sc_gather(xb, a, src, dst):
    k = pl.kernel(
        _gather_body,
        out_type=(jax.ShapeDtypeStruct((E, D), jnp.float32),
                  jax.ShapeDtypeStruct((E, HP), jnp.float32)),
        mesh=_mesh(),
        compiler_params=pltpu.CompilerParams(use_tc_tiling_on_sc=False),
        scratch_types=[
            pltpu.VMEM((2, KB + 16), jnp.int32),
            pltpu.VMEM((2, KB + 16), jnp.int32),
            pltpu.VMEM((2, KB, D), jnp.float32),
            pltpu.VMEM((2, KB, HP), jnp.float32),
            pltpu.VMEM((2, KB, HP), jnp.float32),
            pltpu.VMEM((2, KB, HP), jnp.float32),
            pltpu.SemaphoreType.DMA((2,)),
            pltpu.SemaphoreType.DMA((2,)),
        ],
    )
    return k(xb, a, src, dst)


def _scatter_body(with_cnt, msg_hbm, wrow_hbm, dst_hbm, acc_out, cnt_out,
                  msgv, dstv, wrowv, zbuf, zbufc, acc_sh, cnt_sh, sl):
    cid = lax.axis_index("c")
    sid = lax.axis_index("s")
    wid = sid * NC + cid
    base = wid * E_W

    def zrow(i, _):
        r = i // (D // HP)
        c = i % (D // HP)
        zbuf[r, pl.ds(c * HP, HP)] = jnp.zeros((HP,), jnp.float32)
        return 0

    lax.fori_loop(0, ZR * (D // HP), zrow, 0)

    if with_cnt:
        def zrowc(i, _):
            zbufc[i, :] = jnp.zeros((HP,), jnp.float32)
            return 0
        lax.fori_loop(0, ZR, zrowc, 0)

    nzb = N // ZR

    def zcp(k, _):
        b = sid + k * NS

        @pl.when(b < nzb)
        def _():
            pltpu.sync_copy(zbuf, acc_sh.at[pl.ds(b * ZR, ZR)])
            if with_cnt:
                pltpu.sync_copy(zbufc, cnt_sh.at[pl.ds(b * ZR, ZR)])
        return 0

    lax.fori_loop(0, (nzb + NS - 1) // NS, zcp, 0)
    plsc.subcore_barrier()

    def fetch(b, s):
        off = base + b * KS
        pltpu.async_copy(msg_hbm.at[pl.ds(off, KS)], msgv.at[s], sl.at[s])
        pltpu.async_copy(dst_hbm.at[pl.ds(off, KS)], dstv.at[s], sl.at[s])
        if with_cnt:
            pltpu.async_copy(wrow_hbm.at[pl.ds(off, KS)], wrowv.at[s], sl.at[s])

    def wait_fetch(s):
        pltpu.make_async_copy(msg_hbm.at[pl.ds(0, KS)], msgv.at[s], sl.at[s]).wait()
        pltpu.make_async_copy(dst_hbm.at[pl.ds(0, KS)], dstv.at[s], sl.at[s]).wait()
        if with_cnt:
            pltpu.make_async_copy(wrow_hbm.at[pl.ds(0, KS)], wrowv.at[s], sl.at[s]).wait()

    fetch(0, 0)

    def blk(b, _):
        s = lax.rem(b, 2)

        @pl.when(b + 1 < NBLKS)
        def _():
            fetch(b + 1, 1 - s)

        wait_fetch(s)
        pltpu.sync_copy(msgv.at[s], acc_sh.at[dstv.at[s]], add=True)
        if with_cnt:
            pltpu.sync_copy(wrowv.at[s], cnt_sh.at[dstv.at[s]], add=True)
        return 0

    lax.fori_loop(0, NBLKS, blk, 0)
    plsc.subcore_barrier()

    @pl.when(sid == 0)
    def _():
        pltpu.sync_copy(acc_sh, acc_out.at[cid])
        if with_cnt:
            pltpu.sync_copy(cnt_sh, cnt_out.at[cid])


def _sc_scatter(msg, wrow, dst, with_cnt):
    k = pl.kernel(
        functools.partial(_scatter_body, with_cnt),
        out_type=(jax.ShapeDtypeStruct((NC, N, D), jnp.float32),
                  jax.ShapeDtypeStruct((NC, N, HP), jnp.float32)),
        mesh=_mesh(),
        compiler_params=pltpu.CompilerParams(use_tc_tiling_on_sc=False),
        scratch_types=[
            pltpu.VMEM((2, KS, D), jnp.float32),
            pltpu.VMEM((2, KS), jnp.int32),
            pltpu.VMEM((2, KS, HP), jnp.float32),
            pltpu.VMEM((ZR, D), jnp.float32),
            pltpu.VMEM((ZR, HP), jnp.float32),
            pltpu.VMEM_SHARED((N, D), jnp.float32),
            pltpu.VMEM_SHARED((N, HP), jnp.float32),
            pltpu.SemaphoreType.DMA((2,)),
        ],
    )
    return k(msg, wrow, dst)


def _wc_from(wl, cp):
    m = jnp.max(cp, axis=1, keepdims=True)
    p = jnp.exp(cp - m)
    sc = p / jnp.sum(p, axis=1, keepdims=True)
    wc = jnp.zeros((D, D), jnp.float32)
    for h in range(H):
        wc = wc + sc[0, h] * wl[h * D:(h + 1) * D, :]
    return wc


def _prep_kern(x_ref, wu_ref, wl_ref, cp_ref, a_ref, b_ref):
    x = x_ref[...]
    a_ref[...] = lax.dot_general(x, wu_ref[...], (((1,), (1,)), ((), ())),
                                 preferred_element_type=jnp.float32)
    wc = _wc_from(wl_ref[...], cp_ref[...])
    b_ref[...] = lax.dot_general(x, wc, (((1,), (1,)), ((), ())),
                                 preferred_element_type=jnp.float32)


def _tc_prep(x, wu16, wlin, cp):
    nb = 10
    rows = N // nb
    return pl.pallas_call(
        _prep_kern,
        grid=(nb,),
        in_specs=[
            pl.BlockSpec((rows, D), lambda i: (i, 0)),
            pl.BlockSpec((HP, D), lambda i: (0, 0)),
            pl.BlockSpec((H * D, D), lambda i: (0, 0)),
            pl.BlockSpec((1, HP), lambda i: (0, 0)),
        ],
        out_specs=[
            pl.BlockSpec((rows, HP), lambda i: (i, 0)),
            pl.BlockSpec((rows, D), lambda i: (i, 0)),
        ],
        out_shape=[
            jax.ShapeDtypeStruct((N, HP), jnp.float32),
            jax.ShapeDtypeStruct((N, D), jnp.float32),
        ],
    )(x, wu16, wlin, cp)


def _edge_kern(with_w, xj_ref, l_ref, wl_ref, cp_ref, msg_ref, *rest):
    l = l_ref[...]
    logits = l + cp_ref[...]
    m = jnp.max(logits, axis=1, keepdims=True)
    p = jnp.exp(logits - m)
    att = p / jnp.sum(p, axis=1, keepdims=True)
    w = l[:, 12:13]
    attw = att * w
    xj = xj_ref[...].astype(jnp.bfloat16)
    acc = jnp.zeros((KE, D), jnp.float32)
    for h in range(H):
        xt = lax.dot_general(xj, wl_ref[pl.ds(h * D, D), :],
                             (((1,), (1,)), ((), ())),
                             preferred_element_type=jnp.float32)
        acc = acc + attw[:, h:h + 1] * xt
    msg_ref[...] = acc
    if with_w:
        rest[0][...] = jnp.broadcast_to(w, (KE, HP))


def _tc_edge(xj, l, wlin_bf, cp, with_w):
    out_specs = [pl.BlockSpec((KE, D), lambda i: (i, 0))]
    out_shape = [jax.ShapeDtypeStruct((E, D), jnp.float32)]
    if with_w:
        out_specs.append(pl.BlockSpec((KE, HP), lambda i: (i, 0)))
        out_shape.append(jax.ShapeDtypeStruct((E, HP), jnp.float32))
    return pl.pallas_call(
        functools.partial(_edge_kern, with_w),
        grid=(GE,),
        in_specs=[
            pl.BlockSpec((KE, D), lambda i: (i, 0)),
            pl.BlockSpec((KE, HP), lambda i: (i, 0)),
            pl.BlockSpec((H * D, D), lambda i: (0, 0)),
            pl.BlockSpec((1, HP), lambda i: (0, 0)),
        ],
        out_specs=out_specs,
        out_shape=out_shape,
    )(xj, l, wlin_bf, cp)


def _post1_kern(acc_ref, cnt_ref, bself_ref, b1_ref, hpre_ref, st_ref):
    i = pl.program_id(0)
    summed = acc_ref[0] + acc_ref[1] + bself_ref[...]
    cnt = cnt_ref[0, :, 0:1] + cnt_ref[1, :, 0:1] + 1.0
    hpre = summed / jnp.maximum(cnt, 1.0) + b1_ref[...]
    hpre = jnp.maximum(hpre, 0.0)
    hpre_ref[...] = hpre

    @pl.when(i == 0)
    def _():
        st_ref[...] = jnp.zeros_like(st_ref)

    s1 = jnp.sum(hpre, axis=0, keepdims=True)
    s2 = jnp.sum(hpre * hpre, axis=0, keepdims=True)
    st_ref[0:1, :] += s1
    st_ref[1:2, :] += s2


def _tc_post1(acc, cnt, bself, b1row):
    nb = 10
    rows = N // nb
    return pl.pallas_call(
        _post1_kern,
        grid=(nb,),
        in_specs=[
            pl.BlockSpec((NC, rows, D), lambda i: (0, i, 0)),
            pl.BlockSpec((NC, rows, HP), lambda i: (0, i, 0)),
            pl.BlockSpec((rows, D), lambda i: (i, 0)),
            pl.BlockSpec((1, D), lambda i: (0, 0)),
        ],
        out_specs=[
            pl.BlockSpec((rows, D), lambda i: (i, 0)),
            pl.BlockSpec((8, D), lambda i: (0, 0)),
        ],
        out_shape=[
            jax.ShapeDtypeStruct((N, D), jnp.float32),
            jax.ShapeDtypeStruct((8, D), jnp.float32),
        ],
    )(acc, cnt, bself, b1row)


def _bn_kern(hpre_ref, st_ref, g_ref, bt_ref, wu_ref, wl_ref, cp_ref,
             a_ref, b_ref, hb_ref):
    mean = st_ref[0:1, :] / float(N)
    var = st_ref[1:2, :] / float(N) - mean * mean
    h = (hpre_ref[...] - mean) * lax.rsqrt(var + 1e-5) * g_ref[...] + bt_ref[...]
    a_ref[...] = lax.dot_general(h, wu_ref[...], (((1,), (1,)), ((), ())),
                                 preferred_element_type=jnp.float32)
    wc = _wc_from(wl_ref[...], cp_ref[...])
    b_ref[...] = lax.dot_general(h, wc, (((1,), (1,)), ((), ())),
                                 preferred_element_type=jnp.float32)
    hb_ref[...] = h


def _tc_bn_prep(hpre, st, gamma, beta, wu16, wlin, cp):
    nb = 10
    rows = N // nb
    return pl.pallas_call(
        _bn_kern,
        grid=(nb,),
        in_specs=[
            pl.BlockSpec((rows, D), lambda i: (i, 0)),
            pl.BlockSpec((8, D), lambda i: (0, 0)),
            pl.BlockSpec((1, D), lambda i: (0, 0)),
            pl.BlockSpec((1, D), lambda i: (0, 0)),
            pl.BlockSpec((HP, D), lambda i: (0, 0)),
            pl.BlockSpec((H * D, D), lambda i: (0, 0)),
            pl.BlockSpec((1, HP), lambda i: (0, 0)),
        ],
        out_specs=[
            pl.BlockSpec((rows, HP), lambda i: (i, 0)),
            pl.BlockSpec((rows, D), lambda i: (i, 0)),
            pl.BlockSpec((rows, D), lambda i: (i, 0)),
        ],
        out_shape=[
            jax.ShapeDtypeStruct((N, HP), jnp.float32),
            jax.ShapeDtypeStruct((N, D), jnp.float32),
            jax.ShapeDtypeStruct((N, D), jnp.float32),
        ],
    )(hpre, st, gamma, beta, wu16, wlin, cp)


def _post2_kern(acc_ref, cnt_ref, bself_ref, b2_ref, out_ref):
    summed = acc_ref[0] + acc_ref[1] + bself_ref[...]
    cnt = cnt_ref[0, :, 0:1] + cnt_ref[1, :, 0:1] + 1.0
    out_ref[...] = summed / jnp.maximum(cnt, 1.0) + b2_ref[...]


def _tc_post2(acc, cnt, bself, b2row):
    nb = 10
    rows = N // nb
    return pl.pallas_call(
        _post2_kern,
        grid=(nb,),
        in_specs=[
            pl.BlockSpec((NC, rows, D), lambda i: (0, i, 0)),
            pl.BlockSpec((NC, rows, HP), lambda i: (0, i, 0)),
            pl.BlockSpec((rows, D), lambda i: (i, 0)),
            pl.BlockSpec((1, D), lambda i: (0, 0)),
        ],
        out_specs=pl.BlockSpec((rows, D), lambda i: (i, 0)),
        out_shape=jax.ShapeDtypeStruct((N, D), jnp.float32),
    )(acc, cnt, bself, b2row)


def kernel(x, edge_index, W1_lin, W1_u, c1, b1, bn_gamma, bn_beta,
           W2_lin, W2_u, c2, b2):
    src = edge_index[0].astype(jnp.int32)
    dst = edge_index[1].astype(jnp.int32)

    w1u16 = jnp.pad(W1_u, ((0, HP - H), (0, 0)))
    w2u16 = jnp.pad(W2_u, ((0, HP - H), (0, 0)))
    c1p = jnp.pad(c1, (0, HP - H), constant_values=NEG).reshape(1, HP)
    c2p = jnp.pad(c2, (0, HP - H), constant_values=NEG).reshape(1, HP)
    w1l_bf = W1_lin.astype(jnp.bfloat16)
    w2l_bf = W2_lin.astype(jnp.bfloat16)
    b1r = b1.reshape(1, D)
    b2r = b2.reshape(1, D)

    a1, bs1 = _tc_prep(x, w1u16, W1_lin, c1p)
    xj1, l1 = _sc_gather(x, a1, src, dst)
    msg1, wrow = _tc_edge(xj1, l1, w1l_bf, c1p, True)
    acc1, cnt = _sc_scatter(msg1, wrow, dst, True)
    hpre, st = _tc_post1(acc1, cnt, bs1, b1r)
    a2, bs2, h = _tc_bn_prep(hpre, st, bn_gamma.reshape(1, D),
                             bn_beta.reshape(1, D), w2u16, W2_lin, c2p)

    xj2, l2 = _sc_gather(h, a2, src, dst)
    (msg2,) = _tc_edge(xj2, l2, w2l_bf, c2p, False)
    acc2, _ = _sc_scatter(msg2, wrow, dst, False)
    return _tc_post2(acc2, cnt, bs2, b2r)

# --- scband reference (transcript-rebuilt; emitter-appended) ---
"""Pipeline reference for scband-graph-feature-encoder-3959959847038 (READ-ONLY COPY).

The authoritative reference and input builder live on the scoring server;
editing this copy changes nothing except your own understanding.
"""

import jax, jax.numpy as jnp
import numpy as np

N = 10000
E = 320000
D = 128
H = 12
OUT1 = 128
OUT2 = 128

def setup_inputs(seed: int = 0):
    key = jax.random.key(seed)
    ks = jax.random.split(key, 12)
    x = jax.random.normal(ks[0], (N, D), dtype=jnp.float32)
    edge_index = jax.random.randint(ks[1], (2, E), 0, N)
    W1_lin = jax.random.uniform(ks[2], (OUT1 * H, D), dtype=jnp.float32)
    W1_u = jax.random.uniform(ks[3], (H, D), dtype=jnp.float32)
    c1 = 0.1 * jax.random.normal(ks[4], (H,), dtype=jnp.float32)
    b1 = 0.1 * jax.random.normal(ks[5], (OUT1,), dtype=jnp.float32)
    bn_gamma = jnp.ones((OUT1,), dtype=jnp.float32)
    bn_beta = jnp.zeros((OUT1,), dtype=jnp.float32)
    W2_lin = jax.random.uniform(ks[6], (OUT2 * H, OUT1), dtype=jnp.float32)
    W2_u = jax.random.uniform(ks[7], (H, OUT1), dtype=jnp.float32)
    c2 = 0.1 * jax.random.normal(ks[8], (H,), dtype=jnp.float32)
    b2 = 0.1 * jax.random.normal(ks[9], (OUT2,), dtype=jnp.float32)
    return {"x": x, "edge_index": edge_index, "W1_lin": W1_lin, "W1_u": W1_u,
            "c1": c1, "b1": b1, "bn_gamma": bn_gamma, "bn_beta": bn_beta,
            "W2_lin": W2_lin, "W2_u": W2_u, "c2": c2, "b2": b2}

def _prep_edges(edge_index, n):
    src, dst = edge_index[0], edge_index[1]
    w = (src != dst).astype(jnp.float32)
    loop = jnp.arange(n, dtype=src.dtype)
    src = jnp.concatenate([src, loop])
    dst = jnp.concatenate([dst, loop])
    w = jnp.concatenate([w, jnp.ones((n,), dtype=jnp.float32)])
    return src, dst, w

def _fsc(x, src, dst, w, W_lin, W_u, c, b, heads, out_ch):
    n = x.shape[0]
    x_j = x[src]
    x_i = x[dst]
    logits = (x_i - x_j) @ W_u.T + c  # [E, H]
    att = jax.nn.softmax(logits, axis=1)
    xt = (x_j @ W_lin.T).reshape(-1, heads, out_ch)
    msg = jnp.sum(att[:, :, None] * xt, axis=1)  # [E, out_ch]
    msg = w[:, None] * msg
    summed = jax.ops.segment_sum(msg, dst, num_segments=n)
    cnt = jax.ops.segment_sum(w, dst, num_segments=n)
    out = summed / jnp.maximum(cnt, 1.0)[:, None]
    return out + b

def _batch_norm(x, gamma, beta, eps=1e-5):
    mean = jnp.mean(x, axis=0)
    var = jnp.mean((x - mean) ** 2, axis=0)
    return (x - mean) / jnp.sqrt(var + eps) * gamma + beta

def reference(x, edge_index, W1_lin, W1_u, c1, b1, bn_gamma, bn_beta, W2_lin, W2_u, c2, b2):
    src, dst, w = _prep_edges(edge_index, x.shape[0])
    h = _fsc(x, src, dst, w, W1_lin, W1_u, c1, b1, H, OUT1)
    h = jax.nn.relu(h)
    h = _batch_norm(h, bn_gamma, bn_beta)
    out = _fsc(h, src, dst, w, W2_lin, W2_u, c2, b2, H, OUT2)
    return out

if __name__ == "__main__":
    import jax
    _d = setup_inputs()
    print(jax.jit(kernel)(*tuple(_d.values())))

</pallas_src>

<mosaic_0001>
#map = affine_map<(d0, d1) -> (0, 0)>
#map1 = affine_map<(d0, d1) -> (0)>
#map2 = affine_map<(d0, d1) -> (0, 0, 0)>
module attributes {stable_mosaic.version = 14 : i64} {
  func.func @_scatter_body(%arg0: i32, %arg1: i32, %arg2: memref<320000x128xf32, #tpu.memory_space<hbm>>, %arg3: memref<320000x16xf32, #tpu.memory_space<hbm>>, %arg4: memref<320000xi32, #tpu.memory_space<hbm>>, %arg5: memref<2x10000x128xf32, #tpu.memory_space<hbm>>, %arg6: memref<2x10000x16xf32, #tpu.memory_space<hbm>>, %arg7: memref<2x80x128xf32, #tpu.memory_space<vmem>>, %arg8: memref<2x80xi32, #tpu.memory_space<vmem>>, %arg9: memref<2x80x16xf32, #tpu.memory_space<vmem>>, %arg10: memref<40x128xf32, #tpu.memory_space<vmem>>, %arg11: memref<40x16xf32, #tpu.memory_space<vmem>>, %arg12: memref<10000x128xf32, #tpu.memory_space<vmem_shared>>, %arg13: memref<10000x16xf32, #tpu.memory_space<vmem_shared>>, %arg14: memref<2x!tpu.dma_semaphore, #tpu.memory_space<semaphore_mem>>) attributes {dimension_semantics = [#tpu.dimension_semantics<core_parallel>, #tpu.dimension_semantics<subcore_parallel>], iteration_bounds = array<i64: 2, 16>, scalar_prefetch = 0 : i64, scratch_operands = 8 : i64, tpu.core_type = #tpu.core_type<sc_vector_subcore>, window_params = [{transform_indices = #map}, {transform_indices = #map}, {transform_indices = #map1}, {transform_indices = #map2}, {transform_indices = #map2}]} {
    %mul3A = arith.constant 2 : i32
    %mul3A_0 = arith.muli %arg1, %mul3A : i32
    %add3A = arith.addi %mul3A_0, %arg0 : i32
    %mul3A_1 = arith.constant 10000 : i32
    %mul3A_2 = arith.muli %add3A, %mul3A_1 : i32
    %scan3A = arith.constant 0 : i32
    %scan3A_3 = arith.constant 0 : i32
    %scan3A_4 = arith.constant 320 : i32
    %scan3A_5 = arith.addi %scan3A_3, %scan3A_4 : i32
    %scan3A_6 = arith.constant 1 : i32
    %scan3A_7 = scf.for %scan3A_55 = %scan3A_3 to %scan3A_5 step %scan3A_6 iter_args(%scan3A_56 = %scan3A) -> (i32)  : i32 {
      %jit3A = arith.constant 8 : i32
      %div3A = arith.divsi %scan3A_55, %jit3A : i32
      %sign3A = arith.constant 0 : i32
      %sign3A_57 = arith.cmpi sgt, %scan3A_55, %sign3A : i32
      %sign3A_58 = arith.extui %sign3A_57 : i1 to i32
      %sign3A_59 = arith.constant 0 : i32
      %sign3A_60 = arith.cmpi slt, %scan3A_55, %sign3A_59 : i32
      %sign3A_61 = arith.extui %sign3A_60 : i1 to i32
      %sign3A_62 = arith.subi %sign3A_58, %sign3A_61 : i32
      %sign3A_63 = arith.constant 0 : i32
      %sign3A_64 = arith.cmpi sgt, %jit3A, %sign3A_63 : i32
      %sign3A_65 = arith.extui %sign3A_64 : i1 to i32
      %sign3A_66 = arith.constant 0 : i32
      %sign3A_67 = arith.cmpi slt, %jit3A, %sign3A_66 : i32
      %sign3A_68 = arith.extui %sign3A_67 : i1 to i32
      %sign3A_69 = arith.subi %sign3A_65, %sign3A_68 : i32
      %ne3A = arith.cmpi ne, %sign3A_62, %sign3A_69 : i32
      %rem3A = arith.remsi %scan3A_55, %jit3A : i32
      %ne3A_70 = arith.constant 0 : i32
      %ne3A_71 = arith.cmpi ne, %rem3A, %ne3A_70 : i32
      %and3A = arith.andi %ne3A, %ne3A_71 : i1
      %sub3A = arith.constant 1 : i32
      %sub3A_72 = arith.subi %div3A, %sub3A : i32
      %select_n3A = arith.select %and3A, %sub3A_72, %div3A : i32
      %jit3A_73 = arith.constant 8 : i32
      %eq3A_74 = arith.constant 0 : i32
      %eq3A_75 = arith.cmpi eq, %jit3A_73, %eq3A_74 : i32
      %jit3A_76 = arith.constant 1 : i32
      %select_n3A_77 = arith.select %eq3A_75, %jit3A_76, %jit3A_73 : i32
      %rem3A_78 = arith.remsi %scan3A_55, %select_n3A_77 : i32
      %ne3A_79 = arith.constant 0 : i32
      %ne3A_80 = arith.cmpi ne, %rem3A_78, %ne3A_79 : i32
      %lt3A = arith.constant 0 : i32
      %lt3A_81 = arith.cmpi slt, %rem3A_78, %lt3A : i32
      %lt3A_82 = arith.constant 0 : i32
      %lt3A_83 = arith.cmpi slt, %select_n3A_77, %lt3A_82 : i32
      %ne3A_84 = arith.xori %lt3A_81, %lt3A_83 : i1
      %and3A_85 = arith.andi %ne3A_84, %ne3A_80 : i1
      %add3A_86 = arith.addi %rem3A_78, %select_n3A_77 : i32
      %select_n3A_87 = arith.select %and3A_85, %add3A_86, %rem3A_78 : i32
      %broadcast_in_dim3A = arith.constant 0.000000e+00 : f32
      %broadcast_in_dim3A_88 = vector.broadcast %broadcast_in_dim3A : f32 to vector<16xf32>
      %mul3A_89 = arith.constant 16 : i32
      %mul3A_90 = arith.muli %select_n3A_87, %mul3A_89 : i32
      %swap3A = arith.index_cast %select_n3A : i32 to index
      %swap3A_91 = arith.index_cast %mul3A_90 : i32 to index
      %swap3A_92 = tpu.vector_load %arg10[%swap3A, %swap3A_91] {strides = array<i32>} : memref<40x128xf32, #tpu.memory_space<vmem>>, vector<1x16xf32>,
      %swap3A_93 = vector.shape_cast %swap3A_92 : vector<1x16xf32> to vector<16xf32>
      %swap3A_94 = vector.shape_cast %broadcast_in_dim3A_88 : vector<16xf32> to vector<1x16xf32>
      tpu.vector_store %arg10[%swap3A, %swap3A_91], %swap3A_94 {strides = array<i32>} : memref<40x128xf32, #tpu.memory_space<vmem>>, vector<1x16xf32>,
      %scan3A_95 = arith.constant 0 : i32
      scf.yield %scan3A_95 : i32
    }
    %scan3A_8 = arith.constant 320 : i32
    %scan3A_9 = arith.constant 0 : i32
    %scan3A_10 = arith.constant 0 : i32
    %scan3A_11 = arith.constant 16 : i32
    %scan3A_12 = arith.addi %scan3A_10, %scan3A_11 : i32
    %scan3A_13 = arith.constant 1 : i32
    %scan3A_14 = scf.for %scan3A_55 = %scan3A_10 to %scan3A_12 step %scan3A_13 iter_args(%scan3A_56 = %scan3A_9) -> (i32)  : i32 {
      %mul3A_57 = arith.constant 16 : i32
      %mul3A_58 = arith.muli %scan3A_55, %mul3A_57 : i32
      %add3A_59 = arith.addi %arg1, %mul3A_58 : i32
      %lt3A = arith.constant 250 : i32
      %lt3A_60 = arith.cmpi slt, %add3A_59, %lt3A : i32
      %convert_element_type3A_61 = arith.extui %lt3A_60 : i1 to i32
      %cond3A_62 = arith.constant 0 : i32
      %cond3A_63 = arith.cmpi ne, %convert_element_type3A_61, %cond3A_62 : i32
      scf.if %cond3A_63 {
        %mul3A_65 = arith.constant 40 : i32
        %mul3A_66 = arith.muli %add3A_59, %mul3A_65 : i32
        "tpu.region"() ({
          %run_scoped3A = tpu.sem_alloc : memref<!tpu.dma_semaphore, #tpu.memory_space<semaphore_mem>>
          %dma_start3A_67 = arith.constant 0 : i32
          %dma_start3A_68 = tpu.memref_slice %arg12[%mul3A_66, %dma_start3A_67] : memref<10000x128xf32, #tpu.memory_space<vmem_shared>> -> memref<40x128xf32, #tpu.memory_space<vmem_shared>>
          %dma_start3A_69 = arith.constant 0 : i32
          %dma_start3A_70 = tpu.memref_slice %arg12[%mul3A_66, %dma_start3A_69] : memref<10000x128xf32, #tpu.memory_space<vmem_shared>> -> memref<40x128xf32, #tpu.memory_space<vmem_shared>>
          tpu.enqueue_dma source(%arg10 : memref<40x128xf32, #tpu.memory_space<vmem>>) target(%dma_start3A_70 : memref<40x128xf32, #tpu.memory_space<vmem_shared>>) target_semaphore(%run_scoped3A : memref<!tpu.dma_semaphore, #tpu.memory_space<semaphore_mem>>)
          %dma_wait3A = arith.constant 0 : i32
          %dma_wait3A_71 = tpu.memref_slice %arg12[%mul3A_66, %dma_wait3A] : memref<10000x128xf32, #tpu.memory_space<vmem_shared>> -> memref<40x128xf32, #tpu.memory_space<vmem_shared>>
          %dma_wait3A_72 = arith.constant 0 : i32
          %dma_wait3A_73 = tpu.memref_slice %arg12[%mul3A_66, %dma_wait3A_72] : memref<10000x128xf32, #tpu.memory_space<vmem_shared>> -> memref<40x128xf32, #tpu.memory_space<vmem_shared>>
          tpu.wait_dma2 semaphore(%run_scoped3A : memref<!tpu.dma_semaphore, #tpu.memory_space<semaphore_mem>>) src(%arg10 : memref<40x128xf32, #tpu.memory_space<vmem>>) dst(%dma_wait3A_73 : memref<40x128xf32, #tpu.memory_space<vmem_shared>>)
          tpu.yield
        }) : () -> ()
      } else {
      }
      %scan3A_64 = arith.constant 0 : i32
      scf.yield %scan3A_64 : i32
    }
    %scan3A_15 = arith.constant 16 : i32
    %barrier3A = arith.constant 0 : index
    tpu.barrier barrier_id(%barrier3A)
    %add3A_16 = arith.constant 0 : i32
    %add3A_17 = arith.addi %mul3A_2, %add3A_16 : i32
    %dma_start3A = arith.constant 0 : i32
    %dma_start3A_18 = arith.constant 0 : i32
    %dma_start3A_19 = arith.constant 0 : i32
    %dma_start3A_20 = arith.constant 0 : i32
    %dma_start3A_21 = tpu.memref_slice %arg7[%dma_start3A, %dma_start3A_19, %dma_start3A_20] : memref<2x80x128xf32, #tpu.memory_space<vmem>> -> memref<1x80x128xf32, #tpu.memory_space<vmem>>
    %dma_start3A_22 = tpu.memref_squeeze %dma_start3A_21 : memref<1x80x128xf32, #tpu.memory_space<vmem>> -> memref<80x128xf32, #tpu.memory_space<vmem>>
    %dma_start3A_23 = arith.constant 0 : i32
    %dma_start3A_24 = tpu.memref_slice %arg2[%add3A_17, %dma_start3A_23] : memref<320000x128xf32, #tpu.memory_space<hbm>> -> memref<80x128xf32, #tpu.memory_space<hbm>>
    %dma_start3A_25 = tpu.memref_slice %arg14[%dma_start3A_18] : memref<2x!tpu.dma_semaphore, #tpu.memory_space<semaphore_mem>> -> memref<1x!tpu.dma_semaphore, #tpu.memory_space<semaphore_mem>>
    %dma_start3A_26 = tpu.memref_squeeze %dma_start3A_25 : memref<1x!tpu.dma_semaphore, #tpu.memory_space<semaphore_mem>> -> memref<!tpu.dma_semaphore, #tpu.memory_space<semaphore_mem>>
    %dma_start3A_27 = arith.constant 0 : i32
    %dma_start3A_28 = arith.constant 0 : i32
    %dma_start3A_29 = tpu.memref_slice %arg7[%dma_start3A, %dma_start3A_27, %dma_start3A_28] : memref<2x80x128xf32, #tpu.memory_space<vmem>> -> memref<1x80x128xf32, #tpu.memory_space<vmem>>
    %dma_start3A_30 = tpu.memref_squeeze %dma_start3A_29 : memref<1x80x128xf32, #tpu.memory_space<vmem>> -> memref<80x128xf32, #tpu.memory_space<vmem>>
    %dma_start3A_31 = arith.constant 0 : i32
    %dma_start3A_32 = tpu.memref_slice %arg2[%add3A_17, %dma_start3A_31] : memref<320000x128xf32, #tpu.memory_space<hbm>> -> memref<80x128xf32, #tpu.memory_space<hbm>>
    tpu.enqueue_dma source(%dma_start3A_32 : memref<80x128xf32, #tpu.memory_space<hbm>>) target(%dma_start3A_30 : memref<80x128xf32, #tpu.memory_space<vmem>>) target_semaphore(%dma_start3A_26 : memref<!tpu.dma_semaphore, #tpu.memory_space<semaphore_mem>>)
    %dma_start3A_33 = arith.constant 0 : i32
    %dma_start3A_34 = arith.constant 0 : i32
    %dma_start3A_35 = arith.constant 0 : i32
    %dma_start3A_36 = tpu.memref_slice %arg8[%dma_start3A_33, %dma_start3A_35] : memref<2x80xi32, #tpu.memory_space<vmem>> -> memref<1x80xi32, #tpu.memory_space<vmem>>
    %dma_start3A_37 = tpu.memref_squeeze %dma_start3A_36 : memref<1x80xi32, #tpu.memory_space<vmem>> -> memref<80xi32, #tpu.memory_space<vmem>>
    %dma_start3A_38 = tpu.memref_slice %arg4[%add3A_17] : memref<320000xi32, #tpu.memory_space<hbm>> -> memref<80xi32, #tpu.memory_space<hbm>>
    %dma_start3A_39 = tpu.memref_slice %arg14[%dma_start3A_34] : memref<2x!tpu.dma_semaphore, #tpu.memory_space<semaphore_mem>> -> memref<1x!tpu.dma_semaphore, #tpu.memory_space<semaphore_mem>>
    %dma_start3A_40 = tpu.memref_squeeze %dma_start3A_39 : memref<1x!tpu.dma_semaphore, #tpu.memory_space<semaphore_mem>> -> memref<!tpu.dma_semaphore, #tpu.memory_space<semaphore_mem>>
    %dma_start3A_41 = arith.constant 0 : i32
    %dma_start3A_42 = tpu.memref_slice %arg8[%dma_start3A_33, %dma_start3A_41] : memref<2x80xi32, #tpu.memory_space<vmem>> -> memref<1x80xi32, #tpu.memory_space<vmem>>
    %dma_start3A_43 = tpu.memref_squeeze %dma_start3A_42 : memref<1x80xi32, #tpu.memory_space<vmem>> -> memref<80xi32, #tpu.memory_space<vmem>>
    %dma_start3A_44 = tpu.memref_slice %arg4[%add3A_17] : memref<320000xi32, #tpu.memory_space<hbm>> -> memref<80xi32, #tpu.memory_space<hbm>>
    tpu.enqueue_dma source(%dma_start3A_44 : memref<80xi32, #tpu.memory_space<hbm>>) target(%dma_start3A_43 : memref<80xi32, #tpu.memory_space<vmem>>) target_semaphore(%dma_start3A_40 : memref<!tpu.dma_semaphore, #tpu.memory_space<semaphore_mem>>)
    %scan3A_45 = arith.constant 0 : i32
    %scan3A_46 = arith.constant 0 : i32
    %scan3A_47 = arith.constant 125 : i32
    %scan3A_48 = arith.addi %scan3A_46, %scan3A_47 : i32
    %scan3A_49 = arith.constant 1 : i32
    %scan3A_50 = scf.for %scan3A_55 = %scan3A_46 to %scan3A_48 step %scan3A_49 iter_args(%scan3A_56 = %scan3A_45) -> (i32)  : i32 {
      %rem3A = arith.constant 2 : i32
      %rem3A_57 = arith.remsi %scan3A_55, %rem3A : i32
      %add3A_58 = arith.constant 1 : i32
      %add3A_59 = arith.addi %scan3A_55, %add3A_58 : i32
      %lt3A = arith.constant 125 : i32
      %lt3A_60 = arith.cmpi slt, %add3A_59, %lt3A : i32
      %convert_element_type3A_61 = arith.extui %lt3A_60 : i1 to i32
      %cond3A_62 = arith.constant 0 : i32
      %cond3A_63 = arith.cmpi ne, %convert_element_type3A_61, %cond3A_62 : i32
      scf.if %cond3A_63 {
        %add3A_92 = arith.constant 1 : i32
        %add3A_93 = arith.addi %scan3A_55, %add3A_92 : i32
        %sub3A = arith.constant 1 : i32
        %sub3A_94 = arith.subi %sub3A, %rem3A_57 : i32
        %mul3A_95 = arith.constant 80 : i32
        %mul3A_96 = arith.muli %add3A_93, %mul3A_95 : i32
        %add3A_97 = arith.addi %mul3A_2, %mul3A_96 : i32
        %dma_start3A_98 = arith.constant 0 : i32
        %dma_start3A_99 = arith.constant 0 : i32
        %dma_start3A_100 = tpu.memref_slice %arg7[%sub3A_94, %dma_start3A_98, %dma_start3A_99] : memref<2x80x128xf32, #tpu.memory_space<vmem>> -> memref<1x80x128xf32, #tpu.memory_space<vmem>>
        %dma_start3A_101 = tpu.memref_squeeze %dma_start3A_100 : memref<1x80x128xf32, #tpu.memory_space<vmem>> -> memref<80x128xf32, #tpu.memory_space<vmem>>
        %dma_start3A_102 = arith.constant 0 : i32
        %dma_start3A_103 = tpu.memref_slice %arg2[%add3A_97, %dma_start3A_102] : memref<320000x128xf32, #tpu.memory_space<hbm>> -> memref<80x128xf32, #tpu.memory_space<hbm>>
        %dma_start3A_104 = tpu.memref_slice %arg14[%sub3A_94] : memref<2x!tpu.dma_semaphore, #tpu.memory_space<semaphore_mem>> -> memref<1x!tpu.dma_semaphore, #tpu.memory_space<semaphore_mem>>
        %dma_start3A_105 = tpu.memref_squeeze %dma_start3A_104 : memref<1x!tpu.dma_semaphore, #tpu.memory_space<semaphore_mem>> -> memref<!tpu.dma_semaphore, #tpu.memory_space<semaphore_mem>>
        %dma_start3A_106 = arith.constant 0 : i32
        %dma_start3A_107 = arith.constant 0 : i32
        %dma_start3A_108 = tpu.memref_slice %arg7[%sub3A_94, %dma_start3A_106, %dma_start3A_107] : memref<2x80x128xf32, #tpu.memory_space<vmem>> -> memref<1x80x128xf32, #tpu.memory_space<vmem>>
        %dma_start3A_109 = tpu.memref_squeeze %dma_start3A_108 : memref<1x80x128xf32, #tpu.memory_space<vmem>> -> memref<80x128xf32, #tpu.memory_space<vmem>>
        %dma_start3A_110 = arith.constant 0 : i32
        %dma_start3A_111 = tpu.memref_slice %arg2[%add3A_97, %dma_start3A_110] : memref<320000x128xf32, #tpu.memory_space<hbm>> -> memref<80x128xf32, #tpu.memory_space<hbm>>
        tpu.enqueue_dma source(%dma_start3A_111 : memref<80x128xf32, #tpu.memory_space<hbm>>) target(%dma_start3A_109 : memref<80x128xf32, #tpu.memory_space<vmem>>) target_semaphore(%dma_start3A_105 : memref<!tpu.dma_semaphore, #tpu.memory_space<semaphore_mem>>)
        %dma_start3A_112 = arith.constant 0 : i32
        %dma_start3A_113 = tpu.memref_slice %arg8[%sub3A_94, %dma_start3A_112] : memref<2x80xi32, #tpu.memory_space<vmem>> -> memref<1x80xi32, #tpu.memory_space<vmem>>
        %dma_start3A_114 = tpu.memref_squeeze %dma_start3A_113 : memref<1x80xi32, #tpu.memory_space<vmem>> -> memref<80xi32, #tpu.memory_space<vmem>>
        %dma_start3A_115 = tpu.memref_slice %arg4[%add3A_97] : memref<320000xi32, #tpu.memory_space<hbm>> -> memref<80xi32, #tpu.memory_space<hbm>>
        %dma_start3A_116 = tpu.memref_slice %arg14[%sub3A_94] : memref<2x!tpu.dma_semaphore, #tpu.memory_space<semaphore_mem>> -> memref<1x!tpu.dma_semaphore, #tpu.memory_space<semaphore_mem>>
        %dma_start3A_117 = tpu.memref_squeeze %dma_start3A_116 : memref<1x!tpu.dma_semaphore, #tpu.memory_space<semaphore_mem>> -> memref<!tpu.dma_semaphore, #tpu.memory_space<semaphore_mem>>
        %dma_start3A_118 = arith.constant 0 : i32
        %dma_start3A_119 = tpu.memref_slice %arg8[%sub3A_94, %dma_start3A_118] : memref<2x80xi32, #tpu.memory_space<vmem>> -> memref<1x80xi32, #tpu.memory_space<vmem>>
        %dma_start3A_120 = tpu.memref_squeeze %dma_start3A_119 : memref<1x80xi32, #tpu.memory_space<vmem>> -> memref<80xi32, #tpu.memory_space<vmem>>
        %dma_start3A_121 = tpu.memref_slice %arg4[%add3A_97] : memref<320000xi32, #tpu.memory_space<hbm>> -> memref<80xi32, #tpu.memory_space<hbm>>
        tpu.enqueue_dma source(%dma_start3A_121 : memref<80xi32, #tpu.memory_space<hbm>>) target(%dma_start3A_120 : memref<80xi32, #tpu.memory_space<vmem>>) target_semaphore(%dma_start3A_117 : memref<!tpu.dma_semaphore, #tpu.memory_space<semaphore_mem>>)
      } else {
      }
      %dma_wait3A = arith.constant 0 : i32
      %dma_wait3A_64 = arith.constant 0 : i32
      %dma_wait3A_65 = tpu.memref_slice %arg7[%rem3A_57, %dma_wait3A, %dma_wait3A_64] : memref<2x80x128xf32, #tpu.memory_space<vmem>> -> memref<1x80x128xf32, #tpu.memory_space<vmem>>
      %dma_wait3A_66 = tpu.memref_squeeze %dma_wait3A_65 : memref<1x80x128xf32, #tpu.memory_space<vmem>> -> memref<80x128xf32, #tpu.memory_space<vmem>>
      %dma_wait3A_67 = arith.constant 0 : i32
      %dma_wait3A_68 = arith.constant 0 : i32
      %dma_wait3A_69 = tpu.memref_slice %arg2[%dma_wait3A_67, %dma_wait3A_68] : memref<320000x128xf32, #tpu.memory_space<hbm>> -> memref<80x128xf32, #tpu.memory_space<hbm>>
      %dma_wait3A_70 = tpu.memref_slice %arg14[%rem3A_57] : memref<2x!tpu.dma_semaphore, #tpu.memory_space<semaphore_mem>> -> memref<1x!tpu.dma_semaphore, #tpu.memory_space<semaphore_mem>>
      %dma_wait3A_71 = tpu.memref_squeeze %dma_wait3A_70 : memref<1x!tpu.dma_semaphore, #tpu.memory_space<semaphore_mem>> -> memref<!tpu.dma_semaphore, #tpu.memory_space<semaphore_mem>>
      %dma_wait3A_72 = arith.constant 0 : i32
      %dma_wait3A_73 = arith.constant 0 : i32
      %dma_wait3A_74 = tpu.memref_slice %arg7[%rem3A_57, %dma_wait3A_72, %dma_wait3A_73] : memref<2x80x128xf32, #tpu.memory_space<vmem>> -> memref<1x80x128xf32, #tpu.memory_space<vmem>>
      %dma_wait3A_75 = tpu.memref_squeeze %dma_wait3A_74 : memref<1x80x128xf32, #tpu.memory_space<vmem>> -> memref<80x128xf32, #tpu.memory_space<vmem>>
      %dma_wait3A_76 = arith.constant 0 : i32
      %dma_wait3A_77 = arith.constant 0 : i32
      %dma_wait3A_78 = tpu.memref_slice %arg2[%dma_wait3A_76, %dma_wait3A_77] : memref<320000x128xf32, #tpu.memory_space<hbm>> -> memref<80x128xf32, #tpu.memory_space<hbm>>
      tpu.wait_dma2 semaphore(%dma_wait3A_71 : memref<!tpu.dma_semaphore, #tpu.memory_space<semaphore_mem>>) src(%dma_wait3A_78 : memref<80x128xf32, #tpu.memory_space<hbm>>) dst(%dma_wait3A_75 : memref<80x128xf32, #tpu.memory_space<vmem>>)
      %dma_wait3A_79 = arith.constant 0 : i32
      %dma_wait3A_80 = tpu.memref_slice %arg8[%rem3A_57, %dma_wait3A_79] : memref<2x80xi32, #tpu.memory_space<vmem>> -> memref<1x80xi32, #tpu.memory_space<vmem>>
      %dma_wait3A_81 = tpu.memref_squeeze %dma_wait3A_80 : memref<1x80xi32, #tpu.memory_space<vmem>> -> memref<80xi32, #tpu.memory_space<vmem>>
      %dma_wait3A_82 = arith.constant 0 : i32
      %dma_wait3A_83 = tpu.memref_slice %arg4[%dma_wait3A_82] : memref<320000xi32, #tpu.memory_space<hbm>> -> memref<80xi32, #tpu.memory_space<hbm>>
      %dma_wait3A_84 = tpu.memref_slice %arg14[%rem3A_57] : memref<2x!tpu.dma_semaphore, #tpu.memory_space<semaphore_mem>> -> memref<1x!tpu.dma_semaphore, #tpu.memory_space<semaphore_mem>>
      %dma_wait3A_85 = tpu.memref_squeeze %dma_wait3A_84 : memref<1x!tpu.dma_semaphore, #tpu.memory_space<semaphore_mem>> -> memref<!tpu.dma_semaphore, #tpu.memory_space<semaphore_mem>>
      %dma_wait3A_86 = arith.constant 0 : i32
      %dma_wait3A_87 = tpu.memref_slice %arg8[%rem3A_57, %dma_wait3A_86] : memref<2x80xi32, #tpu.memory_space<vmem>> -> memref<1x80xi32, #tpu.memory_space<vmem>>
      %dma_wait3A_88 = tpu.memref_squeeze %dma_wait3A_87 : memref<1x80xi32, #tpu.memory_space<vmem>> -> memref<80xi32, #tpu.memory_space<vmem>>
      %dma_wait3A_89 = arith.constant 0 : i32
      %dma_wait3A_90 = tpu.memref_slice %arg4[%dma_wait3A_89] : memref<320000xi32, #tpu.memory_space<hbm>> -> memref<80xi32, #tpu.memory_space<hbm>>
      tpu.wait_dma2 semaphore(%dma_wait3A_85 : memref<!tpu.dma_semaphore, #tpu.memory_space<semaphore_mem>>) src(%dma_wait3A_90 : memref<80xi32, #tpu.memory_space<hbm>>) dst(%dma_wait3A_88 : memref<80xi32, #tpu.memory_space<vmem>>)
      "tpu.region"() ({
        %run_scoped3A = tpu.sem_alloc : memref<!tpu.dma_semaphore, #tpu.memory_space<semaphore_mem>>
        %dma_start3A_92 = arith.constant 0 : i32
        %dma_start3A_93 = arith.constant 0 : i32
        %dma_start3A_94 = tpu.memref_slice %arg7[%rem3A_57, %dma_start3A_92, %dma_start3A_93] : memref<2x80x128xf32, #tpu.memory_space<vmem>> -> memref<1x80x128xf32, #tpu.memory_space<vmem>>
        %dma_start3A_95 = tpu.memref_squeeze %dma_start3A_94 : memref<1x80x128xf32, #tpu.memory_space<vmem>> -> memref<80x128xf32, #tpu.memory_space<vmem>>
        %dma_start3A_96 = arith.constant 0 : i32
        %dma_start3A_97 = tpu.memref_slice %arg8[%rem3A_57, %dma_start3A_96] : memref<2x80xi32, #tpu.memory_space<vmem>> -> memref<1x80xi32, #tpu.memory_space<vmem>>
        %dma_start3A_98 = tpu.memref_squeeze %dma_start3A_97 : memref<1x80xi32, #tpu.memory_space<vmem>> -> memref<80xi32, #tpu.memory_space<vmem>>
        %dma_start3A_99 = arith.constant 0 : i32
        %dma_start3A_100 = arith.constant 0 : i32
        %dma_start3A_101 = tpu.memref_slice %arg12[%dma_start3A_99, %dma_start3A_100] : memref<10000x128xf32, #tpu.memory_space<vmem_shared>> -> memref<10000x128xf32, #tpu.memory_space<vmem_shared>>
        tpu.enqueue_indirect_dma source(%dma_start3A_95 : memref<80x128xf32, #tpu.memory_space<vmem>>) target(%dma_start3A_101 : memref<10000x128xf32, #tpu.memory_space<vmem_shared>>) offsets(%dma_start3A_98 : memref<80xi32, #tpu.memory_space<vmem>>) semaphore(%run_scoped3A : memref<!tpu.dma_semaphore, #tpu.memory_space<semaphore_mem>>) {add = true}
        %dma_wait3A_102 = arith.constant 0 : i32
        %dma_wait3A_103 = arith.constant 0 : i32
        %dma_wait3A_104 = tpu.memref_slice %arg7[%rem3A_57, %dma_wait3A_102, %dma_wait3A_103] : memref<2x80x128xf32, #tpu.memory_space<vmem>> -> memref<1x80x128xf32, #tpu.memory_space<vmem>>
        %dma_wait3A_105 = tpu.memref_squeeze %dma_wait3A_104 : memref<1x80x128xf32, #tpu.memory_space<vmem>> -> memref<80x128xf32, #tpu.memory_space<vmem>>
        %dma_wait3A_106 = arith.constant 0 : i32
        %dma_wait3A_107 = tpu.memref_slice %arg8[%rem3A_57, %dma_wait3A_106] : memref<2x80xi32, #tpu.memory_space<vmem>> -> memref<1x80xi32, #tpu.memory_space<vmem>>
        %dma_wait3A_108 = tpu.memref_squeeze %dma_wait3A_107 : memref<1x80xi32, #tpu.memory_space<vmem>> -> memref<80xi32, #tpu.memory_space<vmem>>
        %dma_wait3A_109 = arith.constant 0 : i32
        %dma_wait3A_110 = arith.constant 0 : i32
        %dma_wait3A_111 = tpu.memref_slice %arg12[%dma_wait3A_109, %dma_wait3A_110] : memref<10000x128xf32, #tpu.memory_space<vmem_shared>> -> memref<10000x128xf32, #tpu.memory_space<vmem_shared>>
        tpu.wait_indirect_dma semaphore(%run_scoped3A : memref<!tpu.dma_semaphore, #tpu.memory_space<semaphore_mem>>) src(%dma_wait3A_105 : memref<80x128xf32, #tpu.memory_space<vmem>>) dst(%dma_wait3A_111 : memref<10000x128xf32, #tpu.memory_space<vmem_shared>>)
        tpu.yield
      }) : () -> ()
      %scan3A_91 = arith.constant 0 : i32
      scf.yield %scan3A_91 : i32
    }
    %scan3A_51 = arith.constant 125 : i32
    %barrier3A_52 = arith.constant 0 : index
    tpu.barrier barrier_id(%barrier3A_52)
    %eq3A = arith.constant 0 : i32
    %eq3A_53 = arith.cmpi eq, %arg1, %eq3A : i32
    %convert_element_type3A = arith.extui %eq3A_53 : i1 to i32
    %cond3A = arith.constant 0 : i32
    %cond3A_54 = arith.cmpi ne, %convert_element_type3A, %cond3A : i32
    scf.if %cond3A_54 {
      "tpu.region"() ({
        %run_scoped3A = tpu.sem_alloc : memref<!tpu.dma_semaphore, #tpu.memory_space<semaphore_mem>>
        %dma_start3A_55 = arith.constant 0 : i32
        %dma_start3A_56 = arith.constant 0 : i32
        %dma_start3A_57 = tpu.memref_slice %arg5[%arg0, %dma_start3A_55, %dma_start3A_56] : memref<2x10000x128xf32, #tpu.memory_space<hbm>> -> memref<1x10000x128xf32, #tpu.memory_space<hbm>>
        %dma_start3A_58 = tpu.memref_squeeze %dma_start3A_57 : memref<1x10000x128xf32, #tpu.memory_space<hbm>> -> memref<10000x128xf32, #tpu.memory_space<hbm>>
        tpu.enqueue_dma source(%arg12 : memref<10000x128xf32, #tpu.memory_space<vmem_shared>>) target(%dma_start3A_58 : memref<10000x128xf32, #tpu.memory_space<hbm>>) target_semaphore(%run_scoped3A : memref<!tpu.dma_semaphore, #tpu.memory_space<semaphore_mem>>)
        %dma_wait3A = arith.constant 0 : i32
        %dma_wait3A_59 = arith.constant 0 : i32
        %dma_wait3A_60 = tpu.memref_slice %arg5[%arg0, %dma_wait3A, %dma_wait3A_59] : memref<2x10000x128xf32, #tpu.memory_space<hbm>> -> memref<1x10000x128xf32, #tpu.memory_space<hbm>>
        %dma_wait3A_61 = tpu.memref_squeeze %dma_wait3A_60 : memref<1x10000x128xf32, #tpu.memory_space<hbm>> -> memref<10000x128xf32, #tpu.memory_space<hbm>>
        tpu.wait_dma2 semaphore(%run_scoped3A : memref<!tpu.dma_semaphore, #tpu.memory_space<semaphore_mem>>) src(%arg12 : memref<10000x128xf32, #tpu.memory_space<vmem_shared>>) dst(%dma_wait3A_61 : memref<10000x128xf32, #tpu.memory_space<hbm>>)
        tpu.yield
      }) : () -> ()
    } else {
    }
    return
  }
}

#map = affine_map<(d0, d1) -> (0, 0)>
#map1 = affine_map<(d0, d1) -> (0)>
module attributes {stable_mosaic.version = 14 : i64} {
  func.func @_gather_body(%arg0: i32, %arg1: i32, %arg2: memref<10000x128xf32, #tpu.memory_space<hbm>>, %arg3: memref<10000x16xf32, #tpu.memory_space<hbm>>, %arg4: memref<320000xi32, #tpu.memory_space<hbm>>, %arg5: memref<320000xi32, #tpu.memory_space<hbm>>, %arg6: memref<320000x128xf32, #tpu.memory_space<hbm>>, %arg7: memref<320000x16xf32, #tpu.memory_space<hbm>>, %arg8: memref<2x216xi32, #tpu.memory_space<vmem>>, %arg9: memref<2x216xi32, #tpu.memory_space<vmem>>, %arg10: memref<2x200x128xf32, #tpu.memory_space<vmem>>, %arg11: memref<2x200x16xf32, #tpu.memory_space<vmem>>, %arg12: memref<2x200x16xf32, #tpu.memory_space<vmem>>, %arg13: memref<2x200x16xf32, #tpu.memory_space<vmem>>, %arg14: memref<2x!tpu.dma_semaphore, #tpu.memory_space<semaphore_mem>>, %arg15: memref<2x!tpu.dma_semaphore, #tpu.memory_space<semaphore_mem>>) attributes {dimension_semantics = [#tpu.dimension_semantics<core_parallel>, #tpu.dimension_semantics<subcore_parallel>], iteration_bounds = array<i64: 2, 16>, scalar_prefetch = 0 : i64, scratch_operands = 8 : i64, tpu.core_type = #tpu.core_type<sc_vector_subcore>, window_params = [{transform_indices = #map}, {transform_indices = #map}, {transform_indices = #map1}, {transform_indices = #map1}, {transform_indices = #map}, {transform_indices = #map}]} {
    %mul3A = arith.constant 2 : i32
    %mul3A_0 = arith.muli %arg1, %mul3A : i32
    %add3A = arith.addi %mul3A_0, %arg0 : i32
    %mul3A_1 = arith.constant 10000 : i32
    %mul3A_2 = arith.muli %add3A, %mul3A_1 : i32
    %iota3A = tpu.iota {dimensions = array<i32: 0>} : vector<16xi32>
    %eq3A = arith.constant 12 : i32
    %eq3A_3 = vector.broadcast %eq3A : i32 to vector<16xi32>
    %eq3A_4 = arith.cmpi eq, %iota3A, %eq3A_3 : vector<16xi32>
    %add3A_5 = arith.constant 0 : i32
    %add3A_6 = arith.addi %mul3A_2, %add3A_5 : i32
    %run_scoped3A = arith.constant 0 : i32
    "tpu.region"() ({
      %run_scoped3A_129 = tpu.sem_alloc : memref<!tpu.dma_semaphore, #tpu.memory_space<semaphore_mem>>
      %dma_start3A_130 = arith.constant 0 : i32
      %dma_start3A_131 = tpu.memref_slice %arg8[%run_scoped3A, %dma_start3A_130] : memref<2x216xi32, #tpu.memory_space<vmem>> -> memref<1x200xi32, #tpu.memory_space<vmem>>
      %dma_start3A_132 = tpu.memref_squeeze %dma_start3A_131 : memref<1x200xi32, #tpu.memory_space<vmem>> -> memref<200xi32, #tpu.memory_space<vmem>>
      %dma_start3A_133 = tpu.memref_slice %arg4[%add3A_6] : memref<320000xi32, #tpu.memory_space<hbm>> -> memref<200xi32, #tpu.memory_space<hbm>>
      %dma_start3A_134 = arith.constant 0 : i32
      %dma_start3A_135 = tpu.memref_slice %arg8[%run_scoped3A, %dma_start3A_134] : memref<2x216xi32, #tpu.memory_space<vmem>> -> memref<1x200xi32, #tpu.memory_space<vmem>>
      %dma_start3A_136 = tpu.memref_squeeze %dma_start3A_135 : memref<1x200xi32, #tpu.memory_space<vmem>> -> memref<200xi32, #tpu.memory_space<vmem>>
      %dma_start3A_137 = tpu.memref_slice %arg4[%add3A_6] : memref<320000xi32, #tpu.memory_space<hbm>> -> memref<200xi32, #tpu.memory_space<hbm>>
      tpu.enqueue_dma source(%dma_start3A_137 : memref<200xi32, #tpu.memory_space<hbm>>) target(%dma_start3A_136 : memref<200xi32, #tpu.memory_space<vmem>>) target_semaphore(%run_scoped3A_129 : memref<!tpu.dma_semaphore, #tpu.memory_space<semaphore_mem>>)
      %dma_wait3A_138 = arith.constant 0 : i32
      %dma_wait3A_139 = tpu.memref_slice %arg8[%run_scoped3A, %dma_wait3A_138] : memref<2x216xi32, #tpu.memory_space<vmem>> -> memref<1x200xi32, #tpu.memory_space<vmem>>
      %dma_wait3A_140 = tpu.memref_squeeze %dma_wait3A_139 : memref<1x200xi32, #tpu.memory_space<vmem>> -> memref<200xi32, #tpu.memory_space<vmem>>
      %dma_wait3A_141 = tpu.memref_slice %arg4[%add3A_6] : memref<320000xi32, #tpu.memory_space<hbm>> -> memref<200xi32, #tpu.memory_space<hbm>>
      %dma_wait3A_142 = arith.constant 0 : i32
      %dma_wait3A_143 = tpu.memref_slice %arg8[%run_scoped3A, %dma_wait3A_142] : memref<2x216xi32, #tpu.memory_space<vmem>> -> memref<1x200xi32, #tpu.memory_space<vmem>>
      %dma_wait3A_144 = tpu.memref_squeeze %dma_wait3A_143 : memref<1x200xi32, #tpu.memory_space<vmem>> -> memref<200xi32, #tpu.memory_space<vmem>>
      %dma_wait3A_145 = tpu.memref_slice %arg4[%add3A_6] : memref<320000xi32, #tpu.memory_space<hbm>> -> memref<200xi32, #tpu.memory_space<hbm>>
      tpu.wait_dma2 semaphore(%run_scoped3A_129 : memref<!tpu.dma_semaphore, #tpu.memory_space<semaphore_mem>>) src(%dma_wait3A_145 : memref<200xi32, #tpu.memory_space<hbm>>) dst(%dma_wait3A_144 : memref<200xi32, #tpu.memory_space<vmem>>)
      tpu.yield
    }) : () -> ()
    %run_scoped3A_7 = arith.constant 0 : i32
    "tpu.region"() ({
      %run_scoped3A_129 = tpu.sem_alloc : memref<!tpu.dma_semaphore, #tpu.memory_space<semaphore_mem>>
      %dma_start3A_130 = arith.constant 0 : i32
      %dma_start3A_131 = tpu.memref_slice %arg9[%run_scoped3A_7, %dma_start3A_130] : memref<2x216xi32, #tpu.memory_space<vmem>> -> memref<1x200xi32, #tpu.memory_space<vmem>>
      %dma_start3A_132 = tpu.memref_squeeze %dma_start3A_131 : memref<1x200xi32, #tpu.memory_space<vmem>> -> memref<200xi32, #tpu.memory_space<vmem>>
      %dma_start3A_133 = tpu.memref_slice %arg5[%add3A_6] : memref<320000xi32, #tpu.memory_space<hbm>> -> memref<200xi32, #tpu.memory_space<hbm>>
      %dma_start3A_134 = arith.constant 0 : i32
      %dma_start3A_135 = tpu.memref_slice %arg9[%run_scoped3A_7, %dma_start3A_134] : memref<2x216xi32, #tpu.memory_space<vmem>> -> memref<1x200xi32, #tpu.memory_space<vmem>>
      %dma_start3A_136 = tpu.memref_squeeze %dma_start3A_135 : memref<1x200xi32, #tpu.memory_space<vmem>> -> memref<200xi32, #tpu.memory_space<vmem>>
      %dma_start3A_137 = tpu.memref_slice %arg5[%add3A_6] : memref<320000xi32, #tpu.memory_space<hbm>> -> memref<200xi32, #tpu.memory_space<hbm>>
      tpu.enqueue_dma source(%dma_start3A_137 : memref<200xi32, #tpu.memory_space<hbm>>) target(%dma_start3A_136 : memref<200xi32, #tpu.memory_space<vmem>>) target_semaphore(%run_scoped3A_129 : memref<!tpu.dma_semaphore, #tpu.memory_space<semaphore_mem>>)
      %dma_wait3A_138 = arith.constant 0 : i32
      %dma_wait3A_139 = tpu.memref_slice %arg9[%run_scoped3A_7, %dma_wait3A_138] : memref<2x216xi32, #tpu.memory_space<vmem>> -> memref<1x200xi32, #tpu.memory_space<vmem>>
      %dma_wait3A_140 = tpu.memref_squeeze %dma_wait3A_139 : memref<1x200xi32, #tpu.memory_space<vmem>> -> memref<200xi32, #tpu.memory_space<vmem>>
      %dma_wait3A_141 = tpu.memref_slice %arg5[%add3A_6] : memref<320000xi32, #tpu.memory_space<hbm>> -> memref<200xi32, #tpu.memory_space<hbm>>
      %dma_wait3A_142 = arith.constant 0 : i32
      %dma_wait3A_143 = tpu.memref_slice %arg9[%run_scoped3A_7, %dma_wait3A_142] : memref<2x216xi32, #tpu.memory_space<vmem>> -> memref<1x200xi32, #tpu.memory_space<vmem>>
      %dma_wait3A_144 = tpu.memref_squeeze %dma_wait3A_143 : memref<1x200xi32, #tpu.memory_space<vmem>> -> memref<200xi32, #tpu.memory_space<vmem>>
      %dma_wait3A_145 = tpu.memref_slice %arg5[%add3A_6] : memref<320000xi32, #tpu.memory_space<hbm>> -> memref<200xi32, #tpu.memory_space<hbm>>
      tpu.wait_dma2 semaphore(%run_scoped3A_129 : memref<!tpu.dma_semaphore, #tpu.memory_space<semaphore_mem>>) src(%dma_wait3A_145 : memref<200xi32, #tpu.memory_space<hbm>>) dst(%dma_wait3A_144 : memref<200xi32, #tpu.memory_space<vmem>>)
      tpu.yield
    }) : () -> ()
    %dma_start3A = arith.constant 0 : i32
    %dma_start3A_8 = arith.constant 0 : i32
    %dma_start3A_9 = arith.constant 0 : i32
    %dma_start3A_10 = arith.constant 0 : i32
    %dma_start3A_11 = arith.constant 0 : i32
    %dma_start3A_12 = tpu.memref_slice %arg10[%dma_start3A_8, %dma_start3A_10, %dma_start3A_11] : memref<2x200x128xf32, #tpu.memory_space<vmem>> -> memref<1x200x128xf32, #tpu.memory_space<vmem>>
    %dma_start3A_13 = tpu.memref_squeeze %dma_start3A_12 : memref<1x200x128xf32, #tpu.memory_space<vmem>> -> memref<200x128xf32, #tpu.memory_space<vmem>>
    %dma_start3A_14 = arith.constant 0 : i32
    %dma_start3A_15 = tpu.memref_slice %arg8[%dma_start3A, %dma_start3A_14] : memref<2x216xi32, #tpu.memory_space<vmem>> -> memref<1x200xi32, #tpu.memory_space<vmem>>
    %dma_start3A_16 = tpu.memref_squeeze %dma_start3A_15 : memref<1x200xi32, #tpu.memory_space<vmem>> -> memref<200xi32, #tpu.memory_space<vmem>>
    %dma_start3A_17 = arith.constant 0 : i32
    %dma_start3A_18 = arith.constant 0 : i32
    %dma_start3A_19 = tpu.memref_slice %arg2[%dma_start3A_17, %dma_start3A_18] : memref<10000x128xf32, #tpu.memory_space<hbm>> -> memref<10000x128xf32, #tpu.memory_space<hbm>>
    %dma_start3A_20 = tpu.memref_slice %arg14[%dma_start3A_9] : memref<2x!tpu.dma_semaphore, #tpu.memory_space<semaphore_mem>> -> memref<1x!tpu.dma_semaphore, #tpu.memory_space<semaphore_mem>>
    %dma_start3A_21 = tpu.memref_squeeze %dma_start3A_20 : memref<1x!tpu.dma_semaphore, #tpu.memory_space<semaphore_mem>> -> memref<!tpu.dma_semaphore, #tpu.memory_space<semaphore_mem>>
    tpu.enqueue_indirect_dma source(%dma_start3A_19 : memref<10000x128xf32, #tpu.memory_space<hbm>>) target(%dma_start3A_13 : memref<200x128xf32, #tpu.memory_space<vmem>>) offsets(%dma_start3A_16 : memref<200xi32, #tpu.memory_space<vmem>>) semaphore(%dma_start3A_21 : memref<!tpu.dma_semaphore, #tpu.memory_space<semaphore_mem>>)
    %dma_start3A_22 = arith.constant 0 : i32
    %dma_start3A_23 = arith.constant 0 : i32
    %dma_start3A_24 = arith.constant 0 : i32
    %dma_start3A_25 = arith.constant 0 : i32
    %dma_start3A_26 = arith.constant 0 : i32
    %dma_start3A_27 = tpu.memref_slice %arg11[%dma_start3A_23, %dma_start3A_25, %dma_start3A_26] : memref<2x200x16xf32, #tpu.memory_space<vmem>> -> memref<1x200x16xf32, #tpu.memory_space<vmem>>
    %dma_start3A_28 = tpu.memref_squeeze %dma_start3A_27 : memref<1x200x16xf32, #tpu.memory_space<vmem>> -> memref<200x16xf32, #tpu.memory_space<vmem>>
    %dma_start3A_29 = arith.constant 0 : i32
    %dma_start3A_30 = tpu.memref_slice %arg8[%dma_start3A_22, %dma_start3A_29] : memref<2x216xi32, #tpu.memory_space<vmem>> -> memref<1x200xi32, #tpu.memory_space<vmem>>
    %dma_start3A_31 = tpu.memref_squeeze %dma_start3A_30 : memref<1x200xi32, #tpu.memory_space<vmem>> -> memref<200xi32, #tpu.memory_space<vmem>>
    %dma_start3A_32 = arith.constant 0 : i32
    %dma_start3A_33 = arith.constant 0 : i32
    %dma_start3A_34 = tpu.memref_slice %arg3[%dma_start3A_32, %dma_start3A_33] : memref<10000x16xf32, #tpu.memory_space<hbm>> -> memref<10000x16xf32, #tpu.memory_space<hbm>>
    %dma_start3A_35 = tpu.memref_slice %arg14[%dma_start3A_24] : memref<2x!tpu.dma_semaphore, #tpu.memory_space<semaphore_mem>> -> memref<1x!tpu.dma_semaphore, #tpu.memory_space<semaphore_mem>>
    %dma_start3A_36 = tpu.memref_squeeze %dma_start3A_35 : memref<1x!tpu.dma_semaphore, #tpu.memory_space<semaphore_mem>> -> memref<!tpu.dma_semaphore, #tpu.memory_space<semaphore_mem>>
    tpu.enqueue_indirect_dma source(%dma_start3A_34 : memref<10000x16xf32, #tpu.memory_space<hbm>>) target(%dma_start3A_28 : memref<200x16xf32, #tpu.memory_space<vmem>>) offsets(%dma_start3A_31 : memref<200xi32, #tpu.memory_space<vmem>>) semaphore(%dma_start3A_36 : memref<!tpu.dma_semaphore, #tpu.memory_space<semaphore_mem>>)
    %dma_start3A_37 = arith.constant 0 : i32
    %dma_start3A_38 = arith.constant 0 : i32
    %dma_start3A_39 = arith.constant 0 : i32
    %dma_start3A_40 = arith.constant 0 : i32
    %dma_start3A_41 = arith.constant 0 : i32
    %dma_start3A_42 = tpu.memref_slice %arg12[%dma_start3A_38, %dma_start3A_40, %dma_start3A_41] : memref<2x200x16xf32, #tpu.memory_space<vmem>> -> memref<1x200x16xf32, #tpu.memory_space<vmem>>
    %dma_start3A_43 = tpu.memref_squeeze %dma_start3A_42 : memref<1x200x16xf32, #tpu.memory_space<vmem>> -> memref<200x16xf32, #tpu.memory_space<vmem>>
    %dma_start3A_44 = arith.constant 0 : i32
    %dma_start3A_45 = tpu.memref_slice %arg9[%dma_start3A_37, %dma_start3A_44] : memref<2x216xi32, #tpu.memory_space<vmem>> -> memref<1x200xi32, #tpu.memory_space<vmem>>
    %dma_start3A_46 = tpu.memref_squeeze %dma_start3A_45 : memref<1x200xi32, #tpu.memory_space<vmem>> -> memref<200xi32, #tpu.memory_space<vmem>>
    %dma_start3A_47 = arith.constant 0 : i32
    %dma_start3A_48 = arith.constant 0 : i32
    %dma_start3A_49 = tpu.memref_slice %arg3[%dma_start3A_47, %dma_start3A_48] : memref<10000x16xf32, #tpu.memory_space<hbm>> -> memref<10000x16xf32, #tpu.memory_space<hbm>>
    %dma_start3A_50 = tpu.memref_slice %arg14[%dma_start3A_39] : memref<2x!tpu.dma_semaphore, #tpu.memory_space<semaphore_mem>> -> memref<1x!tpu.dma_semaphore, #tpu.memory_space<semaphore_mem>>
    %dma_start3A_51 = tpu.memref_squeeze %dma_start3A_50 : memref<1x!tpu.dma_semaphore, #tpu.memory_space<semaphore_mem>> -> memref<!tpu.dma_semaphore, #tpu.memory_space<semaphore_mem>>
    tpu.enqueue_indirect_dma source(%dma_start3A_49 : memref<10000x16xf32, #tpu.memory_space<hbm>>) target(%dma_start3A_43 : memref<200x16xf32, #tpu.memory_space<vmem>>) offsets(%dma_start3A_46 : memref<200xi32, #tpu.memory_space<vmem>>) semaphore(%dma_start3A_51 : memref<!tpu.dma_semaphore, #tpu.memory_space<semaphore_mem>>)
    %scan3A = arith.constant 0 : i32
    %scan3A_52 = arith.constant 0 : i32
    %scan3A_53 = arith.constant 50 : i32
    %scan3A_54 = arith.addi %scan3A_52, %scan3A_53 : i32
    %scan3A_55 = arith.constant 1 : i32
    %scan3A_56 = scf.for %scan3A_129 = %scan3A_52 to %scan3A_54 step %scan3A_55 iter_args(%scan3A_130 = %scan3A) -> (i32)  : i32 {
      %rem3A = arith.constant 2 : i32
      %rem3A_131 = arith.remsi %scan3A_129, %rem3A : i32
      %sub3A = arith.constant 1 : i32
      %sub3A_132 = arith.subi %sub3A, %rem3A_131 : i32
      %add3A_133 = arith.constant 1 : i32
      %add3A_134 = arith.addi %scan3A_129, %add3A_133 : i32
      %lt3A = arith.constant 50 : i32
      %lt3A_135 = arith.cmpi slt, %add3A_134, %lt3A : i32
      %convert_element_type3A = arith.extui %lt3A_135 : i1 to i32
      %cond3A = arith.constant 0 : i32
      %cond3A_136 = arith.cmpi ne, %convert_element_type3A, %cond3A : i32
      scf.if %cond3A_136 {
        %ge3A = arith.constant 1 : i32
        %ge3A_486 = arith.cmpi sge, %scan3A_129, %ge3A : i32
        %convert_element_type3A_487 = arith.extui %ge3A_486 : i1 to i32
        %cond3A_488 = arith.constant 0 : i32
        %cond3A_489 = arith.cmpi ne, %convert_element_type3A_487, %cond3A_488 : i32
        scf.if %cond3A_489 {
          %dma_wait3A_531 = arith.constant 0 : i32
          %dma_wait3A_532 = arith.constant 0 : i32
          %dma_wait3A_533 = tpu.memref_slice %arg10[%sub3A_132, %dma_wait3A_531, %dma_wait3A_532] : memref<2x200x128xf32, #tpu.memory_space<vmem>> -> memref<1x200x128xf32, #tpu.memory_space<vmem>>
          %dma_wait3A_534 = tpu.memref_squeeze %dma_wait3A_533 : memref<1x200x128xf32, #tpu.memory_space<vmem>> -> memref<200x128xf32, #tpu.memory_space<vmem>>
          %dma_wait3A_535 = arith.constant 0 : i32
          %dma_wait3A_536 = arith.constant 0 : i32
          %dma_wait3A_537 = tpu.memref_slice %arg6[%dma_wait3A_535, %dma_wait3A_536] : memref<320000x128xf32, #tpu.memory_space<hbm>> -> memref<200x128xf32, #tpu.memory_space<hbm>>
          %dma_wait3A_538 = tpu.memref_slice %arg15[%sub3A_132] : memref<2x!tpu.dma_semaphore, #tpu.memory_space<semaphore_mem>> -> memref<1x!tpu.dma_semaphore, #tpu.memory_space<semaphore_mem>>
          %dma_wait3A_539 = tpu.memref_squeeze %dma_wait3A_538 : memref<1x!tpu.dma_semaphore, #tpu.memory_space<semaphore_mem>> -> memref<!tpu.dma_semaphore, #tpu.memory_space<semaphore_mem>>
          %dma_wait3A_540 = arith.constant 0 : i32
          %dma_wait3A_541 = arith.constant 0 : i32
          %dma_wait3A_542 = tpu.memref_slice %arg6[%dma_wait3A_540, %dma_wait3A_541] : memref<320000x128xf32, #tpu.memory_space<hbm>> -> memref<200x128xf32, #tpu.memory_space<hbm>>
          %dma_wait3A_543 = arith.constant 0 : i32
          %dma_wait3A_544 = arith.constant 0 : i32
          %dma_wait3A_545 = tpu.memref_slice %arg10[%sub3A_132, %dma_wait3A_543, %dma_wait3A_544] : memref<2x200x128xf32, #tpu.memory_space<vmem>> -> memref<1x200x128xf32, #tpu.memory_space<vmem>>
          %dma_wait3A_546 = tpu.memref_squeeze %dma_wait3A_545 : memref<1x200x128xf32, #tpu.memory_space<vmem>> -> memref<200x128xf32, #tpu.memory_space<vmem>>
          tpu.wait_dma2 semaphore(%dma_wait3A_539 : memref<!tpu.dma_semaphore, #tpu.memory_space<semaphore_mem>>) src(%dma_wait3A_546 : memref<200x128xf32, #tpu.memory_space<vmem>>) dst(%dma_wait3A_542 : memref<200x128xf32, #tpu.memory_space<hbm>>)
          %dma_wait3A_547 = arith.constant 0 : i32
          %dma_wait3A_548 = arith.constant 0 : i32
          %dma_wait3A_549 = tpu.memref_slice %arg13[%sub3A_132, %dma_wait3A_547, %dma_wait3A_548] : memref<2x200x16xf32, #tpu.memory_space<vmem>> -> memref<1x200x16xf32, #tpu.memory_space<vmem>>
          %dma_wait3A_550 = tpu.memref_squeeze %dma_wait3A_549 : memref<1x200x16xf32, #tpu.memory_space<vmem>> -> memref<200x16xf32, #tpu.memory_space<vmem>>
          %dma_wait3A_551 = arith.constant 0 : i32
          %dma_wait3A_552 = arith.constant 0 : i32
          %dma_wait3A_553 = tpu.memref_slice %arg7[%dma_wait3A_551, %dma_wait3A_552] : memref<320000x16xf32, #tpu.memory_space<hbm>> -> memref<200x16xf32, #tpu.memory_space<hbm>>
          %dma_wait3A_554 = tpu.memref_slice %arg15[%sub3A_132] : memref<2x!tpu.dma_semaphore, #tpu.memory_space<semaphore_mem>> -> memref<1x!tpu.dma_semaphore, #tpu.memory_space<semaphore_mem>>
          %dma_wait3A_555 = tpu.memref_squeeze %dma_wait3A_554 : memref<1x!tpu.dma_semaphore, #tpu.memory_space<semaphore_mem>> -> memref<!tpu.dma_semaphore, #tpu.memory_space<semaphore_mem>>
          %dma_wait3A_556 = arith.constant 0 : i32
          %dma_wait3A_557 = arith.constant 0 : i32
          %dma_wait3A_558 = tpu.memref_slice %arg7[%dma_wait3A_556, %dma_wait3A_557] : memref<320000x16xf32, #tpu.memory_space<hbm>> -> memref<200x16xf32, #tpu.memory_space<hbm>>
          %dma_wait3A_559 = arith.constant 0 : i32
          %dma_wait3A_560 = arith.constant 0 : i32
          %dma_wait3A_561 = tpu.memref_slice %arg13[%sub3A_132, %dma_wait3A_559, %dma_wait3A_560] : memref<2x200x16xf32, #tpu.memory_space<vmem>> -> memref<1x200x16xf32, #tpu.memory_space<vmem>>
          %dma_wait3A_562 = tpu.memref_squeeze %dma_wait3A_561 : memref<1x200x16xf32, #tpu.memory_space<vmem>> -> memref<200x16xf32, #tpu.memory_space<vmem>>
          tpu.wait_dma2 semaphore(%dma_wait3A_555 : memref<!tpu.dma_semaphore, #tpu.memory_space<semaphore_mem>>) src(%dma_wait3A_562 : memref<200x16xf32, #tpu.memory_space<vmem>>) dst(%dma_wait3A_558 : memref<200x16xf32, #tpu.memory_space<hbm>>)
        } else {
        }
        %add3A_490 = arith.constant 1 : i32
        %add3A_491 = arith.addi %scan3A_129, %add3A_490 : i32
        %mul3A_492 = arith.constant 200 : i32
        %mul3A_493 = arith.muli %add3A_491, %mul3A_492 : i32
        %add3A_494 = arith.addi %mul3A_2, %mul3A_493 : i32
        "tpu.region"() ({
          %run_scoped3A_531 = tpu.sem_alloc : memref<!tpu.dma_semaphore, #tpu.memory_space<semaphore_mem>>
          %dma_start3A_532 = arith.constant 0 : i32
          %dma_start3A_533 = tpu.memref_slice %arg8[%sub3A_132, %dma_start3A_532] : memref<2x216xi32, #tpu.memory_space<vmem>> -> memref<1x200xi32, #tpu.memory_space<vmem>>
          %dma_start3A_534 = tpu.memref_squeeze %dma_start3A_533 : memref<1x200xi32, #tpu.memory_space<vmem>> -> memref<200xi32, #tpu.memory_space<vmem>>
          %dma_start3A_535 = tpu.memref_slice %arg4[%add3A_494] : memref<320000xi32, #tpu.memory_space<hbm>> -> memref<200xi32, #tpu.memory_space<hbm>>
          %dma_start3A_536 = arith.constant 0 : i32
          %dma_start3A_537 = tpu.memref_slice %arg8[%sub3A_132, %dma_start3A_536] : memref<2x216xi32, #tpu.memory_space<vmem>> -> memref<1x200xi32, #tpu.memory_space<vmem>>
          %dma_start3A_538 = tpu.memref_squeeze %dma_start3A_537 : memref<1x200xi32, #tpu.memory_space<vmem>> -> memref<200xi32, #tpu.memory_space<vmem>>
          %dma_start3A_539 = tpu.memref_slice %arg4[%add3A_494] : memref<320000xi32, #tpu.memory_space<hbm>> -> memref<200xi32, #tpu.memory_space<hbm>>
          tpu.enqueue_dma source(%dma_start3A_539 : memref<200xi32, #tpu.memory_space<hbm>>) target(%dma_start3A_538 : memref<200xi32, #tpu.memory_space<vmem>>) target_semaphore(%run_scoped3A_531 : memref<!tpu.dma_semaphore, #tpu.memory_space<semaphore_mem>>)
          %dma_wait3A_540 = arith.constant 0 : i32
          %dma_wait3A_541 = tpu.memref_slice %arg8[%sub3A_132, %dma_wait3A_540] : memref<2x216xi32, #tpu.memory_space<vmem>> -> memref<1x200xi32, #tpu.memory_space<vmem>>
          %dma_wait3A_542 = tpu.memref_squeeze %dma_wait3A_541 : memref<1x200xi32, #tpu.memory_space<vmem>> -> memref<200xi32, #tpu.memory_space<vmem>>
          %dma_wait3A_543 = tpu.memref_slice %arg4[%add3A_494] : memref<320000xi32, #tpu.memory_space<hbm>> -> memref<200xi32, #tpu.memory_space<hbm>>
          %dma_wait3A_544 = arith.constant 0 : i32
          %dma_wait3A_545 = tpu.memref_slice %arg8[%sub3A_132, %dma_wait3A_544] : memref<2x216xi32, #tpu.memory_space<vmem>> -> memref<1x200xi32, #tpu.memory_space<vmem>>
          %dma_wait3A_546 = tpu.memref_squeeze %dma_wait3A_545 : memref<1x200xi32, #tpu.memory_space<vmem>> -> memref<200xi32, #tpu.memory_space<vmem>>
          %dma_wait3A_547 = tpu.memref_slice %arg4[%add3A_494] : memref<320000xi32, #tpu.memory_space<hbm>> -> memref<200xi32, #tpu.memory_space<hbm>>
          tpu.wait_dma2 semaphore(%run_scoped3A_531 : memref<!tpu.dma_semaphore, #tpu.memory_space<semaphore_mem>>) src(%dma_wait3A_547 : memref<200xi32, #tpu.memory_space<hbm>>) dst(%dma_wait3A_546 : memref<200xi32, #tpu.memory_space<vmem>>)
          tpu.yield
        }) : () -> ()
        "tpu.region"() ({
          %run_scoped3A_531 = tpu.sem_alloc : memref<!tpu.dma_semaphore, #tpu.memory_space<semaphore_mem>>
          %dma_start3A_532 = arith.constant 0 : i32
          %dma_start3A_533 = tpu.memref_slice %arg9[%sub3A_132, %dma_start3A_532] : memref<2x216xi32, #tpu.memory_space<vmem>> -> memref<1x200xi32, #tpu.memory_space<vmem>>
          %dma_start3A_534 = tpu.memref_squeeze %dma_start3A_533 : memref<1x200xi32, #tpu.memory_space<vmem>> -> memref<200xi32, #tpu.memory_space<vmem>>
          %dma_start3A_535 = tpu.memref_slice %arg5[%add3A_494] : memref<320000xi32, #tpu.memory_space<hbm>> -> memref<200xi32, #tpu.memory_space<hbm>>
          %dma_start3A_536 = arith.constant 0 : i32
          %dma_start3A_537 = tpu.memref_slice %arg9[%sub3A_132, %dma_start3A_536] : memref<2x216xi32, #tpu.memory_space<vmem>> -> memref<1x200xi32, #tpu.memory_space<vmem>>
          %dma_start3A_538 = tpu.memref_squeeze %dma_start3A_537 : memref<1x200xi32, #tpu.memory_space<vmem>> -> memref<200xi32, #tpu.memory_space<vmem>>
          %dma_start3A_539 = tpu.memref_slice %arg5[%add3A_494] : memref<320000xi32, #tpu.memory_space<hbm>> -> memref<200xi32, #tpu.memory_space<hbm>>
          tpu.enqueue_dma source(%dma_start3A_539 : memref<200xi32, #tpu.memory_space<hbm>>) target(%dma_start3A_538 : memref<200xi32, #tpu.memory_space<vmem>>) target_semaphore(%run_scoped3A_531 : memref<!tpu.dma_semaphore, #tpu.memory_space<semaphore_mem>>)
          %dma_wait3A_540 = arith.constant 0 : i32
          %dma_wait3A_541 = tpu.memref_slice %arg9[%sub3A_132, %dma_wait3A_540] : memref<2x216xi32, #tpu.memory_space<vmem>> -> memref<1x200xi32, #tpu.memory_space<vmem>>
          %dma_wait3A_542 = tpu.memref_squeeze %dma_wait3A_541 : memref<1x200xi32, #tpu.memory_space<vmem>> -> memref<200xi32, #tpu.memory_space<vmem>>
          %dma_wait3A_543 = tpu.memref_slice %arg5[%add3A_494] : memref<320000xi32, #tpu.memory_space<hbm>> -> memref<200xi32, #tpu.memory_space<hbm>>
          %dma_wait3A_544 = arith.constant 0 : i32
          %dma_wait3A_545 = tpu.memref_slice %arg9[%sub3A_132, %dma_wait3A_544] : memref<2x216xi32, #tpu.memory_space<vmem>> -> memref<1x200xi32, #tpu.memory_space<vmem>>
          %dma_wait3A_546 = tpu.memref_squeeze %dma_wait3A_545 : memref<1x200xi32, #tpu.memory_space<vmem>> -> memref<200xi32, #tpu.memory_space<vmem>>
          %dma_wait3A_547 = tpu.memref_slice %arg5[%add3A_494] : memref<320000xi32, #tpu.memory_space<hbm>> -> memref<200xi32, #tpu.memory_space<hbm>>
          tpu.wait_dma2 semaphore(%run_scoped3A_531 : memref<!tpu.dma_semaphore, #tpu.memory_space<semaphore_mem>>) src(%dma_wait3A_547 : memref<200xi32, #tpu.memory_space<hbm>>) dst(%dma_wait3A_546 : memref<200xi32, #tpu.memory_space<vmem>>)
          tpu.yield
        }) : () -> ()
        %dma_start3A_495 = arith.constant 0 : i32
        %dma_start3A_496 = arith.constant 0 : i32
        %dma_start3A_497 = tpu.memref_slice %arg10[%sub3A_132, %dma_start3A_495, %dma_start3A_496] : memref<2x200x128xf32, #tpu.memory_space<vmem>> -> memref<1x200x128xf32, #tpu.memory_space<vmem>>
        %dma_start3A_498 = tpu.memref_squeeze %dma_start3A_497 : memref<1x200x128xf32, #tpu.memory_space<vmem>> -> memref<200x128xf32, #tpu.memory_space<vmem>>
        %dma_start3A_499 = arith.constant 0 : i32
        %dma_start3A_500 = tpu.memref_slice %arg8[%sub3A_132, %dma_start3A_499] : memref<2x216xi32, #tpu.memory_space<vmem>> -> memref<1x200xi32, #tpu.memory_space<vmem>>
        %dma_start3A_501 = tpu.memref_squeeze %dma_start3A_500 : memref<1x200xi32, #tpu.memory_space<vmem>> -> memref<200xi32, #tpu.memory_space<vmem>>
        %dma_start3A_502 = arith.constant 0 : i32
        %dma_start3A_503 = arith.constant 0 : i32
        %dma_start3A_504 = tpu.memref_slice %arg2[%dma_start3A_502, %dma_start3A_503] : memref<10000x128xf32, #tpu.memory_space<hbm>> -> memref<10000x128xf32, #tpu.memory_space<hbm>>
        %dma_start3A_505 = tpu.memref_slice %arg14[%sub3A_132] : memref<2x!tpu.dma_semaphore, #tpu.memory_space<semaphore_mem>> -> memref<1x!tpu.dma_semaphore, #tpu.memory_space<semaphore_mem>>
        %dma_start3A_506 = tpu.memref_squeeze %dma_start3A_505 : memref<1x!tpu.dma_semaphore, #tpu.memory_space<semaphore_mem>> -> memref<!tpu.dma_semaphore, #tpu.memory_space<semaphore_mem>>
        tpu.enqueue_indirect_dma source(%dma_start3A_504 : memref<10000x128xf32, #tpu.memory_space<hbm>>) target(%dma_start3A_498 : memref<200x128xf32, #tpu.memory_space<vmem>>) offsets(%dma_start3A_501 : memref<200xi32, #tpu.memory_space<vmem>>) semaphore(%dma_start3A_506 : memref<!tpu.dma_semaphore, #tpu.memory_space<semaphore_mem>>)
        %dma_start3A_507 = arith.constant 0 : i32
        %dma_start3A_508 = arith.constant 0 : i32
        %dma_start3A_509 = tpu.memref_slice %arg11[%sub3A_132, %dma_start3A_507, %dma_start3A_508] : memref<2x200x16xf32, #tpu.memory_space<vmem>> -> memref<1x200x16xf32, #tpu.memory_space<vmem>>
        %dma_start3A_510 = tpu.memref_squeeze %dma_start3A_509 : memref<1x200x16xf32, #tpu.memory_space<vmem>> -> memref<200x16xf32, #tpu.memory_space<vmem>>
        %dma_start3A_511 = arith.constant 0 : i32
        %dma_start3A_512 = tpu.memref_slice %arg8[%sub3A_132, %dma_start3A_511] : memref<2x216xi32, #tpu.memory_space<vmem>> -> memref<1x200xi32, #tpu.memory_space<vmem>>
        %dma_start3A_513 = tpu.memref_squeeze %dma_start3A_512 : memref<1x200xi32, #tpu.memory_space<vmem>> -> memref<200xi32, #tpu.memory_space<vmem>>
        %dma_start3A_514 = arith.constant 0 : i32
        %dma_start3A_515 = arith.constant 0 : i32
        %dma_start3A_516 = tpu.memref_slice %arg3[%dma_start3A_514, %dma_start3A_515] : memref<10000x16xf32, #tpu.memory_space<hbm>> -> memref<10000x16xf32, #tpu.memory_space<hbm>>
        %dma_start3A_517 = tpu.memref_slice %arg14[%sub3A_132] : memref<2x!tpu.dma_semaphore, #tpu.memory_space<semaphore_mem>> -> memref<1x!tpu.dma_semaphore, #tpu.memory_space<semaphore_mem>>
        %dma_start3A_518 = tpu.memref_squeeze %dma_start3A_517 : memref<1x!tpu.dma_semaphore, #tpu.memory_space<semaphore_mem>> -> memref<!tpu.dma_semaphore, #tpu.memory_space<semaphore_mem>>
        tpu.enqueue_indirect_dma source(%dma_start3A_516 : memref<10000x16xf32, #tpu.memory_space<hbm>>) target(%dma_start3A_510 : memref<200x16xf32, #tpu.memory_space<vmem>>) offsets(%dma_start3A_513 : memref<200xi32, #tpu.memory_space<vmem>>) semaphore(%dma_start3A_518 : memref<!tpu.dma_semaphore, #tpu.memory_space<semaphore_mem>>)
        %dma_start3A_519 = arith.constant 0 : i32
        %dma_start3A_520 = arith.constant 0 : i32
        %dma_start3A_521 = tpu.memref_slice %arg12[%sub3A_132, %dma_start3A_519, %dma_start3A_520] : memref<2x200x16xf32, #tpu.memory_space<vmem>> -> memref<1x200x16xf32, #tpu.memory_space<vmem>>
        %dma_start3A_522 = tpu.memref_squeeze %dma_start3A_521 : memref<1x200x16xf32, #tpu.memory_space<vmem>> -> memref<200x16xf32, #tpu.memory_space<vmem>>
        %dma_start3A_523 = arith.constant 0 : i32
        %dma_start3A_524 = tpu.memref_slice %arg9[%sub3A_132, %dma_start3A_523] : memref<2x216xi32, #tpu.memory_space<vmem>> -> memref<1x200xi32, #tpu.memory_space<vmem>>
        %dma_start3A_525 = tpu.memref_squeeze %dma_start3A_524 : memref<1x200xi32, #tpu.memory_space<vmem>> -> memref<200xi32, #tpu.memory_space<vmem>>
        %dma_start3A_526 = arith.constant 0 : i32
        %dma_start3A_527 = arith.constant 0 : i32
        %dma_start3A_528 = tpu.memref_slice %arg3[%dma_start3A_526, %dma_start3A_527] : memref<10000x16xf32, #tpu.memory_space<hbm>> -> memref<10000x16xf32, #tpu.memory_space<hbm>>
        %dma_start3A_529 = tpu.memref_slice %arg14[%sub3A_132] : memref<2x!tpu.dma_semaphore, #tpu.memory_space<semaphore_mem>> -> memref<1x!tpu.dma_semaphore, #tpu.memory_space<semaphore_mem>>
        %dma_start3A_530 = tpu.memref_squeeze %dma_start3A_529 : memref<1x!tpu.dma_semaphore, #tpu.memory_space<semaphore_mem>> -> memref<!tpu.dma_semaphore, #tpu.memory_space<semaphore_mem>>
        tpu.enqueue_indirect_dma source(%dma_start3A_528 : memref<10000x16xf32, #tpu.memory_space<hbm>>) target(%dma_start3A_522 : memref<200x16xf32, #tpu.memory_space<vmem>>) offsets(%dma_start3A_525 : memref<200xi32, #tpu.memory_space<vmem>>) semaphore(%dma_start3A_530 : memref<!tpu.dma_semaphore, #tpu.memory_space<semaphore_mem>>)
      } else {
      }
      %dma_wait3A_137 = arith.constant 0 : i32
      %dma_wait3A_138 = arith.constant 0 : i32
      %dma_wait3A_139 = tpu.memref_slice %arg10[%rem3A_131, %dma_wait3A_137, %dma_wait3A_138] : memref<2x200x128xf32, #tpu.memory_space<vmem>> -> memref<1x200x128xf32, #tpu.memory_space<vmem>>
      %dma_wait3A_140 = tpu.memref_squeeze %dma_wait3A_139 : memref<1x200x128xf32, #tpu.memory_space<vmem>> -> memref<200x128xf32, #tpu.memory_space<vmem>>
      %dma_wait3A_141 = arith.constant 0 : i32
      %dma_wait3A_142 = tpu.memref_slice %arg8[%rem3A_131, %dma_wait3A_141] : memref<2x216xi32, #tpu.memory_space<vmem>> -> memref<1x200xi32, #tpu.memory_space<vmem>>
      %dma_wait3A_143 = tpu.memref_squeeze %dma_wait3A_142 : memref<1x200xi32, #tpu.memory_space<vmem>> -> memref<200xi32, #tpu.memory_space<vmem>>
      %dma_wait3A_144 = arith.constant 0 : i32
      %dma_wait3A_145 = arith.constant 0 : i32
      %dma_wait3A_146 = tpu.memref_slice %arg2[%dma_wait3A_144, %dma_wait3A_145] : memref<10000x128xf32, #tpu.memory_space<hbm>> -> memref<10000x128xf32, #tpu.memory_space<hbm>>
      %dma_wait3A_147 = tpu.memref_slice %arg14[%rem3A_131] : memref<2x!tpu.dma_semaphore, #tpu.memory_space<semaphore_mem>> -> memref<1x!tpu.dma_semaphore, #tpu.memory_space<semaphore_mem>>
      %dma_wait3A_148 = tpu.memref_squeeze %dma_wait3A_147 : memref<1x!tpu.dma_semaphore, #tpu.memory_space<semaphore_mem>> -> memref<!tpu.dma_semaphore, #tpu.memory_space<semaphore_mem>>
      tpu.wait_indirect_dma semaphore(%dma_wait3A_148 : memref<!tpu.dma_semaphore, #tpu.memory_space<semaphore_mem>>) src(%dma_wait3A_146 : memref<10000x128xf32, #tpu.memory_space<hbm>>) dst(%dma_wait3A_140 : memref<200x128xf32, #tpu.memory_space<vmem>>)
      %dma_wait3A_149 = arith.constant 0 : i32
      %dma_wait3A_150 = arith.constant 0 : i32
      %dma_wait3A_151 = tpu.memref_slice %arg11[%rem3A_131, %dma_wait3A_149, %dma_wait3A_150] : memref<2x200x16xf32, #tpu.memory_space<vmem>> -> memref<1x200x16xf32, #tpu.memory_space<vmem>>
      %dma_wait3A_152 = tpu.memref_squeeze %dma_wait3A_151 : memref<1x200x16xf32, #tpu.memory_space<vmem>> -> memref<200x16xf32, #tpu.memory_space<vmem>>
      %dma_wait3A_153 = arith.constant 0 : i32
      %dma_wait3A_154 = tpu.memref_slice %arg8[%rem3A_131, %dma_wait3A_153] : memref<2x216xi32, #tpu.memory_space<vmem>> -> memref<1x200xi32, #tpu.memory_space<vmem>>
      %dma_wait3A_155 = tpu.memref_squeeze %dma_wait3A_154 : memref<1x200xi32, #tpu.memory_space<vmem>> -> memref<200xi32, #tpu.memory_space<vmem>>
      %dma_wait3A_156 = arith.constant 0 : i32
      %dma_wait3A_157 = arith.constant 0 : i32
      %dma_wait3A_158 = tpu.memref_slice %arg3[%dma_wait3A_156, %dma_wait3A_157] : memref<10000x16xf32, #tpu.memory_space<hbm>> -> memref<10000x16xf32, #tpu.memory_space<hbm>>
      %dma_wait3A_159 = tpu.memref_slice %arg14[%rem3A_131] : memref<2x!tpu.dma_semaphore, #tpu.memory_space<semaphore_mem>> -> memref<1x!tpu.dma_semaphore, #tpu.memory_space<semaphore_mem>>
      %dma_wait3A_160 = tpu.memref_squeeze %dma_wait3A_159 : memref<1x!tpu.dma_semaphore, #tpu.memory_space<semaphore_mem>> -> memref<!tpu.dma_semaphore, #tpu.memory_space<semaphore_mem>>
      tpu.wait_indirect_dma semaphore(%dma_wait3A_160 : memref<!tpu.dma_semaphore, #tpu.memory_space<semaphore_mem>>) src(%dma_wait3A_158 : memref<10000x16xf32, #tpu.memory_space<hbm>>) dst(%dma_wait3A_152 : memref<200x16xf32, #tpu.memory_space<vmem>>)
      %dma_wait3A_161 = arith.constant 0 : i32
      %dma_wait3A_162 = arith.constant 0 : i32
      %dma_wait3A_163 = tpu.memref_slice %arg12[%rem3A_131, %dma_wait3A_161, %dma_wait3A_162] : memref<2x200x16xf32, #tpu.memory_space<vmem>> -> memref<1x200x16xf32, #tpu.memory_space<vmem>>
      %dma_wait3A_164 = tpu.memref_squeeze %dma_wait3A_163 : memref<1x200x16xf32, #tpu.memory_space<vmem>> -> memref<200x16xf32, #tpu.memory_space<vmem>>
      %dma_wait3A_165 = arith.constant 0 : i32
      %dma_wait3A_166 = tpu.memref_slice %arg9[%rem3A_131, %dma_wait3A_165] : memref<2x216xi32, #tpu.memory_space<vmem>> -> memref<1x200xi32, #tpu.memory_space<vmem>>
      %dma_wait3A_167 = tpu.memref_squeeze %dma_wait3A_166 : memref<1x200xi32, #tpu.memory_space<vmem>> -> memref<200xi32, #tpu.memory_space<vmem>>
      %dma_wait3A_168 = arith.constant 0 : i32
      %dma_wait3A_169 = arith.constant 0 : i32
      %dma_wait3A_170 = tpu.memref_slice %arg3[%dma_wait3A_168, %dma_wait3A_169] : memref<10000x16xf32, #tpu.memory_space<hbm>> -> memref<10000x16xf32, #tpu.memory_space<hbm>>
      %dma_wait3A_171 = tpu.memref_slice %arg14[%rem3A_131] : memref<2x!tpu.dma_semaphore, #tpu.memory_space<semaphore_mem>> -> memref<1x!tpu.dma_semaphore, #tpu.memory_space<semaphore_mem>>
      %dma_wait3A_172 = tpu.memref_squeeze %dma_wait3A_171 : memref<1x!tpu.dma_semaphore, #tpu.memory_space<semaphore_mem>> -> memref<!tpu.dma_semaphore, #tpu.memory_space<semaphore_mem>>
      tpu.wait_indirect_dma semaphore(%dma_wait3A_172 : memref<!tpu.dma_semaphore, #tpu.memory_space<semaphore_mem>>) src(%dma_wait3A_170 : memref<10000x16xf32, #tpu.memory_space<hbm>>) dst(%dma_wait3A_164 : memref<200x16xf32, #tpu.memory_space<vmem>>)
      %scan3A_173 = arith.constant 0 : i32
      %scan3A_174 = arith.constant 0 : i32
      %scan3A_175 = arith.constant 12 : i32
      %scan3A_176 = arith.addi %scan3A_174, %scan3A_175 : i32
      %scan3A_177 = arith.constant 1 : i32
      %scan3A_178 = scf.for %scan3A_486 = %scan3A_174 to %scan3A_176 step %scan3A_177 iter_args(%scan3A_487 = %scan3A_173) -> (i32)  : i32 {
        %mul3A_488 = arith.constant 16 : i32
        %mul3A_489 = arith.muli %scan3A_486, %mul3A_488 : i32
        %get3A_490 = arith.constant 0 : i32
        %get3A_491 = tpu.memref_slice %arg8[%rem3A_131, %get3A_490] : memref<2x216xi32, #tpu.memory_space<vmem>> -> memref<1x216xi32, #tpu.memory_space<vmem>>
        %get3A_492 = tpu.memref_squeeze %get3A_491 : memref<1x216xi32, #tpu.memory_space<vmem>> -> memref<216xi32, #tpu.memory_space<vmem>>
        %get3A_493 = arith.index_cast %mul3A_489 : i32 to index
        %get3A_494 = tpu.vector_load %get3A_492[%get3A_493] {strides = array<i32>} : memref<216xi32, #tpu.memory_space<vmem>>, vector<16xi32>,
        %get3A_495 = vector.shape_cast %get3A_494 : vector<16xi32> to vector<16xi32>
        %mul3A_496 = arith.constant 16 : i32
        %mul3A_497 = arith.muli %scan3A_486, %mul3A_496 : i32
        %get3A_498 = arith.constant 0 : i32
        %get3A_499 = tpu.memref_slice %arg9[%rem3A_131, %get3A_498] : memref<2x216xi32, #tpu.memory_space<vmem>> -> memref<1x216xi32, #tpu.memory_space<vmem>>
        %get3A_500 = tpu.memref_squeeze %get3A_499 : memref<1x216xi32, #tpu.memory_space<vmem>> -> memref<216xi32, #tpu.memory_space<vmem>>
        %get3A_501 = arith.index_cast %mul3A_497 : i32 to index
        %get3A_502 = tpu.vector_load %get3A_500[%get3A_501] {strides = array<i32>} : memref<216xi32, #tpu.memory_space<vmem>>, vector<16xi32>,
        %get3A_503 = vector.shape_cast %get3A_502 : vector<16xi32> to vector<16xi32>
        %ne3A_504 = arith.cmpi ne, %get3A_495, %get3A_503 : vector<16xi32>
        %jit3A_505 = arith.constant 1.000000e+00 : f32
        %jit3A_506 = arith.constant 0.000000e+00 : f32
        %broadcast_in_dim3A_507 = vector.broadcast %jit3A_505 : f32 to vector<16xf32>
        %broadcast_in_dim3A_508 = vector.broadcast %jit3A_506 : f32 to vector<16xf32>
        %select_n3A_509 = arith.select %ne3A_504, %broadcast_in_dim3A_507, %broadcast_in_dim3A_508 : vector<16xi1>, vector<16xf32>
        %mul3A_510 = arith.constant 16 : i32
        %mul3A_511 = arith.muli %scan3A_486, %mul3A_510 : i32
        %add3A_512 = arith.constant 0 : i32
        %add3A_513 = arith.addi %mul3A_511, %add3A_512 : i32
        %get3A_514 = arith.constant 0 : i32
        %get3A_515 = arith.constant 0 : i32
        %get3A_516 = tpu.memref_slice %arg12[%rem3A_131, %get3A_514, %get3A_515] : memref<2x200x16xf32, #tpu.memory_space<vmem>> -> memref<1x200x16xf32, #tpu.memory_space<vmem>>
        %get3A_517 = tpu.memref_squeeze %get3A_516 : memref<1x200x16xf32, #tpu.memory_space<vmem>> -> memref<200x16xf32, #tpu.memory_space<vmem>>
        %get3A_518 = arith.index_cast %add3A_513 : i32 to index
        %get3A_519 = arith.constant 0 : index
        %get3A_520 = tpu.vector_load %get3A_517[%get3A_518, %get3A_519] {strides = array<i32>} : memref<200x16xf32, #tpu.memory_space<vmem>>, vector<1x16xf32>,
        %get3A_521 = vector.shape_cast %get3A_520 : vector<1x16xf32> to vector<16xf32>
        %get3A_522 = arith.constant 0 : i32
        %get3A_523 = arith.constant 0 : i32
        %get3A_524 = tpu.memref_slice %arg11[%rem3A_131, %get3A_522, %get3A_523] : memref<2x200x16xf32, #tpu.memory_space<vmem>> -> memref<1x200x16xf32, #tpu.memory_space<vmem>>
        %get3A_525 = tpu.memref_squeeze %get3A_524 : memref<1x200x16xf32, #tpu.memory_space<vmem>> -> memref<200x16xf32, #tpu.memory_space<vmem>>
        %get3A_526 = arith.index_cast %add3A_513 : i32 to index
        %get3A_527 = arith.constant 0 : index
        %get3A_528 = tpu.vector_load %get3A_525[%get3A_526, %get3A_527] {strides = array<i32>} : memref<200x16xf32, #tpu.memory_space<vmem>>, vector<1x16xf32>,
        %get3A_529 = vector.shape_cast %get3A_528 : vector<1x16xf32> to vector<16xf32>
        %sub3A_530 = arith.subf %get3A_521, %get3A_529 : vector<16xf32>
        %slice3A_531 = vector.extract_strided_slice %select_n3A_509 {offsets = [0], sizes = [1], strides = [1]} : vector<16xf32> to vector<1xf32>
        %squeeze3A_532 = vector.extract %slice3A_531[0] : f32 from vector<1xf32>
        %broadcast_in_dim3A_533 = vector.broadcast %squeeze3A_532 : f32 to vector<16xf32>
        %select_n3A_534 = arith.select %eq3A_4, %broadcast_in_dim3A_533, %sub3A_530 : vector<16xi1>, vector<16xf32>
        %swap3A_535 = arith.constant 0 : i32
        %swap3A_536 = arith.constant 0 : i32
        %swap3A_537 = tpu.memref_slice %arg13[%rem3A_131, %swap3A_535, %swap3A_536] : memref<2x200x16xf32, #tpu.memory_space<vmem>> -> memref<1x200x16xf32, #tpu.memory_space<vmem>>
        %swap3A_538 = tpu.memref_squeeze %swap3A_537 : memref<1x200x16xf32, #tpu.memory_space<vmem>> -> memref<200x16xf32, #tpu.memory_space<vmem>>
        %swap3A_539 = arith.index_cast %add3A_513 : i32 to index
        %swap3A_540 = arith.constant 0 : index
        %swap3A_541 = tpu.vector_load %swap3A_538[%swap3A_539, %swap3A_540] {strides = array<i32>} : memref<200x16xf32, #tpu.memory_space<vmem>>, vector<1x16xf32>,
        %swap3A_542 = vector.shape_cast %swap3A_541 : vector<1x16xf32> to vector<16xf32>
        %swap3A_543 = vector.shape_cast %select_n3A_534 : vector<16xf32> to vector<1x16xf32>
        tpu.vector_store %swap3A_538[%swap3A_539, %swap3A_540], %swap3A_543 {strides = array<i32>} : memref<200x16xf32, #tpu.memory_space<vmem>>, vector<1x16xf32>,
        %mul3A_544 = arith.constant 16 : i32
        %mul3A_545 = arith.muli %scan3A_486, %mul3A_544 : i32
        %add3A_546 = arith.constant 1 : i32
        %add3A_547 = arith.addi %mul3A_545, %add3A_546 : i32
        %get3A_548 = arith.constant 0 : i32
        %get3A_549 = arith.constant 0 : i32
        %get3A_550 = tpu.memref_slice %arg12[%rem3A_131, %get3A_548, %get3A_549] : memref<2x200x16xf32, #tpu.memory_space<vmem>> -> memref<1x200x16xf32, #tpu.memory_space<vmem>>
        %get3A_551 = tpu.memref_squeeze %get3A_550 : memref<1x200x16xf32, #tpu.memory_space<vmem>> -> memref<200x16xf32, #tpu.memory_space<vmem>>
        %get3A_552 = arith.index_cast %add3A_547 : i32 to index
        %get3A_553 = arith.constant 0 : index
        %get3A_554 = tpu.vector_load %get3A_551[%get3A_552, %get3A_553] {strides = array<i32>} : memref<200x16xf32, #tpu.memory_space<vmem>>, vector<1x16xf32>,
        %get3A_555 = vector.shape_cast %get3A_554 : vector<1x16xf32> to vector<16xf32>
        %get3A_556 = arith.constant 0 : i32
        %get3A_557 = arith.constant 0 : i32
        %get3A_558 = tpu.memref_slice %arg11[%rem3A_131, %get3A_556, %get3A_557] : memref<2x200x16xf32, #tpu.memory_space<vmem>> -> memref<1x200x16xf32, #tpu.memory_space<vmem>>
        %get3A_559 = tpu.memref_squeeze %get3A_558 : memref<1x200x16xf32, #tpu.memory_space<vmem>> -> memref<200x16xf32, #tpu.memory_space<vmem>>
        %get3A_560 = arith.index_cast %add3A_547 : i32 to index
        %get3A_561 = arith.constant 0 : index
        %get3A_562 = tpu.vector_load %get3A_559[%get3A_560, %get3A_561] {strides = array<i32>} : memref<200x16xf32, #tpu.memory_space<vmem>>, vector<1x16xf32>,
        %get3A_563 = vector.shape_cast %get3A_562 : vector<1x16xf32> to vector<16xf32>
        %sub3A_564 = arith.subf %get3A_555, %get3A_563 : vector<16xf32>
        %slice3A_565 = vector.extract_strided_slice %select_n3A_509 {offsets = [1], sizes = [1], strides = [1]} : vector<16xf32> to vector<1xf32>
        %squeeze3A_566 = vector.extract %slice3A_565[0] : f32 from vector<1xf32>
        %broadcast_in_dim3A_567 = vector.broadcast %squeeze3A_566 : f32 to vector<16xf32>
        %select_n3A_568 = arith.select %eq3A_4, %broadcast_in_dim3A_567, %sub3A_564 : vector<16xi1>, vector<16xf32>
        %swap3A_569 = arith.constant 0 : i32
        %swap3A_570 = arith.constant 0 : i32
        %swap3A_571 = tpu.memref_slice %arg13[%rem3A_131, %swap3A_569, %swap3A_570] : memref<2x200x16xf32, #tpu.memory_space<vmem>> -> memref<1x200x16xf32, #tpu.memory_space<vmem>>
        %swap3A_572 = tpu.memref_squeeze %swap3A_571 : memref<1x200x16xf32, #tpu.memory_space<vmem>> -> memref<200x16xf32, #tpu.memory_space<vmem>>
        %swap3A_573 = arith.index_cast %add3A_547 : i32 to index
        %swap3A_574 = arith.constant 0 : index
        %swap3A_575 = tpu.vector_load %swap3A_572[%swap3A_573, %swap3A_574] {strides = array<i32>} : memref<200x16xf32, #tpu.memory_space<vmem>>, vector<1x16xf32>,
        %swap3A_576 = vector.shape_cast %swap3A_575 : vector<1x16xf32> to vector<16xf32>
        %swap3A_577 = vector.shape_cast %select_n3A_568 : vector<16xf32> to vector<1x16xf32>
        tpu.vector_store %swap3A_572[%swap3A_573, %swap3A_574], %swap3A_577 {strides = array<i32>} : memref<200x16xf32, #tpu.memory_space<vmem>>, vector<1x16xf32>,
        %mul3A_578 = arith.constant 16 : i32
        %mul3A_579 = arith.muli %scan3A_486, %mul3A_578 : i32
        %add3A_580 = arith.constant 2 : i32
        %add3A_581 = arith.addi %mul3A_579, %add3A_580 : i32
        %get3A_582 = arith.constant 0 : i32
        %get3A_583 = arith.constant 0 : i32
        %get3A_584 = tpu.memref_slice %arg12[%rem3A_131, %get3A_582, %get3A_583] : memref<2x200x16xf32, #tpu.memory_space<vmem>> -> memref<1x200x16xf32, #tpu.memory_space<vmem>>
        %get3A_585 = tpu.memref_squeeze %get3A_584 : memref<1x200x16xf32, #tpu.memory_space<vmem>> -> memref<200x16xf32, #tpu.memory_space<vmem>>
        %get3A_586 = arith.index_cast %add3A_581 : i32 to index
        %get3A_587 = arith.constant 0 : index
        %get3A_588 = tpu.vector_load %get3A_585[%get3A_586, %get3A_587] {strides = array<i32>} : memref<200x16xf32, #tpu.memory_space<vmem>>, vector<1x16xf32>,
        %get3A_589 = vector.shape_cast %get3A_588 : vector<1x16xf32> to vector<16xf32>
        %get3A_590 = arith.constant 0 : i32
        %get3A_591 = arith.constant 0 : i32
        %get3A_592 = tpu.memref_slice %arg11[%rem3A_131, %get3A_590, %get3A_591] : memref<2x200x16xf32, #tpu.memory_space<vmem>> -> memref<1x200x16xf32, #tpu.memory_space<vmem>>
        %get3A_593 = tpu.memref_squeeze %get3A_592 : memref<1x200x16xf32, #tpu.memory_space<vmem>> -> memref<200x16xf32, #tpu.memory_space<vmem>>
        %get3A_594 = arith.index_cast %add3A_581 : i32 to index
        %get3A_595 = arith.constant 0 : index
        %get3A_596 = tpu.vector_load %get3A_593[%get3A_594, %get3A_595] {strides = array<i32>} : memref<200x16xf32, #tpu.memory_space<vmem>>, vector<1x16xf32>,
        %get3A_597 = vector.shape_cast %get3A_596 : vector<1x16xf32> to vector<16xf32>
        %sub3A_598 = arith.subf %get3A_589, %get3A_597 : vector<16xf32>
        %slice3A_599 = vector.extract_strided_slice %select_n3A_509 {offsets = [2], sizes = [1], strides = [1]} : vector<16xf32> to vector<1xf32>
        %squeeze3A_600 = vector.extract %slice3A_599[0] : f32 from vector<1xf32>
        %broadcast_in_dim3A_601 = vector.broadcast %squeeze3A_600 : f32 to vector<16xf32>
        %select_n3A_602 = arith.select %eq3A_4, %broadcast_in_dim3A_601, %sub3A_598 : vector<16xi1>, vector<16xf32>
        %swap3A_603 = arith.constant 0 : i32
        %swap3A_604 = arith.constant 0 : i32
        %swap3A_605 = tpu.memref_slice %arg13[%rem3A_131, %swap3A_603, %swap3A_604] : memref<2x200x16xf32, #tpu.memory_space<vmem>> -> memref<1x200x16xf32, #tpu.memory_space<vmem>>
        %swap3A_606 = tpu.memref_squeeze %swap3A_605 : memref<1x200x16xf32, #tpu.memory_space<vmem>> -> memref<200x16xf32, #tpu.memory_space<vmem>>
        %swap3A_607 = arith.index_cast %add3A_581 : i32 to index
        %swap3A_608 = arith.constant 0 : index
        %swap3A_609 = tpu.vector_load %swap3A_606[%swap3A_607, %swap3A_608] {strides = array<i32>} : memref<200x16xf32, #tpu.memory_space<vmem>>, vector<1x16xf32>,
        %swap3A_610 = vector.shape_cast %swap3A_609 : vector<1x16xf32> to vector<16xf32>
        %swap3A_611 = vector.shape_cast %select_n3A_602 : vector<16xf32> to vector<1x16xf32>
        tpu.vector_store %swap3A_606[%swap3A_607, %swap3A_608], %swap3A_611 {strides = array<i32>} : memref<200x16xf32, #tpu.memory_space<vmem>>, vector<1x16xf32>,
        %mul3A_612 = arith.constant 16 : i32
        %mul3A_613 = arith.muli %scan3A_486, %mul3A_612 : i32
        %add3A_614 = arith.constant 3 : i32
        %add3A_615 = arith.addi %mul3A_613, %add3A_614 : i32
        %get3A_616 = arith.constant 0 : i32
        %get3A_617 = arith.constant 0 : i32
        %get3A_618 = tpu.memref_slice %arg12[%rem3A_131, %get3A_616, %get3A_617] : memref<2x200x16xf32, #tpu.memory_space<vmem>> -> memref<1x200x16xf32, #tpu.memory_space<vmem>>
        %get3A_619 = tpu.memref_squeeze %get3A_618 : memref<1x200x16xf32, #tpu.memory_space<vmem>> -> memref<200x16xf32, #tpu.memory_space<vmem>>
        %get3A_620 = arith.index_cast %add3A_615 : i32 to index
        %get3A_621 = arith.constant 0 : index
        %get3A_622 = tpu.vector_load %get3A_619[%get3A_620, %get3A_621] {strides = array<i32>} : memref<200x16xf32, #tpu.memory_space<vmem>>, vector<1x16xf32>,
        %get3A_623 = vector.shape_cast %get3A_622 : vector<1x16xf32> to vector<16xf32>
        %get3A_624 = arith.constant 0 : i32
        %get3A_625 = arith.constant 0 : i32
        %get3A_626 = tpu.memref_slice %arg11[%rem3A_131, %get3A_624, %get3A_625] : memref<2x200x16xf32, #tpu.memory_space<vmem>> -> memref<1x200x16xf32, #tpu.memory_space<vmem>>
        %get3A_627 = tpu.memref_squeeze %get3A_626 : memref<1x200x16xf32, #tpu.memory_space<vmem>> -> memref<200x16xf32, #tpu.memory_space<vmem>>
        %get3A_628 = arith.index_cast %add3A_615 : i32 to index
        %get3A_629 = arith.constant 0 : index
        %get3A_630 = tpu.vector_load %get3A_627[%get3A_628, %get3A_629] {strides = array<i32>} : memref<200x16xf32, #tpu.memory_space<vmem>>, vector<1x16xf32>,
        %get3A_631 = vector.shape_cast %get3A_630 : vector<1x16xf32> to vector<16xf32>
        %sub3A_632 = arith.subf %get3A_623, %get3A_631 : vector<16xf32>
        %slice3A_633 = vector.extract_strided_slice %select_n3A_509 {offsets = [3], sizes = [1], strides = [1]} : vector<16xf32> to vector<1xf32>
        %squeeze3A_634 = vector.extract %slice3A_633[0] : f32 from vector<1xf32>
        %broadcast_in_dim3A_635 = vector.broadcast %squeeze3A_634 : f32 to vector<16xf32>
        %select_n3A_636 = arith.select %eq3A_4, %broadcast_in_dim3A_635, %sub3A_632 : vector<16xi1>, vector<16xf32>
        %swap3A_637 = arith.constant 0 : i32
        %swap3A_638 = arith.constant 0 : i32
        %swap3A_639 = tpu.memref_slice %arg13[%rem3A_131, %swap3A_637, %swap3A_638] : memref<2x200x16xf32, #tpu.memory_space<vmem>> -> memref<1x200x16xf32, #tpu.memory_space<vmem>>
        %swap3A_640 = tpu.memref_squeeze %swap3A_639 : memref<1x200x16xf32, #tpu.memory_space<vmem>> -> memref<200x16xf32, #tpu.memory_space<vmem>>
        %swap3A_641 = arith.index_cast %add3A_615 : i32 to index
        %swap3A_642 = arith.constant 0 : index
        %swap3A_643 = tpu.vector_load %swap3A_640[%swap3A_641, %swap3A_642] {strides = array<i32>} : memref<200x16xf32, #tpu.memory_space<vmem>>, vector<1x16xf32>,
        %swap3A_644 = vector.shape_cast %swap3A_643 : vector<1x16xf32> to vector<16xf32>
        %swap3A_645 = vector.shape_cast %select_n3A_636 : vector<16xf32> to vector<1x16xf32>
        tpu.vector_store %swap3A_640[%swap3A_641, %swap3A_642], %swap3A_645 {strides = array<i32>} : memref<200x16xf32, #tpu.memory_space<vmem>>, vector<1x16xf32>,
        %mul3A_646 = arith.constant 16 : i32
        %mul3A_647 = arith.muli %scan3A_486, %mul3A_646 : i32
        %add3A_648 = arith.constant 4 : i32
        %add3A_649 = arith.addi %mul3A_647, %add3A_648 : i32
        %get3A_650 = arith.constant 0 : i32
        %get3A_651 = arith.constant 0 : i32
        %get3A_652 = tpu.memref_slice %arg12[%rem3A_131, %get3A_650, %get3A_651] : memref<2x200x16xf32, #tpu.memory_space<vmem>> -> memref<1x200x16xf32, #tpu.memory_space<vmem>>
        %get3A_653 = tpu.memref_squeeze %get3A_652 : memref<1x200x16xf32, #tpu.memory_space<vmem>> -> memref<200x16xf32, #tpu.memory_space<vmem>>
        %get3A_654 = arith.index_cast %add3A_649 : i32 to index
        %get3A_655 = arith.constant 0 : index
        %get3A_656 = tpu.vector_load %get3A_653[%get3A_654, %get3A_655] {strides = array<i32>} : memref<200x16xf32, #tpu.memory_space<vmem>>, vector<1x16xf32>,
        %get3A_657 = vector.shape_cast %get3A_656 : vector<1x16xf32> to vector<16xf32>
        %get3A_658 = arith.constant 0 : i32
        %get3A_659 = arith.constant 0 : i32
        %get3A_660 = tpu.memref_slice %arg11[%rem3A_131, %get3A_658, %get3A_659] : memref<2x200x16xf32, #tpu.memory_space<vmem>> -> memref<1x200x16xf32, #tpu.memory_space<vmem>>
        %get3A_661 = tpu.memref_squeeze %get3A_660 : memref<1x200x16xf32, #tpu.memory_space<vmem>> -> memref<200x16xf32, #tpu.memory_space<vmem>>
        %get3A_662 = arith.index_cast %add3A_649 : i32 to index
        %get3A_663 = arith.constant 0 : index
        %get3A_664 = tpu.vector_load %get3A_661[%get3A_662, %get3A_663] {strides = array<i32>} : memref<200x16xf32, #tpu.memory_space<vmem>>, vector<1x16xf32>,
        %get3A_665 = vector.shape_cast %get3A_664 : vector<1x16xf32> to vector<16xf32>
        %sub3A_666 = arith.subf %get3A_657, %get3A_665 : vector<16xf32>
        %slice3A_667 = vector.extract_strided_slice %select_n3A_509 {offsets = [4], sizes = [1], strides = [1]} : vector<16xf32> to vector<1xf32>
        %squeeze3A_668 = vector.extract %slice3A_667[0] : f32 from vector<1xf32>
        %broadcast_in_dim3A_669 = vector.broadcast %squeeze3A_668 : f32 to vector<16xf32>
        %select_n3A_670 = arith.select %eq3A_4, %broadcast_in_dim3A_669, %sub3A_666 : vector<16xi1>, vector<16xf32>
        %swap3A_671 = arith.constant 0 : i32
        %swap3A_672 = arith.constant 0 : i32
        %swap3A_673 = tpu.memref_slice %arg13[%rem3A_131, %swap3A_671, %swap3A_672] : memref<2x200x16xf32, #tpu.memory_space<vmem>> -> memref<1x200x16xf32, #tpu.memory_space<vmem>>
        %swap3A_674 = tpu.memref_squeeze %swap3A_673 : memref<1x200x16xf32, #tpu.memory_space<vmem>> -> memref<200x16xf32, #tpu.memory_space<vmem>>
        %swap3A_675 = arith.index_cast %add3A_649 : i32 to index
        %swap3A_676 = arith.constant 0 : index
        %swap3A_677 = tpu.vector_load %swap3A_674[%swap3A_675, %swap3A_676] {strides = array<i32>} : memref<200x16xf32, #tpu.memory_space<vmem>>, vector<1x16xf32>,
        %swap3A_678 = vector.shape_cast %swap3A_677 : vector<1x16xf32> to vector<16xf32>
        %swap3A_679 = vector.shape_cast %select_n3A_670 : vector<16xf32> to vector<1x16xf32>
        tpu.vector_store %swap3A_674[%swap3A_675, %swap3A_676], %swap3A_679 {strides = array<i32>} : memref<200x16xf32, #tpu.memory_space<vmem>>, vector<1x16xf32>,
        %mul3A_680 = arith.constant 16 : i32
        %mul3A_681 = arith.muli %scan3A_486, %mul3A_680 : i32
        %add3A_682 = arith.constant 5 : i32
        %add3A_683 = arith.addi %mul3A_681, %add3A_682 : i32
        %get3A_684 = arith.constant 0 : i32
        %get3A_685 = arith.constant 0 : i32
        %get3A_686 = tpu.memref_slice %arg12[%rem3A_131, %get3A_684, %get3A_685] : memref<2x200x16xf32, #tpu.memory_space<vmem>> -> memref<1x200x16xf32, #tpu.memory_space<vmem>>
        %get3A_687 = tpu.memref_squeeze %get3A_686 : memref<1x200x16xf32, #tpu.memory_space<vmem>> -> memref<200x16xf32, #tpu.memory_space<vmem>>
        %get3A_688 = arith.index_cast %add3A_683 : i32 to index
        %get3A_689 = arith.constant 0 : index
        %get3A_690 = tpu.vector_load %get3A_687[%get3A_688, %get3A_689] {strides = array<i32>} : memref<200x16xf32, #tpu.memory_space<vmem>>, vector<1x16xf32>,
        %get3A_691 = vector.shape_cast %get3A_690 : vector<1x16xf32> to vector<16xf32>
        %get3A_692 = arith.constant 0 : i32
        %get3A_693 = arith.constant 0 : i32
        %get3A_694 = tpu.memref_slice %arg11[%rem3A_131, %get3A_692, %get3A_693] : memref<2x200x16xf32, #tpu.memory_space<vmem>> -> memref<1x200x16xf32, #tpu.memory_space<vmem>>
        %get3A_695 = tpu.memref_squeeze %get3A_694 : memref<1x200x16xf32, #tpu.memory_space<vmem>> -> memref<200x16xf32, #tpu.memory_space<vmem>>
        %get3A_696 = arith.index_cast %add3A_683 : i32 to index
        %get3A_697 = arith.constant 0 : index
        %get3A_698 = tpu.vector_load %get3A_695[%get3A_696, %get3A_697] {strides = array<i32>} : memref<200x16xf32, #tpu.memory_space<vmem>>, vector<1x16xf32>,
        %get3A_699 = vector.shape_cast %get3A_698 : vector<1x16xf32> to vector<16xf32>
        %sub3A_700 = arith.subf %get3A_691, %get3A_699 : vector<16xf32>
        %slice3A_701 = vector.extract_strided_slice %select_n3A_509 {offsets = [5], sizes = [1], strides = [1]} : vector<16xf32> to vector<1xf32>
        %squeeze3A_702 = vector.extract %slice3A_701[0] : f32 from vector<1xf32>
        %broadcast_in_dim3A_703 = vector.broadcast %squeeze3A_702 : f32 to vector<16xf32>
        %select_n3A_704 = arith.select %eq3A_4, %broadcast_in_dim3A_703, %sub3A_700 : vector<16xi1>, vector<16xf32>
        %swap3A_705 = arith.constant 0 : i32
        %swap3A_706 = arith.constant 0 : i32
        %swap3A_707 = tpu.memref_slice %arg13[%rem3A_131, %swap3A_705, %swap3A_706] : memref<2x200x16xf32, #tpu.memory_space<vmem>> -> memref<1x200x16xf32, #tpu.memory_space<vmem>>
        %swap3A_708 = tpu.memref_squeeze %swap3A_707 : memref<1x200x16xf32, #tpu.memory_space<vmem>> -> memref<200x16xf32, #tpu.memory_space<vmem>>
        %swap3A_709 = arith.index_cast %add3A_683 : i32 to index
        %swap3A_710 = arith.constant 0 : index
        %swap3A_711 = tpu.vector_load %swap3A_708[%swap3A_709, %swap3A_710] {strides = array<i32>} : memref<200x16xf32, #tpu.memory_space<vmem>>, vector<1x16xf32>,
        %swap3A_712 = vector.shape_cast %swap3A_711 : vector<1x16xf32> to vector<16xf32>
        %swap3A_713 = vector.shape_cast %select_n3A_704 : vector<16xf32> to vector<1x16xf32>
        tpu.vector_store %swap3A_708[%swap3A_709, %swap3A_710], %swap3A_713 {strides = array<i32>} : memref<200x16xf32, #tpu.memory_space<vmem>>, vector<1x16xf32>,
        %mul3A_714 = arith.constant 16 : i32
        %mul3A_715 = arith.muli %scan3A_486, %mul3A_714 : i32
        %add3A_716 = arith.constant 6 : i32
        %add3A_717 = arith.addi %mul3A_715, %add3A_716 : i32
        %get3A_718 = arith.constant 0 : i32
        %get3A_719 = arith.constant 0 : i32
        %get3A_720 = tpu.memref_slice %arg12[%rem3A_131, %get3A_718, %get3A_719] : memref<2x200x16xf32, #tpu.memory_space<vmem>> -> memref<1x200x16xf32, #tpu.memory_space<vmem>>
        %get3A_721 = tpu.memref_squeeze %get3A_720 : memref<1x200x16xf32, #tpu.memory_space<vmem>> -> memref<200x16xf32, #tpu.memory_space<vmem>>
        %get3A_722 = arith.index_cast %add3A_717 : i32 to index
        %get3A_723 = arith.constant 0 : index
        %get3A_724 = tpu.vector_load %get3A_721[%get3A_722, %get3A_723] {strides = array<i32>} : memref<200x16xf32, #tpu.memory_space<vmem>>, vector<1x16xf32>,
        %get3A_725 = vector.shape_cast %get3A_724 : vector<1x16xf32> to vector<16xf32>
        %get3A_726 = arith.constant 0 : i32
        %get3A_727 = arith.constant 0 : i32
        %get3A_728 = tpu.memref_slice %arg11[%rem3A_131, %get3A_726, %get3A_727] : memref<2x200x16xf32, #tpu.memory_space<vmem>> -> memref<1x200x16xf32, #tpu.memory_space<vmem>>
        %get3A_729 = tpu.memref_squeeze %get3A_728 : memref<1x200x16xf32, #tpu.memory_space<vmem>> -> memref<200x16xf32, #tpu.memory_space<vmem>>
        %get3A_730 = arith.index_cast %add3A_717 : i32 to index
        %get3A_731 = arith.constant 0 : index
        %get3A_732 = tpu.vector_load %get3A_729[%get3A_730, %get3A_731] {strides = array<i32>} : memref<200x16xf32, #tpu.memory_space<vmem>>, vector<1x16xf32>,
        %get3A_733 = vector.shape_cast %get3A_732 : vector<1x16xf32> to vector<16xf32>
        %sub3A_734 = arith.subf %get3A_725, %get3A_733 : vector<16xf32>
        %slice3A_735 = vector.extract_strided_slice %select_n3A_509 {offsets = [6], sizes = [1], strides = [1]} : vector<16xf32> to vector<1xf32>
        %squeeze3A_736 = vector.extract %slice3A_735[0] : f32 from vector<1xf32>
        %broadcast_in_dim3A_737 = vector.broadcast %squeeze3A_736 : f32 to vector<16xf32>
        %select_n3A_738 = arith.select %eq3A_4, %broadcast_in_dim3A_737, %sub3A_734 : vector<16xi1>, vector<16xf32>
        %swap3A_739 = arith.constant 0 : i32
        %swap3A_740 = arith.constant 0 : i32
        %swap3A_741 = tpu.memref_slice %arg13[%rem3A_131, %swap3A_739, %swap3A_740] : memref<2x200x16xf32, #tpu.memory_space<vmem>> -> memref<1x200x16xf32, #tpu.memory_space<vmem>>
        %swap3A_742 = tpu.memref_squeeze %swap3A_741 : memref<1x200x16xf32, #tpu.memory_space<vmem>> -> memref<200x16xf32, #tpu.memory_space<vmem>>
        %swap3A_743 = arith.index_cast %add3A_717 : i32 to index
        %swap3A_744 = arith.constant 0 : index
        %swap3A_745 = tpu.vector_load %swap3A_742[%swap3A_743, %swap3A_744] {strides = array<i32>} : memref<200x16xf32, #tpu.memory_space<vmem>>, vector<1x16xf32>,
        %swap3A_746 = vector.shape_cast %swap3A_745 : vector<1x16xf32> to vector<16xf32>
        %swap3A_747 = vector.shape_cast %select_n3A_738 : vector<16xf32> to vector<1x16xf32>
        tpu.vector_store %swap3A_742[%swap3A_743, %swap3A_744], %swap3A_747 {strides = array<i32>} : memref<200x16xf32, #tpu.memory_space<vmem>>, vector<1x16xf32>,
        %mul3A_748 = arith.constant 16 : i32
        %mul3A_749 = arith.muli %scan3A_486, %mul3A_748 : i32
        %add3A_750 = arith.constant 7 : i32
        %add3A_751 = arith.addi %mul3A_749, %add3A_750 : i32
        %get3A_752 = arith.constant 0 : i32
        %get3A_753 = arith.constant 0 : i32
        %get3A_754 = tpu.memref_slice %arg12[%rem3A_131, %get3A_752, %get3A_753] : memref<2x200x16xf32, #tpu.memory_space<vmem>> -> memref<1x200x16xf32, #tpu.memory_space<vmem>>
        %get3A_755 = tpu.memref_squeeze %get3A_754 : memref<1x200x16xf32, #tpu.memory_space<vmem>> -> memref<200x16xf32, #tpu.memory_space<vmem>>
        %get3A_756 = arith.index_cast %add3A_751 : i32 to index
        %get3A_757 = arith.constant 0 : index
        %get3A_758 = tpu.vector_load %get3A_755[%get3A_756, %get3A_757] {strides = array<i32>} : memref<200x16xf32, #tpu.memory_space<vmem>>, vector<1x16xf32>,
        %get3A_759 = vector.shape_cast %get3A_758 : vector<1x16xf32> to vector<16xf32>
        %get3A_760 = arith.constant 0 : i32
        %get3A_761 = arith.constant 0 : i32
        %get3A_762 = tpu.memref_slice %arg11[%rem3A_131, %get3A_760, %get3A_761] : memref<2x200x16xf32, #tpu.memory_space<vmem>> -> memref<1x200x16xf32, #tpu.memory_space<vmem>>
        %get3A_763 = tpu.memref_squeeze %get3A_762 : memref<1x200x16xf32, #tpu.memory_space<vmem>> -> memref<200x16xf32, #tpu.memory_space<vmem>>
        %get3A_764 = arith.index_cast %add3A_751 : i32 to index
        %get3A_765 = arith.constant 0 : index
        %get3A_766 = tpu.vector_load %get3A_763[%get3A_764, %get3A_765] {strides = array<i32>} : memref<200x16xf32, #tpu.memory_space<vmem>>, vector<1x16xf32>,
        %get3A_767 = vector.shape_cast %get3A_766 : vector<1x16xf32> to vector<16xf32>
        %sub3A_768 = arith.subf %get3A_759, %get3A_767 : vector<16xf32>
        %slice3A_769 = vector.extract_strided_slice %select_n3A_509 {offsets = [7], sizes = [1], strides = [1]} : vector<16xf32> to vector<1xf32>
        %squeeze3A_770 = vector.extract %slice3A_769[0] : f32 from vector<1xf32>
        %broadcast_in_dim3A_771 = vector.broadcast %squeeze3A_770 : f32 to vector<16xf32>
        %select_n3A_772 = arith.select %eq3A_4, %broadcast_in_dim3A_771, %sub3A_768 : vector<16xi1>, vector<16xf32>
        %swap3A_773 = arith.constant 0 : i32
        %swap3A_774 = arith.constant 0 : i32
        %swap3A_775 = tpu.memref_slice %arg13[%rem3A_131, %swap3A_773, %swap3A_774] : memref<2x200x16xf32, #tpu.memory_space<vmem>> -> memref<1x200x16xf32, #tpu.memory_space<vmem>>
        %swap3A_776 = tpu.memref_squeeze %swap3A_775 : memref<1x200x16xf32, #tpu.memory_space<vmem>> -> memref<200x16xf32, #tpu.memory_space<vmem>>
        %swap3A_777 = arith.index_cast %add3A_751 : i32 to index
        %swap3A_778 = arith.constant 0 : index
        %swap3A_779 = tpu.vector_load %swap3A_776[%swap3A_777, %swap3A_778] {strides = array<i32>} : memref<200x16xf32, #tpu.memory_space<vmem>>, vector<1x16xf32>,
        %swap3A_780 = vector.shape_cast %swap3A_779 : vector<1x16xf32> to vector<16xf32>
        %swap3A_781 = vector.shape_cast %select_n3A_772 : vector<16xf32> to vector<1x16xf32>
        tpu.vector_store %swap3A_776[%swap3A_777, %swap3A_778], %swap3A_781 {strides = array<i32>} : memref<200x16xf32, #tpu.memory_space<vmem>>, vector<1x16xf32>,
        %mul3A_782 = arith.constant 16 : i32
        %mul3A_783 = arith.muli %scan3A_486, %mul3A_782 : i32
        %add3A_784 = arith.constant 8 : i32
        %add3A_785 = arith.addi %mul3A_783, %add3A_784 : i32
        %get3A_786 = arith.constant 0 : i32
        %get3A_787 = arith.constant 0 : i32
        %get3A_788 = tpu.memref_slice %arg12[%rem3A_131, %get3A_786, %get3A_787] : memref<2x200x16xf32, #tpu.memory_space<vmem>> -> memref<1x200x16xf32, #tpu.memory_space<vmem>>
        %get3A_789 = tpu.memref_squeeze %get3A_788 : memref<1x200x16xf32, #tpu.memory_space<vmem>> -> memref<200x16xf32, #tpu.memory_space<vmem>>
        %get3A_790 = arith.index_cast %add3A_785 : i32 to index
        %get3A_791 = arith.constant 0 : index
        %get3A_792 = tpu.vector_load %get3A_789[%get3A_790, %get3A_791] {strides = array<i32>} : memref<200x16xf32, #tpu.memory_space<vmem>>, vector<1x16xf32>,
        %get3A_793 = vector.shape_cast %get3A_792 : vector<1x16xf32> to vector<16xf32>
        %get3A_794 = arith.constant 0 : i32
        %get3A_795 = arith.constant 0 : i32
        %get3A_796 = tpu.memref_slice %arg11[%rem3A_131, %get3A_794, %get3A_795] : memref<2x200x16xf32, #tpu.memory_space<vmem>> -> memref<1x200x16xf32, #tpu.memory_space<vmem>>
        %get3A_797 = tpu.memref_squeeze %get3A_796 : memref<1x200x16xf32, #tpu.memory_space<vmem>> -> memref<200x16xf32, #tpu.memory_space<vmem>>
        %get3A_798 = arith.index_cast %add3A_785 : i32 to index
        %get3A_799 = arith.constant 0 : index
        %get3A_800 = tpu.vector_load %get3A_797[%get3A_798, %get3A_799] {strides = array<i32>} : memref<200x16xf32, #tpu.memory_space<vmem>>, vector<1x16xf32>,
        %get3A_801 = vector.shape_cast %get3A_800 : vector<1x16xf32> to vector<16xf32>
        %sub3A_802 = arith.subf %get3A_793, %get3A_801 : vector<16xf32>
        %slice3A_803 = vector.extract_strided_slice %select_n3A_509 {offsets = [8], sizes = [1], strides = [1]} : vector<16xf32> to vector<1xf32>
        %squeeze3A_804 = vector.extract %slice3A_803[0] : f32 from vector<1xf32>
        %broadcast_in_dim3A_805 = vector.broadcast %squeeze3A_804 : f32 to vector<16xf32>
        %select_n3A_806 = arith.select %eq3A_4, %broadcast_in_dim3A_805, %sub3A_802 : vector<16xi1>, vector<16xf32>
        %swap3A_807 = arith.constant 0 : i32
        %swap3A_808 = arith.constant 0 : i32
        %swap3A_809 = tpu.memref_slice %arg13[%rem3A_131, %swap3A_807, %swap3A_808] : memref<2x200x16xf32, #tpu.memory_space<vmem>> -> memref<1x200x16xf32, #tpu.memory_space<vmem>>
        %swap3A_810 = tpu.memref_squeeze %swap3A_809 : memref<1x200x16xf32, #tpu.memory_space<vmem>> -> memref<200x16xf32, #tpu.memory_space<vmem>>
        %swap3A_811 = arith.index_cast %add3A_785 : i32 to index
        %swap3A_812 = arith.constant 0 : index
        %swap3A_813 = tpu.vector_load %swap3A_810[%swap3A_811, %swap3A_812] {strides = array<i32>} : memref<200x16xf32, #tpu.memory_space<vmem>>, vector<1x16xf32>,
        %swap3A_814 = vector.shape_cast %swap3A_813 : vector<1x16xf32> to vector<16xf32>
        %swap3A_815 = vector.shape_cast %select_n3A_806 : vector<16xf32> to vector<1x16xf32>
        tpu.vector_store %swap3A_810[%swap3A_811, %swap3A_812], %swap3A_815 {strides = array<i32>} : memref<200x16xf32, #tpu.memory_space<vmem>>, vector<1x16xf32>,
        %mul3A_816 = arith.constant 16 : i32
        %mul3A_817 = arith.muli %scan3A_486, %mul3A_816 : i32
        %add3A_818 = arith.constant 9 : i32
        %add3A_819 = arith.addi %mul3A_817, %add3A_818 : i32
        %get3A_820 = arith.constant 0 : i32
        %get3A_821 = arith.constant 0 : i32
        %get3A_822 = tpu.memref_slice %arg12[%rem3A_131, %get3A_820, %get3A_821] : memref<2x200x16xf32, #tpu.memory_space<vmem>> -> memref<1x200x16xf32, #tpu.memory_space<vmem>>
        %get3A_823 = tpu.memref_squeeze %get3A_822 : memref<1x200x16xf32, #tpu.memory_space<vmem>> -> memref<200x16xf32, #tpu.memory_space<vmem>>
        %get3A_824 = arith.index_cast %add3A_819 : i32 to index
        %get3A_825 = arith.constant 0 : index
        %get3A_826 = tpu.vector_load %get3A_823[%get3A_824, %get3A_825] {strides = array<i32>} : memref<200x16xf32, #tpu.memory_space<vmem>>, vector<1x16xf32>,
        %get3A_827 = vector.shape_cast %get3A_826 : vector<1x16xf32> to vector<16xf32>
        %get3A_828 = arith.constant 0 : i32
        %get3A_829 = arith.constant 0 : i32
        %get3A_830 = tpu.memref_slice %arg11[%rem3A_131, %get3A_828, %get3A_829] : memref<2x200x16xf32, #tpu.memory_space<vmem>> -> memref<1x200x16xf32, #tpu.memory_space<vmem>>
        %get3A_831 = tpu.memref_squeeze %get3A_830 : memref<1x200x16xf32, #tpu.memory_space<vmem>> -> memref<200x16xf32, #tpu.memory_space<vmem>>
        %get3A_832 = arith.index_cast %add3A_819 : i32 to index
        %get3A_833 = arith.constant 0 : index
        %get3A_834 = tpu.vector_load %get3A_831[%get3A_832, %get3A_833] {strides = array<i32>} : memref<200x16xf32, #tpu.memory_space<vmem>>, vector<1x16xf32>,
        %get3A_835 = vector.shape_cast %get3A_834 : vector<1x16xf32> to vector<16xf32>
        %sub3A_836 = arith.subf %get3A_827, %get3A_835 : vector<16xf32>
        %slice3A_837 = vector.extract_strided_slice %select_n3A_509 {offsets = [9], sizes = [1], strides = [1]} : vector<16xf32> to vector<1xf32>
        %squeeze3A_838 = vector.extract %slice3A_837[0] : f32 from vector<1xf32>
        %broadcast_in_dim3A_839 = vector.broadcast %squeeze3A_838 : f32 to vector<16xf32>
        %select_n3A_840 = arith.select %eq3A_4, %broadcast_in_dim3A_839, %sub3A_836 : vector<16xi1>, vector<16xf32>
        %swap3A_841 = arith.constant 0 : i32
        %swap3A_842 = arith.constant 0 : i32
        %swap3A_843 = tpu.memref_slice %arg13[%rem3A_131, %swap3A_841, %swap3A_842] : memref<2x200x16xf32, #tpu.memory_space<vmem>> -> memref<1x200x16xf32, #tpu.memory_space<vmem>>
        %swap3A_844 = tpu.memref_squeeze %swap3A_843 : memref<1x200x16xf32, #tpu.memory_space<vmem>> -> memref<200x16xf32, #tpu.memory_space<vmem>>
        %swap3A_845 = arith.index_cast %add3A_819 : i32 to index
        %swap3A_846 = arith.constant 0 : index
        %swap3A_847 = tpu.vector_load %swap3A_844[%swap3A_845, %swap3A_846] {strides = array<i32>} : memref<200x16xf32, #tpu.memory_space<vmem>>, vector<1x16xf32>,
        %swap3A_848 = vector.shape_cast %swap3A_847 : vector<1x16xf32> to vector<16xf32>
        %swap3A_849 = vector.shape_cast %select_n3A_840 : vector<16xf32> to vector<1x16xf32>
        tpu.vector_store %swap3A_844[%swap3A_845, %swap3A_846], %swap3A_849 {strides = array<i32>} : memref<200x16xf32, #tpu.memory_space<vmem>>, vector<1x16xf32>,
        %mul3A_850 = arith.constant 16 : i32
        %mul3A_851 = arith.muli %scan3A_486, %mul3A_850 : i32
        %add3A_852 = arith.constant 10 : i32
        %add3A_853 = arith.addi %mul3A_851, %add3A_852 : i32
        %get3A_854 = arith.constant 0 : i32
        %get3A_855 = arith.constant 0 : i32
        %get3A_856 = tpu.memref_slice %arg12[%rem3A_131, %get3A_854, %get3A_855] : memref<2x200x16xf32, #tpu.memory_space<vmem>> -> memref<1x200x16xf32, #tpu.memory_space<vmem>>
        %get3A_857 = tpu.memref_squeeze %get3A_856 : memref<1x200x16xf32, #tpu.memory_space<vmem>> -> memref<200x16xf32, #tpu.memory_space<vmem>>
        %get3A_858 = arith.index_cast %add3A_853 : i32 to index
        %get3A_859 = arith.constant 0 : index
        %get3A_860 = tpu.vector_load %get3A_857[%get3A_858, %get3A_859] {strides = array<i32>} : memref<200x16xf32, #tpu.memory_space<vmem>>, vector<1x16xf32>,
        %get3A_861 = vector.shape_cast %get3A_860 : vector<1x16xf32> to vector<16xf32>
        %get3A_862 = arith.constant 0 : i32
        %get3A_863 = arith.constant 0 : i32
        %get3A_864 = tpu.memref_slice %arg11[%rem3A_131, %get3A_862, %get3A_863] : memref<2x200x16xf32, #tpu.memory_space<vmem>> -> memref<1x200x16xf32, #tpu.memory_space<vmem>>
        %get3A_865 = tpu.memref_squeeze %get3A_864 : memref<1x200x16xf32, #tpu.memory_space<vmem>> -> memref<200x16xf32, #tpu.memory_space<vmem>>
        %get3A_866 = arith.index_cast %add3A_853 : i32 to index
        %get3A_867 = arith.constant 0 : index
        %get3A_868 = tpu.vector_load %get3A_865[%get3A_866, %get3A_867] {strides = array<i32>} : memref<200x16xf32, #tpu.memory_space<vmem>>, vector<1x16xf32>,
        %get3A_869 = vector.shape_cast %get3A_868 : vector<1x16xf32> to vector<16xf32>
        %sub3A_870 = arith.subf %get3A_861, %get3A_869 : vector<16xf32>
        %slice3A_871 = vector.extract_strided_slice %select_n3A_509 {offsets = [10], sizes = [1], strides = [1]} : vector<16xf32> to vector<1xf32>
        %squeeze3A_872 = vector.extract %slice3A_871[0] : f32 from vector<1xf32>
        %broadcast_in_dim3A_873 = vector.broadcast %squeeze3A_872 : f32 to vector<16xf32>
        %select_n3A_874 = arith.select %eq3A_4, %broadcast_in_dim3A_873, %sub3A_870 : vector<16xi1>, vector<16xf32>
        %swap3A_875 = arith.constant 0 : i32
        %swap3A_876 = arith.constant 0 : i32
        %swap3A_877 = tpu.memref_slice %arg13[%rem3A_131, %swap3A_875, %swap3A_876] : memref<2x200x16xf32, #tpu.memory_space<vmem>> -> memref<1x200x16xf32, #tpu.memory_space<vmem>>
        %swap3A_878 = tpu.memref_squeeze %swap3A_877 : memref<1x200x16xf32, #tpu.memory_space<vmem>> -> memref<200x16xf32, #tpu.memory_space<vmem>>
        %swap3A_879 = arith.index_cast %add3A_853 : i32 to index
        %swap3A_880 = arith.constant 0 : index
        %swap3A_881 = tpu.vector_load %swap3A_878[%swap3A_879, %swap3A_880] {strides = array<i32>} : memref<200x16xf32, #tpu.memory_space<vmem>>, vector<1x16xf32>,
        %swap3A_882 = vector.shape_cast %swap3A_881 : vector<1x16xf32> to vector<16xf32>
        %swap3A_883 = vector.shape_cast %select_n3A_874 : vector<16xf32> to vector<1x16xf32>
        tpu.vector_store %swap3A_878[%swap3A_879, %swap3A_880], %swap3A_883 {strides = array<i32>} : memref<200x16xf32, #tpu.memory_space<vmem>>, vector<1x16xf32>,
        %mul3A_884 = arith.constant 16 : i32
        %mul3A_885 = arith.muli %scan3A_486, %mul3A_884 : i32
        %add3A_886 = arith.constant 11 : i32
        %add3A_887 = arith.addi %mul3A_885, %add3A_886 : i32
        %get3A_888 = arith.constant 0 : i32
        %get3A_889 = arith.constant 0 : i32
        %get3A_890 = tpu.memref_slice %arg12[%rem3A_131, %get3A_888, %get3A_889] : memref<2x200x16xf32, #tpu.memory_space<vmem>> -> memref<1x200x16xf32, #tpu.memory_space<vmem>>
        %get3A_891 = tpu.memref_squeeze %get3A_890 : memref<1x200x16xf32, #tpu.memory_space<vmem>> -> memref<200x16xf32, #tpu.memory_space<vmem>>
        %get3A_892 = arith.index_cast %add3A_887 : i32 to index
        %get3A_893 = arith.constant 0 : index
        %get3A_894 = tpu.vector_load %get3A_891[%get3A_892, %get3A_893] {strides = array<i32>} : memref<200x16xf32, #tpu.memory_space<vmem>>, vector<1x16xf32>,
        %get3A_895 = vector.shape_cast %get3A_894 : vector<1x16xf32> to vector<16xf32>
        %get3A_896 = arith.constant 0 : i32
        %get3A_897 = arith.constant 0 : i32
        %get3A_898 = tpu.memref_slice %arg11[%rem3A_131, %get3A_896, %get3A_897] : memref<2x200x16xf32, #tpu.memory_space<vmem>> -> memref<1x200x16xf32, #tpu.memory_space<vmem>>
        %get3A_899 = tpu.memref_squeeze %get3A_898 : memref<1x200x16xf32, #tpu.memory_space<vmem>> -> memref<200x16xf32, #tpu.memory_space<vmem>>
        %get3A_900 = arith.index_cast %add3A_887 : i32 to index
        %get3A_901 = arith.constant 0 : index
        %get3A_902 = tpu.vector_load %get3A_899[%get3A_900, %get3A_901] {strides = array<i32>} : memref<200x16xf32, #tpu.memory_space<vmem>>, vector<1x16xf32>,
        %get3A_903 = vector.shape_cast %get3A_902 : vector<1x16xf32> to vector<16xf32>
        %sub3A_904 = arith.subf %get3A_895, %get3A_903 : vector<16xf32>
        %slice3A_905 = vector.extract_strided_slice %select_n3A_509 {offsets = [11], sizes = [1], strides = [1]} : vector<16xf32> to vector<1xf32>
        %squeeze3A_906 = vector.extract %slice3A_905[0] : f32 from vector<1xf32>
        %broadcast_in_dim3A_907 = vector.broadcast %squeeze3A_906 : f32 to vector<16xf32>
        %select_n3A_908 = arith.select %eq3A_4, %broadcast_in_dim3A_907, %sub3A_904 : vector<16xi1>, vector<16xf32>
        %swap3A_909 = arith.constant 0 : i32
        %swap3A_910 = arith.constant 0 : i32
        %swap3A_911 = tpu.memref_slice %arg13[%rem3A_131, %swap3A_909, %swap3A_910] : memref<2x200x16xf32, #tpu.memory_space<vmem>> -> memref<1x200x16xf32, #tpu.memory_space<vmem>>
        %swap3A_912 = tpu.memref_squeeze %swap3A_911 : memref<1x200x16xf32, #tpu.memory_space<vmem>> -> memref<200x16xf32, #tpu.memory_space<vmem>>
        %swap3A_913 = arith.index_cast %add3A_887 : i32 to index
        %swap3A_914 = arith.constant 0 : index
        %swap3A_915 = tpu.vector_load %swap3A_912[%swap3A_913, %swap3A_914] {strides = array<i32>} : memref<200x16xf32, #tpu.memory_space<vmem>>, vector<1x16xf32>,
        %swap3A_916 = vector.shape_cast %swap3A_915 : vector<1x16xf32> to vector<16xf32>
        %swap3A_917 = vector.shape_cast %select_n3A_908 : vector<16xf32> to vector<1x16xf32>
        tpu.vector_store %swap3A_912[%swap3A_913, %swap3A_914], %swap3A_917 {strides = array<i32>} : memref<200x16xf32, #tpu.memory_space<vmem>>, vector<1x16xf32>,
        %mul3A_918 = arith.constant 16 : i32
        %mul3A_919 = arith.muli %scan3A_486, %mul3A_918 : i32
        %add3A_920 = arith.constant 12 : i32
        %add3A_921 = arith.addi %mul3A_919, %add3A_920 : i32
        %get3A_922 = arith.constant 0 : i32
        %get3A_923 = arith.constant 0 : i32
        %get3A_924 = tpu.memref_slice %arg12[%rem3A_131, %get3A_922, %get3A_923] : memref<2x200x16xf32, #tpu.memory_space<vmem>> -> memref<1x200x16xf32, #tpu.memory_space<vmem>>
        %get3A_925 = tpu.memref_squeeze %get3A_924 : memref<1x200x16xf32, #tpu.memory_space<vmem>> -> memref<200x16xf32, #tpu.memory_space<vmem>>
        %get3A_926 = arith.index_cast %add3A_921 : i32 to index
        %get3A_927 = arith.constant 0 : index
        %get3A_928 = tpu.vector_load %get3A_925[%get3A_926, %get3A_927] {strides = array<i32>} : memref<200x16xf32, #tpu.memory_space<vmem>>, vector<1x16xf32>,
        %get3A_929 = vector.shape_cast %get3A_928 : vector<1x16xf32> to vector<16xf32>
        %get3A_930 = arith.constant 0 : i32
        %get3A_931 = arith.constant 0 : i32
        %get3A_932 = tpu.memref_slice %arg11[%rem3A_131, %get3A_930, %get3A_931] : memref<2x200x16xf32, #tpu.memory_space<vmem>> -> memref<1x200x16xf32, #tpu.memory_space<vmem>>
        %get3A_933 = tpu.memref_squeeze %get3A_932 : memref<1x200x16xf32, #tpu.memory_space<vmem>> -> memref<200x16xf32, #tpu.memory_space<vmem>>
        %get3A_934 = arith.index_cast %add3A_921 : i32 to index
        %get3A_935 = arith.constant 0 : index
        %get3A_936 = tpu.vector_load %get3A_933[%get3A_934, %get3A_935] {strides = array<i32>} : memref<200x16xf32, #tpu.memory_space<vmem>>, vector<1x16xf32>,
        %get3A_937 = vector.shape_cast %get3A_936 : vector<1x16xf32> to vector<16xf32>
        %sub3A_938 = arith.subf %get3A_929, %get3A_937 : vector<16xf32>
        %slice3A_939 = vector.extract_strided_slice %select_n3A_509 {offsets = [12], sizes = [1], strides = [1]} : vector<16xf32> to vector<1xf32>
        %squeeze3A_940 = vector.extract %slice3A_939[0] : f32 from vector<1xf32>
        %broadcast_in_dim3A_941 = vector.broadcast %squeeze3A_940 : f32 to vector<16xf32>
        %select_n3A_942 = arith.select %eq3A_4, %broadcast_in_dim3A_941, %sub3A_938 : vector<16xi1>, vector<16xf32>
        %swap3A_943 = arith.constant 0 : i32
        %swap3A_944 = arith.constant 0 : i32
        %swap3A_945 = tpu.memref_slice %arg13[%rem3A_131, %swap3A_943, %swap3A_944] : memref<2x200x16xf32, #tpu.memory_space<vmem>> -> memref<1x200x16xf32, #tpu.memory_space<vmem>>
        %swap3A_946 = tpu.memref_squeeze %swap3A_945 : memref<1x200x16xf32, #tpu.memory_space<vmem>> -> memref<200x16xf32, #tpu.memory_space<vmem>>
        %swap3A_947 = arith.index_cast %add3A_921 : i32 to index
        %swap3A_948 = arith.constant 0 : index
        %swap3A_949 = tpu.vector_load %swap3A_946[%swap3A_947, %swap3A_948] {strides = array<i32>} : memref<200x16xf32, #tpu.memory_space<vmem>>, vector<1x16xf32>,
        %swap3A_950 = vector.shape_cast %swap3A_949 : vector<1x16xf32> to vector<16xf32>
        %swap3A_951 = vector.shape_cast %select_n3A_942 : vector<16xf32> to vector<1x16xf32>
        tpu.vector_store %swap3A_946[%swap3A_947, %swap3A_948], %swap3A_951 {strides = array<i32>} : memref<200x16xf32, #tpu.memory_space<vmem>>, vector<1x16xf32>,
        %mul3A_952 = arith.constant 16 : i32
        %mul3A_953 = arith.muli %scan3A_486, %mul3A_952 : i32
        %add3A_954 = arith.constant 13 : i32
        %add3A_955 = arith.addi %mul3A_953, %add3A_954 : i32
        %get3A_956 = arith.constant 0 : i32
        %get3A_957 = arith.constant 0 : i32
        %get3A_958 = tpu.memref_slice %arg12[%rem3A_131, %get3A_956, %get3A_957] : memref<2x200x16xf32, #tpu.memory_space<vmem>> -> memref<1x200x16xf32, #tpu.memory_space<vmem>>
        %get3A_959 = tpu.memref_squeeze %get3A_958 : memref<1x200x16xf32, #tpu.memory_space<vmem>> -> memref<200x16xf32, #tpu.memory_space<vmem>>
        %get3A_960 = arith.index_cast %add3A_955 : i32 to index
        %get3A_961 = arith.constant 0 : index
        %get3A_962 = tpu.vector_load %get3A_959[%get3A_960, %get3A_961] {strides = array<i32>} : memref<200x16xf32, #tpu.memory_space<vmem>>, vector<1x16xf32>,
        %get3A_963 = vector.shape_cast %get3A_962 : vector<1x16xf32> to vector<16xf32>
        %get3A_964 = arith.constant 0 : i32
        %get3A_965 = arith.constant 0 : i32
        %get3A_966 = tpu.memref_slice %arg11[%rem3A_131, %get3A_964, %get3A_965] : memref<2x200x16xf32, #tpu.memory_space<vmem>> -> memref<1x200x16xf32, #tpu.memory_space<vmem>>
        %get3A_967 = tpu.memref_squeeze %get3A_966 : memref<1x200x16xf32, #tpu.memory_space<vmem>> -> memref<200x16xf32, #tpu.memory_space<vmem>>
        %get3A_968 = arith.index_cast %add3A_955 : i32 to index
        %get3A_969 = arith.constant 0 : index
        %get3A_970 = tpu.vector_load %get3A_967[%get3A_968, %get3A_969] {strides = array<i32>} : memref<200x16xf32, #tpu.memory_space<vmem>>, vector<1x16xf32>,
        %get3A_971 = vector.shape_cast %get3A_970 : vector<1x16xf32> to vector<16xf32>
        %sub3A_972 = arith.subf %get3A_963, %get3A_971 : vector<16xf32>
        %slice3A_973 = vector.extract_strided_slice %select_n3A_509 {offsets = [13], sizes = [1], strides = [1]} : vector<16xf32> to vector<1xf32>
        %squeeze3A_974 = vector.extract %slice3A_973[0] : f32 from vector<1xf32>
        %broadcast_in_dim3A_975 = vector.broadcast %squeeze3A_974 : f32 to vector<16xf32>
        %select_n3A_976 = arith.select %eq3A_4, %broadcast_in_dim3A_975, %sub3A_972 : vector<16xi1>, vector<16xf32>
        %swap3A_977 = arith.constant 0 : i32
        %swap3A_978 = arith.constant 0 : i32
        %swap3A_979 = tpu.memref_slice %arg13[%rem3A_131, %swap3A_977, %swap3A_978] : memref<2x200x16xf32, #tpu.memory_space<vmem>> -> memref<1x200x16xf32, #tpu.memory_space<vmem>>
        %swap3A_980 = tpu.memref_squeeze %swap3A_979 : memref<1x200x16xf32, #tpu.memory_space<vmem>> -> memref<200x16xf32, #tpu.memory_space<vmem>>
        %swap3A_981 = arith.index_cast %add3A_955 : i32 to index
        %swap3A_982 = arith.constant 0 : index
        %swap3A_983 = tpu.vector_load %swap3A_980[%swap3A_981, %swap3A_982] {strides = array<i32>} : memref<200x16xf32, #tpu.memory_space<vmem>>, vector<1x16xf32>,
        %swap3A_984 = vector.shape_cast %swap3A_983 : vector<1x16xf32> to vector<16xf32>
        %swap3A_985 = vector.shape_cast %select_n3A_976 : vector<16xf32> to vector<1x16xf32>
        tpu.vector_store %swap3A_980[%swap3A_981, %swap3A_982], %swap3A_985 {strides = array<i32>} : memref<200x16xf32, #tpu.memory_space<vmem>>, vector<1x16xf32>,
        %mul3A_986 = arith.constant 16 : i32
        %mul3A_987 = arith.muli %scan3A_486, %mul3A_986 : i32
        %add3A_988 = arith.constant 14 : i32
        %add3A_989 = arith.addi %mul3A_987, %add3A_988 : i32
        %get3A_990 = arith.constant 0 : i32
        %get3A_991 = arith.constant 0 : i32
        %get3A_992 = tpu.memref_slice %arg12[%rem3A_131, %get3A_990, %get3A_991] : memref<2x200x16xf32, #tpu.memory_space<vmem>> -> memref<1x200x16xf32, #tpu.memory_space<vmem>>
        %get3A_993 = tpu.memref_squeeze %get3A_992 : memref<1x200x16xf32, #tpu.memory_space<vmem>> -> memref<200x16xf32, #tpu.memory_space<vmem>>
        %get3A_994 = arith.index_cast %add3A_989 : i32 to index
        %get3A_995 = arith.constant 0 : index
        %get3A_996 = tpu.vector_load %get3A_993[%get3A_994, %get3A_995] {strides = array<i32>} : memref<200x16xf32, #tpu.memory_space<vmem>>, vector<1x16xf32>,
        %get3A_997 = vector.shape_cast %get3A_996 : vector<1x16xf32> to vector<16xf32>
        %get3A_998 = arith.constant 0 : i32
        %get3A_999 = arith.constant 0 : i32
        %get3A_1000 = tpu.memref_slice %arg11[%rem3A_131, %get3A_998, %get3A_999] : memref<2x200x16xf32, #tpu.memory_space<vmem>> -> memref<1x200x16xf32, #tpu.memory_space<vmem>>
        %get3A_1001 = tpu.memref_squeeze %get3A_1000 : memref<1x200x16xf32, #tpu.memory_space<vmem>> -> memref<200x16xf32, #tpu.memory_space<vmem>>
        %get3A_1002 = arith.index_cast %add3A_989 : i32 to index
        %get3A_1003 = arith.constant 0 : index
        %get3A_1004 = tpu.vector_load %get3A_1001[%get3A_1002, %get3A_1003] {strides = array<i32>} : memref<200x16xf32, #tpu.memory_space<vmem>>, vector<1x16xf32>,
        %get3A_1005 = vector.shape_cast %get3A_1004 : vector<1x16xf32> to vector<16xf32>
        %sub3A_1006 = arith.subf %get3A_997, %get3A_1005 : vector<16xf32>
        %slice3A_1007 = vector.extract_strided_slice %select_n3A_509 {offsets = [14], sizes = [1], strides = [1]} : vector<16xf32> to vector<1xf32>
        %squeeze3A_1008 = vector.extract %slice3A_1007[0] : f32 from vector<1xf32>
        %broadcast_in_dim3A_1009 = vector.broadcast %squeeze3A_1008 : f32 to vector<16xf32>
        %select_n3A_1010 = arith.select %eq3A_4, %broadcast_in_dim3A_1009, %sub3A_1006 : vector<16xi1>, vector<16xf32>
        %swap3A_1011 = arith.constant 0 : i32
        %swap3A_1012 = arith.constant 0 : i32
        %swap3A_1013 = tpu.memref_slice %arg13[%rem3A_131, %swap3A_1011, %swap3A_1012] : memref<2x200x16xf32, #tpu.memory_space<vmem>> -> memref<1x200x16xf32, #tpu.memory_space<vmem>>
        %swap3A_1014 = tpu.memref_squeeze %swap3A_1013 : memref<1x200x16xf32, #tpu.memory_space<vmem>> -> memref<200x16xf32, #tpu.memory_space<vmem>>
        %swap3A_1015 = arith.index_cast %add3A_989 : i32 to index
        %swap3A_1016 = arith.constant 0 : index
        %swap3A_1017 = tpu.vector_load %swap3A_1014[%swap3A_1015, %swap3A_1016] {strides = array<i32>} : memref<200x16xf32, #tpu.memory_space<vmem>>, vector<1x16xf32>,
        %swap3A_1018 = vector.shape_cast %swap3A_1017 : vector<1x16xf32> to vector<16xf32>
        %swap3A_1019 = vector.shape_cast %select_n3A_1010 : vector<16xf32> to vector<1x16xf32>
        tpu.vector_store %swap3A_1014[%swap3A_1015, %swap3A_1016], %swap3A_1019 {strides = array<i32>} : memref<200x16xf32, #tpu.memory_space<vmem>>, vector<1x16xf32>,
        %mul3A_1020 = arith.constant 16 : i32
        %mul3A_1021 = arith.muli %scan3A_486, %mul3A_1020 : i32
        %add3A_1022 = arith.constant 15 : i32
        %add3A_1023 = arith.addi %mul3A_1021, %add3A_1022 : i32
        %get3A_1024 = arith.constant 0 : i32
        %get3A_1025 = arith.constant 0 : i32
        %get3A_1026 = tpu.memref_slice %arg12[%rem3A_131, %get3A_1024, %get3A_1025] : memref<2x200x16xf32, #tpu.memory_space<vmem>> -> memref<1x200x16xf32, #tpu.memory_space<vmem>>
        %get3A_1027 = tpu.memref_squeeze %get3A_1026 : memref<1x200x16xf32, #tpu.memory_space<vmem>> -> memref<200x16xf32, #tpu.memory_space<vmem>>
        %get3A_1028 = arith.index_cast %add3A_1023 : i32 to index
        %get3A_1029 = arith.constant 0 : index
        %get3A_1030 = tpu.vector_load %get3A_1027[%get3A_1028, %get3A_1029] {strides = array<i32>} : memref<200x16xf32, #tpu.memory_space<vmem>>, vector<1x16xf32>,
        %get3A_1031 = vector.shape_cast %get3A_1030 : vector<1x16xf32> to vector<16xf32>
        %get3A_1032 = arith.constant 0 : i32
        %get3A_1033 = arith.constant 0 : i32
        %get3A_1034 = tpu.memref_slice %arg11[%rem3A_131, %get3A_1032, %get3A_1033] : memref<2x200x16xf32, #tpu.memory_space<vmem>> -> memref<1x200x16xf32, #tpu.memory_space<vmem>>
        %get3A_1035 = tpu.memref_squeeze %get3A_1034 : memref<1x200x16xf32, #tpu.memory_space<vmem>> -> memref<200x16xf32, #tpu.memory_space<vmem>>
        %get3A_1036 = arith.index_cast %add3A_1023 : i32 to index
        %get3A_1037 = arith.constant 0 : index
        %get3A_1038 = tpu.vector_load %get3A_1035[%get3A_1036, %get3A_1037] {strides = array<i32>} : memref<200x16xf32, #tpu.memory_space<vmem>>, vector<1x16xf32>,
        %get3A_1039 = vector.shape_cast %get3A_1038 : vector<1x16xf32> to vector<16xf32>
        %sub3A_1040 = arith.subf %get3A_1031, %get3A_1039 : vector<16xf32>
        %slice3A_1041 = vector.extract_strided_slice %select_n3A_509 {offsets = [15], sizes = [1], strides = [1]} : vector<16xf32> to vector<1xf32>
        %squeeze3A_1042 = vector.extract %slice3A_1041[0] : f32 from vector<1xf32>
        %broadcast_in_dim3A_1043 = vector.broadcast %squeeze3A_1042 : f32 to vector<16xf32>
        %select_n3A_1044 = arith.select %eq3A_4, %broadcast_in_dim3A_1043, %sub3A_1040 : vector<16xi1>, vector<16xf32>
        %swap3A_1045 = arith.constant 0 : i32
        %swap3A_1046 = arith.constant 0 : i32
        %swap3A_1047 = tpu.memref_slice %arg13[%rem3A_131, %swap3A_1045, %swap3A_1046] : memref<2x200x16xf32, #tpu.memory_space<vmem>> -> memref<1x200x16xf32, #tpu.memory_space<vmem>>
        %swap3A_1048 = tpu.memref_squeeze %swap3A_1047 : memref<1x200x16xf32, #tpu.memory_space<vmem>> -> memref<200x16xf32, #tpu.memory_space<vmem>>
        %swap3A_1049 = arith.index_cast %add3A_1023 : i32 to index
        %swap3A_1050 = arith.constant 0 : index
        %swap3A_1051 = tpu.vector_load %swap3A_1048[%swap3A_1049, %swap3A_1050] {strides = array<i32>} : memref<200x16xf32, #tpu.memory_space<vmem>>, vector<1x16xf32>,
        %swap3A_1052 = vector.shape_cast %swap3A_1051 : vector<1x16xf32> to vector<16xf32>
        %swap3A_1053 = vector.shape_cast %select_n3A_1044 : vector<16xf32> to vector<1x16xf32>
        tpu.vector_store %swap3A_1048[%swap3A_1049, %swap3A_1050], %swap3A_1053 {strides = array<i32>} : memref<200x16xf32, #tpu.memory_space<vmem>>, vector<1x16xf32>,
        %scan3A_1054 = arith.constant 0 : i32
        scf.yield %scan3A_1054 : i32
      }
      %scan3A_179 = arith.constant 12 : i32
      %get3A = arith.constant 0 : i32
      %get3A_180 = tpu.memref_slice %arg8[%rem3A_131, %get3A] : memref<2x216xi32, #tpu.memory_space<vmem>> -> memref<1x216xi32, #tpu.memory_space<vmem>>
      %get3A_181 = tpu.memref_squeeze %get3A_180 : memref<1x216xi32, #tpu.memory_space<vmem>> -> memref<216xi32, #tpu.memory_space<vmem>>
      %get3A_182 = arith.constant 192 : index
      %get3A_183 = tpu.vector_load %get3A_181[%get3A_182] {strides = array<i32>} : memref<216xi32, #tpu.memory_space<vmem>>, vector<16xi32>,
      %get3A_184 = vector.shape_cast %get3A_183 : vector<16xi32> to vector<16xi32>
      %get3A_185 = arith.constant 0 : i32
      %get3A_186 = tpu.memref_slice %arg9[%rem3A_131, %get3A_185] : memref<2x216xi32, #tpu.memory_space<vmem>> -> memref<1x216xi32, #tpu.memory_space<vmem>>
      %get3A_187 = tpu.memref_squeeze %get3A_186 : memref<1x216xi32, #tpu.memory_space<vmem>> -> memref<216xi32, #tpu.memory_space<vmem>>
      %get3A_188 = arith.constant 192 : index
      %get3A_189 = tpu.vector_load %get3A_187[%get3A_188] {strides = array<i32>} : memref<216xi32, #tpu.memory_space<vmem>>, vector<16xi32>,
      %get3A_190 = vector.shape_cast %get3A_189 : vector<16xi32> to vector<16xi32>
      %ne3A = arith.cmpi ne, %get3A_184, %get3A_190 : vector<16xi32>
      %jit3A = arith.constant 1.000000e+00 : f32
      %jit3A_191 = arith.constant 0.000000e+00 : f32
      %broadcast_in_dim3A = vector.broadcast %jit3A : f32 to vector<16xf32>
      %broadcast_in_dim3A_192 = vector.broadcast %jit3A_191 : f32 to vector<16xf32>
      %select_n3A = arith.select %ne3A, %broadcast_in_dim3A, %broadcast_in_dim3A_192 : vector<16xi1>, vector<16xf32>
      %get3A_193 = arith.constant 192 : i32
      %get3A_194 = arith.constant 0 : i32
      %get3A_195 = arith.constant 0 : i32
      %get3A_196 = tpu.memref_slice %arg12[%rem3A_131, %get3A_194, %get3A_195] : memref<2x200x16xf32, #tpu.memory_space<vmem>> -> memref<1x200x16xf32, #tpu.memory_space<vmem>>
      %get3A_197 = tpu.memref_squeeze %get3A_196 : memref<1x200x16xf32, #tpu.memory_space<vmem>> -> memref<200x16xf32, #tpu.memory_space<vmem>>
      %get3A_198 = arith.index_cast %get3A_193 : i32 to index
      %get3A_199 = arith.constant 0 : index
      %get3A_200 = tpu.vector_load %get3A_197[%get3A_198, %get3A_199] {strides = array<i32>} : memref<200x16xf32, #tpu.memory_space<vmem>>, vector<1x16xf32>,
      %get3A_201 = vector.shape_cast %get3A_200 : vector<1x16xf32> to vector<16xf32>
      %get3A_202 = arith.constant 192 : i32
      %get3A_203 = arith.constant 0 : i32
      %get3A_204 = arith.constant 0 : i32
      %get3A_205 = tpu.memref_slice %arg11[%rem3A_131, %get3A_203, %get3A_204] : memref<2x200x16xf32, #tpu.memory_space<vmem>> -> memref<1x200x16xf32, #tpu.memory_space<vmem>>
      %get3A_206 = tpu.memref_squeeze %get3A_205 : memref<1x200x16xf32, #tpu.memory_space<vmem>> -> memref<200x16xf32, #tpu.memory_space<vmem>>
      %get3A_207 = arith.index_cast %get3A_202 : i32 to index
      %get3A_208 = arith.constant 0 : index
      %get3A_209 = tpu.vector_load %get3A_206[%get3A_207, %get3A_208] {strides = array<i32>} : memref<200x16xf32, #tpu.memory_space<vmem>>, vector<1x16xf32>,
      %get3A_210 = vector.shape_cast %get3A_209 : vector<1x16xf32> to vector<16xf32>
      %sub3A_211 = arith.subf %get3A_201, %get3A_210 : vector<16xf32>
      %slice3A = vector.extract_strided_slice %select_n3A {offsets = [0], sizes = [1], strides = [1]} : vector<16xf32> to vector<1xf32>
      %squeeze3A = vector.extract %slice3A[0] : f32 from vector<1xf32>
      %broadcast_in_dim3A_212 = vector.broadcast %squeeze3A : f32 to vector<16xf32>
      %select_n3A_213 = arith.select %eq3A_4, %broadcast_in_dim3A_212, %sub3A_211 : vector<16xi1>, vector<16xf32>
      %swap3A = arith.constant 192 : i32
      %swap3A_214 = arith.constant 0 : i32
      %swap3A_215 = arith.constant 0 : i32
      %swap3A_216 = tpu.memref_slice %arg13[%rem3A_131, %swap3A_214, %swap3A_215] : memref<2x200x16xf32, #tpu.memory_space<vmem>> -> memref<1x200x16xf32, #tpu.memory_space<vmem>>
      %swap3A_217 = tpu.memref_squeeze %swap3A_216 : memref<1x200x16xf32, #tpu.memory_space<vmem>> -> memref<200x16xf32, #tpu.memory_space<vmem>>
      %swap3A_218 = arith.index_cast %swap3A : i32 to index
      %swap3A_219 = arith.constant 0 : index
      %swap3A_220 = tpu.vector_load %swap3A_217[%swap3A_218, %swap3A_219] {strides = array<i32>} : memref<200x16xf32, #tpu.memory_space<vmem>>, vector<1x16xf32>,
      %swap3A_221 = vector.shape_cast %swap3A_220 : vector<1x16xf32> to vector<16xf32>
      %swap3A_222 = vector.shape_cast %select_n3A_213 : vector<16xf32> to vector<1x16xf32>
      tpu.vector_store %swap3A_217[%swap3A_218, %swap3A_219], %swap3A_222 {strides = array<i32>} : memref<200x16xf32, #tpu.memory_space<vmem>>, vector<1x16xf32>,
      %get3A_223 = arith.constant 193 : i32
      %get3A_224 = arith.constant 0 : i32
      %get3A_225 = arith.constant 0 : i32
      %get3A_226 = tpu.memref_slice %arg12[%rem3A_131, %get3A_224, %get3A_225] : memref<2x200x16xf32, #tpu.memory_space<vmem>> -> memref<1x200x16xf32, #tpu.memory_space<vmem>>
      %get3A_227 = tpu.memref_squeeze %get3A_226 : memref<1x200x16xf32, #tpu.memory_space<vmem>> -> memref<200x16xf32, #tpu.memory_space<vmem>>
      %get3A_228 = arith.index_cast %get3A_223 : i32 to index
      %get3A_229 = arith.constant 0 : index
      %get3A_230 = tpu.vector_load %get3A_227[%get3A_228, %get3A_229] {strides = array<i32>} : memref<200x16xf32, #tpu.memory_space<vmem>>, vector<1x16xf32>,
      %get3A_231 = vector.shape_cast %get3A_230 : vector<1x16xf32> to vector<16xf32>
      %get3A_232 = arith.constant 193 : i32
      %get3A_233 = arith.constant 0 : i32
      %get3A_234 = arith.constant 0 : i32
      %get3A_235 = tpu.memref_slice %arg11[%rem3A_131, %get3A_233, %get3A_234] : memref<2x200x16xf32, #tpu.memory_space<vmem>> -> memref<1x200x16xf32, #tpu.memory_space<vmem>>
      %get3A_236 = tpu.memref_squeeze %get3A_235 : memref<1x200x16xf32, #tpu.memory_space<vmem>> -> memref<200x16xf32, #tpu.memory_space<vmem>>
      %get3A_237 = arith.index_cast %get3A_232 : i32 to index
      %get3A_238 = arith.constant 0 : index
      %get3A_239 = tpu.vector_load %get3A_236[%get3A_237, %get3A_238] {strides = array<i32>} : memref<200x16xf32, #tpu.memory_space<vmem>>, vector<1x16xf32>,
      %get3A_240 = vector.shape_cast %get3A_239 : vector<1x16xf32> to vector<16xf32>
      %sub3A_241 = arith.subf %get3A_231, %get3A_240 : vector<16xf32>
      %slice3A_242 = vector.extract_strided_slice %select_n3A {offsets = [1], sizes = [1], strides = [1]} : vector<16xf32> to vector<1xf32>
      %squeeze3A_243 = vector.extract %slice3A_242[0] : f32 from vector<1xf32>
      %broadcast_in_dim3A_244 = vector.broadcast %squeeze3A_243 : f32 to vector<16xf32>
      %select_n3A_245 = arith.select %eq3A_4, %broadcast_in_dim3A_244, %sub3A_241 : vector<16xi1>, vector<16xf32>
      %swap3A_246 = arith.constant 193 : i32
      %swap3A_247 = arith.constant 0 : i32
      %swap3A_248 = arith.constant 0 : i32
      %swap3A_249 = tpu.memref_slice %arg13[%rem3A_131, %swap3A_247, %swap3A_248] : memref<2x200x16xf32, #tpu.memory_space<vmem>> -> memref<1x200x16xf32, #tpu.memory_space<vmem>>
      %swap3A_250 = tpu.memref_squeeze %swap3A_249 : memref<1x200x16xf32, #tpu.memory_space<vmem>> -> memref<200x16xf32, #tpu.memory_space<vmem>>
      %swap3A_251 = arith.index_cast %swap3A_246 : i32 to index
      %swap3A_252 = arith.constant 0 : index
      %swap3A_253 = tpu.vector_load %swap3A_250[%swap3A_251, %swap3A_252] {strides = array<i32>} : memref<200x16xf32, #tpu.memory_space<vmem>>, vector<1x16xf32>,
      %swap3A_254 = vector.shape_cast %swap3A_253 : vector<1x16xf32> to vector<16xf32>
      %swap3A_255 = vector.shape_cast %select_n3A_245 : vector<16xf32> to vector<1x16xf32>
      tpu.vector_store %swap3A_250[%swap3A_251, %swap3A_252], %swap3A_255 {strides = array<i32>} : memref<200x16xf32, #tpu.memory_space<vmem>>, vector<1x16xf32>,
      %get3A_256 = arith.constant 194 : i32
      %get3A_257 = arith.constant 0 : i32
      %get3A_258 = arith.constant 0 : i32
      %get3A_259 = tpu.memref_slice %arg12[%rem3A_131, %get3A_257, %get3A_258] : memref<2x200x16xf32, #tpu.memory_space<vmem>> -> memref<1x200x16xf32, #tpu.memory_space<vmem>>
      %get3A_260 = tpu.memref_squeeze %get3A_259 : memref<1x200x16xf32, #tpu.memory_space<vmem>> -> memref<200x16xf32, #tpu.memory_space<vmem>>
      %get3A_261 = arith.index_cast %get3A_256 : i32 to index
      %get3A_262 = arith.constant 0 : index
      %get3A_263 = tpu.vector_load %get3A_260[%get3A_261, %get3A_262] {strides = array<i32>} : memref<200x16xf32, #tpu.memory_space<vmem>>, vector<1x16xf32>,
      %get3A_264 = vector.shape_cast %get3A_263 : vector<1x16xf32> to vector<16xf32>
      %get3A_265 = arith.constant 194 : i32
      %get3A_266 = arith.constant 0 : i32
      %get3A_267 = arith.constant 0 : i32
      %get3A_268 = tpu.memref_slice %arg11[%rem3A_131, %get3A_266, %get3A_267] : memref<2x200x16xf32, #tpu.memory_space<vmem>> -> memref<1x200x16xf32, #tpu.memory_space<vmem>>
      %get3A_269 = tpu.memref_squeeze %get3A_268 : memref<1x200x16xf32, #tpu.memory_space<vmem>> -> memref<200x16xf32, #tpu.memory_space<vmem>>
      %get3A_270 = arith.index_cast %get3A_265 : i32 to index
      %get3A_271 = arith.constant 0 : index
      %get3A_272 = tpu.vector_load %get3A_269[%get3A_270, %get3A_271] {strides = array<i32>} : memref<200x16xf32, #tpu.memory_space<vmem>>, vector<1x16xf32>,
      %get3A_273 = vector.shape_cast %get3A_272 : vector<1x16xf32> to vector<16xf32>
      %sub3A_274 = arith.subf %get3A_264, %get3A_273 : vector<16xf32>
      %slice3A_275 = vector.extract_strided_slice %select_n3A {offsets = [2], sizes = [1], strides = [1]} : vector<16xf32> to vector<1xf32>
      %squeeze3A_276 = vector.extract %slice3A_275[0] : f32 from vector<1xf32>
      %broadcast_in_dim3A_277 = vector.broadcast %squeeze3A_276 : f32 to vector<16xf32>
      %select_n3A_278 = arith.select %eq3A_4, %broadcast_in_dim3A_277, %sub3A_274 : vector<16xi1>, vector<16xf32>
      %swap3A_279 = arith.constant 194 : i32
      %swap3A_280 = arith.constant 0 : i32
      %swap3A_281 = arith.constant 0 : i32
      %swap3A_282 = tpu.memref_slice %arg13[%rem3A_131, %swap3A_280, %swap3A_281] : memref<2x200x16xf32, #tpu.memory_space<vmem>> -> memref<1x200x16xf32, #tpu.memory_space<vmem>>
      %swap3A_283 = tpu.memref_squeeze %swap3A_282 : memref<1x200x16xf32, #tpu.memory_space<vmem>> -> memref<200x16xf32, #tpu.memory_space<vmem>>
      %swap3A_284 = arith.index_cast %swap3A_279 : i32 to index
      %swap3A_285 = arith.constant 0 : index
      %swap3A_286 = tpu.vector_load %swap3A_283[%swap3A_284, %swap3A_285] {strides = array<i32>} : memref<200x16xf32, #tpu.memory_space<vmem>>, vector<1x16xf32>,
      %swap3A_287 = vector.shape_cast %swap3A_286 : vector<1x16xf32> to vector<16xf32>
      %swap3A_288 = vector.shape_cast %select_n3A_278 : vector<16xf32> to vector<1x16xf32>
      tpu.vector_store %swap3A_283[%swap3A_284, %swap3A_285], %swap3A_288 {strides = array<i32>} : memref<200x16xf32, #tpu.memory_space<vmem>>, vector<1x16xf32>,
      %get3A_289 = arith.constant 195 : i32
      %get3A_290 = arith.constant 0 : i32
      %get3A_291 = arith.constant 0 : i32
      %get3A_292 = tpu.memref_slice %arg12[%rem3A_131, %get3A_290, %get3A_291] : memref<2x200x16xf32, #tpu.memory_space<vmem>> -> memref<1x200x16xf32, #tpu.memory_space<vmem>>
      %get3A_293 = tpu.memref_squeeze %get3A_292 : memref<1x200x16xf32, #tpu.memory_space<vmem>> -> memref<200x16xf32, #tpu.memory_space<vmem>>
      %get3A_294 = arith.index_cast %get3A_289 : i32 to index
      %get3A_295 = arith.constant 0 : index
      %get3A_296 = tpu.vector_load %get3A_293[%get3A_294, %get3A_295] {strides = array<i32>} : memref<200x16xf32, #tpu.memory_space<vmem>>, vector<1x16xf32>,
      %get3A_297 = vector.shape_cast %get3A_296 : vector<1x16xf32> to vector<16xf32>
      %get3A_298 = arith.constant 195 : i32
      %get3A_299 = arith.constant 0 : i32
      %get3A_300 = arith.constant 0 : i32
      %get3A_301 = tpu.memref_slice %arg11[%rem3A_131, %get3A_299, %get3A_300] : memref<2x200x16xf32, #tpu.memory_space<vmem>> -> memref<1x200x16xf32, #tpu.memory_space<vmem>>
      %get3A_302 = tpu.memref_squeeze %get3A_301 : memref<1x200x16xf32, #tpu.memory_space<vmem>> -> memref<200x16xf32, #tpu.memory_space<vmem>>
      %get3A_303 = arith.index_cast %get3A_298 : i32 to index
      %get3A_304 = arith.constant 0 : index
      %get3A_305 = tpu.vector_load %get3A_302[%get3A_303, %get3A_304] {strides = array<i32>} : memref<200x16xf32, #tpu.memory_space<vmem>>, vector<1x16xf32>,
      %get3A_306 = vector.shape_cast %get3A_305 : vector<1x16xf32> to vector<16xf32>
      %sub3A_307 = arith.subf %get3A_297, %get3A_306 : vector<16xf32>
      %slice3A_308 = vector.extract_strided_slice %select_n3A {offsets = [3], sizes = [1], strides = [1]} : vector<16xf32> to vector<1xf32>
      %squeeze3A_309 = vector.extract %slice3A_308[0] : f32 from vector<1xf32>
      %broadcast_in_dim3A_310 = vector.broadcast %squeeze3A_309 : f32 to vector<16xf32>
      %select_n3A_311 = arith.select %eq3A_4, %broadcast_in_dim3A_310, %sub3A_307 : vector<16xi1>, vector<16xf32>
      %swap3A_312 = arith.constant 195 : i32
      %swap3A_313 = arith.constant 0 : i32
      %swap3A_314 = arith.constant 0 : i32
      %swap3A_315 = tpu.memref_slice %arg13[%rem3A_131, %swap3A_313, %swap3A_314] : memref<2x200x16xf32, #tpu.memory_space<vmem>> -> memref<1x200x16xf32, #tpu.memory_space<vmem>>
      %swap3A_316 = tpu.memref_squeeze %swap3A_315 : memref<1x200x16xf32, #tpu.memory_space<vmem>> -> memref<200x16xf32, #tpu.memory_space<vmem>>
      %swap3A_317 = arith.index_cast %swap3A_312 : i32 to index
      %swap3A_318 = arith.constant 0 : index
      %swap3A_319 = tpu.vector_load %swap3A_316[%swap3A_317, %swap3A_318] {strides = array<i32>} : memref<200x16xf32, #tpu.memory_space<vmem>>, vector<1x16xf32>,
      %swap3A_320 = vector.shape_cast %swap3A_319 : vector<1x16xf32> to vector<16xf32>
      %swap3A_321 = vector.shape_cast %select_n3A_311 : vector<16xf32> to vector<1x16xf32>
      tpu.vector_store %swap3A_316[%swap3A_317, %swap3A_318], %swap3A_321 {strides = array<i32>} : memref<200x16xf32, #tpu.memory_space<vmem>>, vector<1x16xf32>,
      %get3A_322 = arith.constant 196 : i32
      %get3A_323 = arith.constant 0 : i32
      %get3A_324 = arith.constant 0 : i32
      %get3A_325 = tpu.memref_slice %arg12[%rem3A_131, %get3A_323, %get3A_324] : memref<2x200x16xf32, #tpu.memory_space<vmem>> -> memref<1x200x16xf32, #tpu.memory_space<vmem>>
      %get3A_326 = tpu.memref_squeeze %get3A_325 : memref<1x200x16xf32, #tpu.memory_space<vmem>> -> memref<200x16xf32, #tpu.memory_space<vmem>>
      %get3A_327 = arith.index_cast %get3A_322 : i32 to index
      %get3A_328 = arith.constant 0 : index
      %get3A_329 = tpu.vector_load %get3A_326[%get3A_327, %get3A_328] {strides = array<i32>} : memref<200x16xf32, #tpu.memory_space<vmem>>, vector<1x16xf32>,
      %get3A_330 = vector.shape_cast %get3A_329 : vector<1x16xf32> to vector<16xf32>
      %get3A_331 = arith.constant 196 : i32
      %get3A_332 = arith.constant 0 : i32
      %get3A_333 = arith.constant 0 : i32
      %get3A_334 = tpu.memref_slice %arg11[%rem3A_131, %get3A_332, %get3A_333] : memref<2x200x16xf32, #tpu.memory_space<vmem>> -> memref<1x200x16xf32, #tpu.memory_space<vmem>>
      %get3A_335 = tpu.memref_squeeze %get3A_334 : memref<1x200x16xf32, #tpu.memory_space<vmem>> -> memref<200x16xf32, #tpu.memory_space<vmem>>
      %get3A_336 = arith.index_cast %get3A_331 : i32 to index
      %get3A_337 = arith.constant 0 : index
      %get3A_338 = tpu.vector_load %get3A_335[%get3A_336, %get3A_337] {strides = array<i32>} : memref<200x16xf32, #tpu.memory_space<vmem>>, vector<1x16xf32>,
      %get3A_339 = vector.shape_cast %get3A_338 : vector<1x16xf32> to vector<16xf32>
      %sub3A_340 = arith.subf %get3A_330, %get3A_339 : vector<16xf32>
      %slice3A_341 = vector.extract_strided_slice %select_n3A {offsets = [4], sizes = [1], strides = [1]} : vector<16xf32> to vector<1xf32>
      %squeeze3A_342 = vector.extract %slice3A_341[0] : f32 from vector<1xf32>
      %broadcast_in_dim3A_343 = vector.broadcast %squeeze3A_342 : f32 to vector<16xf32>
      %select_n3A_344 = arith.select %eq3A_4, %broadcast_in_dim3A_343, %sub3A_340 : vector<16xi1>, vector<16xf32>
      %swap3A_345 = arith.constant 196 : i32
      %swap3A_346 = arith.constant 0 : i32
      %swap3A_347 = arith.constant 0 : i32
      %swap3A_348 = tpu.memref_slice %arg13[%rem3A_131, %swap3A_346, %swap3A_347] : memref<2x200x16xf32, #tpu.memory_space<vmem>> -> memref<1x200x16xf32, #tpu.memory_space<vmem>>
      %swap3A_349 = tpu.memref_squeeze %swap3A_348 : memref<1x200x16xf32, #tpu.memory_space<vmem>> -> memref<200x16xf32, #tpu.memory_space<vmem>>
      %swap3A_350 = arith.index_cast %swap3A_345 : i32 to index
      %swap3A_351 = arith.constant 0 : index
      %swap3A_352 = tpu.vector_load %swap3A_349[%swap3A_350, %swap3A_351] {strides = array<i32>} : memref<200x16xf32, #tpu.memory_space<vmem>>, vector<1x16xf32>,
      %swap3A_353 = vector.shape_cast %swap3A_352 : vector<1x16xf32> to vector<16xf32>
      %swap3A_354 = vector.shape_cast %select_n3A_344 : vector<16xf32> to vector<1x16xf32>
      tpu.vector_store %swap3A_349[%swap3A_350, %swap3A_351], %swap3A_354 {strides = array<i32>} : memref<200x16xf32, #tpu.memory_space<vmem>>, vector<1x16xf32>,
      %get3A_355 = arith.constant 197 : i32
      %get3A_356 = arith.constant 0 : i32
      %get3A_357 = arith.constant 0 : i32
      %get3A_358 = tpu.memref_slice %arg12[%rem3A_131, %get3A_356, %get3A_357] : memref<2x200x16xf32, #tpu.memory_space<vmem>> -> memref<1x200x16xf32, #tpu.memory_space<vmem>>
      %get3A_359 = tpu.memref_squeeze %get3A_358 : memref<1x200x16xf32, #tpu.memory_space<vmem>> -> memref<200x16xf32, #tpu.memory_space<vmem>>
      %get3A_360 = arith.index_cast %get3A_355 : i32 to index
      %get3A_361 = arith.constant 0 : index
      %get3A_362 = tpu.vector_load %get3A_359[%get3A_360, %get3A_361] {strides = array<i32>} : memref<200x16xf32, #tpu.memory_space<vmem>>, vector<1x16xf32>,
      %get3A_363 = vector.shape_cast %get3A_362 : vector<1x16xf32> to vector<16xf32>
      %get3A_364 = arith.constant 197 : i32
      %get3A_365 = arith.constant 0 : i32
      %get3A_366 = arith.constant 0 : i32
      %get3A_367 = tpu.memref_slice %arg11[%rem3A_131, %get3A_365, %get3A_366] : memref<2x200x16xf32, #tpu.memory_space<vmem>> -> memref<1x200x16xf32, #tpu.memory_space<vmem>>
      %get3A_368 = tpu.memref_squeeze %get3A_367 : memref<1x200x16xf32, #tpu.memory_space<vmem>> -> memref<200x16xf32, #tpu.memory_space<vmem>>
      %get3A_369 = arith.index_cast %get3A_364 : i32 to index
      %get3A_370 = arith.constant 0 : index
      %get3A_371 = tpu.vector_load %get3A_368[%get3A_369, %get3A_370] {strides = array<i32>} : memref<200x16xf32, #tpu.memory_space<vmem>>, vector<1x16xf32>,
      %get3A_372 = vector.shape_cast %get3A_371 : vector<1x16xf32> to vector<16xf32>
      %sub3A_373 = arith.subf %get3A_363, %get3A_372 : vector<16xf32>
      %slice3A_374 = vector.extract_strided_slice %select_n3A {offsets = [5], sizes = [1], strides = [1]} : vector<16xf32> to vector<1xf32>
      %squeeze3A_375 = vector.extract %slice3A_374[0] : f32 from vector<1xf32>
      %broadcast_in_dim3A_376 = vector.broadcast %squeeze3A_375 : f32 to vector<16xf32>
      %select_n3A_377 = arith.select %eq3A_4, %broadcast_in_dim3A_376, %sub3A_373 : vector<16xi1>, vector<16xf32>
      %swap3A_378 = arith.constant 197 : i32
      %swap3A_379 = arith.constant 0 : i32
      %swap3A_380 = arith.constant 0 : i32
      %swap3A_381 = tpu.memref_slice %arg13[%rem3A_131, %swap3A_379, %swap3A_380] : memref<2x200x16xf32, #tpu.memory_space<vmem>> -> memref<1x200x16xf32, #tpu.memory_space<vmem>>
      %swap3A_382 = tpu.memref_squeeze %swap3A_381 : memref<1x200x16xf32, #tpu.memory_space<vmem>> -> memref<200x16xf32, #tpu.memory_space<vmem>>
      %swap3A_383 = arith.index_cast %swap3A_378 : i32 to index
      %swap3A_384 = arith.constant 0 : index
      %swap3A_385 = tpu.vector_load %swap3A_382[%swap3A_383, %swap3A_384] {strides = array<i32>} : memref<200x16xf32, #tpu.memory_space<vmem>>, vector<1x16xf32>,
      %swap3A_386 = vector.shape_cast %swap3A_385 : vector<1x16xf32> to vector<16xf32>
      %swap3A_387 = vector.shape_cast %select_n3A_377 : vector<16xf32> to vector<1x16xf32>
      tpu.vector_store %swap3A_382[%swap3A_383, %swap3A_384], %swap3A_387 {strides = array<i32>} : memref<200x16xf32, #tpu.memory_space<vmem>>, vector<1x16xf32>,
      %get3A_388 = arith.constant 198 : i32
      %get3A_389 = arith.constant 0 : i32
      %get3A_390 = arith.constant 0 : i32
      %get3A_391 = tpu.memref_slice %arg12[%rem3A_131, %get3A_389, %get3A_390] : memref<2x200x16xf32, #tpu.memory_space<vmem>> -> memref<1x200x16xf32, #tpu.memory_space<vmem>>
      %get3A_392 = tpu.memref_squeeze %get3A_391 : memref<1x200x16xf32, #tpu.memory_space<vmem>> -> memref<200x16xf32, #tpu.memory_space<vmem>>
      %get3A_393 = arith.index_cast %get3A_388 : i32 to index
      %get3A_394 = arith.constant 0 : index
      %get3A_395 = tpu.vector_load %get3A_392[%get3A_393, %get3A_394] {strides = array<i32>} : memref<200x16xf32, #tpu.memory_space<vmem>>, vector<1x16xf32>,
      %get3A_396 = vector.shape_cast %get3A_395 : vector<1x16xf32> to vector<16xf32>
      %get3A_397 = arith.constant 198 : i32
      %get3A_398 = arith.constant 0 : i32
      %get3A_399 = arith.constant 0 : i32
      %get3A_400 = tpu.memref_slice %arg11[%rem3A_131, %get3A_398, %get3A_399] : memref<2x200x16xf32, #tpu.memory_space<vmem>> -> memref<1x200x16xf32, #tpu.memory_space<vmem>>
      %get3A_401 = tpu.memref_squeeze %get3A_400 : memref<1x200x16xf32, #tpu.memory_space<vmem>> -> memref<200x16xf32, #tpu.memory_space<vmem>>
      %get3A_402 = arith.index_cast %get3A_397 : i32 to index
      %get3A_403 = arith.constant 0 : index
      %get3A_404 = tpu.vector_load %get3A_401[%get3A_402, %get3A_403] {strides = array<i32>} : memref<200x16xf32, #tpu.memory_space<vmem>>, vector<1x16xf32>,
      %get3A_405 = vector.shape_cast %get3A_404 : vector<1x16xf32> to vector<16xf32>
      %sub3A_406 = arith.subf %get3A_396, %get3A_405 : vector<16xf32>
      %slice3A_407 = vector.extract_strided_slice %select_n3A {offsets = [6], sizes = [1], strides = [1]} : vector<16xf32> to vector<1xf32>
      %squeeze3A_408 = vector.extract %slice3A_407[0] : f32 from vector<1xf32>
      %broadcast_in_dim3A_409 = vector.broadcast %squeeze3A_408 : f32 to vector<16xf32>
      %select_n3A_410 = arith.select %eq3A_4, %broadcast_in_dim3A_409, %sub3A_406 : vector<16xi1>, vector<16xf32>
      %swap3A_411 = arith.constant 198 : i32
      %swap3A_412 = arith.constant 0 : i32
      %swap3A_413 = arith.constant 0 : i32
      %swap3A_414 = tpu.memref_slice %arg13[%rem3A_131, %swap3A_412, %swap3A_413] : memref<2x200x16xf32, #tpu.memory_space<vmem>> -> memref<1x200x16xf32, #tpu.memory_space<vmem>>
      %swap3A_415 = tpu.memref_squeeze %swap3A_414 : memref<1x200x16xf32, #tpu.memory_space<vmem>> -> memref<200x16xf32, #tpu.memory_space<vmem>>
      %swap3A_416 = arith.index_cast %swap3A_411 : i32 to index
      %swap3A_417 = arith.constant 0 : index
      %swap3A_418 = tpu.vector_load %swap3A_415[%swap3A_416, %swap3A_417] {strides = array<i32>} : memref<200x16xf32, #tpu.memory_space<vmem>>, vector<1x16xf32>,
      %swap3A_419 = vector.shape_cast %swap3A_418 : vector<1x16xf32> to vector<16xf32>
      %swap3A_420 = vector.shape_cast %select_n3A_410 : vector<16xf32> to vector<1x16xf32>
      tpu.vector_store %swap3A_415[%swap3A_416, %swap3A_417], %swap3A_420 {strides = array<i32>} : memref<200x16xf32, #tpu.memory_space<vmem>>, vector<1x16xf32>,
      %get3A_421 = arith.constant 199 : i32
      %get3A_422 = arith.constant 0 : i32
      %get3A_423 = arith.constant 0 : i32
      %get3A_424 = tpu.memref_slice %arg12[%rem3A_131, %get3A_422, %get3A_423] : memref<2x200x16xf32, #tpu.memory_space<vmem>> -> memref<1x200x16xf32, #tpu.memory_space<vmem>>
      %get3A_425 = tpu.memref_squeeze %get3A_424 : memref<1x200x16xf32, #tpu.memory_space<vmem>> -> memref<200x16xf32, #tpu.memory_space<vmem>>
      %get3A_426 = arith.index_cast %get3A_421 : i32 to index
      %get3A_427 = arith.constant 0 : index
      %get3A_428 = tpu.vector_load %get3A_425[%get3A_426, %get3A_427] {strides = array<i32>} : memref<200x16xf32, #tpu.memory_space<vmem>>, vector<1x16xf32>,
      %get3A_429 = vector.shape_cast %get3A_428 : vector<1x16xf32> to vector<16xf32>
      %get3A_430 = arith.constant 199 : i32
      %get3A_431 = arith.constant 0 : i32
      %get3A_432 = arith.constant 0 : i32
      %get3A_433 = tpu.memref_slice %arg11[%rem3A_131, %get3A_431, %get3A_432] : memref<2x200x16xf32, #tpu.memory_space<vmem>> -> memref<1x200x16xf32, #tpu.memory_space<vmem>>
      %get3A_434 = tpu.memref_squeeze %get3A_433 : memref<1x200x16xf32, #tpu.memory_space<vmem>> -> memref<200x16xf32, #tpu.memory_space<vmem>>
      %get3A_435 = arith.index_cast %get3A_430 : i32 to index
      %get3A_436 = arith.constant 0 : index
      %get3A_437 = tpu.vector_load %get3A_434[%get3A_435, %get3A_436] {strides = array<i32>} : memref<200x16xf32, #tpu.memory_space<vmem>>, vector<1x16xf32>,
      %get3A_438 = vector.shape_cast %get3A_437 : vector<1x16xf32> to vector<16xf32>
      %sub3A_439 = arith.subf %get3A_429, %get3A_438 : vector<16xf32>
      %slice3A_440 = vector.extract_strided_slice %select_n3A {offsets = [7], sizes = [1], strides = [1]} : vector<16xf32> to vector<1xf32>
      %squeeze3A_441 = vector.extract %slice3A_440[0] : f32 from vector<1xf32>
      %broadcast_in_dim3A_442 = vector.broadcast %squeeze3A_441 : f32 to vector<16xf32>
      %select_n3A_443 = arith.select %eq3A_4, %broadcast_in_dim3A_442, %sub3A_439 : vector<16xi1>, vector<16xf32>
      %swap3A_444 = arith.constant 199 : i32
      %swap3A_445 = arith.constant 0 : i32
      %swap3A_446 = arith.constant 0 : i32
      %swap3A_447 = tpu.memref_slice %arg13[%rem3A_131, %swap3A_445, %swap3A_446] : memref<2x200x16xf32, #tpu.memory_space<vmem>> -> memref<1x200x16xf32, #tpu.memory_space<vmem>>
      %swap3A_448 = tpu.memref_squeeze %swap3A_447 : memref<1x200x16xf32, #tpu.memory_space<vmem>> -> memref<200x16xf32, #tpu.memory_space<vmem>>
      %swap3A_449 = arith.index_cast %swap3A_444 : i32 to index
      %swap3A_450 = arith.constant 0 : index
      %swap3A_451 = tpu.vector_load %swap3A_448[%swap3A_449, %swap3A_450] {strides = array<i32>} : memref<200x16xf32, #tpu.memory_space<vmem>>, vector<1x16xf32>,
      %swap3A_452 = vector.shape_cast %swap3A_451 : vector<1x16xf32> to vector<16xf32>
      %swap3A_453 = vector.shape_cast %select_n3A_443 : vector<16xf32> to vector<1x16xf32>
      tpu.vector_store %swap3A_448[%swap3A_449, %swap3A_450], %swap3A_453 {strides = array<i32>} : memref<200x16xf32, #tpu.memory_space<vmem>>, vector<1x16xf32>,
      %mul3A_454 = arith.constant 200 : i32
      %mul3A_455 = arith.muli %scan3A_129, %mul3A_454 : i32
      %add3A_456 = arith.addi %mul3A_2, %mul3A_455 : i32
      %dma_start3A_457 = arith.constant 0 : i32
      %dma_start3A_458 = arith.constant 0 : i32
      %dma_start3A_459 = tpu.memref_slice %arg10[%rem3A_131, %dma_start3A_457, %dma_start3A_458] : memref<2x200x128xf32, #tpu.memory_space<vmem>> -> memref<1x200x128xf32, #tpu.memory_space<vmem>>
      %dma_start3A_460 = tpu.memref_squeeze %dma_start3A_459 : memref<1x200x128xf32, #tpu.memory_space<vmem>> -> memref<200x128xf32, #tpu.memory_space<vmem>>
      %dma_start3A_461 = arith.constant 0 : i32
      %dma_start3A_462 = tpu.memref_slice %arg6[%add3A_456, %dma_start3A_461] : memref<320000x128xf32, #tpu.memory_space<hbm>> -> memref<200x128xf32, #tpu.memory_space<hbm>>
      %dma_start3A_463 = tpu.memref_slice %arg15[%rem3A_131] : memref<2x!tpu.dma_semaphore, #tpu.memory_space<semaphore_mem>> -> memref<1x!tpu.dma_semaphore, #tpu.memory_space<semaphore_mem>>
      %dma_start3A_464 = tpu.memref_squeeze %dma_start3A_463 : memref<1x!tpu.dma_semaphore, #tpu.memory_space<semaphore_mem>> -> memref<!tpu.dma_semaphore, #tpu.memory_space<semaphore_mem>>
      %dma_start3A_465 = arith.constant 0 : i32
      %dma_start3A_466 = tpu.memref_slice %arg6[%add3A_456, %dma_start3A_465] : memref<320000x128xf32, #tpu.memory_space<hbm>> -> memref<200x128xf32, #tpu.memory_space<hbm>>
      %dma_start3A_467 = arith.constant 0 : i32
      %dma_start3A_468 = arith.constant 0 : i32
      %dma_start3A_469 = tpu.memref_slice %arg10[%rem3A_131, %dma_start3A_467, %dma_start3A_468] : memref<2x200x128xf32, #tpu.memory_space<vmem>> -> memref<1x200x128xf32, #tpu.memory_space<vmem>>
      %dma_start3A_470 = tpu.memref_squeeze %dma_start3A_469 : memref<1x200x128xf32, #tpu.memory_space<vmem>> -> memref<200x128xf32, #tpu.memory_space<vmem>>
      tpu.enqueue_dma source(%dma_start3A_470 : memref<200x128xf32, #tpu.memory_space<vmem>>) target(%dma_start3A_466 : memref<200x128xf32, #tpu.memory_space<hbm>>) target_semaphore(%dma_start3A_464 : memref<!tpu.dma_semaphore, #tpu.memory_space<semaphore_mem>>)
      %dma_start3A_471 = arith.constant 0 : i32
      %dma_start3A_472 = arith.constant 0 : i32
      %dma_start3A_473 = tpu.memref_slice %arg13[%rem3A_131, %dma_start3A_471, %dma_start3A_472] : memref<2x200x16xf32, #tpu.memory_space<vmem>> -> memref<1x200x16xf32, #tpu.memory_space<vmem>>
      %dma_start3A_474 = tpu.memref_squeeze %dma_start3A_473 : memref<1x200x16xf32, #tpu.memory_space<vmem>> -> memref<200x16xf32, #tpu.memory_space<vmem>>
      %dma_start3A_475 = arith.constant 0 : i32
      %dma_start3A_476 = tpu.memref_slice %arg7[%add3A_456, %dma_start3A_475] : memref<320000x16xf32, #tpu.memory_space<hbm>> -> memref<200x16xf32, #tpu.memory_space<hbm>>
      %dma_start3A_477 = tpu.memref_slice %arg15[%rem3A_131] : memref<2x!tpu.dma_semaphore, #tpu.memory_space<semaphore_mem>> -> memref<1x!tpu.dma_semaphore, #tpu.memory_space<semaphore_mem>>
      %dma_start3A_478 = tpu.memref_squeeze %dma_start3A_477 : memref<1x!tpu.dma_semaphore, #tpu.memory_space<semaphore_mem>> -> memref<!tpu.dma_semaphore, #tpu.memory_space<semaphore_mem>>
      %dma_start3A_479 = arith.constant 0 : i32
      %dma_start3A_480 = tpu.memref_slice %arg7[%add3A_456, %dma_start3A_479] : memref<320000x16xf32, #tpu.memory_space<hbm>> -> memref<200x16xf32, #tpu.memory_space<hbm>>
      %dma_start3A_481 = arith.constant 0 : i32
      %dma_start3A_482 = arith.constant 0 : i32
      %dma_start3A_483 = tpu.memref_slice %arg13[%rem3A_131, %dma_start3A_481, %dma_start3A_482] : memref<2x200x16xf32, #tpu.memory_space<vmem>> -> memref<1x200x16xf32, #tpu.memory_space<vmem>>
      %dma_start3A_484 = tpu.memref_squeeze %dma_start3A_483 : memref<1x200x16xf32, #tpu.memory_space<vmem>> -> memref<200x16xf32, #tpu.memory_space<vmem>>
      tpu.enqueue_dma source(%dma_start3A_484 : memref<200x16xf32, #tpu.memory_space<vmem>>) target(%dma_start3A_480 : memref<200x16xf32, #tpu.memory_space<hbm>>) target_semaphore(%dma_start3A_478 : memref<!tpu.dma_semaphore, #tpu.memory_space<semaphore_mem>>)
      %scan3A_485 = arith.constant 0 : i32
      scf.yield %scan3A_485 : i32
    }
    %scan3A_57 = arith.constant 50 : i32
    %dma_wait3A = arith.constant 0 : i32
    %dma_wait3A_58 = arith.constant 0 : i32
    %dma_wait3A_59 = arith.constant 0 : i32
    %dma_wait3A_60 = arith.constant 0 : i32
    %dma_wait3A_61 = tpu.memref_slice %arg10[%dma_wait3A, %dma_wait3A_59, %dma_wait3A_60] : memref<2x200x128xf32, #tpu.memory_space<vmem>> -> memref<1x200x128xf32, #tpu.memory_space<vmem>>
    %dma_wait3A_62 = tpu.memref_squeeze %dma_wait3A_61 : memref<1x200x128xf32, #tpu.memory_space<vmem>> -> memref<200x128xf32, #tpu.memory_space<vmem>>
    %dma_wait3A_63 = arith.constant 0 : i32
    %dma_wait3A_64 = arith.constant 0 : i32
    %dma_wait3A_65 = tpu.memref_slice %arg6[%dma_wait3A_63, %dma_wait3A_64] : memref<320000x128xf32, #tpu.memory_space<hbm>> -> memref<200x128xf32, #tpu.memory_space<hbm>>
    %dma_wait3A_66 = tpu.memref_slice %arg15[%dma_wait3A_58] : memref<2x!tpu.dma_semaphore, #tpu.memory_space<semaphore_mem>> -> memref<1x!tpu.dma_semaphore, #tpu.memory_space<semaphore_mem>>
    %dma_wait3A_67 = tpu.memref_squeeze %dma_wait3A_66 : memref<1x!tpu.dma_semaphore, #tpu.memory_space<semaphore_mem>> -> memref<!tpu.dma_semaphore, #tpu.memory_space<semaphore_mem>>
    %dma_wait3A_68 = arith.constant 0 : i32
    %dma_wait3A_69 = arith.constant 0 : i32
    %dma_wait3A_70 = tpu.memref_slice %arg6[%dma_wait3A_68, %dma_wait3A_69] : memref<320000x128xf32, #tpu.memory_space<hbm>> -> memref<200x128xf32, #tpu.memory_space<hbm>>
    %dma_wait3A_71 = arith.constant 0 : i32
    %dma_wait3A_72 = arith.constant 0 : i32
    %dma_wait3A_73 = tpu.memref_slice %arg10[%dma_wait3A, %dma_wait3A_71, %dma_wait3A_72] : memref<2x200x128xf32, #tpu.memory_space<vmem>> -> memref<1x200x128xf32, #tpu.memory_space<vmem>>
    %dma_wait3A_74 = tpu.memref_squeeze %dma_wait3A_73 : memref<1x200x128xf32, #tpu.memory_space<vmem>> -> memref<200x128xf32, #tpu.memory_space<vmem>>
    tpu.wait_dma2 semaphore(%dma_wait3A_67 : memref<!tpu.dma_semaphore, #tpu.memory_space<semaphore_mem>>) src(%dma_wait3A_74 : memref<200x128xf32, #tpu.memory_space<vmem>>) dst(%dma_wait3A_70 : memref<200x128xf32, #tpu.memory_space<hbm>>)
    %dma_wait3A_75 = arith.constant 0 : i32
    %dma_wait3A_76 = arith.constant 0 : i32
    %dma_wait3A_77 = arith.constant 0 : i32
    %dma_wait3A_78 = arith.constant 0 : i32
    %dma_wait3A_79 = tpu.memref_slice %arg13[%dma_wait3A_75, %dma_wait3A_77, %dma_wait3A_78] : memref<2x200x16xf32, #tpu.memory_space<vmem>> -> memref<1x200x16xf32, #tpu.memory_space<vmem>>
    %dma_wait3A_80 = tpu.memref_squeeze %dma_wait3A_79 : memref<1x200x16xf32, #tpu.memory_space<vmem>> -> memref<200x16xf32, #tpu.memory_space<vmem>>
    %dma_wait3A_81 = arith.constant 0 : i32
    %dma_wait3A_82 = arith.constant 0 : i32
    %dma_wait3A_83 = tpu.memref_slice %arg7[%dma_wait3A_81, %dma_wait3A_82] : memref<320000x16xf32, #tpu.memory_space<hbm>> -> memref<200x16xf32, #tpu.memory_space<hbm>>
    %dma_wait3A_84 = tpu.memref_slice %arg15[%dma_wait3A_76] : memref<2x!tpu.dma_semaphore, #tpu.memory_space<semaphore_mem>> -> memref<1x!tpu.dma_semaphore, #tpu.memory_space<semaphore_mem>>
    %dma_wait3A_85 = tpu.memref_squeeze %dma_wait3A_84 : memref<1x!tpu.dma_semaphore, #tpu.memory_space<semaphore_mem>> -> memref<!tpu.dma_semaphore, #tpu.memory_space<semaphore_mem>>
    %dma_wait3A_86 = arith.constant 0 : i32
    %dma_wait3A_87 = arith.constant 0 : i32
    %dma_wait3A_88 = tpu.memref_slice %arg7[%dma_wait3A_86, %dma_wait3A_87] : memref<320000x16xf32, #tpu.memory_space<hbm>> -> memref<200x16xf32, #tpu.memory_space<hbm>>
    %dma_wait3A_89 = arith.constant 0 : i32
    %dma_wait3A_90 = arith.constant 0 : i32
    %dma_wait3A_91 = tpu.memref_slice %arg13[%dma_wait3A_75, %dma_wait3A_89, %dma_wait3A_90] : memref<2x200x16xf32, #tpu.memory_space<vmem>> -> memref<1x200x16xf32, #tpu.memory_space<vmem>>
    %dma_wait3A_92 = tpu.memref_squeeze %dma_wait3A_91 : memref<1x200x16xf32, #tpu.memory_space<vmem>> -> memref<200x16xf32, #tpu.memory_space<vmem>>
    tpu.wait_dma2 semaphore(%dma_wait3A_85 : memref<!tpu.dma_semaphore, #tpu.memory_space<semaphore_mem>>) src(%dma_wait3A_92 : memref<200x16xf32, #tpu.memory_space<vmem>>) dst(%dma_wait3A_88 : memref<200x16xf32, #tpu.memory_space<hbm>>)
    %dma_wait3A_93 = arith.constant 1 : i32
    %dma_wait3A_94 = arith.constant 1 : i32
    %dma_wait3A_95 = arith.constant 0 : i32
    %dma_wait3A_96 = arith.constant 0 : i32
    %dma_wait3A_97 = tpu.memref_slice %arg10[%dma_wait3A_93, %dma_wait3A_95, %dma_wait3A_96] : memref<2x200x128xf32, #tpu.memory_space<vmem>> -> memref<1x200x128xf32, #tpu.memory_space<vmem>>
    %dma_wait3A_98 = tpu.memref_squeeze %dma_wait3A_97 : memref<1x200x128xf32, #tpu.memory_space<vmem>> -> memref<200x128xf32, #tpu.memory_space<vmem>>
    %dma_wait3A_99 = arith.constant 0 : i32
    %dma_wait3A_100 = arith.constant 0 : i32
    %dma_wait3A_101 = tpu.memref_slice %arg6[%dma_wait3A_99, %dma_wait3A_100] : memref<320000x128xf32, #tpu.memory_space<hbm>> -> memref<200x128xf32, #tpu.memory_space<hbm>>
    %dma_wait3A_102 = tpu.memref_slice %arg15[%dma_wait3A_94] : memref<2x!tpu.dma_semaphore, #tpu.memory_space<semaphore_mem>> -> memref<1x!tpu.dma_semaphore, #tpu.memory_space<semaphore_mem>>
    %dma_wait3A_103 = tpu.memref_squeeze %dma_wait3A_102 : memref<1x!tpu.dma_semaphore, #tpu.memory_space<semaphore_mem>> -> memref<!tpu.dma_semaphore, #tpu.memory_space<semaphore_mem>>
    %dma_wait3A_104 = arith.constant 0 : i32
    %dma_wait3A_105 = arith.constant 0 : i32
    %dma_wait3A_106 = tpu.memref_slice %arg6[%dma_wait3A_104, %dma_wait3A_105] : memref<320000x128xf32, #tpu.memory_space<hbm>> -> memref<200x128xf32, #tpu.memory_space<hbm>>
    %dma_wait3A_107 = arith.constant 0 : i32
    %dma_wait3A_108 = arith.constant 0 : i32
    %dma_wait3A_109 = tpu.memref_slice %arg10[%dma_wait3A_93, %dma_wait3A_107, %dma_wait3A_108] : memref<2x200x128xf32, #tpu.memory_space<vmem>> -> memref<1x200x128xf32, #tpu.memory_space<vmem>>
    %dma_wait3A_110 = tpu.memref_squeeze %dma_wait3A_109 : memref<1x200x128xf32, #tpu.memory_space<vmem>> -> memref<200x128xf32, #tpu.memory_space<vmem>>
    tpu.wait_dma2 semaphore(%dma_wait3A_103 : memref<!tpu.dma_semaphore, #tpu.memory_space<semaphore_mem>>) src(%dma_wait3A_110 : memref<200x128xf32, #tpu.memory_space<vmem>>) dst(%dma_wait3A_106 : memref<200x128xf32, #tpu.memory_space<hbm>>)
    %dma_wait3A_111 = arith.constant 1 : i32
    %dma_wait3A_112 = arith.constant 1 : i32
    %dma_wait3A_113 = arith.constant 0 : i32
    %dma_wait3A_114 = arith.constant 0 : i32
    %dma_wait3A_115 = tpu.memref_slice %arg13[%dma_wait3A_111, %dma_wait3A_113, %dma_wait3A_114] : memref<2x200x16xf32, #tpu.memory_space<vmem>> -> memref<1x200x16xf32, #tpu.memory_space<vmem>>
    %dma_wait3A_116 = tpu.memref_squeeze %dma_wait3A_115 : memref<1x200x16xf32, #tpu.memory_space<vmem>> -> memref<200x16xf32, #tpu.memory_space<vmem>>
    %dma_wait3A_117 = arith.constant 0 : i32
    %dma_wait3A_118 = arith.constant 0 : i32
    %dma_wait3A_119 = tpu.memref_slice %arg7[%dma_wait3A_117, %dma_wait3A_118] : memref<320000x16xf32, #tpu.memory_space<hbm>> -> memref<200x16xf32, #tpu.memory_space<hbm>>
    %dma_wait3A_120 = tpu.memref_slice %arg15[%dma_wait3A_112] : memref<2x!tpu.dma_semaphore, #tpu.memory_space<semaphore_mem>> -> memref<1x!tpu.dma_semaphore, #tpu.memory_space<semaphore_mem>>
    %dma_wait3A_121 = tpu.memref_squeeze %dma_wait3A_120 : memref<1x!tpu.dma_semaphore, #tpu.memory_space<semaphore_mem>> -> memref<!tpu.dma_semaphore, #tpu.memory_space<semaphore_mem>>
    %dma_wait3A_122 = arith.constant 0 : i32
    %dma_wait3A_123 = arith.constant 0 : i32
    %dma_wait3A_124 = tpu.memref_slice %arg7[%dma_wait3A_122, %dma_wait3A_123] : memref<320000x16xf32, #tpu.memory_space<hbm>> -> memref<200x16xf32, #tpu.memory_space<hbm>>
    %dma_wait3A_125 = arith.constant 0 : i32
    %dma_wait3A_126 = arith.constant 0 : i32
    %dma_wait3A_127 = tpu.memref_slice %arg13[%dma_wait3A_111, %dma_wait3A_125, %dma_wait3A_126] : memref<2x200x16xf32, #tpu.memory_space<vmem>> -> memref<1x200x16xf32, #tpu.memory_space<vmem>>
    %dma_wait3A_128 = tpu.memref_squeeze %dma_wait3A_127 : memref<1x200x16xf32, #tpu.memory_space<vmem>> -> memref<200x16xf32, #tpu.memory_space<vmem>>
    tpu.wait_dma2 semaphore(%dma_wait3A_121 : memref<!tpu.dma_semaphore, #tpu.memory_space<semaphore_mem>>) src(%dma_wait3A_128 : memref<200x16xf32, #tpu.memory_space<vmem>>) dst(%dma_wait3A_124 : memref<200x16xf32, #tpu.memory_space<hbm>>)
    return
  }
}

#map = affine_map<(d0, d1) -> (0, 0)>
#map1 = affine_map<(d0, d1) -> (0)>
#map2 = affine_map<(d0, d1) -> (0, 0, 0)>
module attributes {stable_mosaic.version = 14 : i64} {
  func.func @_scatter_body(%arg0: i32, %arg1: i32, %arg2: memref<320000x128xf32, #tpu.memory_space<hbm>>, %arg3: memref<320000x16xf32, #tpu.memory_space<hbm>>, %arg4: memref<320000xi32, #tpu.memory_space<hbm>>, %arg5: memref<2x10000x128xf32, #tpu.memory_space<hbm>>, %arg6: memref<2x10000x16xf32, #tpu.memory_space<hbm>>, %arg7: memref<2x80x128xf32, #tpu.memory_space<vmem>>, %arg8: memref<2x80xi32, #tpu.memory_space<vmem>>, %arg9: memref<2x80x16xf32, #tpu.memory_space<vmem>>, %arg10: memref<40x128xf32, #tpu.memory_space<vmem>>, %arg11: memref<40x16xf32, #tpu.memory_space<vmem>>, %arg12: memref<10000x128xf32, #tpu.memory_space<vmem_shared>>, %arg13: memref<10000x16xf32, #tpu.memory_space<vmem_shared>>, %arg14: memref<2x!tpu.dma_semaphore, #tpu.memory_space<semaphore_mem>>) attributes {dimension_semantics = [#tpu.dimension_semantics<core_parallel>, #tpu.dimension_semantics<subcore_parallel>], iteration_bounds = array<i64: 2, 16>, scalar_prefetch = 0 : i64, scratch_operands = 8 : i64, tpu.core_type = #tpu.core_type<sc_vector_subcore>, window_params = [{transform_indices = #map}, {transform_indices = #map}, {transform_indices = #map1}, {transform_indices = #map2}, {transform_indices = #map2}]} {
    %mul3A = arith.constant 2 : i32
    %mul3A_0 = arith.muli %arg1, %mul3A : i32
    %add3A = arith.addi %mul3A_0, %arg0 : i32
    %mul3A_1 = arith.constant 10000 : i32
    %mul3A_2 = arith.muli %add3A, %mul3A_1 : i32
    %scan3A = arith.constant 0 : i32
    %scan3A_3 = arith.constant 0 : i32
    %scan3A_4 = arith.constant 320 : i32
    %scan3A_5 = arith.addi %scan3A_3, %scan3A_4 : i32
    %scan3A_6 = arith.constant 1 : i32
    %scan3A_7 = scf.for %scan3A_78 = %scan3A_3 to %scan3A_5 step %scan3A_6 iter_args(%scan3A_79 = %scan3A) -> (i32)  : i32 {
      %jit3A = arith.constant 8 : i32
      %div3A = arith.divsi %scan3A_78, %jit3A : i32
      %sign3A = arith.constant 0 : i32
      %sign3A_80 = arith.cmpi sgt, %scan3A_78, %sign3A : i32
      %sign3A_81 = arith.extui %sign3A_80 : i1 to i32
      %sign3A_82 = arith.constant 0 : i32
      %sign3A_83 = arith.cmpi slt, %scan3A_78, %sign3A_82 : i32
      %sign3A_84 = arith.extui %sign3A_83 : i1 to i32
      %sign3A_85 = arith.subi %sign3A_81, %sign3A_84 : i32
      %sign3A_86 = arith.constant 0 : i32
      %sign3A_87 = arith.cmpi sgt, %jit3A, %sign3A_86 : i32
      %sign3A_88 = arith.extui %sign3A_87 : i1 to i32
      %sign3A_89 = arith.constant 0 : i32
      %sign3A_90 = arith.cmpi slt, %jit3A, %sign3A_89 : i32
      %sign3A_91 = arith.extui %sign3A_90 : i1 to i32
      %sign3A_92 = arith.subi %sign3A_88, %sign3A_91 : i32
      %ne3A = arith.cmpi ne, %sign3A_85, %sign3A_92 : i32
      %rem3A = arith.remsi %scan3A_78, %jit3A : i32
      %ne3A_93 = arith.constant 0 : i32
      %ne3A_94 = arith.cmpi ne, %rem3A, %ne3A_93 : i32
      %and3A = arith.andi %ne3A, %ne3A_94 : i1
      %sub3A = arith.constant 1 : i32
      %sub3A_95 = arith.subi %div3A, %sub3A : i32
      %select_n3A = arith.select %and3A, %sub3A_95, %div3A : i32
      %jit3A_96 = arith.constant 8 : i32
      %eq3A_97 = arith.constant 0 : i32
      %eq3A_98 = arith.cmpi eq, %jit3A_96, %eq3A_97 : i32
      %jit3A_99 = arith.constant 1 : i32
      %select_n3A_100 = arith.select %eq3A_98, %jit3A_99, %jit3A_96 : i32
      %rem3A_101 = arith.remsi %scan3A_78, %select_n3A_100 : i32
      %ne3A_102 = arith.constant 0 : i32
      %ne3A_103 = arith.cmpi ne, %rem3A_101, %ne3A_102 : i32
      %lt3A = arith.constant 0 : i32
      %lt3A_104 = arith.cmpi slt, %rem3A_101, %lt3A : i32
      %lt3A_105 = arith.constant 0 : i32
      %lt3A_106 = arith.cmpi slt, %select_n3A_100, %lt3A_105 : i32
      %ne3A_107 = arith.xori %lt3A_104, %lt3A_106 : i1
      %and3A_108 = arith.andi %ne3A_107, %ne3A_103 : i1
      %add3A_109 = arith.addi %rem3A_101, %select_n3A_100 : i32
      %select_n3A_110 = arith.select %and3A_108, %add3A_109, %rem3A_101 : i32
      %broadcast_in_dim3A = arith.constant 0.000000e+00 : f32
      %broadcast_in_dim3A_111 = vector.broadcast %broadcast_in_dim3A : f32 to vector<16xf32>
      %mul3A_112 = arith.constant 16 : i32
      %mul3A_113 = arith.muli %select_n3A_110, %mul3A_112 : i32
      %swap3A = arith.index_cast %select_n3A : i32 to index
      %swap3A_114 = arith.index_cast %mul3A_113 : i32 to index
      %swap3A_115 = tpu.vector_load %arg10[%swap3A, %swap3A_114] {strides = array<i32>} : memref<40x128xf32, #tpu.memory_space<vmem>>, vector<1x16xf32>,
      %swap3A_116 = vector.shape_cast %swap3A_115 : vector<1x16xf32> to vector<16xf32>
      %swap3A_117 = vector.shape_cast %broadcast_in_dim3A_111 : vector<16xf32> to vector<1x16xf32>
      tpu.vector_store %arg10[%swap3A, %swap3A_114], %swap3A_117 {strides = array<i32>} : memref<40x128xf32, #tpu.memory_space<vmem>>, vector<1x16xf32>,
      %scan3A_118 = arith.constant 0 : i32
      scf.yield %scan3A_118 : i32
    }
    %scan3A_8 = arith.constant 320 : i32
    %scan3A_9 = arith.constant 0 : i32
    %scan3A_10 = arith.constant 0 : i32
    %scan3A_11 = arith.constant 40 : i32
    %scan3A_12 = arith.addi %scan3A_10, %scan3A_11 : i32
    %scan3A_13 = arith.constant 1 : i32
    %scan3A_14 = scf.for %scan3A_78 = %scan3A_10 to %scan3A_12 step %scan3A_13 iter_args(%scan3A_79 = %scan3A_9) -> (i32)  : i32 {
      %broadcast_in_dim3A = arith.constant 0.000000e+00 : f32
      %broadcast_in_dim3A_80 = vector.broadcast %broadcast_in_dim3A : f32 to vector<16xf32>
      %swap3A = arith.index_cast %scan3A_78 : i32 to index
      %swap3A_81 = arith.constant 0 : index
      %swap3A_82 = tpu.vector_load %arg11[%swap3A, %swap3A_81] {strides = array<i32>} : memref<40x16xf32, #tpu.memory_space<vmem>>, vector<1x16xf32>,
      %swap3A_83 = vector.shape_cast %swap3A_82 : vector<1x16xf32> to vector<16xf32>
      %swap3A_84 = vector.shape_cast %broadcast_in_dim3A_80 : vector<16xf32> to vector<1x16xf32>
      tpu.vector_store %arg11[%swap3A, %swap3A_81], %swap3A_84 {strides = array<i32>} : memref<40x16xf32, #tpu.memory_space<vmem>>, vector<1x16xf32>,
      %scan3A_85 = arith.constant 0 : i32
      scf.yield %scan3A_85 : i32
    }
    %scan3A_15 = arith.constant 40 : i32
    %scan3A_16 = arith.constant 0 : i32
    %scan3A_17 = arith.constant 0 : i32
    %scan3A_18 = arith.constant 16 : i32
    %scan3A_19 = arith.addi %scan3A_17, %scan3A_18 : i32
    %scan3A_20 = arith.constant 1 : i32
    %scan3A_21 = scf.for %scan3A_78 = %scan3A_17 to %scan3A_19 step %scan3A_20 iter_args(%scan3A_79 = %scan3A_16) -> (i32)  : i32 {
      %mul3A_80 = arith.constant 16 : i32
      %mul3A_81 = arith.muli %scan3A_78, %mul3A_80 : i32
      %add3A_82 = arith.addi %arg1, %mul3A_81 : i32
      %lt3A = arith.constant 250 : i32
      %lt3A_83 = arith.cmpi slt, %add3A_82, %lt3A : i32
      %convert_element_type3A_84 = arith.extui %lt3A_83 : i1 to i32
      %cond3A_85 = arith.constant 0 : i32
      %cond3A_86 = arith.cmpi ne, %convert_element_type3A_84, %cond3A_85 : i32
      scf.if %cond3A_86 {
        %mul3A_88 = arith.constant 40 : i32
        %mul3A_89 = arith.muli %add3A_82, %mul3A_88 : i32
        "tpu.region"() ({
          %run_scoped3A = tpu.sem_alloc : memref<!tpu.dma_semaphore, #tpu.memory_space<semaphore_mem>>
          %dma_start3A_92 = arith.constant 0 : i32
          %dma_start3A_93 = tpu.memref_slice %arg12[%mul3A_89, %dma_start3A_92] : memref<10000x128xf32, #tpu.memory_space<vmem_shared>> -> memref<40x128xf32, #tpu.memory_space<vmem_shared>>
          %dma_start3A_94 = arith.constant 0 : i32
          %dma_start3A_95 = tpu.memref_slice %arg12[%mul3A_89, %dma_start3A_94] : memref<10000x128xf32, #tpu.memory_space<vmem_shared>> -> memref<40x128xf32, #tpu.memory_space<vmem_shared>>
          tpu.enqueue_dma source(%arg10 : memref<40x128xf32, #tpu.memory_space<vmem>>) target(%dma_start3A_95 : memref<40x128xf32, #tpu.memory_space<vmem_shared>>) target_semaphore(%run_scoped3A : memref<!tpu.dma_semaphore, #tpu.memory_space<semaphore_mem>>)
          %dma_wait3A = arith.constant 0 : i32
          %dma_wait3A_96 = tpu.memref_slice %arg12[%mul3A_89, %dma_wait3A] : memref<10000x128xf32, #tpu.memory_space<vmem_shared>> -> memref<40x128xf32, #tpu.memory_space<vmem_shared>>
          %dma_wait3A_97 = arith.constant 0 : i32
          %dma_wait3A_98 = tpu.memref_slice %arg12[%mul3A_89, %dma_wait3A_97] : memref<10000x128xf32, #tpu.memory_space<vmem_shared>> -> memref<40x128xf32, #tpu.memory_space<vmem_shared>>
          tpu.wait_dma2 semaphore(%run_scoped3A : memref<!tpu.dma_semaphore, #tpu.memory_space<semaphore_mem>>) src(%arg10 : memref<40x128xf32, #tpu.memory_space<vmem>>) dst(%dma_wait3A_98 : memref<40x128xf32, #tpu.memory_space<vmem_shared>>)
          tpu.yield
        }) : () -> ()
        %mul3A_90 = arith.constant 40 : i32
        %mul3A_91 = arith.muli %add3A_82, %mul3A_90 : i32
        "tpu.region"() ({
          %run_scoped3A = tpu.sem_alloc : memref<!tpu.dma_semaphore, #tpu.memory_space<semaphore_mem>>
          %dma_start3A_92 = arith.constant 0 : i32
          %dma_start3A_93 = tpu.memref_slice %arg13[%mul3A_91, %dma_start3A_92] : memref<10000x16xf32, #tpu.memory_space<vmem_shared>> -> memref<40x16xf32, #tpu.memory_space<vmem_shared>>
          %dma_start3A_94 = arith.constant 0 : i32
          %dma_start3A_95 = tpu.memref_slice %arg13[%mul3A_91, %dma_start3A_94] : memref<10000x16xf32, #tpu.memory_space<vmem_shared>> -> memref<40x16xf32, #tpu.memory_space<vmem_shared>>
          tpu.enqueue_dma source(%arg11 : memref<40x16xf32, #tpu.memory_space<vmem>>) target(%dma_start3A_95 : memref<40x16xf32, #tpu.memory_space<vmem_shared>>) target_semaphore(%run_scoped3A : memref<!tpu.dma_semaphore, #tpu.memory_space<semaphore_mem>>)
          %dma_wait3A = arith.constant 0 : i32
          %dma_wait3A_96 = tpu.memref_slice %arg13[%mul3A_91, %dma_wait3A] : memref<10000x16xf32, #tpu.memory_space<vmem_shared>> -> memref<40x16xf32, #tpu.memory_space<vmem_shared>>
          %dma_wait3A_97 = arith.constant 0 : i32
          %dma_wait3A_98 = tpu.memref_slice %arg13[%mul3A_91, %dma_wait3A_97] : memref<10000x16xf32, #tpu.memory_space<vmem_shared>> -> memref<40x16xf32, #tpu.memory_space<vmem_shared>>
          tpu.wait_dma2 semaphore(%run_scoped3A : memref<!tpu.dma_semaphore, #tpu.memory_space<semaphore_mem>>) src(%arg11 : memref<40x16xf32, #tpu.memory_space<vmem>>) dst(%dma_wait3A_98 : memref<40x16xf32, #tpu.memory_space<vmem_shared>>)
          tpu.yield
        }) : () -> ()
      } else {
      }
      %scan3A_87 = arith.constant 0 : i32
      scf.yield %scan3A_87 : i32
    }
    %scan3A_22 = arith.constant 16 : i32
    %barrier3A = arith.constant 0 : index
    tpu.barrier barrier_id(%barrier3A)
    %add3A_23 = arith.constant 0 : i32
    %add3A_24 = arith.addi %mul3A_2, %add3A_23 : i32
    %dma_start3A = arith.constant 0 : i32
    %dma_start3A_25 = arith.constant 0 : i32
    %dma_start3A_26 = arith.constant 0 : i32
    %dma_start3A_27 = arith.constant 0 : i32
    %dma_start3A_28 = tpu.memref_slice %arg7[%dma_start3A, %dma_start3A_26, %dma_start3A_27] : memref<2x80x128xf32, #tpu.memory_space<vmem>> -> memref<1x80x128xf32, #tpu.memory_space<vmem>>
    %dma_start3A_29 = tpu.memref_squeeze %dma_start3A_28 : memref<1x80x128xf32, #tpu.memory_space<vmem>> -> memref<80x128xf32, #tpu.memory_space<vmem>>
    %dma_start3A_30 = arith.constant 0 : i32
    %dma_start3A_31 = tpu.memref_slice %arg2[%add3A_24, %dma_start3A_30] : memref<320000x128xf32, #tpu.memory_space<hbm>> -> memref<80x128xf32, #tpu.memory_space<hbm>>
    %dma_start3A_32 = tpu.memref_slice %arg14[%dma_start3A_25] : memref<2x!tpu.dma_semaphore, #tpu.memory_space<semaphore_mem>> -> memref<1x!tpu.dma_semaphore, #tpu.memory_space<semaphore_mem>>
    %dma_start3A_33 = tpu.memref_squeeze %dma_start3A_32 : memref<1x!tpu.dma_semaphore, #tpu.memory_space<semaphore_mem>> -> memref<!tpu.dma_semaphore, #tpu.memory_space<semaphore_mem>>
    %dma_start3A_34 = arith.constant 0 : i32
    %dma_start3A_35 = arith.constant 0 : i32
    %dma_start3A_36 = tpu.memref_slice %arg7[%dma_start3A, %dma_start3A_34, %dma_start3A_35] : memref<2x80x128xf32, #tpu.memory_space<vmem>> -> memref<1x80x128xf32, #tpu.memory_space<vmem>>
    %dma_start3A_37 = tpu.memref_squeeze %dma_start3A_36 : memref<1x80x128xf32, #tpu.memory_space<vmem>> -> memref<80x128xf32, #tpu.memory_space<vmem>>
    %dma_start3A_38 = arith.constant 0 : i32
    %dma_start3A_39 = tpu.memref_slice %arg2[%add3A_24, %dma_start3A_38] : memref<320000x128xf32, #tpu.memory_space<hbm>> -> memref<80x128xf32, #tpu.memory_space<hbm>>
    tpu.enqueue_dma source(%dma_start3A_39 : memref<80x128xf32, #tpu.memory_space<hbm>>) target(%dma_start3A_37 : memref<80x128xf32, #tpu.memory_space<vmem>>) target_semaphore(%dma_start3A_33 : memref<!tpu.dma_semaphore, #tpu.memory_space<semaphore_mem>>)
    %dma_start3A_40 = arith.constant 0 : i32
    %dma_start3A_41 = arith.constant 0 : i32
    %dma_start3A_42 = arith.constant 0 : i32
    %dma_start3A_43 = tpu.memref_slice %arg8[%dma_start3A_40, %dma_start3A_42] : memref<2x80xi32, #tpu.memory_space<vmem>> -> memref<1x80xi32, #tpu.memory_space<vmem>>
    %dma_start3A_44 = tpu.memref_squeeze %dma_start3A_43 : memref<1x80xi32, #tpu.memory_space<vmem>> -> memref<80xi32, #tpu.memory_space<vmem>>
    %dma_start3A_45 = tpu.memref_slice %arg4[%add3A_24] : memref<320000xi32, #tpu.memory_space<hbm>> -> memref<80xi32, #tpu.memory_space<hbm>>
    %dma_start3A_46 = tpu.memref_slice %arg14[%dma_start3A_41] : memref<2x!tpu.dma_semaphore, #tpu.memory_space<semaphore_mem>> -> memref<1x!tpu.dma_semaphore, #tpu.memory_space<semaphore_mem>>
    %dma_start3A_47 = tpu.memref_squeeze %dma_start3A_46 : memref<1x!tpu.dma_semaphore, #tpu.memory_space<semaphore_mem>> -> memref<!tpu.dma_semaphore, #tpu.memory_space<semaphore_mem>>
    %dma_start3A_48 = arith.constant 0 : i32
    %dma_start3A_49 = tpu.memref_slice %arg8[%dma_start3A_40, %dma_start3A_48] : memref<2x80xi32, #tpu.memory_space<vmem>> -> memref<1x80xi32, #tpu.memory_space<vmem>>
    %dma_start3A_50 = tpu.memref_squeeze %dma_start3A_49 : memref<1x80xi32, #tpu.memory_space<vmem>> -> memref<80xi32, #tpu.memory_space<vmem>>
    %dma_start3A_51 = tpu.memref_slice %arg4[%add3A_24] : memref<320000xi32, #tpu.memory_space<hbm>> -> memref<80xi32, #tpu.memory_space<hbm>>
    tpu.enqueue_dma source(%dma_start3A_51 : memref<80xi32, #tpu.memory_space<hbm>>) target(%dma_start3A_50 : memref<80xi32, #tpu.memory_space<vmem>>) target_semaphore(%dma_start3A_47 : memref<!tpu.dma_semaphore, #tpu.memory_space<semaphore_mem>>)
    %dma_start3A_52 = arith.constant 0 : i32
    %dma_start3A_53 = arith.constant 0 : i32
    %dma_start3A_54 = arith.constant 0 : i32
    %dma_start3A_55 = arith.constant 0 : i32
    %dma_start3A_56 = tpu.memref_slice %arg9[%dma_start3A_52, %dma_start3A_54, %dma_start3A_55] : memref<2x80x16xf32, #tpu.memory_space<vmem>> -> memref<1x80x16xf32, #tpu.memory_space<vmem>>
    %dma_start3A_57 = tpu.memref_squeeze %dma_start3A_56 : memref<1x80x16xf32, #tpu.memory_space<vmem>> -> memref<80x16xf32, #tpu.memory_space<vmem>>
    %dma_start3A_58 = arith.constant 0 : i32
    %dma_start3A_59 = tpu.memref_slice %arg3[%add3A_24, %dma_start3A_58] : memref<320000x16xf32, #tpu.memory_space<hbm>> -> memref<80x16xf32, #tpu.memory_space<hbm>>
    %dma_start3A_60 = tpu.memref_slice %arg14[%dma_start3A_53] : memref<2x!tpu.dma_semaphore, #tpu.memory_space<semaphore_mem>> -> memref<1x!tpu.dma_semaphore, #tpu.memory_space<semaphore_mem>>
    %dma_start3A_61 = tpu.memref_squeeze %dma_start3A_60 : memref<1x!tpu.dma_semaphore, #tpu.memory_space<semaphore_mem>> -> memref<!tpu.dma_semaphore, #tpu.memory_space<semaphore_mem>>
    %dma_start3A_62 = arith.constant 0 : i32
    %dma_start3A_63 = arith.constant 0 : i32
    %dma_start3A_64 = tpu.memref_slice %arg9[%dma_start3A_52, %dma_start3A_62, %dma_start3A_63] : memref<2x80x16xf32, #tpu.memory_space<vmem>> -> memref<1x80x16xf32, #tpu.memory_space<vmem>>
    %dma_start3A_65 = tpu.memref_squeeze %dma_start3A_64 : memref<1x80x16xf32, #tpu.memory_space<vmem>> -> memref<80x16xf32, #tpu.memory_space<vmem>>
    %dma_start3A_66 = arith.constant 0 : i32
    %dma_start3A_67 = tpu.memref_slice %arg3[%add3A_24, %dma_start3A_66] : memref<320000x16xf32, #tpu.memory_space<hbm>> -> memref<80x16xf32, #tpu.memory_space<hbm>>
    tpu.enqueue_dma source(%dma_start3A_67 : memref<80x16xf32, #tpu.memory_space<hbm>>) target(%dma_start3A_65 : memref<80x16xf32, #tpu.memory_space<vmem>>) target_semaphore(%dma_start3A_61 : memref<!tpu.dma_semaphore, #tpu.memory_space<semaphore_mem>>)
    %scan3A_68 = arith.constant 0 : i32
    %scan3A_69 = arith.constant 0 : i32
    %scan3A_70 = arith.constant 125 : i32
    %scan3A_71 = arith.addi %scan3A_69, %scan3A_70 : i32
    %scan3A_72 = arith.constant 1 : i32
    %scan3A_73 = scf.for %scan3A_78 = %scan3A_69 to %scan3A_71 step %scan3A_72 iter_args(%scan3A_79 = %scan3A_68) -> (i32)  : i32 {
      %rem3A = arith.constant 2 : i32
      %rem3A_80 = arith.remsi %scan3A_78, %rem3A : i32
      %add3A_81 = arith.constant 1 : i32
      %add3A_82 = arith.addi %scan3A_78, %add3A_81 : i32
      %lt3A = arith.constant 125 : i32
      %lt3A_83 = arith.cmpi slt, %add3A_82, %lt3A : i32
      %convert_element_type3A_84 = arith.extui %lt3A_83 : i1 to i32
      %cond3A_85 = arith.constant 0 : i32
      %cond3A_86 = arith.cmpi ne, %convert_element_type3A_84, %cond3A_85 : i32
      scf.if %cond3A_86 {
        %add3A_131 = arith.constant 1 : i32
        %add3A_132 = arith.addi %scan3A_78, %add3A_131 : i32
        %sub3A = arith.constant 1 : i32
        %sub3A_133 = arith.subi %sub3A, %rem3A_80 : i32
        %mul3A_134 = arith.constant 80 : i32
        %mul3A_135 = arith.muli %add3A_132, %mul3A_134 : i32
        %add3A_136 = arith.addi %mul3A_2, %mul3A_135 : i32
        %dma_start3A_137 = arith.constant 0 : i32
        %dma_start3A_138 = arith.constant 0 : i32
        %dma_start3A_139 = tpu.memref_slice %arg7[%sub3A_133, %dma_start3A_137, %dma_start3A_138] : memref<2x80x128xf32, #tpu.memory_space<vmem>> -> memref<1x80x128xf32, #tpu.memory_space<vmem>>
        %dma_start3A_140 = tpu.memref_squeeze %dma_start3A_139 : memref<1x80x128xf32, #tpu.memory_space<vmem>> -> memref<80x128xf32, #tpu.memory_space<vmem>>
        %dma_start3A_141 = arith.constant 0 : i32
        %dma_start3A_142 = tpu.memref_slice %arg2[%add3A_136, %dma_start3A_141] : memref<320000x128xf32, #tpu.memory_space<hbm>> -> memref<80x128xf32, #tpu.memory_space<hbm>>
        %dma_start3A_143 = tpu.memref_slice %arg14[%sub3A_133] : memref<2x!tpu.dma_semaphore, #tpu.memory_space<semaphore_mem>> -> memref<1x!tpu.dma_semaphore, #tpu.memory_space<semaphore_mem>>
        %dma_start3A_144 = tpu.memref_squeeze %dma_start3A_143 : memref<1x!tpu.dma_semaphore, #tpu.memory_space<semaphore_mem>> -> memref<!tpu.dma_semaphore, #tpu.memory_space<semaphore_mem>>
        %dma_start3A_145 = arith.constant 0 : i32
        %dma_start3A_146 = arith.constant 0 : i32
        %dma_start3A_147 = tpu.memref_slice %arg7[%sub3A_133, %dma_start3A_145, %dma_start3A_146] : memref<2x80x128xf32, #tpu.memory_space<vmem>> -> memref<1x80x128xf32, #tpu.memory_space<vmem>>
        %dma_start3A_148 = tpu.memref_squeeze %dma_start3A_147 : memref<1x80x128xf32, #tpu.memory_space<vmem>> -> memref<80x128xf32, #tpu.memory_space<vmem>>
        %dma_start3A_149 = arith.constant 0 : i32
        %dma_start3A_150 = tpu.memref_slice %arg2[%add3A_136, %dma_start3A_149] : memref<320000x128xf32, #tpu.memory_space<hbm>> -> memref<80x128xf32, #tpu.memory_space<hbm>>
        tpu.enqueue_dma source(%dma_start3A_150 : memref<80x128xf32, #tpu.memory_space<hbm>>) target(%dma_start3A_148 : memref<80x128xf32, #tpu.memory_space<vmem>>) target_semaphore(%dma_start3A_144 : memref<!tpu.dma_semaphore, #tpu.memory_space<semaphore_mem>>)
        %dma_start3A_151 = arith.constant 0 : i32
        %dma_start3A_152 = tpu.memref_slice %arg8[%sub3A_133, %dma_start3A_151] : memref<2x80xi32, #tpu.memory_space<vmem>> -> memref<1x80xi32, #tpu.memory_space<vmem>>
        %dma_start3A_153 = tpu.memref_squeeze %dma_start3A_152 : memref<1x80xi32, #tpu.memory_space<vmem>> -> memref<80xi32, #tpu.memory_space<vmem>>
        %dma_start3A_154 = tpu.memref_slice %arg4[%add3A_136] : memref<320000xi32, #tpu.memory_space<hbm>> -> memref<80xi32, #tpu.memory_space<hbm>>
        %dma_start3A_155 = tpu.memref_slice %arg14[%sub3A_133] : memref<2x!tpu.dma_semaphore, #tpu.memory_space<semaphore_mem>> -> memref<1x!tpu.dma_semaphore, #tpu.memory_space<semaphore_mem>>
        %dma_start3A_156 = tpu.memref_squeeze %dma_start3A_155 : memref<1x!tpu.dma_semaphore, #tpu.memory_space<semaphore_mem>> -> memref<!tpu.dma_semaphore, #tpu.memory_space<semaphore_mem>>
        %dma_start3A_157 = arith.constant 0 : i32
        %dma_start3A_158 = tpu.memref_slice %arg8[%sub3A_133, %dma_start3A_157] : memref<2x80xi32, #tpu.memory_space<vmem>> -> memref<1x80xi32, #tpu.memory_space<vmem>>
        %dma_start3A_159 = tpu.memref_squeeze %dma_start3A_158 : memref<1x80xi32, #tpu.memory_space<vmem>> -> memref<80xi32, #tpu.memory_space<vmem>>
        %dma_start3A_160 = tpu.memref_slice %arg4[%add3A_136] : memref<320000xi32, #tpu.memory_space<hbm>> -> memref<80xi32, #tpu.memory_space<hbm>>
        tpu.enqueue_dma source(%dma_start3A_160 : memref<80xi32, #tpu.memory_space<hbm>>) target(%dma_start3A_159 : memref<80xi32, #tpu.memory_space<vmem>>) target_semaphore(%dma_start3A_156 : memref<!tpu.dma_semaphore, #tpu.memory_space<semaphore_mem>>)
        %dma_start3A_161 = arith.constant 0 : i32
        %dma_start3A_162 = arith.constant 0 : i32
        %dma_start3A_163 = tpu.memref_slice %arg9[%sub3A_133, %dma_start3A_161, %dma_start3A_162] : memref<2x80x16xf32, #tpu.memory_space<vmem>> -> memref<1x80x16xf32, #tpu.memory_space<vmem>>
        %dma_start3A_164 = tpu.memref_squeeze %dma_start3A_163 : memref<1x80x16xf32, #tpu.memory_space<vmem>> -> memref<80x16xf32, #tpu.memory_space<vmem>>
        %dma_start3A_165 = arith.constant 0 : i32
        %dma_start3A_166 = tpu.memref_slice %arg3[%add3A_136, %dma_start3A_165] : memref<320000x16xf32, #tpu.memory_space<hbm>> -> memref<80x16xf32, #tpu.memory_space<hbm>>
        %dma_start3A_167 = tpu.memref_slice %arg14[%sub3A_133] : memref<2x!tpu.dma_semaphore, #tpu.memory_space<semaphore_mem>> -> memref<1x!tpu.dma_semaphore, #tpu.memory_space<semaphore_mem>>
        %dma_start3A_168 = tpu.memref_squeeze %dma_start3A_167 : memref<1x!tpu.dma_semaphore, #tpu.memory_space<semaphore_mem>> -> memref<!tpu.dma_semaphore, #tpu.memory_space<semaphore_mem>>
        %dma_start3A_169 = arith.constant 0 : i32
        %dma_start3A_170 = arith.constant 0 : i32
        %dma_start3A_171 = tpu.memref_slice %arg9[%sub3A_133, %dma_start3A_169, %dma_start3A_170] : memref<2x80x16xf32, #tpu.memory_space<vmem>> -> memref<1x80x16xf32, #tpu.memory_space<vmem>>
        %dma_start3A_172 = tpu.memref_squeeze %dma_start3A_171 : memref<1x80x16xf32, #tpu.memory_space<vmem>> -> memref<80x16xf32, #tpu.memory_space<vmem>>
        %dma_start3A_173 = arith.constant 0 : i32
        %dma_start3A_174 = tpu.memref_slice %arg3[%add3A_136, %dma_start3A_173] : memref<320000x16xf32, #tpu.memory_space<hbm>> -> memref<80x16xf32, #tpu.memory_space<hbm>>
        tpu.enqueue_dma source(%dma_start3A_174 : memref<80x16xf32, #tpu.memory_space<hbm>>) target(%dma_start3A_172 : memref<80x16xf32, #tpu.memory_space<vmem>>) target_semaphore(%dma_start3A_168 : memref<!tpu.dma_semaphore, #tpu.memory_space<semaphore_mem>>)
      } else {
      }
      %dma_wait3A = arith.constant 0 : i32
      %dma_wait3A_87 = arith.constant 0 : i32
      %dma_wait3A_88 = tpu.memref_slice %arg7[%rem3A_80, %dma_wait3A, %dma_wait3A_87] : memref<2x80x128xf32, #tpu.memory_space<vmem>> -> memref<1x80x128xf32, #tpu.memory_space<vmem>>
      %dma_wait3A_89 = tpu.memref_squeeze %dma_wait3A_88 : memref<1x80x128xf32, #tpu.memory_space<vmem>> -> memref<80x128xf32, #tpu.memory_space<vmem>>
      %dma_wait3A_90 = arith.constant 0 : i32
      %dma_wait3A_91 = arith.constant 0 : i32
      %dma_wait3A_92 = tpu.memref_slice %arg2[%dma_wait3A_90, %dma_wait3A_91] : memref<320000x128xf32, #tpu.memory_space<hbm>> -> memref<80x128xf32, #tpu.memory_space<hbm>>
      %dma_wait3A_93 = tpu.memref_slice %arg14[%rem3A_80] : memref<2x!tpu.dma_semaphore, #tpu.memory_space<semaphore_mem>> -> memref<1x!tpu.dma_semaphore, #tpu.memory_space<semaphore_mem>>
      %dma_wait3A_94 = tpu.memref_squeeze %dma_wait3A_93 : memref<1x!tpu.dma_semaphore, #tpu.memory_space<semaphore_mem>> -> memref<!tpu.dma_semaphore, #tpu.memory_space<semaphore_mem>>
      %dma_wait3A_95 = arith.constant 0 : i32
      %dma_wait3A_96 = arith.constant 0 : i32
      %dma_wait3A_97 = tpu.memref_slice %arg7[%rem3A_80, %dma_wait3A_95, %dma_wait3A_96] : memref<2x80x128xf32, #tpu.memory_space<vmem>> -> memref<1x80x128xf32, #tpu.memory_space<vmem>>
      %dma_wait3A_98 = tpu.memref_squeeze %dma_wait3A_97 : memref<1x80x128xf32, #tpu.memory_space<vmem>> -> memref<80x128xf32, #tpu.memory_space<vmem>>
      %dma_wait3A_99 = arith.constant 0 : i32
      %dma_wait3A_100 = arith.constant 0 : i32
      %dma_wait3A_101 = tpu.memref_slice %arg2[%dma_wait3A_99, %dma_wait3A_100] : memref<320000x128xf32, #tpu.memory_space<hbm>> -> memref<80x128xf32, #tpu.memory_space<hbm>>
      tpu.wait_dma2 semaphore(%dma_wait3A_94 : memref<!tpu.dma_semaphore, #tpu.memory_space<semaphore_mem>>) src(%dma_wait3A_101 : memref<80x128xf32, #tpu.memory_space<hbm>>) dst(%dma_wait3A_98 : memref<80x128xf32, #tpu.memory_space<vmem>>)
      %dma_wait3A_102 = arith.constant 0 : i32
      %dma_wait3A_103 = tpu.memref_slice %arg8[%rem3A_80, %dma_wait3A_102] : memref<2x80xi32, #tpu.memory_space<vmem>> -> memref<1x80xi32, #tpu.memory_space<vmem>>
      %dma_wait3A_104 = tpu.memref_squeeze %dma_wait3A_103 : memref<1x80xi32, #tpu.memory_space<vmem>> -> memref<80xi32, #tpu.memory_space<vmem>>
      %dma_wait3A_105 = arith.constant 0 : i32
      %dma_wait3A_106 = tpu.memref_slice %arg4[%dma_wait3A_105] : memref<320000xi32, #tpu.memory_space<hbm>> -> memref<80xi32, #tpu.memory_space<hbm>>
      %dma_wait3A_107 = tpu.memref_slice %arg14[%rem3A_80] : memref<2x!tpu.dma_semaphore, #tpu.memory_space<semaphore_mem>> -> memref<1x!tpu.dma_semaphore, #tpu.memory_space<semaphore_mem>>
      %dma_wait3A_108 = tpu.memref_squeeze %dma_wait3A_107 : memref<1x!tpu.dma_semaphore, #tpu.memory_space<semaphore_mem>> -> memref<!tpu.dma_semaphore, #tpu.memory_space<semaphore_mem>>
      %dma_wait3A_109 = arith.constant 0 : i32
      %dma_wait3A_110 = tpu.memref_slice %arg8[%rem3A_80, %dma_wait3A_109] : memref<2x80xi32, #tpu.memory_space<vmem>> -> memref<1x80xi32, #tpu.memory_space<vmem>>
      %dma_wait3A_111 = tpu.memref_squeeze %dma_wait3A_110 : memref<1x80xi32, #tpu.memory_space<vmem>> -> memref<80xi32, #tpu.memory_space<vmem>>
      %dma_wait3A_112 = arith.constant 0 : i32
      %dma_wait3A_113 = tpu.memref_slice %arg4[%dma_wait3A_112] : memref<320000xi32, #tpu.memory_space<hbm>> -> memref<80xi32, #tpu.memory_space<hbm>>
      tpu.wait_dma2 semaphore(%dma_wait3A_108 : memref<!tpu.dma_semaphore, #tpu.memory_space<semaphore_mem>>) src(%dma_wait3A_113 : memref<80xi32, #tpu.memory_space<hbm>>) dst(%dma_wait3A_111 : memref<80xi32, #tpu.memory_space<vmem>>)
      %dma_wait3A_114 = arith.constant 0 : i32
      %dma_wait3A_115 = arith.constant 0 : i32
      %dma_wait3A_116 = tpu.memref_slice %arg9[%rem3A_80, %dma_wait3A_114, %dma_wait3A_115] : memref<2x80x16xf32, #tpu.memory_space<vmem>> -> memref<1x80x16xf32, #tpu.memory_space<vmem>>
      %dma_wait3A_117 = tpu.memref_squeeze %dma_wait3A_116 : memref<1x80x16xf32, #tpu.memory_space<vmem>> -> memref<80x16xf32, #tpu.memory_space<vmem>>
      %dma_wait3A_118 = arith.constant 0 : i32
      %dma_wait3A_119 = arith.constant 0 : i32
      %dma_wait3A_120 = tpu.memref_slice %arg3[%dma_wait3A_118, %dma_wait3A_119] : memref<320000x16xf32, #tpu.memory_space<hbm>> -> memref<80x16xf32, #tpu.memory_space<hbm>>
      %dma_wait3A_121 = tpu.memref_slice %arg14[%rem3A_80] : memref<2x!tpu.dma_semaphore, #tpu.memory_space<semaphore_mem>> -> memref<1x!tpu.dma_semaphore, #tpu.memory_space<semaphore_mem>>
      %dma_wait3A_122 = tpu.memref_squeeze %dma_wait3A_121 : memref<1x!tpu.dma_semaphore, #tpu.memory_space<semaphore_mem>> -> memref<!tpu.dma_semaphore, #tpu.memory_space<semaphore_mem>>
      %dma_wait3A_123 = arith.constant 0 : i32
      %dma_wait3A_124 = arith.constant 0 : i32
      %dma_wait3A_125 = tpu.memref_slice %arg9[%rem3A_80, %dma_wait3A_123, %dma_wait3A_124] : memref<2x80x16xf32, #tpu.memory_space<vmem>> -> memref<1x80x16xf32, #tpu.memory_space<vmem>>
      %dma_wait3A_126 = tpu.memref_squeeze %dma_wait3A_125 : memref<1x80x16xf32, #tpu.memory_space<vmem>> -> memref<80x16xf32, #tpu.memory_space<vmem>>
      %dma_wait3A_127 = arith.constant 0 : i32
      %dma_wait3A_128 = arith.constant 0 : i32
      %dma_wait3A_129 = tpu.memref_slice %arg3[%dma_wait3A_127, %dma_wait3A_128] : memref<320000x16xf32, #tpu.memory_space<hbm>> -> memref<80x16xf32, #tpu.memory_space<hbm>>
      tpu.wait_dma2 semaphore(%dma_wait3A_122 : memref<!tpu.dma_semaphore, #tpu.memory_space<semaphore_mem>>) src(%dma_wait3A_129 : memref<80x16xf32, #tpu.memory_space<hbm>>) dst(%dma_wait3A_126 : memref<80x16xf32, #tpu.memory_space<vmem>>)
      "tpu.region"() ({
        %run_scoped3A = tpu.sem_alloc : memref<!tpu.dma_semaphore, #tpu.memory_space<semaphore_mem>>
        %dma_start3A_131 = arith.constant 0 : i32
        %dma_start3A_132 = arith.constant 0 : i32
        %dma_start3A_133 = tpu.memref_slice %arg7[%rem3A_80, %dma_start3A_131, %dma_start3A_132] : memref<2x80x128xf32, #tpu.memory_space<vmem>> -> memref<1x80x128xf32, #tpu.memory_space<vmem>>
        %dma_start3A_134 = tpu.memref_squeeze %dma_start3A_133 : memref<1x80x128xf32, #tpu.memory_space<vmem>> -> memref<80x128xf32, #tpu.memory_space<vmem>>
        %dma_start3A_135 = arith.constant 0 : i32
        %dma_start3A_136 = tpu.memref_slice %arg8[%rem3A_80, %dma_start3A_135] : memref<2x80xi32, #tpu.memory_space<vmem>> -> memref<1x80xi32, #tpu.memory_space<vmem>>
        %dma_start3A_137 = tpu.memref_squeeze %dma_start3A_136 : memref<1x80xi32, #tpu.memory_space<vmem>> -> memref<80xi32, #tpu.memory_space<vmem>>
        %dma_start3A_138 = arith.constant 0 : i32
        %dma_start3A_139 = arith.constant 0 : i32
        %dma_start3A_140 = tpu.memref_slice %arg12[%dma_start3A_138, %dma_start3A_139] : memref<10000x128xf32, #tpu.memory_space<vmem_shared>> -> memref<10000x128xf32, #tpu.memory_space<vmem_shared>>
        tpu.enqueue_indirect_dma source(%dma_start3A_134 : memref<80x128xf32, #tpu.memory_space<vmem>>) target(%dma_start3A_140 : memref<10000x128xf32, #tpu.memory_space<vmem_shared>>) offsets(%dma_start3A_137 : memref<80xi32, #tpu.memory_space<vmem>>) semaphore(%run_scoped3A : memref<!tpu.dma_semaphore, #tpu.memory_space<semaphore_mem>>) {add = true}
        %dma_wait3A_141 = arith.constant 0 : i32
        %dma_wait3A_142 = arith.constant 0 : i32
        %dma_wait3A_143 = tpu.memref_slice %arg7[%rem3A_80, %dma_wait3A_141, %dma_wait3A_142] : memref<2x80x128xf32, #tpu.memory_space<vmem>> -> memref<1x80x128xf32, #tpu.memory_space<vmem>>
        %dma_wait3A_144 = tpu.memref_squeeze %dma_wait3A_143 : memref<1x80x128xf32, #tpu.memory_space<vmem>> -> memref<80x128xf32, #tpu.memory_space<vmem>>
        %dma_wait3A_145 = arith.constant 0 : i32
        %dma_wait3A_146 = tpu.memref_slice %arg8[%rem3A_80, %dma_wait3A_145] : memref<2x80xi32, #tpu.memory_space<vmem>> -> memref<1x80xi32, #tpu.memory_space<vmem>>
        %dma_wait3A_147 = tpu.memref_squeeze %dma_wait3A_146 : memref<1x80xi32, #tpu.memory_space<vmem>> -> memref<80xi32, #tpu.memory_space<vmem>>
        %dma_wait3A_148 = arith.constant 0 : i32
        %dma_wait3A_149 = arith.constant 0 : i32
        %dma_wait3A_150 = tpu.memref_slice %arg12[%dma_wait3A_148, %dma_wait3A_149] : memref<10000x128xf32, #tpu.memory_space<vmem_shared>> -> memref<10000x128xf32, #tpu.memory_space<vmem_shared>>
        tpu.wait_indirect_dma semaphore(%run_scoped3A : memref<!tpu.dma_semaphore, #tpu.memory_space<semaphore_mem>>) src(%dma_wait3A_144 : memref<80x128xf32, #tpu.memory_space<vmem>>) dst(%dma_wait3A_150 : memref<10000x128xf32, #tpu.memory_space<vmem_shared>>)
        tpu.yield
      }) : () -> ()
      "tpu.region"() ({
        %run_scoped3A = tpu.sem_alloc : memref<!tpu.dma_semaphore, #tpu.memory_space<semaphore_mem>>
        %dma_start3A_131 = arith.constant 0 : i32
        %dma_start3A_132 = arith.constant 0 : i32
        %dma_start3A_133 = tpu.memref_slice %arg9[%rem3A_80, %dma_start3A_131, %dma_start3A_132] : memref<2x80x16xf32, #tpu.memory_space<vmem>> -> memref<1x80x16xf32, #tpu.memory_space<vmem>>
        %dma_start3A_134 = tpu.memref_squeeze %dma_start3A_133 : memref<1x80x16xf32, #tpu.memory_space<vmem>> -> memref<80x16xf32, #tpu.memory_space<vmem>>
        %dma_start3A_135 = arith.constant 0 : i32
        %dma_start3A_136 = tpu.memref_slice %arg8[%rem3A_80, %dma_start3A_135] : memref<2x80xi32, #tpu.memory_space<vmem>> -> memref<1x80xi32, #tpu.memory_space<vmem>>
        %dma_start3A_137 = tpu.memref_squeeze %dma_start3A_136 : memref<1x80xi32, #tpu.memory_space<vmem>> -> memref<80xi32, #tpu.memory_space<vmem>>
        %dma_start3A_138 = arith.constant 0 : i32
        %dma_start3A_139 = arith.constant 0 : i32
        %dma_start3A_140 = tpu.memref_slice %arg13[%dma_start3A_138, %dma_start3A_139] : memref<10000x16xf32, #tpu.memory_space<vmem_shared>> -> memref<10000x16xf32, #tpu.memory_space<vmem_shared>>
        tpu.enqueue_indirect_dma source(%dma_start3A_134 : memref<80x16xf32, #tpu.memory_space<vmem>>) target(%dma_start3A_140 : memref<10000x16xf32, #tpu.memory_space<vmem_shared>>) offsets(%dma_start3A_137 : memref<80xi32, #tpu.memory_space<vmem>>) semaphore(%run_scoped3A : memref<!tpu.dma_semaphore, #tpu.memory_space<semaphore_mem>>) {add = true}
        %dma_wait3A_141 = arith.constant 0 : i32
        %dma_wait3A_142 = arith.constant 0 : i32
        %dma_wait3A_143 = tpu.memref_slice %arg9[%rem3A_80, %dma_wait3A_141, %dma_wait3A_142] : memref<2x80x16xf32, #tpu.memory_space<vmem>> -> memref<1x80x16xf32, #tpu.memory_space<vmem>>
        %dma_wait3A_144 = tpu.memref_squeeze %dma_wait3A_143 : memref<1x80x16xf32, #tpu.memory_space<vmem>> -> memref<80x16xf32, #tpu.memory_space<vmem>>
        %dma_wait3A_145 = arith.constant 0 : i32
        %dma_wait3A_146 = tpu.memref_slice %arg8[%rem3A_80, %dma_wait3A_145] : memref<2x80xi32, #tpu.memory_space<vmem>> -> memref<1x80xi32, #tpu.memory_space<vmem>>
        %dma_wait3A_147 = tpu.memref_squeeze %dma_wait3A_146 : memref<1x80xi32, #tpu.memory_space<vmem>> -> memref<80xi32, #tpu.memory_space<vmem>>
        %dma_wait3A_148 = arith.constant 0 : i32
        %dma_wait3A_149 = arith.constant 0 : i32
        %dma_wait3A_150 = tpu.memref_slice %arg13[%dma_wait3A_148, %dma_wait3A_149] : memref<10000x16xf32, #tpu.memory_space<vmem_shared>> -> memref<10000x16xf32, #tpu.memory_space<vmem_shared>>
        tpu.wait_indirect_dma semaphore(%run_scoped3A : memref<!tpu.dma_semaphore, #tpu.memory_space<semaphore_mem>>) src(%dma_wait3A_144 : memref<80x16xf32, #tpu.memory_space<vmem>>) dst(%dma_wait3A_150 : memref<10000x16xf32, #tpu.memory_space<vmem_shared>>)
        tpu.yield
      }) : () -> ()
      %scan3A_130 = arith.constant 0 : i32
      scf.yield %scan3A_130 : i32
    }
    %scan3A_74 = arith.constant 125 : i32
    %barrier3A_75 = arith.constant 0 : index
    tpu.barrier barrier_id(%barrier3A_75)
    %eq3A = arith.constant 0 : i32
    %eq3A_76 = arith.cmpi eq, %arg1, %eq3A : i32
    %convert_element_type3A = arith.extui %eq3A_76 : i1 to i32
    %cond3A = arith.constant 0 : i32
    %cond3A_77 = arith.cmpi ne, %convert_element_type3A, %cond3A : i32
    scf.if %cond3A_77 {
      "tpu.region"() ({
        %run_scoped3A = tpu.sem_alloc : memref<!tpu.dma_semaphore, #tpu.memory_space<semaphore_mem>>
        %dma_start3A_78 = arith.constant 0 : i32
        %dma_start3A_79 = arith.constant 0 : i32
        %dma_start3A_80 = tpu.memref_slice %arg5[%arg0, %dma_start3A_78, %dma_start3A_79] : memref<2x10000x128xf32, #tpu.memory_space<hbm>> -> memref<1x10000x128xf32, #tpu.memory_space<hbm>>
        %dma_start3A_81 = tpu.memref_squeeze %dma_start3A_80 : memref<1x10000x128xf32, #tpu.memory_space<hbm>> -> memref<10000x128xf32, #tpu.memory_space<hbm>>
        tpu.enqueue_dma source(%arg12 : memref<10000x128xf32, #tpu.memory_space<vmem_shared>>) target(%dma_start3A_81 : memref<10000x128xf32, #tpu.memory_space<hbm>>) target_semaphore(%run_scoped3A : memref<!tpu.dma_semaphore, #tpu.memory_space<semaphore_mem>>)
        %dma_wait3A = arith.constant 0 : i32
        %dma_wait3A_82 = arith.constant 0 : i32
        %dma_wait3A_83 = tpu.memref_slice %arg5[%arg0, %dma_wait3A, %dma_wait3A_82] : memref<2x10000x128xf32, #tpu.memory_space<hbm>> -> memref<1x10000x128xf32, #tpu.memory_space<hbm>>
        %dma_wait3A_84 = tpu.memref_squeeze %dma_wait3A_83 : memref<1x10000x128xf32, #tpu.memory_space<hbm>> -> memref<10000x128xf32, #tpu.memory_space<hbm>>
        tpu.wait_dma2 semaphore(%run_scoped3A : memref<!tpu.dma_semaphore, #tpu.memory_space<semaphore_mem>>) src(%arg12 : memref<10000x128xf32, #tpu.memory_space<vmem_shared>>) dst(%dma_wait3A_84 : memref<10000x128xf32, #tpu.memory_space<hbm>>)
        tpu.yield
      }) : () -> ()
      "tpu.region"() ({
        %run_scoped3A = tpu.sem_alloc : memref<!tpu.dma_semaphore, #tpu.memory_space<semaphore_mem>>
        %dma_start3A_78 = arith.constant 0 : i32
        %dma_start3A_79 = arith.constant 0 : i32
        %dma_start3A_80 = tpu.memref_slice %arg6[%arg0, %dma_start3A_78, %dma_start3A_79] : memref<2x10000x16xf32, #tpu.memory_space<hbm>> -> memref<1x10000x16xf32, #tpu.memory_space<hbm>>
        %dma_start3A_81 = tpu.memref_squeeze %dma_start3A_80 : memref<1x10000x16xf32, #tpu.memory_space<hbm>> -> memref<10000x16xf32, #tpu.memory_space<hbm>>
        tpu.enqueue_dma source(%arg13 : memref<10000x16xf32, #tpu.memory_space<vmem_shared>>) target(%dma_start3A_81 : memref<10000x16xf32, #tpu.memory_space<hbm>>) target_semaphore(%run_scoped3A : memref<!tpu.dma_semaphore, #tpu.memory_space<semaphore_mem>>)
        %dma_wait3A = arith.constant 0 : i32
        %dma_wait3A_82 = arith.constant 0 : i32
        %dma_wait3A_83 = tpu.memref_slice %arg6[%arg0, %dma_wait3A, %dma_wait3A_82] : memref<2x10000x16xf32, #tpu.memory_space<hbm>> -> memref<1x10000x16xf32, #tpu.memory_space<hbm>>
        %dma_wait3A_84 = tpu.memref_squeeze %dma_wait3A_83 : memref<1x10000x16xf32, #tpu.memory_space<hbm>> -> memref<10000x16xf32, #tpu.memory_space<hbm>>
        tpu.wait_dma2 semaphore(%run_scoped3A : memref<!tpu.dma_semaphore, #tpu.memory_space<semaphore_mem>>) src(%arg13 : memref<10000x16xf32, #tpu.memory_space<vmem_shared>>) dst(%dma_wait3A_84 : memref<10000x16xf32, #tpu.memory_space<hbm>>)
        tpu.yield
      }) : () -> ()
    } else {
    }
    return
  }
}

#map = affine_map<(d0, d1) -> (0, 0)>
#map1 = affine_map<(d0, d1) -> (0)>
module attributes {stable_mosaic.version = 14 : i64} {
  func.func @_gather_body(%arg0: i32, %arg1: i32, %arg2: memref<10000x128xf32, #tpu.memory_space<hbm>>, %arg3: memref<10000x16xf32, #tpu.memory_space<hbm>>, %arg4: memref<320000xi32, #tpu.memory_space<hbm>>, %arg5: memref<320000xi32, #tpu.memory_space<hbm>>, %arg6: memref<320000x128xf32, #tpu.memory_space<hbm>>, %arg7: memref<320000x16xf32, #tpu.memory_space<hbm>>, %arg8: memref<2x216xi32, #tpu.memory_space<vmem>>, %arg9: memref<2x216xi32, #tpu.memory_space<vmem>>, %arg10: memref<2x200x128xf32, #tpu.memory_space<vmem>>, %arg11: memref<2x200x16xf32, #tpu.memory_space<vmem>>, %arg12: memref<2x200x16xf32, #tpu.memory_space<vmem>>, %arg13: memref<2x200x16xf32, #tpu.memory_space<vmem>>, %arg14: memref<2x!tpu.dma_semaphore, #tpu.memory_space<semaphore_mem>>, %arg15: memref<2x!tpu.dma_semaphore, #tpu.memory_space<semaphore_mem>>) attributes {dimension_semantics = [#tpu.dimension_semantics<core_parallel>, #tpu.dimension_semantics<subcore_parallel>], iteration_bounds = array<i64: 2, 16>, scalar_prefetch = 0 : i64, scratch_operands = 8 : i64, tpu.core_type = #tpu.core_type<sc_vector_subcore>, window_params = [{transform_indices = #map}, {transform_indices = #map}, {transform_indices = #map1}, {transform_indices = #map1}, {transform_indices = #map}, {transform_indices = #map}]} {
    %mul3A = arith.constant 2 : i32
    %mul3A_0 = arith.muli %arg1, %mul3A : i32
    %add3A = arith.addi %mul3A_0, %arg0 : i32
    %mul3A_1 = arith.constant 10000 : i32
    %mul3A_2 = arith.muli %add3A, %mul3A_1 : i32
    %iota3A = tpu.iota {dimensions = array<i32: 0>} : vector<16xi32>
    %eq3A = arith.constant 12 : i32
    %eq3A_3 = vector.broadcast %eq3A : i32 to vector<16xi32>
    %eq3A_4 = arith.cmpi eq, %iota3A, %eq3A_3 : vector<16xi32>
    %add3A_5 = arith.constant 0 : i32
    %add3A_6 = arith.addi %mul3A_2, %add3A_5 : i32
    %run_scoped3A = arith.constant 0 : i32
    "tpu.region"() ({
      %run_scoped3A_129 = tpu.sem_alloc : memref<!tpu.dma_semaphore, #tpu.memory_space<semaphore_mem>>
      %dma_start3A_130 = arith.constant 0 : i32
      %dma_start3A_131 = tpu.memref_slice %arg8[%run_scoped3A, %dma_start3A_130] : memref<2x216xi32, #tpu.memory_space<vmem>> -> memref<1x200xi32, #tpu.memory_space<vmem>>
      %dma_start3A_132 = tpu.memref_squeeze %dma_start3A_131 : memref<1x200xi32, #tpu.memory_space<vmem>> -> memref<200xi32, #tpu.memory_space<vmem>>
      %dma_start3A_133 = tpu.memref_slice %arg4[%add3A_6] : memref<320000xi32, #tpu.memory_space<hbm>> -> memref<200xi32, #tpu.memory_space<hbm>>
      %dma_start3A_134 = arith.constant 0 : i32
      %dma_start3A_135 = tpu.memref_slice %arg8[%run_scoped3A, %dma_start3A_134] : memref<2x216xi32, #tpu.memory_space<vmem>> -> memref<1x200xi32, #tpu.memory_space<vmem>>
      %dma_start3A_136 = tpu.memref_squeeze %dma_start3A_135 : memref<1x200xi32, #tpu.memory_space<vmem>> -> memref<200xi32, #tpu.memory_space<vmem>>
      %dma_start3A_137 = tpu.memref_slice %arg4[%add3A_6] : memref<320000xi32, #tpu.memory_space<hbm>> -> memref<200xi32, #tpu.memory_space<hbm>>
      tpu.enqueue_dma source(%dma_start3A_137 : memref<200xi32, #tpu.memory_space<hbm>>) target(%dma_start3A_136 : memref<200xi32, #tpu.memory_space<vmem>>) target_semaphore(%run_scoped3A_129 : memref<!tpu.dma_semaphore, #tpu.memory_space<semaphore_mem>>)
      %dma_wait3A_138 = arith.constant 0 : i32
      %dma_wait3A_139 = tpu.memref_slice %arg8[%run_scoped3A, %dma_wait3A_138] : memref<2x216xi32, #tpu.memory_space<vmem>> -> memref<1x200xi32, #tpu.memory_space<vmem>>
      %dma_wait3A_140 = tpu.memref_squeeze %dma_wait3A_139 : memref<1x200xi32, #tpu.memory_space<vmem>> -> memref<200xi32, #tpu.memory_space<vmem>>
      %dma_wait3A_141 = tpu.memref_slice %arg4[%add3A_6] : memref<320000xi32, #tpu.memory_space<hbm>> -> memref<200xi32, #tpu.memory_space<hbm>>
      %dma_wait3A_142 = arith.constant 0 : i32
      %dma_wait3A_143 = tpu.memref_slice %arg8[%run_scoped3A, %dma_wait3A_142] : memref<2x216xi32, #tpu.memory_space<vmem>> -> memref<1x200xi32, #tpu.memory_space<vmem>>
      %dma_wait3A_144 = tpu.memref_squeeze %dma_wait3A_143 : memref<1x200xi32, #tpu.memory_space<vmem>> -> memref<200xi32, #tpu.memory_space<vmem>>
      %dma_wait3A_145 = tpu.memref_slice %arg4[%add3A_6] : memref<320000xi32, #tpu.memory_space<hbm>> -> memref<200xi32, #tpu.memory_space<hbm>>
      tpu.wait_dma2 semaphore(%run_scoped3A_129 : memref<!tpu.dma_semaphore, #tpu.memory_space<semaphore_mem>>) src(%dma_wait3A_145 : memref<200xi32, #tpu.memory_space<hbm>>) dst(%dma_wait3A_144 : memref<200xi32, #tpu.memory_space<vmem>>)
      tpu.yield
    }) : () -> ()
    %run_scoped3A_7 = arith.constant 0 : i32
    "tpu.region"() ({
      %run_scoped3A_129 = tpu.sem_alloc : memref<!tpu.dma_semaphore, #tpu.memory_space<semaphore_mem>>
      %dma_start3A_130 = arith.constant 0 : i32
      %dma_start3A_131 = tpu.memref_slice %arg9[%run_scoped3A_7, %dma_start3A_130] : memref<2x216xi32, #tpu.memory_space<vmem>> -> memref<1x200xi32, #tpu.memory_space<vmem>>
      %dma_start3A_132 = tpu.memref_squeeze %dma_start3A_131 : memref<1x200xi32, #tpu.memory_space<vmem>> -> memref<200xi32, #tpu.memory_space<vmem>>
      %dma_start3A_133 = tpu.memref_slice %arg5[%add3A_6] : memref<320000xi32, #tpu.memory_space<hbm>> -> memref<200xi32, #tpu.memory_space<hbm>>
      %dma_start3A_134 = arith.constant 0 : i32
      %dma_start3A_135 = tpu.memref_slice %arg9[%run_scoped3A_7, %dma_start3A_134] : memref<2x216xi32, #tpu.memory_space<vmem>> -> memref<1x200xi32, #tpu.memory_space<vmem>>
      %dma_start3A_136 = tpu.memref_squeeze %dma_start3A_135 : memref<1x200xi32, #tpu.memory_space<vmem>> -> memref<200xi32, #tpu.memory_space<vmem>>
      %dma_start3A_137 = tpu.memref_slice %arg5[%add3A_6] : memref<320000xi32, #tpu.memory_space<hbm>> -> memref<200xi32, #tpu.memory_space<hbm>>
      tpu.enqueue_dma source(%dma_start3A_137 : memref<200xi32, #tpu.memory_space<hbm>>) target(%dma_start3A_136 : memref<200xi32, #tpu.memory_space<vmem>>) target_semaphore(%run_scoped3A_129 : memref<!tpu.dma_semaphore, #tpu.memory_space<semaphore_mem>>)
      %dma_wait3A_138 = arith.constant 0 : i32
      %dma_wait3A_139 = tpu.memref_slice %arg9[%run_scoped3A_7, %dma_wait3A_138] : memref<2x216xi32, #tpu.memory_space<vmem>> -> memref<1x200xi32, #tpu.memory_space<vmem>>
      %dma_wait3A_140 = tpu.memref_squeeze %dma_wait3A_139 : memref<1x200xi32, #tpu.memory_space<vmem>> -> memref<200xi32, #tpu.memory_space<vmem>>
      %dma_wait3A_141 = tpu.memref_slice %arg5[%add3A_6] : memref<320000xi32, #tpu.memory_space<hbm>> -> memref<200xi32, #tpu.memory_space<hbm>>
      %dma_wait3A_142 = arith.constant 0 : i32
      %dma_wait3A_143 = tpu.memref_slice %arg9[%run_scoped3A_7, %dma_wait3A_142] : memref<2x216xi32, #tpu.memory_space<vmem>> -> memref<1x200xi32, #tpu.memory_space<vmem>>
      %dma_wait3A_144 = tpu.memref_squeeze %dma_wait3A_143 : memref<1x200xi32, #tpu.memory_space<vmem>> -> memref<200xi32, #tpu.memory_space<vmem>>
      %dma_wait3A_145 = tpu.memref_slice %arg5[%add3A_6] : memref<320000xi32, #tpu.memory_space<hbm>> -> memref<200xi32, #tpu.memory_space<hbm>>
      tpu.wait_dma2 semaphore(%run_scoped3A_129 : memref<!tpu.dma_semaphore, #tpu.memory_space<semaphore_mem>>) src(%dma_wait3A_145 : memref<200xi32, #tpu.memory_space<hbm>>) dst(%dma_wait3A_144 : memref<200xi32, #tpu.memory_space<vmem>>)
      tpu.yield
    }) : () -> ()
    %dma_start3A = arith.constant 0 : i32
    %dma_start3A_8 = arith.constant 0 : i32
    %dma_start3A_9 = arith.constant 0 : i32
    %dma_start3A_10 = arith.constant 0 : i32
    %dma_start3A_11 = arith.constant 0 : i32
    %dma_start3A_12 = tpu.memref_slice %arg10[%dma_start3A_8, %dma_start3A_10, %dma_start3A_11] : memref<2x200x128xf32, #tpu.memory_space<vmem>> -> memref<1x200x128xf32, #tpu.memory_space<vmem>>
    %dma_start3A_13 = tpu.memref_squeeze %dma_start3A_12 : memref<1x200x128xf32, #tpu.memory_space<vmem>> -> memref<200x128xf32, #tpu.memory_space<vmem>>
    %dma_start3A_14 = arith.constant 0 : i32
    %dma_start3A_15 = tpu.memref_slice %arg8[%dma_start3A, %dma_start3A_14] : memref<2x216xi32, #tpu.memory_space<vmem>> -> memref<1x200xi32, #tpu.memory_space<vmem>>
    %dma_start3A_16 = tpu.memref_squeeze %dma_start3A_15 : memref<1x200xi32, #tpu.memory_space<vmem>> -> memref<200xi32, #tpu.memory_space<vmem>>
    %dma_start3A_17 = arith.constant 0 : i32
    %dma_start3A_18 = arith.constant 0 : i32
    %dma_start3A_19 = tpu.memref_slice %arg2[%dma_start3A_17, %dma_start3A_18] : memref<10000x128xf32, #tpu.memory_space<hbm>> -> memref<10000x128xf32, #tpu.memory_space<hbm>>
    %dma_start3A_20 = tpu.memref_slice %arg14[%dma_start3A_9] : memref<2x!tpu.dma_semaphore, #tpu.memory_space<semaphore_mem>> -> memref<1x!tpu.dma_semaphore, #tpu.memory_space<semaphore_mem>>
    %dma_start3A_21 = tpu.memref_squeeze %dma_start3A_20 : memref<1x!tpu.dma_semaphore, #tpu.memory_space<semaphore_mem>> -> memref<!tpu.dma_semaphore, #tpu.memory_space<semaphore_mem>>
    tpu.enqueue_indirect_dma source(%dma_start3A_19 : memref<10000x128xf32, #tpu.memory_space<hbm>>) target(%dma_start3A_13 : memref<200x128xf32, #tpu.memory_space<vmem>>) offsets(%dma_start3A_16 : memref<200xi32, #tpu.memory_space<vmem>>) semaphore(%dma_start3A_21 : memref<!tpu.dma_semaphore, #tpu.memory_space<semaphore_mem>>)
    %dma_start3A_22 = arith.constant 0 : i32
    %dma_start3A_23 = arith.constant 0 : i32
    %dma_start3A_24 = arith.constant 0 : i32
    %dma_start3A_25 = arith.constant 0 : i32
    %dma_start3A_26 = arith.constant 0 : i32
    %dma_start3A_27 = tpu.memref_slice %arg11[%dma_start3A_23, %dma_start3A_25, %dma_start3A_26] : memref<2x200x16xf32, #tpu.memory_space<vmem>> -> memref<1x200x16xf32, #tpu.memory_space<vmem>>
    %dma_start3A_28 = tpu.memref_squeeze %dma_start3A_27 : memref<1x200x16xf32, #tpu.memory_space<vmem>> -> memref<200x16xf32, #tpu.memory_space<vmem>>
    %dma_start3A_29 = arith.constant 0 : i32
    %dma_start3A_30 = tpu.memref_slice %arg8[%dma_start3A_22, %dma_start3A_29] : memref<2x216xi32, #tpu.memory_space<vmem>> -> memref<1x200xi32, #tpu.memory_space<vmem>>
    %dma_start3A_31 = tpu.memref_squeeze %dma_start3A_30 : memref<1x200xi32, #tpu.memory_space<vmem>> -> memref<200xi32, #tpu.memory_space<vmem>>
    %dma_start3A_32 = arith.constant 0 : i32
    %dma_start3A_33 = arith.constant 0 : i32
    %dma_start3A_34 = tpu.memref_slice %arg3[%dma_start3A_32, %dma_start3A_33] : memref<10000x16xf32, #tpu.memory_space<hbm>> -> memref<10000x16xf32, #tpu.memory_space<hbm>>
    %dma_start3A_35 = tpu.memref_slice %arg14[%dma_start3A_24] : memref<2x!tpu.dma_semaphore, #tpu.memory_space<semaphore_mem>> -> memref<1x!tpu.dma_semaphore, #tpu.memory_space<semaphore_mem>>
    %dma_start3A_36 = tpu.memref_squeeze %dma_start3A_35 : memref<1x!tpu.dma_semaphore, #tpu.memory_space<semaphore_mem>> -> memref<!tpu.dma_semaphore, #tpu.memory_space<semaphore_mem>>
    tpu.enqueue_indirect_dma source(%dma_start3A_34 : memref<10000x16xf32, #tpu.memory_space<hbm>>) target(%dma_start3A_28 : memref<200x16xf32, #tpu.memory_space<vmem>>) offsets(%dma_start3A_31 : memref<200xi32, #tpu.memory_space<vmem>>) semaphore(%dma_start3A_36 : memref<!tpu.dma_semaphore, #tpu.memory_space<semaphore_mem>>)
    %dma_start3A_37 = arith.constant 0 : i32
    %dma_start3A_38 = arith.constant 0 : i32
    %dma_start3A_39 = arith.constant 0 : i32
    %dma_start3A_40 = arith.constant 0 : i32
    %dma_start3A_41 = arith.constant 0 : i32
    %dma_start3A_42 = tpu.memref_slice %arg12[%dma_start3A_38, %dma_start3A_40, %dma_start3A_41] : memref<2x200x16xf32, #tpu.memory_space<vmem>> -> memref<1x200x16xf32, #tpu.memory_space<vmem>>
    %dma_start3A_43 = tpu.memref_squeeze %dma_start3A_42 : memref<1x200x16xf32, #tpu.memory_space<vmem>> -> memref<200x16xf32, #tpu.memory_space<vmem>>
    %dma_start3A_44 = arith.constant 0 : i32
    %dma_start3A_45 = tpu.memref_slice %arg9[%dma_start3A_37, %dma_start3A_44] : memref<2x216xi32, #tpu.memory_space<vmem>> -> memref<1x200xi32, #tpu.memory_space<vmem>>
    %dma_start3A_46 = tpu.memref_squeeze %dma_start3A_45 : memref<1x200xi32, #tpu.memory_space<vmem>> -> memref<200xi32, #tpu.memory_space<vmem>>
    %dma_start3A_47 = arith.constant 0 : i32
    %dma_start3A_48 = arith.constant 0 : i32
    %dma_start3A_49 = tpu.memref_slice %arg3[%dma_start3A_47, %dma_start3A_48] : memref<10000x16xf32, #tpu.memory_space<hbm>> -> memref<10000x16xf32, #tpu.memory_space<hbm>>
    %dma_start3A_50 = tpu.memref_slice %arg14[%dma_start3A_39] : memref<2x!tpu.dma_semaphore, #tpu.memory_space<semaphore_mem>> -> memref<1x!tpu.dma_semaphore, #tpu.memory_space<semaphore_mem>>
    %dma_start3A_51 = tpu.memref_squeeze %dma_start3A_50 : memref<1x!tpu.dma_semaphore, #tpu.memory_space<semaphore_mem>> -> memref<!tpu.dma_semaphore, #tpu.memory_space<semaphore_mem>>
    tpu.enqueue_indirect_dma source(%dma_start3A_49 : memref<10000x16xf32, #tpu.memory_space<hbm>>) target(%dma_start3A_43 : memref<200x16xf32, #tpu.memory_space<vmem>>) offsets(%dma_start3A_46 : memref<200xi32, #tpu.memory_space<vmem>>) semaphore(%dma_start3A_51 : memref<!tpu.dma_semaphore, #tpu.memory_space<semaphore_mem>>)
    %scan3A = arith.constant 0 : i32
    %scan3A_52 = arith.constant 0 : i32
    %scan3A_53 = arith.constant 50 : i32
    %scan3A_54 = arith.addi %scan3A_52, %scan3A_53 : i32
    %scan3A_55 = arith.constant 1 : i32
    %scan3A_56 = scf.for %scan3A_129 = %scan3A_52 to %scan3A_54 step %scan3A_55 iter_args(%scan3A_130 = %scan3A) -> (i32)  : i32 {
      %rem3A = arith.constant 2 : i32
      %rem3A_131 = arith.remsi %scan3A_129, %rem3A : i32
      %sub3A = arith.constant 1 : i32
      %sub3A_132 = arith.subi %sub3A, %rem3A_131 : i32
      %add3A_133 = arith.constant 1 : i32
      %add3A_134 = arith.addi %scan3A_129, %add3A_133 : i32
      %lt3A = arith.constant 50 : i32
      %lt3A_135 = arith.cmpi slt, %add3A_134, %lt3A : i32
      %convert_element_type3A = arith.extui %lt3A_135 : i1 to i32
      %cond3A = arith.constant 0 : i32
      %cond3A_136 = arith.cmpi ne, %convert_element_type3A, %cond3A : i32
      scf.if %cond3A_136 {
        %ge3A = arith.constant 1 : i32
        %ge3A_486 = arith.cmpi sge, %scan3A_129, %ge3A : i32
        %convert_element_type3A_487 = arith.extui %ge3A_486 : i1 to i32
        %cond3A_488 = arith.constant 0 : i32
        %cond3A_489 = arith.cmpi ne, %convert_element_type3A_487, %cond3A_488 : i32
        scf.if %cond3A_489 {
          %dma_wait3A_531 = arith.constant 0 : i32
          %dma_wait3A_532 = arith.constant 0 : i32
          %dma_wait3A_533 = tpu.memref_slice %arg10[%sub3A_132, %dma_wait3A_531, %dma_wait3A_532] : memref<2x200x128xf32, #tpu.memory_space<vmem>> -> memref<1x200x128xf32, #tpu.memory_space<vmem>>
          %dma_wait3A_534 = tpu.memref_squeeze %dma_wait3A_533 : memref<1x200x128xf32, #tpu.memory_space<vmem>> -> memref<200x128xf32, #tpu.memory_space<vmem>>
          %dma_wait3A_535 = arith.constant 0 : i32
          %dma_wait3A_536 = arith.constant 0 : i32
          %dma_wait3A_537 = tpu.memref_slice %arg6[%dma_wait3A_535, %dma_wait3A_536] : memref<320000x128xf32, #tpu.memory_space<hbm>> -> memref<200x128xf32, #tpu.memory_space<hbm>>
          %dma_wait3A_538 = tpu.memref_slice %arg15[%sub3A_132] : memref<2x!tpu.dma_semaphore, #tpu.memory_space<semaphore_mem>> -> memref<1x!tpu.dma_semaphore, #tpu.memory_space<semaphore_mem>>
          %dma_wait3A_539 = tpu.memref_squeeze %dma_wait3A_538 : memref<1x!tpu.dma_semaphore, #tpu.memory_space<semaphore_mem>> -> memref<!tpu.dma_semaphore, #tpu.memory_space<semaphore_mem>>
          %dma_wait3A_540 = arith.constant 0 : i32
          %dma_wait3A_541 = arith.constant 0 : i32
          %dma_wait3A_542 = tpu.memref_slice %arg6[%dma_wait3A_540, %dma_wait3A_541] : memref<320000x128xf32, #tpu.memory_space<hbm>> -> memref<200x128xf32, #tpu.memory_space<hbm>>
          %dma_wait3A_543 = arith.constant 0 : i32
          %dma_wait3A_544 = arith.constant 0 : i32
          %dma_wait3A_545 = tpu.memref_slice %arg10[%sub3A_132, %dma_wait3A_543, %dma_wait3A_544] : memref<2x200x128xf32, #tpu.memory_space<vmem>> -> memref<1x200x128xf32, #tpu.memory_space<vmem>>
          %dma_wait3A_546 = tpu.memref_squeeze %dma_wait3A_545 : memref<1x200x128xf32, #tpu.memory_space<vmem>> -> memref<200x128xf32, #tpu.memory_space<vmem>>
          tpu.wait_dma2 semaphore(%dma_wait3A_539 : memref<!tpu.dma_semaphore, #tpu.memory_space<semaphore_mem>>) src(%dma_wait3A_546 : memref<200x128xf32, #tpu.memory_space<vmem>>) dst(%dma_wait3A_542 : memref<200x128xf32, #tpu.memory_space<hbm>>)
          %dma_wait3A_547 = arith.constant 0 : i32
          %dma_wait3A_548 = arith.constant 0 : i32
          %dma_wait3A_549 = tpu.memref_slice %arg13[%sub3A_132, %dma_wait3A_547, %dma_wait3A_548] : memref<2x200x16xf32, #tpu.memory_space<vmem>> -> memref<1x200x16xf32, #tpu.memory_space<vmem>>
          %dma_wait3A_550 = tpu.memref_squeeze %dma_wait3A_549 : memref<1x200x16xf32, #tpu.memory_space<vmem>> -> memref<200x16xf32, #tpu.memory_space<vmem>>
          %dma_wait3A_551 = arith.constant 0 : i32
          %dma_wait3A_552 = arith.constant 0 : i32
          %dma_wait3A_553 = tpu.memref_slice %arg7[%dma_wait3A_551, %dma_wait3A_552] : memref<320000x16xf32, #tpu.memory_space<hbm>> -> memref<200x16xf32, #tpu.memory_space<hbm>>
          %dma_wait3A_554 = tpu.memref_slice %arg15[%sub3A_132] : memref<2x!tpu.dma_semaphore, #tpu.memory_space<semaphore_mem>> -> memref<1x!tpu.dma_semaphore, #tpu.memory_space<semaphore_mem>>
          %dma_wait3A_555 = tpu.memref_squeeze %dma_wait3A_554 : memref<1x!tpu.dma_semaphore, #tpu.memory_space<semaphore_mem>> -> memref<!tpu.dma_semaphore, #tpu.memory_space<semaphore_mem>>
          %dma_wait3A_556 = arith.constant 0 : i32
          %dma_wait3A_557 = arith.constant 0 : i32
          %dma_wait3A_558 = tpu.memref_slice %arg7[%dma_wait3A_556, %dma_wait3A_557] : memref<320000x16xf32, #tpu.memory_space<hbm>> -> memref<200x16xf32, #tpu.memory_space<hbm>>
          %dma_wait3A_559 = arith.constant 0 : i32
          %dma_wait3A_560 = arith.constant 0 : i32
          %dma_wait3A_561 = tpu.memref_slice %arg13[%sub3A_132, %dma_wait3A_559, %dma_wait3A_560] : memref<2x200x16xf32, #tpu.memory_space<vmem>> -> memref<1x200x16xf32, #tpu.memory_space<vmem>>
          %dma_wait3A_562 = tpu.memref_squeeze %dma_wait3A_561 : memref<1x200x16xf32, #tpu.memory_space<vmem>> -> memref<200x16xf32, #tpu.memory_space<vmem>>
          tpu.wait_dma2 semaphore(%dma_wait3A_555 : memref<!tpu.dma_semaphore, #tpu.memory_space<semaphore_mem>>) src(%dma_wait3A_562 : memref<200x16xf32, #tpu.memory_space<vmem>>) dst(%dma_wait3A_558 : memref<200x16xf32, #tpu.memory_space<hbm>>)
        } else {
        }
        %add3A_490 = arith.constant 1 : i32
        %add3A_491 = arith.addi %scan3A_129, %add3A_490 : i32
        %mul3A_492 = arith.constant 200 : i32
        %mul3A_493 = arith.muli %add3A_491, %mul3A_492 : i32
        %add3A_494 = arith.addi %mul3A_2, %mul3A_493 : i32
        "tpu.region"() ({
          %run_scoped3A_531 = tpu.sem_alloc : memref<!tpu.dma_semaphore, #tpu.memory_space<semaphore_mem>>
          %dma_start3A_532 = arith.constant 0 : i32
          %dma_start3A_533 = tpu.memref_slice %arg8[%sub3A_132, %dma_start3A_532] : memref<2x216xi32, #tpu.memory_space<vmem>> -> memref<1x200xi32, #tpu.memory_space<vmem>>
          %dma_start3A_534 = tpu.memref_squeeze %dma_start3A_533 : memref<1x200xi32, #tpu.memory_space<vmem>> -> memref<200xi32, #tpu.memory_space<vmem>>
          %dma_start3A_535 = tpu.memref_slice %arg4[%add3A_494] : memref<320000xi32, #tpu.memory_space<hbm>> -> memref<200xi32, #tpu.memory_space<hbm>>
          %dma_start3A_536 = arith.constant 0 : i32
          %dma_start3A_537 = tpu.memref_slice %arg8[%sub3A_132, %dma_start3A_536] : memref<2x216xi32, #tpu.memory_space<vmem>> -> memref<1x200xi32, #tpu.memory_space<vmem>>
          %dma_start3A_538 = tpu.memref_squeeze %dma_start3A_537 : memref<1x200xi32, #tpu.memory_space<vmem>> -> memref<200xi32, #tpu.memory_space<vmem>>
          %dma_start3A_539 = tpu.memref_slice %arg4[%add3A_494] : memref<320000xi32, #tpu.memory_space<hbm>> -> memref<200xi32, #tpu.memory_space<hbm>>
          tpu.enqueue_dma source(%dma_start3A_539 : memref<200xi32, #tpu.memory_space<hbm>>) target(%dma_start3A_538 : memref<200xi32, #tpu.memory_space<vmem>>) target_semaphore(%run_scoped3A_531 : memref<!tpu.dma_semaphore, #tpu.memory_space<semaphore_mem>>)
          %dma_wait3A_540 = arith.constant 0 : i32
          %dma_wait3A_541 = tpu.memref_slice %arg8[%sub3A_132, %dma_wait3A_540] : memref<2x216xi32, #tpu.memory_space<vmem>> -> memref<1x200xi32, #tpu.memory_space<vmem>>
          %dma_wait3A_542 = tpu.memref_squeeze %dma_wait3A_541 : memref<1x200xi32, #tpu.memory_space<vmem>> -> memref<200xi32, #tpu.memory_space<vmem>>
          %dma_wait3A_543 = tpu.memref_slice %arg4[%add3A_494] : memref<320000xi32, #tpu.memory_space<hbm>> -> memref<200xi32, #tpu.memory_space<hbm>>
          %dma_wait3A_544 = arith.constant 0 : i32
          %dma_wait3A_545 = tpu.memref_slice %arg8[%sub3A_132, %dma_wait3A_544] : memref<2x216xi32, #tpu.memory_space<vmem>> -> memref<1x200xi32, #tpu.memory_space<vmem>>
          %dma_wait3A_546 = tpu.memref_squeeze %dma_wait3A_545 : memref<1x200xi32, #tpu.memory_space<vmem>> -> memref<200xi32, #tpu.memory_space<vmem>>
          %dma_wait3A_547 = tpu.memref_slice %arg4[%add3A_494] : memref<320000xi32, #tpu.memory_space<hbm>> -> memref<200xi32, #tpu.memory_space<hbm>>
          tpu.wait_dma2 semaphore(%run_scoped3A_531 : memref<!tpu.dma_semaphore, #tpu.memory_space<semaphore_mem>>) src(%dma_wait3A_547 : memref<200xi32, #tpu.memory_space<hbm>>) dst(%dma_wait3A_546 : memref<200xi32, #tpu.memory_space<vmem>>)
          tpu.yield
        }) : () -> ()
        "tpu.region"() ({
          %run_scoped3A_531 = tpu.sem_alloc : memref<!tpu.dma_semaphore, #tpu.memory_space<semaphore_mem>>
          %dma_start3A_532 = arith.constant 0 : i32
          %dma_start3A_533 = tpu.memref_slice %arg9[%sub3A_132, %dma_start3A_532] : memref<2x216xi32, #tpu.memory_space<vmem>> -> memref<1x200xi32, #tpu.memory_space<vmem>>
          %dma_start3A_534 = tpu.memref_squeeze %dma_start3A_533 : memref<1x200xi32, #tpu.memory_space<vmem>> -> memref<200xi32, #tpu.memory_space<vmem>>
          %dma_start3A_535 = tpu.memref_slice %arg5[%add3A_494] : memref<320000xi32, #tpu.memory_space<hbm>> -> memref<200xi32, #tpu.memory_space<hbm>>
          %dma_start3A_536 = arith.constant 0 : i32
          %dma_start3A_537 = tpu.memref_slice %arg9[%sub3A_132, %dma_start3A_536] : memref<2x216xi32, #tpu.memory_space<vmem>> -> memref<1x200xi32, #tpu.memory_space<vmem>>
          %dma_start3A_538 = tpu.memref_squeeze %dma_start3A_537 : memref<1x200xi32, #tpu.memory_space<vmem>> -> memref<200xi32, #tpu.memory_space<vmem>>
          %dma_start3A_539 = tpu.memref_slice %arg5[%add3A_494] : memref<320000xi32, #tpu.memory_space<hbm>> -> memref<200xi32, #tpu.memory_space<hbm>>
          tpu.enqueue_dma source(%dma_start3A_539 : memref<200xi32, #tpu.memory_space<hbm>>) target(%dma_start3A_538 : memref<200xi32, #tpu.memory_space<vmem>>) target_semaphore(%run_scoped3A_531 : memref<!tpu.dma_semaphore, #tpu.memory_space<semaphore_mem>>)
          %dma_wait3A_540 = arith.constant 0 : i32
          %dma_wait3A_541 = tpu.memref_slice %arg9[%sub3A_132, %dma_wait3A_540] : memref<2x216xi32, #tpu.memory_space<vmem>> -> memref<1x200xi32, #tpu.memory_space<vmem>>
          %dma_wait3A_542 = tpu.memref_squeeze %dma_wait3A_541 : memref<1x200xi32, #tpu.memory_space<vmem>> -> memref<200xi32, #tpu.memory_space<vmem>>
          %dma_wait3A_543 = tpu.memref_slice %arg5[%add3A_494] : memref<320000xi32, #tpu.memory_space<hbm>> -> memref<200xi32, #tpu.memory_space<hbm>>
          %dma_wait3A_544 = arith.constant 0 : i32
          %dma_wait3A_545 = tpu.memref_slice %arg9[%sub3A_132, %dma_wait3A_544] : memref<2x216xi32, #tpu.memory_space<vmem>> -> memref<1x200xi32, #tpu.memory_space<vmem>>
          %dma_wait3A_546 = tpu.memref_squeeze %dma_wait3A_545 : memref<1x200xi32, #tpu.memory_space<vmem>> -> memref<200xi32, #tpu.memory_space<vmem>>
          %dma_wait3A_547 = tpu.memref_slice %arg5[%add3A_494] : memref<320000xi32, #tpu.memory_space<hbm>> -> memref<200xi32, #tpu.memory_space<hbm>>
          tpu.wait_dma2 semaphore(%run_scoped3A_531 : memref<!tpu.dma_semaphore, #tpu.memory_space<semaphore_mem>>) src(%dma_wait3A_547 : memref<200xi32, #tpu.memory_space<hbm>>) dst(%dma_wait3A_546 : memref<200xi32, #tpu.memory_space<vmem>>)
          tpu.yield
        }) : () -> ()
        %dma_start3A_495 = arith.constant 0 : i32
        %dma_start3A_496 = arith.constant 0 : i32
        %dma_start3A_497 = tpu.memref_slice %arg10[%sub3A_132, %dma_start3A_495, %dma_start3A_496] : memref<2x200x128xf32, #tpu.memory_space<vmem>> -> memref<1x200x128xf32, #tpu.memory_space<vmem>>
        %dma_start3A_498 = tpu.memref_squeeze %dma_start3A_497 : memref<1x200x128xf32, #tpu.memory_space<vmem>> -> memref<200x128xf32, #tpu.memory_space<vmem>>
        %dma_start3A_499 = arith.constant 0 : i32
        %dma_start3A_500 = tpu.memref_slice %arg8[%sub3A_132, %dma_start3A_499] : memref<2x216xi32, #tpu.memory_space<vmem>> -> memref<1x200xi32, #tpu.memory_space<vmem>>
        %dma_start3A_501 = tpu.memref_squeeze %dma_start3A_500 : memref<1x200xi32, #tpu.memory_space<vmem>> -> memref<200xi32, #tpu.memory_space<vmem>>
        %dma_start3A_502 = arith.constant 0 : i32
        %dma_start3A_503 = arith.constant 0 : i32
        %dma_start3A_504 = tpu.memref_slice %arg2[%dma_start3A_502, %dma_start3A_503] : memref<10000x128xf32, #tpu.memory_space<hbm>> -> memref<10000x128xf32, #tpu.memory_space<hbm>>
        %dma_start3A_505 = tpu.memref_slice %arg14[%sub3A_132] : memref<2x!tpu.dma_semaphore, #tpu.memory_space<semaphore_mem>> -> memref<1x!tpu.dma_semaphore, #tpu.memory_space<semaphore_mem>>
        %dma_start3A_506 = tpu.memref_squeeze %dma_start3A_505 : memref<1x!tpu.dma_semaphore, #tpu.memory_space<semaphore_mem>> -> memref<!tpu.dma_semaphore, #tpu.memory_space<semaphore_mem>>
        tpu.enqueue_indirect_dma source(%dma_start3A_504 : memref<10000x128xf32, #tpu.memory_space<hbm>>) target(%dma_start3A_498 : memref<200x128xf32, #tpu.memory_space<vmem>>) offsets(%dma_start3A_501 : memref<200xi32, #tpu.memory_space<vmem>>) semaphore(%dma_start3A_506 : memref<!tpu.dma_semaphore, #tpu.memory_space<semaphore_mem>>)
        %dma_start3A_507 = arith.constant 0 : i32
        %dma_start3A_508 = arith.constant 0 : i32
        %dma_start3A_509 = tpu.memref_slice %arg11[%sub3A_132, %dma_start3A_507, %dma_start3A_508] : memref<2x200x16xf32, #tpu.memory_space<vmem>> -> memref<1x200x16xf32, #tpu.memory_space<vmem>>
        %dma_start3A_510 = tpu.memref_squeeze %dma_start3A_509 : memref<1x200x16xf32, #tpu.memory_space<vmem>> -> memref<200x16xf32, #tpu.memory_space<vmem>>
        %dma_start3A_511 = arith.constant 0 : i32
        %dma_start3A_512 = tpu.memref_slice %arg8[%sub3A_132, %dma_start3A_511] : memref<2x216xi32, #tpu.memory_space<vmem>> -> memref<1x200xi32, #tpu.memory_space<vmem>>
        %dma_start3A_513 = tpu.memref_squeeze %dma_start3A_512 : memref<1x200xi32, #tpu.memory_space<vmem>> -> memref<200xi32, #tpu.memory_space<vmem>>
        %dma_start3A_514 = arith.constant 0 : i32
        %dma_start3A_515 = arith.constant 0 : i32
        %dma_start3A_516 = tpu.memref_slice %arg3[%dma_start3A_514, %dma_start3A_515] : memref<10000x16xf32, #tpu.memory_space<hbm>> -> memref<10000x16xf32, #tpu.memory_space<hbm>>
        %dma_start3A_517 = tpu.memref_slice %arg14[%sub3A_132] : memref<2x!tpu.dma_semaphore, #tpu.memory_space<semaphore_mem>> -> memref<1x!tpu.dma_semaphore, #tpu.memory_space<semaphore_mem>>
        %dma_start3A_518 = tpu.memref_squeeze %dma_start3A_517 : memref<1x!tpu.dma_semaphore, #tpu.memory_space<semaphore_mem>> -> memref<!tpu.dma_semaphore, #tpu.memory_space<semaphore_mem>>
        tpu.enqueue_indirect_dma source(%dma_start3A_516 : memref<10000x16xf32, #tpu.memory_space<hbm>>) target(%dma_start3A_510 : memref<200x16xf32, #tpu.memory_space<vmem>>) offsets(%dma_start3A_513 : memref<200xi32, #tpu.memory_space<vmem>>) semaphore(%dma_start3A_518 : memref<!tpu.dma_semaphore, #tpu.memory_space<semaphore_mem>>)
        %dma_start3A_519 = arith.constant 0 : i32
        %dma_start3A_520 = arith.constant 0 : i32
        %dma_start3A_521 = tpu.memref_slice %arg12[%sub3A_132, %dma_start3A_519, %dma_start3A_520] : memref<2x200x16xf32, #tpu.memory_space<vmem>> -> memref<1x200x16xf32, #tpu.memory_space<vmem>>
        %dma_start3A_522 = tpu.memref_squeeze %dma_start3A_521 : memref<1x200x16xf32, #tpu.memory_space<vmem>> -> memref<200x16xf32, #tpu.memory_space<vmem>>
        %dma_start3A_523 = arith.constant 0 : i32
        %dma_start3A_524 = tpu.memref_slice %arg9[%sub3A_132, %dma_start3A_523] : memref<2x216xi32, #tpu.memory_space<vmem>> -> memref<1x200xi32, #tpu.memory_space<vmem>>
        %dma_start3A_525 = tpu.memref_squeeze %dma_start3A_524 : memref<1x200xi32, #tpu.memory_space<vmem>> -> memref<200xi32, #tpu.memory_space<vmem>>
        %dma_start3A_526 = arith.constant 0 : i32
        %dma_start3A_527 = arith.constant 0 : i32
        %dma_start3A_528 = tpu.memref_slice %arg3[%dma_start3A_526, %dma_start3A_527] : memref<10000x16xf32, #tpu.memory_space<hbm>> -> memref<10000x16xf32, #tpu.memory_space<hbm>>
        %dma_start3A_529 = tpu.memref_slice %arg14[%sub3A_132] : memref<2x!tpu.dma_semaphore, #tpu.memory_space<semaphore_mem>> -> memref<1x!tpu.dma_semaphore, #tpu.memory_space<semaphore_mem>>
        %dma_start3A_530 = tpu.memref_squeeze %dma_start3A_529 : memref<1x!tpu.dma_semaphore, #tpu.memory_space<semaphore_mem>> -> memref<!tpu.dma_semaphore, #tpu.memory_space<semaphore_mem>>
        tpu.enqueue_indirect_dma source(%dma_start3A_528 : memref<10000x16xf32, #tpu.memory_space<hbm>>) target(%dma_start3A_522 : memref<200x16xf32, #tpu.memory_space<vmem>>) offsets(%dma_start3A_525 : memref<200xi32, #tpu.memory_space<vmem>>) semaphore(%dma_start3A_530 : memref<!tpu.dma_semaphore, #tpu.memory_space<semaphore_mem>>)
      } else {
      }
      %dma_wait3A_137 = arith.constant 0 : i32
      %dma_wait3A_138 = arith.constant 0 : i32
      %dma_wait3A_139 = tpu.memref_slice %arg10[%rem3A_131, %dma_wait3A_137, %dma_wait3A_138] : memref<2x200x128xf32, #tpu.memory_space<vmem>> -> memref<1x200x128xf32, #tpu.memory_space<vmem>>
      %dma_wait3A_140 = tpu.memref_squeeze %dma_wait3A_139 : memref<1x200x128xf32, #tpu.memory_space<vmem>> -> memref<200x128xf32, #tpu.memory_space<vmem>>
      %dma_wait3A_141 = arith.constant 0 : i32
      %dma_wait3A_142 = tpu.memref_slice %arg8[%rem3A_131, %dma_wait3A_141] : memref<2x216xi32, #tpu.memory_space<vmem>> -> memref<1x200xi32, #tpu.memory_space<vmem>>
      %dma_wait3A_143 = tpu.memref_squeeze %dma_wait3A_142 : memref<1x200xi32, #tpu.memory_space<vmem>> -> memref<200xi32, #tpu.memory_space<vmem>>
      %dma_wait3A_144 = arith.constant 0 : i32
      %dma_wait3A_145 = arith.constant 0 : i32
      %dma_wait3A_146 = tpu.memref_slice %arg2[%dma_wait3A_144, %dma_wait3A_145] : memref<10000x128xf32, #tpu.memory_space<hbm>> -> memref<10000x128xf32, #tpu.memory_space<hbm>>
      %dma_wait3A_147 = tpu.memref_slice %arg14[%rem3A_131] : memref<2x!tpu.dma_semaphore, #tpu.memory_space<semaphore_mem>> -> memref<1x!tpu.dma_semaphore, #tpu.memory_space<semaphore_mem>>
      %dma_wait3A_148 = tpu.memref_squeeze %dma_wait3A_147 : memref<1x!tpu.dma_semaphore, #tpu.memory_space<semaphore_mem>> -> memref<!tpu.dma_semaphore, #tpu.memory_space<semaphore_mem>>
      tpu.wait_indirect_dma semaphore(%dma_wait3A_148 : memref<!tpu.dma_semaphore, #tpu.memory_space<semaphore_mem>>) src(%dma_wait3A_146 : memref<10000x128xf32, #tpu.memory_space<hbm>>) dst(%dma_wait3A_140 : memref<200x128xf32, #tpu.memory_space<vmem>>)
      %dma_wait3A_149 = arith.constant 0 : i32
      %dma_wait3A_150 = arith.constant 0 : i32
      %dma_wait3A_151 = tpu.memref_slice %arg11[%rem3A_131, %dma_wait3A_149, %dma_wait3A_150] : memref<2x200x16xf32, #tpu.memory_space<vmem>> -> memref<1x200x16xf32, #tpu.memory_space<vmem>>
      %dma_wait3A_152 = tpu.memref_squeeze %dma_wait3A_151 : memref<1x200x16xf32, #tpu.memory_space<vmem>> -> memref<200x16xf32, #tpu.memory_space<vmem>>
      %dma_wait3A_153 = arith.constant 0 : i32
      %dma_wait3A_154 = tpu.memref_slice %arg8[%rem3A_131, %dma_wait3A_153] : memref<2x216xi32, #tpu.memory_space<vmem>> -> memref<1x200xi32, #tpu.memory_space<vmem>>
      %dma_wait3A_155 = tpu.memref_squeeze %dma_wait3A_154 : memref<1x200xi32, #tpu.memory_space<vmem>> -> memref<200xi32, #tpu.memory_space<vmem>>
      %dma_wait3A_156 = arith.constant 0 : i32
      %dma_wait3A_157 = arith.constant 0 : i32
      %dma_wait3A_158 = tpu.memref_slice %arg3[%dma_wait3A_156, %dma_wait3A_157] : memref<10000x16xf32, #tpu.memory_space<hbm>> -> memref<10000x16xf32, #tpu.memory_space<hbm>>
      %dma_wait3A_159 = tpu.memref_slice %arg14[%rem3A_131] : memref<2x!tpu.dma_semaphore, #tpu.memory_space<semaphore_mem>> -> memref<1x!tpu.dma_semaphore, #tpu.memory_space<semaphore_mem>>
      %dma_wait3A_160 = tpu.memref_squeeze %dma_wait3A_159 : memref<1x!tpu.dma_semaphore, #tpu.memory_space<semaphore_mem>> -> memref<!tpu.dma_semaphore, #tpu.memory_space<semaphore_mem>>
      tpu.wait_indirect_dma semaphore(%dma_wait3A_160 : memref<!tpu.dma_semaphore, #tpu.memory_space<semaphore_mem>>) src(%dma_wait3A_158 : memref<10000x16xf32, #tpu.memory_space<hbm>>) dst(%dma_wait3A_152 : memref<200x16xf32, #tpu.memory_space<vmem>>)
      %dma_wait3A_161 = arith.constant 0 : i32
      %dma_wait3A_162 = arith.constant 0 : i32
      %dma_wait3A_163 = tpu.memref_slice %arg12[%rem3A_131, %dma_wait3A_161, %dma_wait3A_162] : memref<2x200x16xf32, #tpu.memory_space<vmem>> -> memref<1x200x16xf32, #tpu.memory_space<vmem>>
      %dma_wait3A_164 = tpu.memref_squeeze %dma_wait3A_163 : memref<1x200x16xf32, #tpu.memory_space<vmem>> -> memref<200x16xf32, #tpu.memory_space<vmem>>
      %dma_wait3A_165 = arith.constant 0 : i32
      %dma_wait3A_166 = tpu.memref_slice %arg9[%rem3A_131, %dma_wait3A_165] : memref<2x216xi32, #tpu.memory_space<vmem>> -> memref<1x200xi32, #tpu.memory_space<vmem>>
      %dma_wait3A_167 = tpu.memref_squeeze %dma_wait3A_166 : memref<1x200xi32, #tpu.memory_space<vmem>> -> memref<200xi32, #tpu.memory_space<vmem>>
      %dma_wait3A_168 = arith.constant 0 : i32
      %dma_wait3A_169 = arith.constant 0 : i32
      %dma_wait3A_170 = tpu.memref_slice %arg3[%dma_wait3A_168, %dma_wait3A_169] : memref<10000x16xf32, #tpu.memory_space<hbm>> -> memref<10000x16xf32, #tpu.memory_space<hbm>>
      %dma_wait3A_171 = tpu.memref_slice %arg14[%rem3A_131] : memref<2x!tpu.dma_semaphore, #tpu.memory_space<semaphore_mem>> -> memref<1x!tpu.dma_semaphore, #tpu.memory_space<semaphore_mem>>
      %dma_wait3A_172 = tpu.memref_squeeze %dma_wait3A_171 : memref<1x!tpu.dma_semaphore, #tpu.memory_space<semaphore_mem>> -> memref<!tpu.dma_semaphore, #tpu.memory_space<semaphore_mem>>
      tpu.wait_indirect_dma semaphore(%dma_wait3A_172 : memref<!tpu.dma_semaphore, #tpu.memory_space<semaphore_mem>>) src(%dma_wait3A_170 : memref<10000x16xf32, #tpu.memory_space<hbm>>) dst(%dma_wait3A_164 : memref<200x16xf32, #tpu.memory_space<vmem>>)
      %scan3A_173 = arith.constant 0 : i32
      %scan3A_174 = arith.constant 0 : i32
      %scan3A_175 = arith.constant 12 : i32
      %scan3A_176 = arith.addi %scan3A_174, %scan3A_175 : i32
      %scan3A_177 = arith.constant 1 : i32
      %scan3A_178 = scf.for %scan3A_486 = %scan3A_174 to %scan3A_176 step %scan3A_177 iter_args(%scan3A_487 = %scan3A_173) -> (i32)  : i32 {
        %mul3A_488 = arith.constant 16 : i32
        %mul3A_489 = arith.muli %scan3A_486, %mul3A_488 : i32
        %get3A_490 = arith.constant 0 : i32
        %get3A_491 = tpu.memref_slice %arg8[%rem3A_131, %get3A_490] : memref<2x216xi32, #tpu.memory_space<vmem>> -> memref<1x216xi32, #tpu.memory_space<vmem>>
        %get3A_492 = tpu.memref_squeeze %get3A_491 : memref<1x216xi32, #tpu.memory_space<vmem>> -> memref<216xi32, #tpu.memory_space<vmem>>
        %get3A_493 = arith.index_cast %mul3A_489 : i32 to index
        %get3A_494 = tpu.vector_load %get3A_492[%get3A_493] {strides = array<i32>} : memref<216xi32, #tpu.memory_space<vmem>>, vector<16xi32>,
        %get3A_495 = vector.shape_cast %get3A_494 : vector<16xi32> to vector<16xi32>
        %mul3A_496 = arith.constant 16 : i32
        %mul3A_497 = arith.muli %scan3A_486, %mul3A_496 : i32
        %get3A_498 = arith.constant 0 : i32
        %get3A_499 = tpu.memref_slice %arg9[%rem3A_131, %get3A_498] : memref<2x216xi32, #tpu.memory_space<vmem>> -> memref<1x216xi32, #tpu.memory_space<vmem>>
        %get3A_500 = tpu.memref_squeeze %get3A_499 : memref<1x216xi32, #tpu.memory_space<vmem>> -> memref<216xi32, #tpu.memory_space<vmem>>
        %get3A_501 = arith.index_cast %mul3A_497 : i32 to index
        %get3A_502 = tpu.vector_load %get3A_500[%get3A_501] {strides = array<i32>} : memref<216xi32, #tpu.memory_space<vmem>>, vector<16xi32>,
        %get3A_503 = vector.shape_cast %get3A_502 : vector<16xi32> to vector<16xi32>
        %ne3A_504 = arith.cmpi ne, %get3A_495, %get3A_503 : vector<16xi32>
        %jit3A_505 = arith.constant 1.000000e+00 : f32
        %jit3A_506 = arith.constant 0.000000e+00 : f32
        %broadcast_in_dim3A_507 = vector.broadcast %jit3A_505 : f32 to vector<16xf32>
        %broadcast_in_dim3A_508 = vector.broadcast %jit3A_506 : f32 to vector<16xf32>
        %select_n3A_509 = arith.select %ne3A_504, %broadcast_in_dim3A_507, %broadcast_in_dim3A_508 : vector<16xi1>, vector<16xf32>
        %mul3A_510 = arith.constant 16 : i32
        %mul3A_511 = arith.muli %scan3A_486, %mul3A_510 : i32
        %add3A_512 = arith.constant 0 : i32
        %add3A_513 = arith.addi %mul3A_511, %add3A_512 : i32
        %get3A_514 = arith.constant 0 : i32
        %get3A_515 = arith.constant 0 : i32
        %get3A_516 = tpu.memref_slice %arg12[%rem3A_131, %get3A_514, %get3A_515] : memref<2x200x16xf32, #tpu.memory_space<vmem>> -> memref<1x200x16xf32, #tpu.memory_space<vmem>>
        %get3A_517 = tpu.memref_squeeze %get3A_516 : memref<1x200x16xf32, #tpu.memory_space<vmem>> -> memref<200x16xf32, #tpu.memory_space<vmem>>
        %get3A_518 = arith.index_cast %add3A_513 : i32 to index
        %get3A_519 = arith.constant 0 : index
        %get3A_520 = tpu.vector_load %get3A_517[%get3A_518, %get3A_519] {strides = array<i32>} : memref<200x16xf32, #tpu.memory_space<vmem>>, vector<1x16xf32>,
        %get3A_521 = vector.shape_cast %get3A_520 : vector<1x16xf32> to vector<16xf32>
        %get3A_522 = arith.constant 0 : i32
        %get3A_523 = arith.constant 0 : i32
        %get3A_524 = tpu.memref_slice %arg11[%rem3A_131, %get3A_522, %get3A_523] : memref<2x200x16xf32, #tpu.memory_space<vmem>> -> memref<1x200x16xf32, #tpu.memory_space<vmem>>
        %get3A_525 = tpu.memref_squeeze %get3A_524 : memref<1x200x16xf32, #tpu.memory_space<vmem>> -> memref<200x16xf32, #tpu.memory_space<vmem>>
        %get3A_526 = arith.index_cast %add3A_513 : i32 to index
        %get3A_527 = arith.constant 0 : index
        %get3A_528 = tpu.vector_load %get3A_525[%get3A_526, %get3A_527] {strides = array<i32>} : memref<200x16xf32, #tpu.memory_space<vmem>>, vector<1x16xf32>,
        %get3A_529 = vector.shape_cast %get3A_528 : vector<1x16xf32> to vector<16xf32>
        %sub3A_530 = arith.subf %get3A_521, %get3A_529 : vector<16xf32>
        %slice3A_531 = vector.extract_strided_slice %select_n3A_509 {offsets = [0], sizes = [1], strides = [1]} : vector<16xf32> to vector<1xf32>
        %squeeze3A_532 = vector.extract %slice3A_531[0] : f32 from vector<1xf32>
        %broadcast_in_dim3A_533 = vector.broadcast %squeeze3A_532 : f32 to vector<16xf32>
        %select_n3A_534 = arith.select %eq3A_4, %broadcast_in_dim3A_533, %sub3A_530 : vector<16xi1>, vector<16xf32>
        %swap3A_535 = arith.constant 0 : i32
        %swap3A_536 = arith.constant 0 : i32
        %swap3A_537 = tpu.memref_slice %arg13[%rem3A_131, %swap3A_535, %swap3A_536] : memref<2x200x16xf32, #tpu.memory_space<vmem>> -> memref<1x200x16xf32, #tpu.memory_space<vmem>>
        %swap3A_538 = tpu.memref_squeeze %swap3A_537 : memref<1x200x16xf32, #tpu.memory_space<vmem>> -> memref<200x16xf32, #tpu.memory_space<vmem>>
        %swap3A_539 = arith.index_cast %add3A_513 : i32 to index
        %swap3A_540 = arith.constant 0 : index
        %swap3A_541 = tpu.vector_load %swap3A_538[%swap3A_539, %swap3A_540] {strides = array<i32>} : memref<200x16xf32, #tpu.memory_space<vmem>>, vector<1x16xf32>,
        %swap3A_542 = vector.shape_cast %swap3A_541 : vector<1x16xf32> to vector<16xf32>
        %swap3A_543 = vector.shape_cast %select_n3A_534 : vector<16xf32> to vector<1x16xf32>
        tpu.vector_store %swap3A_538[%swap3A_539, %swap3A_540], %swap3A_543 {strides = array<i32>} : memref<200x16xf32, #tpu.memory_space<vmem>>, vector<1x16xf32>,
        %mul3A_544 = arith.constant 16 : i32
        %mul3A_545 = arith.muli %scan3A_486, %mul3A_544 : i32
        %add3A_546 = arith.constant 1 : i32
        %add3A_547 = arith.addi %mul3A_545, %add3A_546 : i32
        %get3A_548 = arith.constant 0 : i32
        %get3A_549 = arith.constant 0 : i32
        %get3A_550 = tpu.memref_slice %arg12[%rem3A_131, %get3A_548, %get3A_549] : memref<2x200x16xf32, #tpu.memory_space<vmem>> -> memref<1x200x16xf32, #tpu.memory_space<vmem>>
        %get3A_551 = tpu.memref_squeeze %get3A_550 : memref<1x200x16xf32, #tpu.memory_space<vmem>> -> memref<200x16xf32, #tpu.memory_space<vmem>>
        %get3A_552 = arith.index_cast %add3A_547 : i32 to index
        %get3A_553 = arith.constant 0 : index
        %get3A_554 = tpu.vector_load %get3A_551[%get3A_552, %get3A_553] {strides = array<i32>} : memref<200x16xf32, #tpu.memory_space<vmem>>, vector<1x16xf32>,
        %get3A_555 = vector.shape_cast %get3A_554 : vector<1x16xf32> to vector<16xf32>
        %get3A_556 = arith.constant 0 : i32
        %get3A_557 = arith.constant 0 : i32
        %get3A_558 = tpu.memref_slice %arg11[%rem3A_131, %get3A_556, %get3A_557] : memref<2x200x16xf32, #tpu.memory_space<vmem>> -> memref<1x200x16xf32, #tpu.memory_space<vmem>>
        %get3A_559 = tpu.memref_squeeze %get3A_558 : memref<1x200x16xf32, #tpu.memory_space<vmem>> -> memref<200x16xf32, #tpu.memory_space<vmem>>
        %get3A_560 = arith.index_cast %add3A_547 : i32 to index
        %get3A_561 = arith.constant 0 : index
        %get3A_562 = tpu.vector_load %get3A_559[%get3A_560, %get3A_561] {strides = array<i32>} : memref<200x16xf32, #tpu.memory_space<vmem>>, vector<1x16xf32>,
        %get3A_563 = vector.shape_cast %get3A_562 : vector<1x16xf32> to vector<16xf32>
        %sub3A_564 = arith.subf %get3A_555, %get3A_563 : vector<16xf32>
        %slice3A_565 = vector.extract_strided_slice %select_n3A_509 {offsets = [1], sizes = [1], strides = [1]} : vector<16xf32> to vector<1xf32>
        %squeeze3A_566 = vector.extract %slice3A_565[0] : f32 from vector<1xf32>
        %broadcast_in_dim3A_567 = vector.broadcast %squeeze3A_566 : f32 to vector<16xf32>
        %select_n3A_568 = arith.select %eq3A_4, %broadcast_in_dim3A_567, %sub3A_564 : vector<16xi1>, vector<16xf32>
        %swap3A_569 = arith.constant 0 : i32
        %swap3A_570 = arith.constant 0 : i32
        %swap3A_571 = tpu.memref_slice %arg13[%rem3A_131, %swap3A_569, %swap3A_570] : memref<2x200x16xf32, #tpu.memory_space<vmem>> -> memref<1x200x16xf32, #tpu.memory_space<vmem>>
        %swap3A_572 = tpu.memref_squeeze %swap3A_571 : memref<1x200x16xf32, #tpu.memory_space<vmem>> -> memref<200x16xf32, #tpu.memory_space<vmem>>
        %swap3A_573 = arith.index_cast %add3A_547 : i32 to index
        %swap3A_574 = arith.constant 0 : index
        %swap3A_575 = tpu.vector_load %swap3A_572[%swap3A_573, %swap3A_574] {strides = array<i32>} : memref<200x16xf32, #tpu.memory_space<vmem>>, vector<1x16xf32>,
        %swap3A_576 = vector.shape_cast %swap3A_575 : vector<1x16xf32> to vector<16xf32>
        %swap3A_577 = vector.shape_cast %select_n3A_568 : vector<16xf32> to vector<1x16xf32>
        tpu.vector_store %swap3A_572[%swap3A_573, %swap3A_574], %swap3A_577 {strides = array<i32>} : memref<200x16xf32, #tpu.memory_space<vmem>>, vector<1x16xf32>,
        %mul3A_578 = arith.constant 16 : i32
        %mul3A_579 = arith.muli %scan3A_486, %mul3A_578 : i32
        %add3A_580 = arith.constant 2 : i32
        %add3A_581 = arith.addi %mul3A_579, %add3A_580 : i32
        %get3A_582 = arith.constant 0 : i32
        %get3A_583 = arith.constant 0 : i32
        %get3A_584 = tpu.memref_slice %arg12[%rem3A_131, %get3A_582, %get3A_583] : memref<2x200x16xf32, #tpu.memory_space<vmem>> -> memref<1x200x16xf32, #tpu.memory_space<vmem>>
        %get3A_585 = tpu.memref_squeeze %get3A_584 : memref<1x200x16xf32, #tpu.memory_space<vmem>> -> memref<200x16xf32, #tpu.memory_space<vmem>>
        %get3A_586 = arith.index_cast %add3A_581 : i32 to index
        %get3A_587 = arith.constant 0 : index
        %get3A_588 = tpu.vector_load %get3A_585[%get3A_586, %get3A_587] {strides = array<i32>} : memref<200x16xf32, #tpu.memory_space<vmem>>, vector<1x16xf32>,
        %get3A_589 = vector.shape_cast %get3A_588 : vector<1x16xf32> to vector<16xf32>
        %get3A_590 = arith.constant 0 : i32
        %get3A_591 = arith.constant 0 : i32
        %get3A_592 = tpu.memref_slice %arg11[%rem3A_131, %get3A_590, %get3A_591] : memref<2x200x16xf32, #tpu.memory_space<vmem>> -> memref<1x200x16xf32, #tpu.memory_space<vmem>>
        %get3A_593 = tpu.memref_squeeze %get3A_592 : memref<1x200x16xf32, #tpu.memory_space<vmem>> -> memref<200x16xf32, #tpu.memory_space<vmem>>
        %get3A_594 = arith.index_cast %add3A_581 : i32 to index
        %get3A_595 = arith.constant 0 : index
        %get3A_596 = tpu.vector_load %get3A_593[%get3A_594, %get3A_595] {strides = array<i32>} : memref<200x16xf32, #tpu.memory_space<vmem>>, vector<1x16xf32>,
        %get3A_597 = vector.shape_cast %get3A_596 : vector<1x16xf32> to vector<16xf32>
        %sub3A_598 = arith.subf %get3A_589, %get3A_597 : vector<16xf32>
        %slice3A_599 = vector.extract_strided_slice %select_n3A_509 {offsets = [2], sizes = [1], strides = [1]} : vector<16xf32> to vector<1xf32>
        %squeeze3A_600 = vector.extract %slice3A_599[0] : f32 from vector<1xf32>
        %broadcast_in_dim3A_601 = vector.broadcast %squeeze3A_600 : f32 to vector<16xf32>
        %select_n3A_602 = arith.select %eq3A_4, %broadcast_in_dim3A_601, %sub3A_598 : vector<16xi1>, vector<16xf32>
        %swap3A_603 = arith.constant 0 : i32
        %swap3A_604 = arith.constant 0 : i32
        %swap3A_605 = tpu.memref_slice %arg13[%rem3A_131, %swap3A_603, %swap3A_604] : memref<2x200x16xf32, #tpu.memory_space<vmem>> -> memref<1x200x16xf32, #tpu.memory_space<vmem>>
        %swap3A_606 = tpu.memref_squeeze %swap3A_605 : memref<1x200x16xf32, #tpu.memory_space<vmem>> -> memref<200x16xf32, #tpu.memory_space<vmem>>
        %swap3A_607 = arith.index_cast %add3A_581 : i32 to index
        %swap3A_608 = arith.constant 0 : index
        %swap3A_609 = tpu.vector_load %swap3A_606[%swap3A_607, %swap3A_608] {strides = array<i32>} : memref<200x16xf32, #tpu.memory_space<vmem>>, vector<1x16xf32>,
        %swap3A_610 = vector.shape_cast %swap3A_609 : vector<1x16xf32> to vector<16xf32>
        %swap3A_611 = vector.shape_cast %select_n3A_602 : vector<16xf32> to vector<1x16xf32>
        tpu.vector_store %swap3A_606[%swap3A_607, %swap3A_608], %swap3A_611 {strides = array<i32>} : memref<200x16xf32, #tpu.memory_space<vmem>>, vector<1x16xf32>,
        %mul3A_612 = arith.constant 16 : i32
        %mul3A_613 = arith.muli %scan3A_486, %mul3A_612 : i32
        %add3A_614 = arith.constant 3 : i32
        %add3A_615 = arith.addi %mul3A_613, %add3A_614 : i32
        %get3A_616 = arith.constant 0 : i32
        %get3A_617 = arith.constant 0 : i32
        %get3A_618 = tpu.memref_slice %arg12[%rem3A_131, %get3A_616, %get3A_617] : memref<2x200x16xf32, #tpu.memory_space<vmem>> -> memref<1x200x16xf32, #tpu.memory_space<vmem>>
        %get3A_619 = tpu.memref_squeeze %get3A_618 : memref<1x200x16xf32, #tpu.memory_space<vmem>> -> memref<200x16xf32, #tpu.memory_space<vmem>>
        %get3A_620 = arith.index_cast %add3A_615 : i32 to index
        %get3A_621 = arith.constant 0 : index
        %get3A_622 = tpu.vector_load %get3A_619[%get3A_620, %get3A_621] {strides = array<i32>} : memref<200x16xf32, #tpu.memory_space<vmem>>, vector<1x16xf32>,
        %get3A_623 = vector.shape_cast %get3A_622 : vector<1x16xf32> to vector<16xf32>
        %get3A_624 = arith.constant 0 : i32
        %get3A_625 = arith.constant 0 : i32
        %get3A_626 = tpu.memref_slice %arg11[%rem3A_131, %get3A_624, %get3A_625] : memref<2x200x16xf32, #tpu.memory_space<vmem>> -> memref<1x200x16xf32, #tpu.memory_space<vmem>>
        %get3A_627 = tpu.memref_squeeze %get3A_626 : memref<1x200x16xf32, #tpu.memory_space<vmem>> -> memref<200x16xf32, #tpu.memory_space<vmem>>
        %get3A_628 = arith.index_cast %add3A_615 : i32 to index
        %get3A_629 = arith.constant 0 : index
        %get3A_630 = tpu.vector_load %get3A_627[%get3A_628, %get3A_629] {strides = array<i32>} : memref<200x16xf32, #tpu.memory_space<vmem>>, vector<1x16xf32>,
        %get3A_631 = vector.shape_cast %get3A_630 : vector<1x16xf32> to vector<16xf32>
        %sub3A_632 = arith.subf %get3A_623, %get3A_631 : vector<16xf32>
        %slice3A_633 = vector.extract_strided_slice %select_n3A_509 {offsets = [3], sizes = [1], strides = [1]} : vector<16xf32> to vector<1xf32>
        %squeeze3A_634 = vector.extract %slice3A_633[0] : f32 from vector<1xf32>
        %broadcast_in_dim3A_635 = vector.broadcast %squeeze3A_634 : f32 to vector<16xf32>
        %select_n3A_636 = arith.select %eq3A_4, %broadcast_in_dim3A_635, %sub3A_632 : vector<16xi1>, vector<16xf32>
        %swap3A_637 = arith.constant 0 : i32
        %swap3A_638 = arith.constant 0 : i32
        %swap3A_639 = tpu.memref_slice %arg13[%rem3A_131, %swap3A_637, %swap3A_638] : memref<2x200x16xf32, #tpu.memory_space<vmem>> -> memref<1x200x16xf32, #tpu.memory_space<vmem>>
        %swap3A_640 = tpu.memref_squeeze %swap3A_639 : memref<1x200x16xf32, #tpu.memory_space<vmem>> -> memref<200x16xf32, #tpu.memory_space<vmem>>
        %swap3A_641 = arith.index_cast %add3A_615 : i32 to index
        %swap3A_642 = arith.constant 0 : index
        %swap3A_643 = tpu.vector_load %swap3A_640[%swap3A_641, %swap3A_642] {strides = array<i32>} : memref<200x16xf32, #tpu.memory_space<vmem>>, vector<1x16xf32>,
        %swap3A_644 = vector.shape_cast %swap3A_643 : vector<1x16xf32> to vector<16xf32>
        %swap3A_645 = vector.shape_cast %select_n3A_636 : vector<16xf32> to vector<1x16xf32>
        tpu.vector_store %swap3A_640[%swap3A_641, %swap3A_642], %swap3A_645 {strides = array<i32>} : memref<200x16xf32, #tpu.memory_space<vmem>>, vector<1x16xf32>,
        %mul3A_646 = arith.constant 16 : i32
        %mul3A_647 = arith.muli %scan3A_486, %mul3A_646 : i32
        %add3A_648 = arith.constant 4 : i32
        %add3A_649 = arith.addi %mul3A_647, %add3A_648 : i32
        %get3A_650 = arith.constant 0 : i32
        %get3A_651 = arith.constant 0 : i32
        %get3A_652 = tpu.memref_slice %arg12[%rem3A_131, %get3A_650, %get3A_651] : memref<2x200x16xf32, #tpu.memory_space<vmem>> -> memref<1x200x16xf32, #tpu.memory_space<vmem>>
        %get3A_653 = tpu.memref_squeeze %get3A_652 : memref<1x200x16xf32, #tpu.memory_space<vmem>> -> memref<200x16xf32, #tpu.memory_space<vmem>>
        %get3A_654 = arith.index_cast %add3A_649 : i32 to index
        %get3A_655 = arith.constant 0 : index
        %get3A_656 = tpu.vector_load %get3A_653[%get3A_654, %get3A_655] {strides = array<i32>} : memref<200x16xf32, #tpu.memory_space<vmem>>, vector<1x16xf32>,
        %get3A_657 = vector.shape_cast %get3A_656 : vector<1x16xf32> to vector<16xf32>
        %get3A_658 = arith.constant 0 : i32
        %get3A_659 = arith.constant 0 : i32
        %get3A_660 = tpu.memref_slice %arg11[%rem3A_131, %get3A_658, %get3A_659] : memref<2x200x16xf32, #tpu.memory_space<vmem>> -> memref<1x200x16xf32, #tpu.memory_space<vmem>>
        %get3A_661 = tpu.memref_squeeze %get3A_660 : memref<1x200x16xf32, #tpu.memory_space<vmem>> -> memref<200x16xf32, #tpu.memory_space<vmem>>
        %get3A_662 = arith.index_cast %add3A_649 : i32 to index
        %get3A_663 = arith.constant 0 : index
        %get3A_664 = tpu.vector_load %get3A_661[%get3A_662, %get3A_663] {strides = array<i32>} : memref<200x16xf32, #tpu.memory_space<vmem>>, vector<1x16xf32>,
        %get3A_665 = vector.shape_cast %get3A_664 : vector<1x16xf32> to vector<16xf32>
        %sub3A_666 = arith.subf %get3A_657, %get3A_665 : vector<16xf32>
        %slice3A_667 = vector.extract_strided_slice %select_n3A_509 {offsets = [4], sizes = [1], strides = [1]} : vector<16xf32> to vector<1xf32>
        %squeeze3A_668 = vector.extract %slice3A_667[0] : f32 from vector<1xf32>
        %broadcast_in_dim3A_669 = vector.broadcast %squeeze3A_668 : f32 to vector<16xf32>
        %select_n3A_670 = arith.select %eq3A_4, %broadcast_in_dim3A_669, %sub3A_666 : vector<16xi1>, vector<16xf32>
        %swap3A_671 = arith.constant 0 : i32
        %swap3A_672 = arith.constant 0 : i32
        %swap3A_673 = tpu.memref_slice %arg13[%rem3A_131, %swap3A_671, %swap3A_672] : memref<2x200x16xf32, #tpu.memory_space<vmem>> -> memref<1x200x16xf32, #tpu.memory_space<vmem>>
        %swap3A_674 = tpu.memref_squeeze %swap3A_673 : memref<1x200x16xf32, #tpu.memory_space<vmem>> -> memref<200x16xf32, #tpu.memory_space<vmem>>
        %swap3A_675 = arith.index_cast %add3A_649 : i32 to index
        %swap3A_676 = arith.constant 0 : index
        %swap3A_677 = tpu.vector_load %swap3A_674[%swap3A_675, %swap3A_676] {strides = array<i32>} : memref<200x16xf32, #tpu.memory_space<vmem>>, vector<1x16xf32>,
        %swap3A_678 = vector.shape_cast %swap3A_677 : vector<1x16xf32> to vector<16xf32>
        %swap3A_679 = vector.shape_cast %select_n3A_670 : vector<16xf32> to vector<1x16xf32>
        tpu.vector_store %swap3A_674[%swap3A_675, %swap3A_676], %swap3A_679 {strides = array<i32>} : memref<200x16xf32, #tpu.memory_space<vmem>>, vector<1x16xf32>,
        %mul3A_680 = arith.constant 16 : i32
        %mul3A_681 = arith.muli %scan3A_486, %mul3A_680 : i32
        %add3A_682 = arith.constant 5 : i32
        %add3A_683 = arith.addi %mul3A_681, %add3A_682 : i32
        %get3A_684 = arith.constant 0 : i32
        %get3A_685 = arith.constant 0 : i32
        %get3A_686 = tpu.memref_slice %arg12[%rem3A_131, %get3A_684, %get3A_685] : memref<2x200x16xf32, #tpu.memory_space<vmem>> -> memref<1x200x16xf32, #tpu.memory_space<vmem>>
        %get3A_687 = tpu.memref_squeeze %get3A_686 : memref<1x200x16xf32, #tpu.memory_space<vmem>> -> memref<200x16xf32, #tpu.memory_space<vmem>>
        %get3A_688 = arith.index_cast %add3A_683 : i32 to index
        %get3A_689 = arith.constant 0 : index
        %get3A_690 = tpu.vector_load %get3A_687[%get3A_688, %get3A_689] {strides = array<i32>} : memref<200x16xf32, #tpu.memory_space<vmem>>, vector<1x16xf32>,
        %get3A_691 = vector.shape_cast %get3A_690 : vector<1x16xf32> to vector<16xf32>
        %get3A_692 = arith.constant 0 : i32
        %get3A_693 = arith.constant 0 : i32
        %get3A_694 = tpu.memref_slice %arg11[%rem3A_131, %get3A_692, %get3A_693] : memref<2x200x16xf32, #tpu.memory_space<vmem>> -> memref<1x200x16xf32, #tpu.memory_space<vmem>>
        %get3A_695 = tpu.memref_squeeze %get3A_694 : memref<1x200x16xf32, #tpu.memory_space<vmem>> -> memref<200x16xf32, #tpu.memory_space<vmem>>
        %get3A_696 = arith.index_cast %add3A_683 : i32 to index
        %get3A_697 = arith.constant 0 : index
        %get3A_698 = tpu.vector_load %get3A_695[%get3A_696, %get3A_697] {strides = array<i32>} : memref<200x16xf32, #tpu.memory_space<vmem>>, vector<1x16xf32>,
        %get3A_699 = vector.shape_cast %get3A_698 : vector<1x16xf32> to vector<16xf32>
        %sub3A_700 = arith.subf %get3A_691, %get3A_699 : vector<16xf32>
        %slice3A_701 = vector.extract_strided_slice %select_n3A_509 {offsets = [5], sizes = [1], strides = [1]} : vector<16xf32> to vector<1xf32>
        %squeeze3A_702 = vector.extract %slice3A_701[0] : f32 from vector<1xf32>
        %broadcast_in_dim3A_703 = vector.broadcast %squeeze3A_702 : f32 to vector<16xf32>
        %select_n3A_704 = arith.select %eq3A_4, %broadcast_in_dim3A_703, %sub3A_700 : vector<16xi1>, vector<16xf32>
        %swap3A_705 = arith.constant 0 : i32
        %swap3A_706 = arith.constant 0 : i32
        %swap3A_707 = tpu.memref_slice %arg13[%rem3A_131, %swap3A_705, %swap3A_706] : memref<2x200x16xf32, #tpu.memory_space<vmem>> -> memref<1x200x16xf32, #tpu.memory_space<vmem>>
        %swap3A_708 = tpu.memref_squeeze %swap3A_707 : memref<1x200x16xf32, #tpu.memory_space<vmem>> -> memref<200x16xf32, #tpu.memory_space<vmem>>
        %swap3A_709 = arith.index_cast %add3A_683 : i32 to index
        %swap3A_710 = arith.constant 0 : index
        %swap3A_711 = tpu.vector_load %swap3A_708[%swap3A_709, %swap3A_710] {strides = array<i32>} : memref<200x16xf32, #tpu.memory_space<vmem>>, vector<1x16xf32>,
        %swap3A_712 = vector.shape_cast %swap3A_711 : vector<1x16xf32> to vector<16xf32>
        %swap3A_713 = vector.shape_cast %select_n3A_704 : vector<16xf32> to vector<1x16xf32>
        tpu.vector_store %swap3A_708[%swap3A_709, %swap3A_710], %swap3A_713 {strides = array<i32>} : memref<200x16xf32, #tpu.memory_space<vmem>>, vector<1x16xf32>,
        %mul3A_714 = arith.constant 16 : i32
        %mul3A_715 = arith.muli %scan3A_486, %mul3A_714 : i32
        %add3A_716 = arith.constant 6 : i32
        %add3A_717 = arith.addi %mul3A_715, %add3A_716 : i32
        %get3A_718 = arith.constant 0 : i32
        %get3A_719 = arith.constant 0 : i32
        %get3A_720 = tpu.memref_slice %arg12[%rem3A_131, %get3A_718, %get3A_719] : memref<2x200x16xf32, #tpu.memory_space<vmem>> -> memref<1x200x16xf32, #tpu.memory_space<vmem>>
        %get3A_721 = tpu.memref_squeeze %get3A_720 : memref<1x200x16xf32, #tpu.memory_space<vmem>> -> memref<200x16xf32, #tpu.memory_space<vmem>>
        %get3A_722 = arith.index_cast %add3A_717 : i32 to index
        %get3A_723 = arith.constant 0 : index
        %get3A_724 = tpu.vector_load %get3A_721[%get3A_722, %get3A_723] {strides = array<i32>} : memref<200x16xf32, #tpu.memory_space<vmem>>, vector<1x16xf32>,
        %get3A_725 = vector.shape_cast %get3A_724 : vector<1x16xf32> to vector<16xf32>
        %get3A_726 = arith.constant 0 : i32
        %get3A_727 = arith.constant 0 : i32
        %get3A_728 = tpu.memref_slice %arg11[%rem3A_131, %get3A_726, %get3A_727] : memref<2x200x16xf32, #tpu.memory_space<vmem>> -> memref<1x200x16xf32, #tpu.memory_space<vmem>>
        %get3A_729 = tpu.memref_squeeze %get3A_728 : memref<1x200x16xf32, #tpu.memory_space<vmem>> -> memref<200x16xf32, #tpu.memory_space<vmem>>
        %get3A_730 = arith.index_cast %add3A_717 : i32 to index
        %get3A_731 = arith.constant 0 : index
        %get3A_732 = tpu.vector_load %get3A_729[%get3A_730, %get3A_731] {strides = array<i32>} : memref<200x16xf32, #tpu.memory_space<vmem>>, vector<1x16xf32>,
        %get3A_733 = vector.shape_cast %get3A_732 : vector<1x16xf32> to vector<16xf32>
        %sub3A_734 = arith.subf %get3A_725, %get3A_733 : vector<16xf32>
        %slice3A_735 = vector.extract_strided_slice %select_n3A_509 {offsets = [6], sizes = [1], strides = [1]} : vector<16xf32> to vector<1xf32>
        %squeeze3A_736 = vector.extract %slice3A_735[0] : f32 from vector<1xf32>
        %broadcast_in_dim3A_737 = vector.broadcast %squeeze3A_736 : f32 to vector<16xf32>
        %select_n3A_738 = arith.select %eq3A_4, %broadcast_in_dim3A_737, %sub3A_734 : vector<16xi1>, vector<16xf32>
        %swap3A_739 = arith.constant 0 : i32
        %swap3A_740 = arith.constant 0 : i32
        %swap3A_741 = tpu.memref_slice %arg13[%rem3A_131, %swap3A_739, %swap3A_740] : memref<2x200x16xf32, #tpu.memory_space<vmem>> -> memref<1x200x16xf32, #tpu.memory_space<vmem>>
        %swap3A_742 = tpu.memref_squeeze %swap3A_741 : memref<1x200x16xf32, #tpu.memory_space<vmem>> -> memref<200x16xf32, #tpu.memory_space<vmem>>
        %swap3A_743 = arith.index_cast %add3A_717 : i32 to index
        %swap3A_744 = arith.constant 0 : index
        %swap3A_745 = tpu.vector_load %swap3A_742[%swap3A_743, %swap3A_744] {strides = array<i32>} : memref<200x16xf32, #tpu.memory_space<vmem>>, vector<1x16xf32>,
        %swap3A_746 = vector.shape_cast %swap3A_745 : vector<1x16xf32> to vector<16xf32>
        %swap3A_747 = vector.shape_cast %select_n3A_738 : vector<16xf32> to vector<1x16xf32>
        tpu.vector_store %swap3A_742[%swap3A_743, %swap3A_744], %swap3A_747 {strides = array<i32>} : memref<200x16xf32, #tpu.memory_space<vmem>>, vector<1x16xf32>,
        %mul3A_748 = arith.constant 16 : i32
        %mul3A_749 = arith.muli %scan3A_486, %mul3A_748 : i32
        %add3A_750 = arith.constant 7 : i32
        %add3A_751 = arith.addi %mul3A_749, %add3A_750 : i32
        %get3A_752 = arith.constant 0 : i32
        %get3A_753 = arith.constant 0 : i32
        %get3A_754 = tpu.memref_slice %arg12[%rem3A_131, %get3A_752, %get3A_753] : memref<2x200x16xf32, #tpu.memory_space<vmem>> -> memref<1x200x16xf32, #tpu.memory_space<vmem>>
        %get3A_755 = tpu.memref_squeeze %get3A_754 : memref<1x200x16xf32, #tpu.memory_space<vmem>> -> memref<200x16xf32, #tpu.memory_space<vmem>>
        %get3A_756 = arith.index_cast %add3A_751 : i32 to index
        %get3A_757 = arith.constant 0 : index
        %get3A_758 = tpu.vector_load %get3A_755[%get3A_756, %get3A_757] {strides = array<i32>} : memref<200x16xf32, #tpu.memory_space<vmem>>, vector<1x16xf32>,
        %get3A_759 = vector.shape_cast %get3A_758 : vector<1x16xf32> to vector<16xf32>
        %get3A_760 = arith.constant 0 : i32
        %get3A_761 = arith.constant 0 : i32
        %get3A_762 = tpu.memref_slice %arg11[%rem3A_131, %get3A_760, %get3A_761] : memref<2x200x16xf32, #tpu.memory_space<vmem>> -> memref<1x200x16xf32, #tpu.memory_space<vmem>>
        %get3A_763 = tpu.memref_squeeze %get3A_762 : memref<1x200x16xf32, #tpu.memory_space<vmem>> -> memref<200x16xf32, #tpu.memory_space<vmem>>
        %get3A_764 = arith.index_cast %add3A_751 : i32 to index
        %get3A_765 = arith.constant 0 : index
        %get3A_766 = tpu.vector_load %get3A_763[%get3A_764, %get3A_765] {strides = array<i32>} : memref<200x16xf32, #tpu.memory_space<vmem>>, vector<1x16xf32>,
        %get3A_767 = vector.shape_cast %get3A_766 : vector<1x16xf32> to vector<16xf32>
        %sub3A_768 = arith.subf %get3A_759, %get3A_767 : vector<16xf32>
        %slice3A_769 = vector.extract_strided_slice %select_n3A_509 {offsets = [7], sizes = [1], strides = [1]} : vector<16xf32> to vector<1xf32>
        %squeeze3A_770 = vector.extract %slice3A_769[0] : f32 from vector<1xf32>
        %broadcast_in_dim3A_771 = vector.broadcast %squeeze3A_770 : f32 to vector<16xf32>
        %select_n3A_772 = arith.select %eq3A_4, %broadcast_in_dim3A_771, %sub3A_768 : vector<16xi1>, vector<16xf32>
        %swap3A_773 = arith.constant 0 : i32
        %swap3A_774 = arith.constant 0 : i32
        %swap3A_775 = tpu.memref_slice %arg13[%rem3A_131, %swap3A_773, %swap3A_774] : memref<2x200x16xf32, #tpu.memory_space<vmem>> -> memref<1x200x16xf32, #tpu.memory_space<vmem>>
        %swap3A_776 = tpu.memref_squeeze %swap3A_775 : memref<1x200x16xf32, #tpu.memory_space<vmem>> -> memref<200x16xf32, #tpu.memory_space<vmem>>
        %swap3A_777 = arith.index_cast %add3A_751 : i32 to index
        %swap3A_778 = arith.constant 0 : index
        %swap3A_779 = tpu.vector_load %swap3A_776[%swap3A_777, %swap3A_778] {strides = array<i32>} : memref<200x16xf32, #tpu.memory_space<vmem>>, vector<1x16xf32>,
        %swap3A_780 = vector.shape_cast %swap3A_779 : vector<1x16xf32> to vector<16xf32>
        %swap3A_781 = vector.shape_cast %select_n3A_772 : vector<16xf32> to vector<1x16xf32>
        tpu.vector_store %swap3A_776[%swap3A_777, %swap3A_778], %swap3A_781 {strides = array<i32>} : memref<200x16xf32, #tpu.memory_space<vmem>>, vector<1x16xf32>,
        %mul3A_782 = arith.constant 16 : i32
        %mul3A_783 = arith.muli %scan3A_486, %mul3A_782 : i32
        %add3A_784 = arith.constant 8 : i32
        %add3A_785 = arith.addi %mul3A_783, %add3A_784 : i32
        %get3A_786 = arith.constant 0 : i32
        %get3A_787 = arith.constant 0 : i32
        %get3A_788 = tpu.memref_slice %arg12[%rem3A_131, %get3A_786, %get3A_787] : memref<2x200x16xf32, #tpu.memory_space<vmem>> -> memref<1x200x16xf32, #tpu.memory_space<vmem>>
        %get3A_789 = tpu.memref_squeeze %get3A_788 : memref<1x200x16xf32, #tpu.memory_space<vmem>> -> memref<200x16xf32, #tpu.memory_space<vmem>>
        %get3A_790 = arith.index_cast %add3A_785 : i32 to index
        %get3A_791 = arith.constant 0 : index
        %get3A_792 = tpu.vector_load %get3A_789[%get3A_790, %get3A_791] {strides = array<i32>} : memref<200x16xf32, #tpu.memory_space<vmem>>, vector<1x16xf32>,
        %get3A_793 = vector.shape_cast %get3A_792 : vector<1x16xf32> to vector<16xf32>
        %get3A_794 = arith.constant 0 : i32
        %get3A_795 = arith.constant 0 : i32
        %get3A_796 = tpu.memref_slice %arg11[%rem3A_131, %get3A_794, %get3A_795] : memref<2x200x16xf32, #tpu.memory_space<vmem>> -> memref<1x200x16xf32, #tpu.memory_space<vmem>>
        %get3A_797 = tpu.memref_squeeze %get3A_796 : memref<1x200x16xf32, #tpu.memory_space<vmem>> -> memref<200x16xf32, #tpu.memory_space<vmem>>
        %get3A_798 = arith.index_cast %add3A_785 : i32 to index
        %get3A_799 = arith.constant 0 : index
        %get3A_800 = tpu.vector_load %get3A_797[%get3A_798, %get3A_799] {strides = array<i32>} : memref<200x16xf32, #tpu.memory_space<vmem>>, vector<1x16xf32>,
        %get3A_801 = vector.shape_cast %get3A_800 : vector<1x16xf32> to vector<16xf32>
        %sub3A_802 = arith.subf %get3A_793, %get3A_801 : vector<16xf32>
        %slice3A_803 = vector.extract_strided_slice %select_n3A_509 {offsets = [8], sizes = [1], strides = [1]} : vector<16xf32> to vector<1xf32>
        %squeeze3A_804 = vector.extract %slice3A_803[0] : f32 from vector<1xf32>
        %broadcast_in_dim3A_805 = vector.broadcast %squeeze3A_804 : f32 to vector<16xf32>
        %select_n3A_806 = arith.select %eq3A_4, %broadcast_in_dim3A_805, %sub3A_802 : vector<16xi1>, vector<16xf32>
        %swap3A_807 = arith.constant 0 : i32
        %swap3A_808 = arith.constant 0 : i32
        %swap3A_809 = tpu.memref_slice %arg13[%rem3A_131, %swap3A_807, %swap3A_808] : memref<2x200x16xf32, #tpu.memory_space<vmem>> -> memref<1x200x16xf32, #tpu.memory_space<vmem>>
        %swap3A_810 = tpu.memref_squeeze %swap3A_809 : memref<1x200x16xf32, #tpu.memory_space<vmem>> -> memref<200x16xf32, #tpu.memory_space<vmem>>
        %swap3A_811 = arith.index_cast %add3A_785 : i32 to index
        %swap3A_812 = arith.constant 0 : index
        %swap3A_813 = tpu.vector_load %swap3A_810[%swap3A_811, %swap3A_812] {strides = array<i32>} : memref<200x16xf32, #tpu.memory_space<vmem>>, vector<1x16xf32>,
        %swap3A_814 = vector.shape_cast %swap3A_813 : vector<1x16xf32> to vector<16xf32>
        %swap3A_815 = vector.shape_cast %select_n3A_806 : vector<16xf32> to vector<1x16xf32>
        tpu.vector_store %swap3A_810[%swap3A_811, %swap3A_812], %swap3A_815 {strides = array<i32>} : memref<200x16xf32, #tpu.memory_space<vmem>>, vector<1x16xf32>,
        %mul3A_816 = arith.constant 16 : i32
        %mul3A_817 = arith.muli %scan3A_486, %mul3A_816 : i32
        %add3A_818 = arith.constant 9 : i32
        %add3A_819 = arith.addi %mul3A_817, %add3A_818 : i32
        %get3A_820 = arith.constant 0 : i32
        %get3A_821 = arith.constant 0 : i32
        %get3A_822 = tpu.memref_slice %arg12[%rem3A_131, %get3A_820, %get3A_821] : memref<2x200x16xf32, #tpu.memory_space<vmem>> -> memref<1x200x16xf32, #tpu.memory_space<vmem>>
        %get3A_823 = tpu.memref_squeeze %get3A_822 : memref<1x200x16xf32, #tpu.memory_space<vmem>> -> memref<200x16xf32, #tpu.memory_space<vmem>>
        %get3A_824 = arith.index_cast %add3A_819 : i32 to index
        %get3A_825 = arith.constant 0 : index
        %get3A_826 = tpu.vector_load %get3A_823[%get3A_824, %get3A_825] {strides = array<i32>} : memref<200x16xf32, #tpu.memory_space<vmem>>, vector<1x16xf32>,
        %get3A_827 = vector.shape_cast %get3A_826 : vector<1x16xf32> to vector<16xf32>
        %get3A_828 = arith.constant 0 : i32
        %get3A_829 = arith.constant 0 : i32
        %get3A_830 = tpu.memref_slice %arg11[%rem3A_131, %get3A_828, %get3A_829] : memref<2x200x16xf32, #tpu.memory_space<vmem>> -> memref<1x200x16xf32, #tpu.memory_space<vmem>>
        %get3A_831 = tpu.memref_squeeze %get3A_830 : memref<1x200x16xf32, #tpu.memory_space<vmem>> -> memref<200x16xf32, #tpu.memory_space<vmem>>
        %get3A_832 = arith.index_cast %add3A_819 : i32 to index
        %get3A_833 = arith.constant 0 : index
        %get3A_834 = tpu.vector_load %get3A_831[%get3A_832, %get3A_833] {strides = array<i32>} : memref<200x16xf32, #tpu.memory_space<vmem>>, vector<1x16xf32>,
        %get3A_835 = vector.shape_cast %get3A_834 : vector<1x16xf32> to vector<16xf32>
        %sub3A_836 = arith.subf %get3A_827, %get3A_835 : vector<16xf32>
        %slice3A_837 = vector.extract_strided_slice %select_n3A_509 {offsets = [9], sizes = [1], strides = [1]} : vector<16xf32> to vector<1xf32>
        %squeeze3A_838 = vector.extract %slice3A_837[0] : f32 from vector<1xf32>
        %broadcast_in_dim3A_839 = vector.broadcast %squeeze3A_838 : f32 to vector<16xf32>
        %select_n3A_840 = arith.select %eq3A_4, %broadcast_in_dim3A_839, %sub3A_836 : vector<16xi1>, vector<16xf32>
        %swap3A_841 = arith.constant 0 : i32
        %swap3A_842 = arith.constant 0 : i32
        %swap3A_843 = tpu.memref_slice %arg13[%rem3A_131, %swap3A_841, %swap3A_842] : memref<2x200x16xf32, #tpu.memory_space<vmem>> -> memref<1x200x16xf32, #tpu.memory_space<vmem>>
        %swap3A_844 = tpu.memref_squeeze %swap3A_843 : memref<1x200x16xf32, #tpu.memory_space<vmem>> -> memref<200x16xf32, #tpu.memory_space<vmem>>
        %swap3A_845 = arith.index_cast %add3A_819 : i32 to index
        %swap3A_846 = arith.constant 0 : index
        %swap3A_847 = tpu.vector_load %swap3A_844[%swap3A_845, %swap3A_846] {strides = array<i32>} : memref<200x16xf32, #tpu.memory_space<vmem>>, vector<1x16xf32>,
        %swap3A_848 = vector.shape_cast %swap3A_847 : vector<1x16xf32> to vector<16xf32>
        %swap3A_849 = vector.shape_cast %select_n3A_840 : vector<16xf32> to vector<1x16xf32>
        tpu.vector_store %swap3A_844[%swap3A_845, %swap3A_846], %swap3A_849 {strides = array<i32>} : memref<200x16xf32, #tpu.memory_space<vmem>>, vector<1x16xf32>,
        %mul3A_850 = arith.constant 16 : i32
        %mul3A_851 = arith.muli %scan3A_486, %mul3A_850 : i32
        %add3A_852 = arith.constant 10 : i32
        %add3A_853 = arith.addi %mul3A_851, %add3A_852 : i32
        %get3A_854 = arith.constant 0 : i32
        %get3A_855 = arith.constant 0 : i32
        %get3A_856 = tpu.memref_slice %arg12[%rem3A_131, %get3A_854, %get3A_855] : memref<2x200x16xf32, #tpu.memory_space<vmem>> -> memref<1x200x16xf32, #tpu.memory_space<vmem>>
        %get3A_857 = tpu.memref_squeeze %get3A_856 : memref<1x200x16xf32, #tpu.memory_space<vmem>> -> memref<200x16xf32, #tpu.memory_space<vmem>>
        %get3A_858 = arith.index_cast %add3A_853 : i32 to index
        %get3A_859 = arith.constant 0 : index
        %get3A_860 = tpu.vector_load %get3A_857[%get3A_858, %get3A_859] {strides = array<i32>} : memref<200x16xf32, #tpu.memory_space<vmem>>, vector<1x16xf32>,
        %get3A_861 = vector.shape_cast %get3A_860 : vector<1x16xf32> to vector<16xf32>
        %get3A_862 = arith.constant 0 : i32
        %get3A_863 = arith.constant 0 : i32
        %get3A_864 = tpu.memref_slice %arg11[%rem3A_131, %get3A_862, %get3A_863] : memref<2x200x16xf32, #tpu.memory_space<vmem>> -> memref<1x200x16xf32, #tpu.memory_space<vmem>>
        %get3A_865 = tpu.memref_squeeze %get3A_864 : memref<1x200x16xf32, #tpu.memory_space<vmem>> -> memref<200x16xf32, #tpu.memory_space<vmem>>
        %get3A_866 = arith.index_cast %add3A_853 : i32 to index
        %get3A_867 = arith.constant 0 : index
        %get3A_868 = tpu.vector_load %get3A_865[%get3A_866, %get3A_867] {strides = array<i32>} : memref<200x16xf32, #tpu.memory_space<vmem>>, vector<1x16xf32>,
        %get3A_869 = vector.shape_cast %get3A_868 : vector<1x16xf32> to vector<16xf32>
        %sub3A_870 = arith.subf %get3A_861, %get3A_869 : vector<16xf32>
        %slice3A_871 = vector.extract_strided_slice %select_n3A_509 {offsets = [10], sizes = [1], strides = [1]} : vector<16xf32> to vector<1xf32>
        %squeeze3A_872 = vector.extract %slice3A_871[0] : f32 from vector<1xf32>
        %broadcast_in_dim3A_873 = vector.broadcast %squeeze3A_872 : f32 to vector<16xf32>
        %select_n3A_874 = arith.select %eq3A_4, %broadcast_in_dim3A_873, %sub3A_870 : vector<16xi1>, vector<16xf32>
        %swap3A_875 = arith.constant 0 : i32
        %swap3A_876 = arith.constant 0 : i32
        %swap3A_877 = tpu.memref_slice %arg13[%rem3A_131, %swap3A_875, %swap3A_876] : memref<2x200x16xf32, #tpu.memory_space<vmem>> -> memref<1x200x16xf32, #tpu.memory_space<vmem>>
        %swap3A_878 = tpu.memref_squeeze %swap3A_877 : memref<1x200x16xf32, #tpu.memory_space<vmem>> -> memref<200x16xf32, #tpu.memory_space<vmem>>
        %swap3A_879 = arith.index_cast %add3A_853 : i32 to index
        %swap3A_880 = arith.constant 0 : index
        %swap3A_881 = tpu.vector_load %swap3A_878[%swap3A_879, %swap3A_880] {strides = array<i32>} : memref<200x16xf32, #tpu.memory_space<vmem>>, vector<1x16xf32>,
        %swap3A_882 = vector.shape_cast %swap3A_881 : vector<1x16xf32> to vector<16xf32>
        %swap3A_883 = vector.shape_cast %select_n3A_874 : vector<16xf32> to vector<1x16xf32>
        tpu.vector_store %swap3A_878[%swap3A_879, %swap3A_880], %swap3A_883 {strides = array<i32>} : memref<200x16xf32, #tpu.memory_space<vmem>>, vector<1x16xf32>,
        %mul3A_884 = arith.constant 16 : i32
        %mul3A_885 = arith.muli %scan3A_486, %mul3A_884 : i32
        %add3A_886 = arith.constant 11 : i32
        %add3A_887 = arith.addi %mul3A_885, %add3A_886 : i32
        %get3A_888 = arith.constant 0 : i32
        %get3A_889 = arith.constant 0 : i32
        %get3A_890 = tpu.memref_slice %arg12[%rem3A_131, %get3A_888, %get3A_889] : memref<2x200x16xf32, #tpu.memory_space<vmem>> -> memref<1x200x16xf32, #tpu.memory_space<vmem>>
        %get3A_891 = tpu.memref_squeeze %get3A_890 : memref<1x200x16xf32, #tpu.memory_space<vmem>> -> memref<200x16xf32, #tpu.memory_space<vmem>>
        %get3A_892 = arith.index_cast %add3A_887 : i32 to index
        %get3A_893 = arith.constant 0 : index
        %get3A_894 = tpu.vector_load %get3A_891[%get3A_892, %get3A_893] {strides = array<i32>} : memref<200x16xf32, #tpu.memory_space<vmem>>, vector<1x16xf32>,
        %get3A_895 = vector.shape_cast %get3A_894 : vector<1x16xf32> to vector<16xf32>
        %get3A_896 = arith.constant 0 : i32
        %get3A_897 = arith.constant 0 : i32
        %get3A_898 = tpu.memref_slice %arg11[%rem3A_131, %get3A_896, %get3A_897] : memref<2x200x16xf32, #tpu.memory_space<vmem>> -> memref<1x200x16xf32, #tpu.memory_space<vmem>>
        %get3A_899 = tpu.memref_squeeze %get3A_898 : memref<1x200x16xf32, #tpu.memory_space<vmem>> -> memref<200x16xf32, #tpu.memory_space<vmem>>
        %get3A_900 = arith.index_cast %add3A_887 : i32 to index
        %get3A_901 = arith.constant 0 : index
        %get3A_902 = tpu.vector_load %get3A_899[%get3A_900, %get3A_901] {strides = array<i32>} : memref<200x16xf32, #tpu.memory_space<vmem>>, vector<1x16xf32>,
        %get3A_903 = vector.shape_cast %get3A_902 : vector<1x16xf32> to vector<16xf32>
        %sub3A_904 = arith.subf %get3A_895, %get3A_903 : vector<16xf32>
        %slice3A_905 = vector.extract_strided_slice %select_n3A_509 {offsets = [11], sizes = [1], strides = [1]} : vector<16xf32> to vector<1xf32>
        %squeeze3A_906 = vector.extract %slice3A_905[0] : f32 from vector<1xf32>
        %broadcast_in_dim3A_907 = vector.broadcast %squeeze3A_906 : f32 to vector<16xf32>
        %select_n3A_908 = arith.select %eq3A_4, %broadcast_in_dim3A_907, %sub3A_904 : vector<16xi1>, vector<16xf32>
        %swap3A_909 = arith.constant 0 : i32
        %swap3A_910 = arith.constant 0 : i32
        %swap3A_911 = tpu.memref_slice %arg13[%rem3A_131, %swap3A_909, %swap3A_910] : memref<2x200x16xf32, #tpu.memory_space<vmem>> -> memref<1x200x16xf32, #tpu.memory_space<vmem>>
        %swap3A_912 = tpu.memref_squeeze %swap3A_911 : memref<1x200x16xf32, #tpu.memory_space<vmem>> -> memref<200x16xf32, #tpu.memory_space<vmem>>
        %swap3A_913 = arith.index_cast %add3A_887 : i32 to index
        %swap3A_914 = arith.constant 0 : index
        %swap3A_915 = tpu.vector_load %swap3A_912[%swap3A_913, %swap3A_914] {strides = array<i32>} : memref<200x16xf32, #tpu.memory_space<vmem>>, vector<1x16xf32>,
        %swap3A_916 = vector.shape_cast %swap3A_915 : vector<1x16xf32> to vector<16xf32>
        %swap3A_917 = vector.shape_cast %select_n3A_908 : vector<16xf32> to vector<1x16xf32>
        tpu.vector_store %swap3A_912[%swap3A_913, %swap3A_914], %swap3A_917 {strides = array<i32>} : memref<200x16xf32, #tpu.memory_space<vmem>>, vector<1x16xf32>,
        %mul3A_918 = arith.constant 16 : i32
        %mul3A_919 = arith.muli %scan3A_486, %mul3A_918 : i32
        %add3A_920 = arith.constant 12 : i32
        %add3A_921 = arith.addi %mul3A_919, %add3A_920 : i32
        %get3A_922 = arith.constant 0 : i32
        %get3A_923 = arith.constant 0 : i32
        %get3A_924 = tpu.memref_slice %arg12[%rem3A_131, %get3A_922, %get3A_923] : memref<2x200x16xf32, #tpu.memory_space<vmem>> -> memref<1x200x16xf32, #tpu.memory_space<vmem>>
        %get3A_925 = tpu.memref_squeeze %get3A_924 : memref<1x200x16xf32, #tpu.memory_space<vmem>> -> memref<200x16xf32, #tpu.memory_space<vmem>>
        %get3A_926 = arith.index_cast %add3A_921 : i32 to index
        %get3A_927 = arith.constant 0 : index
        %get3A_928 = tpu.vector_load %get3A_925[%get3A_926, %get3A_927] {strides = array<i32>} : memref<200x16xf32, #tpu.memory_space<vmem>>, vector<1x16xf32>,
        %get3A_929 = vector.shape_cast %get3A_928 : vector<1x16xf32> to vector<16xf32>
        %get3A_930 = arith.constant 0 : i32
        %get3A_931 = arith.constant 0 : i32
        %get3A_932 = tpu.memref_slice %arg11[%rem3A_131, %get3A_930, %get3A_931] : memref<2x200x16xf32, #tpu.memory_space<vmem>> -> memref<1x200x16xf32, #tpu.memory_space<vmem>>
        %get3A_933 = tpu.memref_squeeze %get3A_932 : memref<1x200x16xf32, #tpu.memory_space<vmem>> -> memref<200x16xf32, #tpu.memory_space<vmem>>
        %get3A_934 = arith.index_cast %add3A_921 : i32 to index
        %get3A_935 = arith.constant 0 : index
        %get3A_936 = tpu.vector_load %get3A_933[%get3A_934, %get3A_935] {strides = array<i32>} : memref<200x16xf32, #tpu.memory_space<vmem>>, vector<1x16xf32>,
        %get3A_937 = vector.shape_cast %get3A_936 : vector<1x16xf32> to vector<16xf32>
        %sub3A_938 = arith.subf %get3A_929, %get3A_937 : vector<16xf32>
        %slice3A_939 = vector.extract_strided_slice %select_n3A_509 {offsets = [12], sizes = [1], strides = [1]} : vector<16xf32> to vector<1xf32>
        %squeeze3A_940 = vector.extract %slice3A_939[0] : f32 from vector<1xf32>
        %broadcast_in_dim3A_941 = vector.broadcast %squeeze3A_940 : f32 to vector<16xf32>
        %select_n3A_942 = arith.select %eq3A_4, %broadcast_in_dim3A_941, %sub3A_938 : vector<16xi1>, vector<16xf32>
        %swap3A_943 = arith.constant 0 : i32
        %swap3A_944 = arith.constant 0 : i32
        %swap3A_945 = tpu.memref_slice %arg13[%rem3A_131, %swap3A_943, %swap3A_944] : memref<2x200x16xf32, #tpu.memory_space<vmem>> -> memref<1x200x16xf32, #tpu.memory_space<vmem>>
        %swap3A_946 = tpu.memref_squeeze %swap3A_945 : memref<1x200x16xf32, #tpu.memory_space<vmem>> -> memref<200x16xf32, #tpu.memory_space<vmem>>
        %swap3A_947 = arith.index_cast %add3A_921 : i32 to index
        %swap3A_948 = arith.constant 0 : index
        %swap3A_949 = tpu.vector_load %swap3A_946[%swap3A_947, %swap3A_948] {strides = array<i32>} : memref<200x16xf32, #tpu.memory_space<vmem>>, vector<1x16xf32>,
        %swap3A_950 = vector.shape_cast %swap3A_949 : vector<1x16xf32> to vector<16xf32>
        %swap3A_951 = vector.shape_cast %select_n3A_942 : vector<16xf32> to vector<1x16xf32>
        tpu.vector_store %swap3A_946[%swap3A_947, %swap3A_948], %swap3A_951 {strides = array<i32>} : memref<200x16xf32, #tpu.memory_space<vmem>>, vector<1x16xf32>,
        %mul3A_952 = arith.constant 16 : i32
        %mul3A_953 = arith.muli %scan3A_486, %mul3A_952 : i32
        %add3A_954 = arith.constant 13 : i32
        %add3A_955 = arith.addi %mul3A_953, %add3A_954 : i32
        %get3A_956 = arith.constant 0 : i32
        %get3A_957 = arith.constant 0 : i32
        %get3A_958 = tpu.memref_slice %arg12[%rem3A_131, %get3A_956, %get3A_957] : memref<2x200x16xf32, #tpu.memory_space<vmem>> -> memref<1x200x16xf32, #tpu.memory_space<vmem>>
        %get3A_959 = tpu.memref_squeeze %get3A_958 : memref<1x200x16xf32, #tpu.memory_space<vmem>> -> memref<200x16xf32, #tpu.memory_space<vmem>>
        %get3A_960 = arith.index_cast %add3A_955 : i32 to index
        %get3A_961 = arith.constant 0 : index
        %get3A_962 = tpu.vector_load %get3A_959[%get3A_960, %get3A_961] {strides = array<i32>} : memref<200x16xf32, #tpu.memory_space<vmem>>, vector<1x16xf32>,
        %get3A_963 = vector.shape_cast %get3A_962 : vector<1x16xf32> to vector<16xf32>
        %get3A_964 = arith.constant 0 : i32
        %get3A_965 = arith.constant 0 : i32
        %get3A_966 = tpu.memref_slice %arg11[%rem3A_131, %get3A_964, %get3A_965] : memref<2x200x16xf32, #tpu.memory_space<vmem>> -> memref<1x200x16xf32, #tpu.memory_space<vmem>>
        %get3A_967 = tpu.memref_squeeze %get3A_966 : memref<1x200x16xf32, #tpu.memory_space<vmem>> -> memref<200x16xf32, #tpu.memory_space<vmem>>
        %get3A_968 = arith.index_cast %add3A_955 : i32 to index
        %get3A_969 = arith.constant 0 : index
        %get3A_970 = tpu.vector_load %get3A_967[%get3A_968, %get3A_969] {strides = array<i32>} : memref<200x16xf32, #tpu.memory_space<vmem>>, vector<1x16xf32>,
        %get3A_971 = vector.shape_cast %get3A_970 : vector<1x16xf32> to vector<16xf32>
        %sub3A_972 = arith.subf %get3A_963, %get3A_971 : vector<16xf32>
        %slice3A_973 = vector.extract_strided_slice %select_n3A_509 {offsets = [13], sizes = [1], strides = [1]} : vector<16xf32> to vector<1xf32>
        %squeeze3A_974 = vector.extract %slice3A_973[0] : f32 from vector<1xf32>
        %broadcast_in_dim3A_975 = vector.broadcast %squeeze3A_974 : f32 to vector<16xf32>
        %select_n3A_976 = arith.select %eq3A_4, %broadcast_in_dim3A_975, %sub3A_972 : vector<16xi1>, vector<16xf32>
        %swap3A_977 = arith.constant 0 : i32
        %swap3A_978 = arith.constant 0 : i32
        %swap3A_979 = tpu.memref_slice %arg13[%rem3A_131, %swap3A_977, %swap3A_978] : memref<2x200x16xf32, #tpu.memory_space<vmem>> -> memref<1x200x16xf32, #tpu.memory_space<vmem>>
        %swap3A_980 = tpu.memref_squeeze %swap3A_979 : memref<1x200x16xf32, #tpu.memory_space<vmem>> -> memref<200x16xf32, #tpu.memory_space<vmem>>
        %swap3A_981 = arith.index_cast %add3A_955 : i32 to index
        %swap3A_982 = arith.constant 0 : index
        %swap3A_983 = tpu.vector_load %swap3A_980[%swap3A_981, %swap3A_982] {strides = array<i32>} : memref<200x16xf32, #tpu.memory_space<vmem>>, vector<1x16xf32>,
        %swap3A_984 = vector.shape_cast %swap3A_983 : vector<1x16xf32> to vector<16xf32>
        %swap3A_985 = vector.shape_cast %select_n3A_976 : vector<16xf32> to vector<1x16xf32>
        tpu.vector_store %swap3A_980[%swap3A_981, %swap3A_982], %swap3A_985 {strides = array<i32>} : memref<200x16xf32, #tpu.memory_space<vmem>>, vector<1x16xf32>,
        %mul3A_986 = arith.constant 16 : i32
        %mul3A_987 = arith.muli %scan3A_486, %mul3A_986 : i32
        %add3A_988 = arith.constant 14 : i32
        %add3A_989 = arith.addi %mul3A_987, %add3A_988 : i32
        %get3A_990 = arith.constant 0 : i32
        %get3A_991 = arith.constant 0 : i32
        %get3A_992 = tpu.memref_slice %arg12[%rem3A_131, %get3A_990, %get3A_991] : memref<2x200x16xf32, #tpu.memory_space<vmem>> -> memref<1x200x16xf32, #tpu.memory_space<vmem>>
        %get3A_993 = tpu.memref_squeeze %get3A_992 : memref<1x200x16xf32, #tpu.memory_space<vmem>> -> memref<200x16xf32, #tpu.memory_space<vmem>>
        %get3A_994 = arith.index_cast %add3A_989 : i32 to index
        %get3A_995 = arith.constant 0 : index
        %get3A_996 = tpu.vector_load %get3A_993[%get3A_994, %get3A_995] {strides = array<i32>} : memref<200x16xf32, #tpu.memory_space<vmem>>, vector<1x16xf32>,
        %get3A_997 = vector.shape_cast %get3A_996 : vector<1x16xf32> to vector<16xf32>
        %get3A_998 = arith.constant 0 : i32
        %get3A_999 = arith.constant 0 : i32
        %get3A_1000 = tpu.memref_slice %arg11[%rem3A_131, %get3A_998, %get3A_999] : memref<2x200x16xf32, #tpu.memory_space<vmem>> -> memref<1x200x16xf32, #tpu.memory_space<vmem>>
        %get3A_1001 = tpu.memref_squeeze %get3A_1000 : memref<1x200x16xf32, #tpu.memory_space<vmem>> -> memref<200x16xf32, #tpu.memory_space<vmem>>
        %get3A_1002 = arith.index_cast %add3A_989 : i32 to index
        %get3A_1003 = arith.constant 0 : index
        %get3A_1004 = tpu.vector_load %get3A_1001[%get3A_1002, %get3A_1003] {strides = array<i32>} : memref<200x16xf32, #tpu.memory_space<vmem>>, vector<1x16xf32>,
        %get3A_1005 = vector.shape_cast %get3A_1004 : vector<1x16xf32> to vector<16xf32>
        %sub3A_1006 = arith.subf %get3A_997, %get3A_1005 : vector<16xf32>
        %slice3A_1007 = vector.extract_strided_slice %select_n3A_509 {offsets = [14], sizes = [1], strides = [1]} : vector<16xf32> to vector<1xf32>
        %squeeze3A_1008 = vector.extract %slice3A_1007[0] : f32 from vector<1xf32>
        %broadcast_in_dim3A_1009 = vector.broadcast %squeeze3A_1008 : f32 to vector<16xf32>
        %select_n3A_1010 = arith.select %eq3A_4, %broadcast_in_dim3A_1009, %sub3A_1006 : vector<16xi1>, vector<16xf32>
        %swap3A_1011 = arith.constant 0 : i32
        %swap3A_1012 = arith.constant 0 : i32
        %swap3A_1013 = tpu.memref_slice %arg13[%rem3A_131, %swap3A_1011, %swap3A_1012] : memref<2x200x16xf32, #tpu.memory_space<vmem>> -> memref<1x200x16xf32, #tpu.memory_space<vmem>>
        %swap3A_1014 = tpu.memref_squeeze %swap3A_1013 : memref<1x200x16xf32, #tpu.memory_space<vmem>> -> memref<200x16xf32, #tpu.memory_space<vmem>>
        %swap3A_1015 = arith.index_cast %add3A_989 : i32 to index
        %swap3A_1016 = arith.constant 0 : index
        %swap3A_1017 = tpu.vector_load %swap3A_1014[%swap3A_1015, %swap3A_1016] {strides = array<i32>} : memref<200x16xf32, #tpu.memory_space<vmem>>, vector<1x16xf32>,
        %swap3A_1018 = vector.shape_cast %swap3A_1017 : vector<1x16xf32> to vector<16xf32>
        %swap3A_1019 = vector.shape_cast %select_n3A_1010 : vector<16xf32> to vector<1x16xf32>
        tpu.vector_store %swap3A_1014[%swap3A_1015, %swap3A_1016], %swap3A_1019 {strides = array<i32>} : memref<200x16xf32, #tpu.memory_space<vmem>>, vector<1x16xf32>,
        %mul3A_1020 = arith.constant 16 : i32
        %mul3A_1021 = arith.muli %scan3A_486, %mul3A_1020 : i32
        %add3A_1022 = arith.constant 15 : i32
        %add3A_1023 = arith.addi %mul3A_1021, %add3A_1022 : i32
        %get3A_1024 = arith.constant 0 : i32
        %get3A_1025 = arith.constant 0 : i32
        %get3A_1026 = tpu.memref_slice %arg12[%rem3A_131, %get3A_1024, %get3A_1025] : memref<2x200x16xf32, #tpu.memory_space<vmem>> -> memref<1x200x16xf32, #tpu.memory_space<vmem>>
        %get3A_1027 = tpu.memref_squeeze %get3A_1026 : memref<1x200x16xf32, #tpu.memory_space<vmem>> -> memref<200x16xf32, #tpu.memory_space<vmem>>
        %get3A_1028 = arith.index_cast %add3A_1023 : i32 to index
        %get3A_1029 = arith.constant 0 : index
        %get3A_1030 = tpu.vector_load %get3A_1027[%get3A_1028, %get3A_1029] {strides = array<i32>} : memref<200x16xf32, #tpu.memory_space<vmem>>, vector<1x16xf32>,
        %get3A_1031 = vector.shape_cast %get3A_1030 : vector<1x16xf32> to vector<16xf32>
        %get3A_1032 = arith.constant 0 : i32
        %get3A_1033 = arith.constant 0 : i32
        %get3A_1034 = tpu.memref_slice %arg11[%rem3A_131, %get3A_1032, %get3A_1033] : memref<2x200x16xf32, #tpu.memory_space<vmem>> -> memref<1x200x16xf32, #tpu.memory_space<vmem>>
        %get3A_1035 = tpu.memref_squeeze %get3A_1034 : memref<1x200x16xf32, #tpu.memory_space<vmem>> -> memref<200x16xf32, #tpu.memory_space<vmem>>
        %get3A_1036 = arith.index_cast %add3A_1023 : i32 to index
        %get3A_1037 = arith.constant 0 : index
        %get3A_1038 = tpu.vector_load %get3A_1035[%get3A_1036, %get3A_1037] {strides = array<i32>} : memref<200x16xf32, #tpu.memory_space<vmem>>, vector<1x16xf32>,
        %get3A_1039 = vector.shape_cast %get3A_1038 : vector<1x16xf32> to vector<16xf32>
        %sub3A_1040 = arith.subf %get3A_1031, %get3A_1039 : vector<16xf32>
        %slice3A_1041 = vector.extract_strided_slice %select_n3A_509 {offsets = [15], sizes = [1], strides = [1]} : vector<16xf32> to vector<1xf32>
        %squeeze3A_1042 = vector.extract %slice3A_1041[0] : f32 from vector<1xf32>
        %broadcast_in_dim3A_1043 = vector.broadcast %squeeze3A_1042 : f32 to vector<16xf32>
        %select_n3A_1044 = arith.select %eq3A_4, %broadcast_in_dim3A_1043, %sub3A_1040 : vector<16xi1>, vector<16xf32>
        %swap3A_1045 = arith.constant 0 : i32
        %swap3A_1046 = arith.constant 0 : i32
        %swap3A_1047 = tpu.memref_slice %arg13[%rem3A_131, %swap3A_1045, %swap3A_1046] : memref<2x200x16xf32, #tpu.memory_space<vmem>> -> memref<1x200x16xf32, #tpu.memory_space<vmem>>
        %swap3A_1048 = tpu.memref_squeeze %swap3A_1047 : memref<1x200x16xf32, #tpu.memory_space<vmem>> -> memref<200x16xf32, #tpu.memory_space<vmem>>
        %swap3A_1049 = arith.index_cast %add3A_1023 : i32 to index
        %swap3A_1050 = arith.constant 0 : index
        %swap3A_1051 = tpu.vector_load %swap3A_1048[%swap3A_1049, %swap3A_1050] {strides = array<i32>} : memref<200x16xf32, #tpu.memory_space<vmem>>, vector<1x16xf32>,
        %swap3A_1052 = vector.shape_cast %swap3A_1051 : vector<1x16xf32> to vector<16xf32>
        %swap3A_1053 = vector.shape_cast %select_n3A_1044 : vector<16xf32> to vector<1x16xf32>
        tpu.vector_store %swap3A_1048[%swap3A_1049, %swap3A_1050], %swap3A_1053 {strides = array<i32>} : memref<200x16xf32, #tpu.memory_space<vmem>>, vector<1x16xf32>,
        %scan3A_1054 = arith.constant 0 : i32
        scf.yield %scan3A_1054 : i32
      }
      %scan3A_179 = arith.constant 12 : i32
      %get3A = arith.constant 0 : i32
      %get3A_180 = tpu.memref_slice %arg8[%rem3A_131, %get3A] : memref<2x216xi32, #tpu.memory_space<vmem>> -> memref<1x216xi32, #tpu.memory_space<vmem>>
      %get3A_181 = tpu.memref_squeeze %get3A_180 : memref<1x216xi32, #tpu.memory_space<vmem>> -> memref<216xi32, #tpu.memory_space<vmem>>
      %get3A_182 = arith.constant 192 : index
      %get3A_183 = tpu.vector_load %get3A_181[%get3A_182] {strides = array<i32>} : memref<216xi32, #tpu.memory_space<vmem>>, vector<16xi32>,
      %get3A_184 = vector.shape_cast %get3A_183 : vector<16xi32> to vector<16xi32>
      %get3A_185 = arith.constant 0 : i32
      %get3A_186 = tpu.memref_slice %arg9[%rem3A_131, %get3A_185] : memref<2x216xi32, #tpu.memory_space<vmem>> -> memref<1x216xi32, #tpu.memory_space<vmem>>
      %get3A_187 = tpu.memref_squeeze %get3A_186 : memref<1x216xi32, #tpu.memory_space<vmem>> -> memref<216xi32, #tpu.memory_space<vmem>>
      %get3A_188 = arith.constant 192 : index
      %get3A_189 = tpu.vector_load %get3A_187[%get3A_188] {strides = array<i32>} : memref<216xi32, #tpu.memory_space<vmem>>, vector<16xi32>,
      %get3A_190 = vector.shape_cast %get3A_189 : vector<16xi32> to vector<16xi32>
      %ne3A = arith.cmpi ne, %get3A_184, %get3A_190 : vector<16xi32>
      %jit3A = arith.constant 1.000000e+00 : f32
      %jit3A_191 = arith.constant 0.000000e+00 : f32
      %broadcast_in_dim3A = vector.broadcast %jit3A : f32 to vector<16xf32>
      %broadcast_in_dim3A_192 = vector.broadcast %jit3A_191 : f32 to vector<16xf32>
      %select_n3A = arith.select %ne3A, %broadcast_in_dim3A, %broadcast_in_dim3A_192 : vector<16xi1>, vector<16xf32>
      %get3A_193 = arith.constant 192 : i32
      %get3A_194 = arith.constant 0 : i32
      %get3A_195 = arith.constant 0 : i32
      %get3A_196 = tpu.memref_slice %arg12[%rem3A_131, %get3A_194, %get3A_195] : memref<2x200x16xf32, #tpu.memory_space<vmem>> -> memref<1x200x16xf32, #tpu.memory_space<vmem>>
      %get3A_197 = tpu.memref_squeeze %get3A_196 : memref<1x200x16xf32, #tpu.memory_space<vmem>> -> memref<200x16xf32, #tpu.memory_space<vmem>>
      %get3A_198 = arith.index_cast %get3A_193 : i32 to index
      %get3A_199 = arith.constant 0 : index
      %get3A_200 = tpu.vector_load %get3A_197[%get3A_198, %get3A_199] {strides = array<i32>} : memref<200x16xf32, #tpu.memory_space<vmem>>, vector<1x16xf32>,
      %get3A_201 = vector.shape_cast %get3A_200 : vector<1x16xf32> to vector<16xf32>
      %get3A_202 = arith.constant 192 : i32
      %get3A_203 = arith.constant 0 : i32
      %get3A_204 = arith.constant 0 : i32
      %get3A_205 = tpu.memref_slice %arg11[%rem3A_131, %get3A_203, %get3A_204] : memref<2x200x16xf32, #tpu.memory_space<vmem>> -> memref<1x200x16xf32, #tpu.memory_space<vmem>>
      %get3A_206 = tpu.memref_squeeze %get3A_205 : memref<1x200x16xf32, #tpu.memory_space<vmem>> -> memref<200x16xf32, #tpu.memory_space<vmem>>
      %get3A_207 = arith.index_cast %get3A_202 : i32 to index
      %get3A_208 = arith.constant 0 : index
      %get3A_209 = tpu.vector_load %get3A_206[%get3A_207, %get3A_208] {strides = array<i32>} : memref<200x16xf32, #tpu.memory_space<vmem>>, vector<1x16xf32>,
      %get3A_210 = vector.shape_cast %get3A_209 : vector<1x16xf32> to vector<16xf32>
      %sub3A_211 = arith.subf %get3A_201, %get3A_210 : vector<16xf32>
      %slice3A = vector.extract_strided_slice %select_n3A {offsets = [0], sizes = [1], strides = [1]} : vector<16xf32> to vector<1xf32>
      %squeeze3A = vector.extract %slice3A[0] : f32 from vector<1xf32>
      %broadcast_in_dim3A_212 = vector.broadcast %squeeze3A : f32 to vector<16xf32>
      %select_n3A_213 = arith.select %eq3A_4, %broadcast_in_dim3A_212, %sub3A_211 : vector<16xi1>, vector<16xf32>
      %swap3A = arith.constant 192 : i32
      %swap3A_214 = arith.constant 0 : i32
      %swap3A_215 = arith.constant 0 : i32
      %swap3A_216 = tpu.memref_slice %arg13[%rem3A_131, %swap3A_214, %swap3A_215] : memref<2x200x16xf32, #tpu.memory_space<vmem>> -> memref<1x200x16xf32, #tpu.memory_space<vmem>>
      %swap3A_217 = tpu.memref_squeeze %swap3A_216 : memref<1x200x16xf32, #tpu.memory_space<vmem>> -> memref<200x16xf32, #tpu.memory_space<vmem>>
      %swap3A_218 = arith.index_cast %swap3A : i32 to index
      %swap3A_219 = arith.constant 0 : index
      %swap3A_220 = tpu.vector_load %swap3A_217[%swap3A_218, %swap3A_219] {strides = array<i32>} : memref<200x16xf32, #tpu.memory_space<vmem>>, vector<1x16xf32>,
      %swap3A_221 = vector.shape_cast %swap3A_220 : vector<1x16xf32> to vector<16xf32>
      %swap3A_222 = vector.shape_cast %select_n3A_213 : vector<16xf32> to vector<1x16xf32>
      tpu.vector_store %swap3A_217[%swap3A_218, %swap3A_219], %swap3A_222 {strides = array<i32>} : memref<200x16xf32, #tpu.memory_space<vmem>>, vector<1x16xf32>,
      %get3A_223 = arith.constant 193 : i32
      %get3A_224 = arith.constant 0 : i32
      %get3A_225 = arith.constant 0 : i32
      %get3A_226 = tpu.memref_slice %arg12[%rem3A_131, %get3A_224, %get3A_225] : memref<2x200x16xf32, #tpu.memory_space<vmem>> -> memref<1x200x16xf32, #tpu.memory_space<vmem>>
      %get3A_227 = tpu.memref_squeeze %get3A_226 : memref<1x200x16xf32, #tpu.memory_space<vmem>> -> memref<200x16xf32, #tpu.memory_space<vmem>>
      %get3A_228 = arith.index_cast %get3A_223 : i32 to index
      %get3A_229 = arith.constant 0 : index
      %get3A_230 = tpu.vector_load %get3A_227[%get3A_228, %get3A_229] {strides = array<i32>} : memref<200x16xf32, #tpu.memory_space<vmem>>, vector<1x16xf32>,
      %get3A_231 = vector.shape_cast %get3A_230 : vector<1x16xf32> to vector<16xf32>
      %get3A_232 = arith.constant 193 : i32
      %get3A_233 = arith.constant 0 : i32
      %get3A_234 = arith.constant 0 : i32
      %get3A_235 = tpu.memref_slice %arg11[%rem3A_131, %get3A_233, %get3A_234] : memref<2x200x16xf32, #tpu.memory_space<vmem>> -> memref<1x200x16xf32, #tpu.memory_space<vmem>>
      %get3A_236 = tpu.memref_squeeze %get3A_235 : memref<1x200x16xf32, #tpu.memory_space<vmem>> -> memref<200x16xf32, #tpu.memory_space<vmem>>
      %get3A_237 = arith.index_cast %get3A_232 : i32 to index
      %get3A_238 = arith.constant 0 : index
      %get3A_239 = tpu.vector_load %get3A_236[%get3A_237, %get3A_238] {strides = array<i32>} : memref<200x16xf32, #tpu.memory_space<vmem>>, vector<1x16xf32>,
      %get3A_240 = vector.shape_cast %get3A_239 : vector<1x16xf32> to vector<16xf32>
      %sub3A_241 = arith.subf %get3A_231, %get3A_240 : vector<16xf32>
      %slice3A_242 = vector.extract_strided_slice %select_n3A {offsets = [1], sizes = [1], strides = [1]} : vector<16xf32> to vector<1xf32>
      %squeeze3A_243 = vector.extract %slice3A_242[0] : f32 from vector<1xf32>
      %broadcast_in_dim3A_244 = vector.broadcast %squeeze3A_243 : f32 to vector<16xf32>
      %select_n3A_245 = arith.select %eq3A_4, %broadcast_in_dim3A_244, %sub3A_241 : vector<16xi1>, vector<16xf32>
      %swap3A_246 = arith.constant 193 : i32
      %swap3A_247 = arith.constant 0 : i32
      %swap3A_248 = arith.constant 0 : i32
      %swap3A_249 = tpu.memref_slice %arg13[%rem3A_131, %swap3A_247, %swap3A_248] : memref<2x200x16xf32, #tpu.memory_space<vmem>> -> memref<1x200x16xf32, #tpu.memory_space<vmem>>
      %swap3A_250 = tpu.memref_squeeze %swap3A_249 : memref<1x200x16xf32, #tpu.memory_space<vmem>> -> memref<200x16xf32, #tpu.memory_space<vmem>>
      %swap3A_251 = arith.index_cast %swap3A_246 : i32 to index
      %swap3A_252 = arith.constant 0 : index
      %swap3A_253 = tpu.vector_load %swap3A_250[%swap3A_251, %swap3A_252] {strides = array<i32>} : memref<200x16xf32, #tpu.memory_space<vmem>>, vector<1x16xf32>,
      %swap3A_254 = vector.shape_cast %swap3A_253 : vector<1x16xf32> to vector<16xf32>
      %swap3A_255 = vector.shape_cast %select_n3A_245 : vector<16xf32> to vector<1x16xf32>
      tpu.vector_store %swap3A_250[%swap3A_251, %swap3A_252], %swap3A_255 {strides = array<i32>} : memref<200x16xf32, #tpu.memory_space<vmem>>, vector<1x16xf32>,
      %get3A_256 = arith.constant 194 : i32
      %get3A_257 = arith.constant 0 : i32
      %get3A_258 = arith.constant 0 : i32
      %get3A_259 = tpu.memref_slice %arg12[%rem3A_131, %get3A_257, %get3A_258] : memref<2x200x16xf32, #tpu.memory_space<vmem>> -> memref<1x200x16xf32, #tpu.memory_space<vmem>>
      %get3A_260 = tpu.memref_squeeze %get3A_259 : memref<1x200x16xf32, #tpu.memory_space<vmem>> -> memref<200x16xf32, #tpu.memory_space<vmem>>
      %get3A_261 = arith.index_cast %get3A_256 : i32 to index
      %get3A_262 = arith.constant 0 : index
      %get3A_263 = tpu.vector_load %get3A_260[%get3A_261, %get3A_262] {strides = array<i32>} : memref<200x16xf32, #tpu.memory_space<vmem>>, vector<1x16xf32>,
      %get3A_264 = vector.shape_cast %get3A_263 : vector<1x16xf32> to vector<16xf32>
      %get3A_265 = arith.constant 194 : i32
      %get3A_266 = arith.constant 0 : i32
      %get3A_267 = arith.constant 0 : i32
      %get3A_268 = tpu.memref_slice %arg11[%rem3A_131, %get3A_266, %get3A_267] : memref<2x200x16xf32, #tpu.memory_space<vmem>> -> memref<1x200x16xf32, #tpu.memory_space<vmem>>
      %get3A_269 = tpu.memref_squeeze %get3A_268 : memref<1x200x16xf32, #tpu.memory_space<vmem>> -> memref<200x16xf32, #tpu.memory_space<vmem>>
      %get3A_270 = arith.index_cast %get3A_265 : i32 to index
      %get3A_271 = arith.constant 0 : index
      %get3A_272 = tpu.vector_load %get3A_269[%get3A_270, %get3A_271] {strides = array<i32>} : memref<200x16xf32, #tpu.memory_space<vmem>>, vector<1x16xf32>,
      %get3A_273 = vector.shape_cast %get3A_272 : vector<1x16xf32> to vector<16xf32>
      %sub3A_274 = arith.subf %get3A_264, %get3A_273 : vector<16xf32>
      %slice3A_275 = vector.extract_strided_slice %select_n3A {offsets = [2], sizes = [1], strides = [1]} : vector<16xf32> to vector<1xf32>
      %squeeze3A_276 = vector.extract %slice3A_275[0] : f32 from vector<1xf32>
      %broadcast_in_dim3A_277 = vector.broadcast %squeeze3A_276 : f32 to vector<16xf32>
      %select_n3A_278 = arith.select %eq3A_4, %broadcast_in_dim3A_277, %sub3A_274 : vector<16xi1>, vector<16xf32>
      %swap3A_279 = arith.constant 194 : i32
      %swap3A_280 = arith.constant 0 : i32
      %swap3A_281 = arith.constant 0 : i32
      %swap3A_282 = tpu.memref_slice %arg13[%rem3A_131, %swap3A_280, %swap3A_281] : memref<2x200x16xf32, #tpu.memory_space<vmem>> -> memref<1x200x16xf32, #tpu.memory_space<vmem>>
      %swap3A_283 = tpu.memref_squeeze %swap3A_282 : memref<1x200x16xf32, #tpu.memory_space<vmem>> -> memref<200x16xf32, #tpu.memory_space<vmem>>
      %swap3A_284 = arith.index_cast %swap3A_279 : i32 to index
      %swap3A_285 = arith.constant 0 : index
      %swap3A_286 = tpu.vector_load %swap3A_283[%swap3A_284, %swap3A_285] {strides = array<i32>} : memref<200x16xf32, #tpu.memory_space<vmem>>, vector<1x16xf32>,
      %swap3A_287 = vector.shape_cast %swap3A_286 : vector<1x16xf32> to vector<16xf32>
      %swap3A_288 = vector.shape_cast %select_n3A_278 : vector<16xf32> to vector<1x16xf32>
      tpu.vector_store %swap3A_283[%swap3A_284, %swap3A_285], %swap3A_288 {strides = array<i32>} : memref<200x16xf32, #tpu.memory_space<vmem>>, vector<1x16xf32>,
      %get3A_289 = arith.constant 195 : i32
      %get3A_290 = arith.constant 0 : i32
      %get3A_291 = arith.constant 0 : i32
      %get3A_292 = tpu.memref_slice %arg12[%rem3A_131, %get3A_290, %get3A_291] : memref<2x200x16xf32, #tpu.memory_space<vmem>> -> memref<1x200x16xf32, #tpu.memory_space<vmem>>
      %get3A_293 = tpu.memref_squeeze %get3A_292 : memref<1x200x16xf32, #tpu.memory_space<vmem>> -> memref<200x16xf32, #tpu.memory_space<vmem>>
      %get3A_294 = arith.index_cast %get3A_289 : i32 to index
      %get3A_295 = arith.constant 0 : index
      %get3A_296 = tpu.vector_load %get3A_293[%get3A_294, %get3A_295] {strides = array<i32>} : memref<200x16xf32, #tpu.memory_space<vmem>>, vector<1x16xf32>,
      %get3A_297 = vector.shape_cast %get3A_296 : vector<1x16xf32> to vector<16xf32>
      %get3A_298 = arith.constant 195 : i32
      %get3A_299 = arith.constant 0 : i32
      %get3A_300 = arith.constant 0 : i32
      %get3A_301 = tpu.memref_slice %arg11[%rem3A_131, %get3A_299, %get3A_300] : memref<2x200x16xf32, #tpu.memory_space<vmem>> -> memref<1x200x16xf32, #tpu.memory_space<vmem>>
      %get3A_302 = tpu.memref_squeeze %get3A_301 : memref<1x200x16xf32, #tpu.memory_space<vmem>> -> memref<200x16xf32, #tpu.memory_space<vmem>>
      %get3A_303 = arith.index_cast %get3A_298 : i32 to index
      %get3A_304 = arith.constant 0 : index
      %get3A_305 = tpu.vector_load %get3A_302[%get3A_303, %get3A_304] {strides = array<i32>} : memref<200x16xf32, #tpu.memory_space<vmem>>, vector<1x16xf32>,
      %get3A_306 = vector.shape_cast %get3A_305 : vector<1x16xf32> to vector<16xf32>
      %sub3A_307 = arith.subf %get3A_297, %get3A_306 : vector<16xf32>
      %slice3A_308 = vector.extract_strided_slice %select_n3A {offsets = [3], sizes = [1], strides = [1]} : vector<16xf32> to vector<1xf32>
      %squeeze3A_309 = vector.extract %slice3A_308[0] : f32 from vector<1xf32>
      %broadcast_in_dim3A_310 = vector.broadcast %squeeze3A_309 : f32 to vector<16xf32>
      %select_n3A_311 = arith.select %eq3A_4, %broadcast_in_dim3A_310, %sub3A_307 : vector<16xi1>, vector<16xf32>
      %swap3A_312 = arith.constant 195 : i32
      %swap3A_313 = arith.constant 0 : i32
      %swap3A_314 = arith.constant 0 : i32
      %swap3A_315 = tpu.memref_slice %arg13[%rem3A_131, %swap3A_313, %swap3A_314] : memref<2x200x16xf32, #tpu.memory_space<vmem>> -> memref<1x200x16xf32, #tpu.memory_space<vmem>>
      %swap3A_316 = tpu.memref_squeeze %swap3A_315 : memref<1x200x16xf32, #tpu.memory_space<vmem>> -> memref<200x16xf32, #tpu.memory_space<vmem>>
      %swap3A_317 = arith.index_cast %swap3A_312 : i32 to index
      %swap3A_318 = arith.constant 0 : index
      %swap3A_319 = tpu.vector_load %swap3A_316[%swap3A_317, %swap3A_318] {strides = array<i32>} : memref<200x16xf32, #tpu.memory_space<vmem>>, vector<1x16xf32>,
      %swap3A_320 = vector.shape_cast %swap3A_319 : vector<1x16xf32> to vector<16xf32>
      %swap3A_321 = vector.shape_cast %select_n3A_311 : vector<16xf32> to vector<1x16xf32>
      tpu.vector_store %swap3A_316[%swap3A_317, %swap3A_318], %swap3A_321 {strides = array<i32>} : memref<200x16xf32, #tpu.memory_space<vmem>>, vector<1x16xf32>,
      %get3A_322 = arith.constant 196 : i32
      %get3A_323 = arith.constant 0 : i32
      %get3A_324 = arith.constant 0 : i32
      %get3A_325 = tpu.memref_slice %arg12[%rem3A_131, %get3A_323, %get3A_324] : memref<2x200x16xf32, #tpu.memory_space<vmem>> -> memref<1x200x16xf32, #tpu.memory_space<vmem>>
      %get3A_326 = tpu.memref_squeeze %get3A_325 : memref<1x200x16xf32, #tpu.memory_space<vmem>> -> memref<200x16xf32, #tpu.memory_space<vmem>>
      %get3A_327 = arith.index_cast %get3A_322 : i32 to index
      %get3A_328 = arith.constant 0 : index
      %get3A_329 = tpu.vector_load %get3A_326[%get3A_327, %get3A_328] {strides = array<i32>} : memref<200x16xf32, #tpu.memory_space<vmem>>, vector<1x16xf32>,
      %get3A_330 = vector.shape_cast %get3A_329 : vector<1x16xf32> to vector<16xf32>
      %get3A_331 = arith.constant 196 : i32
      %get3A_332 = arith.constant 0 : i32
      %get3A_333 = arith.constant 0 : i32
      %get3A_334 = tpu.memref_slice %arg11[%rem3A_131, %get3A_332, %get3A_333] : memref<2x200x16xf32, #tpu.memory_space<vmem>> -> memref<1x200x16xf32, #tpu.memory_space<vmem>>
      %get3A_335 = tpu.memref_squeeze %get3A_334 : memref<1x200x16xf32, #tpu.memory_space<vmem>> -> memref<200x16xf32, #tpu.memory_space<vmem>>
      %get3A_336 = arith.index_cast %get3A_331 : i32 to index
      %get3A_337 = arith.constant 0 : index
      %get3A_338 = tpu.vector_load %get3A_335[%get3A_336, %get3A_337] {strides = array<i32>} : memref<200x16xf32, #tpu.memory_space<vmem>>, vector<1x16xf32>,
      %get3A_339 = vector.shape_cast %get3A_338 : vector<1x16xf32> to vector<16xf32>
      %sub3A_340 = arith.subf %get3A_330, %get3A_339 : vector<16xf32>
      %slice3A_341 = vector.extract_strided_slice %select_n3A {offsets = [4], sizes = [1], strides = [1]} : vector<16xf32> to vector<1xf32>
      %squeeze3A_342 = vector.extract %slice3A_341[0] : f32 from vector<1xf32>
      %broadcast_in_dim3A_343 = vector.broadcast %squeeze3A_342 : f32 to vector<16xf32>
      %select_n3A_344 = arith.select %eq3A_4, %broadcast_in_dim3A_343, %sub3A_340 : vector<16xi1>, vector<16xf32>
      %swap3A_345 = arith.constant 196 : i32
      %swap3A_346 = arith.constant 0 : i32
      %swap3A_347 = arith.constant 0 : i32
      %swap3A_348 = tpu.memref_slice %arg13[%rem3A_131, %swap3A_346, %swap3A_347] : memref<2x200x16xf32, #tpu.memory_space<vmem>> -> memref<1x200x16xf32, #tpu.memory_space<vmem>>
      %swap3A_349 = tpu.memref_squeeze %swap3A_348 : memref<1x200x16xf32, #tpu.memory_space<vmem>> -> memref<200x16xf32, #tpu.memory_space<vmem>>
      %swap3A_350 = arith.index_cast %swap3A_345 : i32 to index
      %swap3A_351 = arith.constant 0 : index
      %swap3A_352 = tpu.vector_load %swap3A_349[%swap3A_350, %swap3A_351] {strides = array<i32>} : memref<200x16xf32, #tpu.memory_space<vmem>>, vector<1x16xf32>,
      %swap3A_353 = vector.shape_cast %swap3A_352 : vector<1x16xf32> to vector<16xf32>
      %swap3A_354 = vector.shape_cast %select_n3A_344 : vector<16xf32> to vector<1x16xf32>
      tpu.vector_store %swap3A_349[%swap3A_350, %swap3A_351], %swap3A_354 {strides = array<i32>} : memref<200x16xf32, #tpu.memory_space<vmem>>, vector<1x16xf32>,
      %get3A_355 = arith.constant 197 : i32
      %get3A_356 = arith.constant 0 : i32
      %get3A_357 = arith.constant 0 : i32
      %get3A_358 = tpu.memref_slice %arg12[%rem3A_131, %get3A_356, %get3A_357] : memref<2x200x16xf32, #tpu.memory_space<vmem>> -> memref<1x200x16xf32, #tpu.memory_space<vmem>>
      %get3A_359 = tpu.memref_squeeze %get3A_358 : memref<1x200x16xf32, #tpu.memory_space<vmem>> -> memref<200x16xf32, #tpu.memory_space<vmem>>
      %get3A_360 = arith.index_cast %get3A_355 : i32 to index
      %get3A_361 = arith.constant 0 : index
      %get3A_362 = tpu.vector_load %get3A_359[%get3A_360, %get3A_361] {strides = array<i32>} : memref<200x16xf32, #tpu.memory_space<vmem>>, vector<1x16xf32>,
      %get3A_363 = vector.shape_cast %get3A_362 : vector<1x16xf32> to vector<16xf32>
      %get3A_364 = arith.constant 197 : i32
      %get3A_365 = arith.constant 0 : i32
      %get3A_366 = arith.constant 0 : i32
      %get3A_367 = tpu.memref_slice %arg11[%rem3A_131, %get3A_365, %get3A_366] : memref<2x200x16xf32, #tpu.memory_space<vmem>> -> memref<1x200x16xf32, #tpu.memory_space<vmem>>
      %get3A_368 = tpu.memref_squeeze %get3A_367 : memref<1x200x16xf32, #tpu.memory_space<vmem>> -> memref<200x16xf32, #tpu.memory_space<vmem>>
      %get3A_369 = arith.index_cast %get3A_364 : i32 to index
      %get3A_370 = arith.constant 0 : index
      %get3A_371 = tpu.vector_load %get3A_368[%get3A_369, %get3A_370] {strides = array<i32>} : memref<200x16xf32, #tpu.memory_space<vmem>>, vector<1x16xf32>,
      %get3A_372 = vector.shape_cast %get3A_371 : vector<1x16xf32> to vector<16xf32>
      %sub3A_373 = arith.subf %get3A_363, %get3A_372 : vector<16xf32>
      %slice3A_374 = vector.extract_strided_slice %select_n3A {offsets = [5], sizes = [1], strides = [1]} : vector<16xf32> to vector<1xf32>
      %squeeze3A_375 = vector.extract %slice3A_374[0] : f32 from vector<1xf32>
      %broadcast_in_dim3A_376 = vector.broadcast %squeeze3A_375 : f32 to vector<16xf32>
      %select_n3A_377 = arith.select %eq3A_4, %broadcast_in_dim3A_376, %sub3A_373 : vector<16xi1>, vector<16xf32>
      %swap3A_378 = arith.constant 197 : i32
      %swap3A_379 = arith.constant 0 : i32
      %swap3A_380 = arith.constant 0 : i32
      %swap3A_381 = tpu.memref_slice %arg13[%rem3A_131, %swap3A_379, %swap3A_380] : memref<2x200x16xf32, #tpu.memory_space<vmem>> -> memref<1x200x16xf32, #tpu.memory_space<vmem>>
      %swap3A_382 = tpu.memref_squeeze %swap3A_381 : memref<1x200x16xf32, #tpu.memory_space<vmem>> -> memref<200x16xf32, #tpu.memory_space<vmem>>
      %swap3A_383 = arith.index_cast %swap3A_378 : i32 to index
      %swap3A_384 = arith.constant 0 : index
      %swap3A_385 = tpu.vector_load %swap3A_382[%swap3A_383, %swap3A_384] {strides = array<i32>} : memref<200x16xf32, #tpu.memory_space<vmem>>, vector<1x16xf32>,
      %swap3A_386 = vector.shape_cast %swap3A_385 : vector<1x16xf32> to vector<16xf32>
      %swap3A_387 = vector.shape_cast %select_n3A_377 : vector<16xf32> to vector<1x16xf32>
      tpu.vector_store %swap3A_382[%swap3A_383, %swap3A_384], %swap3A_387 {strides = array<i32>} : memref<200x16xf32, #tpu.memory_space<vmem>>, vector<1x16xf32>,
      %get3A_388 = arith.constant 198 : i32
      %get3A_389 = arith.constant 0 : i32
      %get3A_390 = arith.constant 0 : i32
      %get3A_391 = tpu.memref_slice %arg12[%rem3A_131, %get3A_389, %get3A_390] : memref<2x200x16xf32, #tpu.memory_space<vmem>> -> memref<1x200x16xf32, #tpu.memory_space<vmem>>
      %get3A_392 = tpu.memref_squeeze %get3A_391 : memref<1x200x16xf32, #tpu.memory_space<vmem>> -> memref<200x16xf32, #tpu.memory_space<vmem>>
      %get3A_393 = arith.index_cast %get3A_388 : i32 to index
      %get3A_394 = arith.constant 0 : index
      %get3A_395 = tpu.vector_load %get3A_392[%get3A_393, %get3A_394] {strides = array<i32>} : memref<200x16xf32, #tpu.memory_space<vmem>>, vector<1x16xf32>,
      %get3A_396 = vector.shape_cast %get3A_395 : vector<1x16xf32> to vector<16xf32>
      %get3A_397 = arith.constant 198 : i32
      %get3A_398 = arith.constant 0 : i32
      %get3A_399 = arith.constant 0 : i32
      %get3A_400 = tpu.memref_slice %arg11[%rem3A_131, %get3A_398, %get3A_399] : memref<2x200x16xf32, #tpu.memory_space<vmem>> -> memref<1x200x16xf32, #tpu.memory_space<vmem>>
      %get3A_401 = tpu.memref_squeeze %get3A_400 : memref<1x200x16xf32, #tpu.memory_space<vmem>> -> memref<200x16xf32, #tpu.memory_space<vmem>>
      %get3A_402 = arith.index_cast %get3A_397 : i32 to index
      %get3A_403 = arith.constant 0 : index
      %get3A_404 = tpu.vector_load %get3A_401[%get3A_402, %get3A_403] {strides = array<i32>} : memref<200x16xf32, #tpu.memory_space<vmem>>, vector<1x16xf32>,
      %get3A_405 = vector.shape_cast %get3A_404 : vector<1x16xf32> to vector<16xf32>
      %sub3A_406 = arith.subf %get3A_396, %get3A_405 : vector<16xf32>
      %slice3A_407 = vector.extract_strided_slice %select_n3A {offsets = [6], sizes = [1], strides = [1]} : vector<16xf32> to vector<1xf32>
      %squeeze3A_408 = vector.extract %slice3A_407[0] : f32 from vector<1xf32>
      %broadcast_in_dim3A_409 = vector.broadcast %squeeze3A_408 : f32 to vector<16xf32>
      %select_n3A_410 = arith.select %eq3A_4, %broadcast_in_dim3A_409, %sub3A_406 : vector<16xi1>, vector<16xf32>
      %swap3A_411 = arith.constant 198 : i32
      %swap3A_412 = arith.constant 0 : i32
      %swap3A_413 = arith.constant 0 : i32
      %swap3A_414 = tpu.memref_slice %arg13[%rem3A_131, %swap3A_412, %swap3A_413] : memref<2x200x16xf32, #tpu.memory_space<vmem>> -> memref<1x200x16xf32, #tpu.memory_space<vmem>>
      %swap3A_415 = tpu.memref_squeeze %swap3A_414 : memref<1x200x16xf32, #tpu.memory_space<vmem>> -> memref<200x16xf32, #tpu.memory_space<vmem>>
      %swap3A_416 = arith.index_cast %swap3A_411 : i32 to index
      %swap3A_417 = arith.constant 0 : index
      %swap3A_418 = tpu.vector_load %swap3A_415[%swap3A_416, %swap3A_417] {strides = array<i32>} : memref<200x16xf32, #tpu.memory_space<vmem>>, vector<1x16xf32>,
      %swap3A_419 = vector.shape_cast %swap3A_418 : vector<1x16xf32> to vector<16xf32>
      %swap3A_420 = vector.shape_cast %select_n3A_410 : vector<16xf32> to vector<1x16xf32>
      tpu.vector_store %swap3A_415[%swap3A_416, %swap3A_417], %swap3A_420 {strides = array<i32>} : memref<200x16xf32, #tpu.memory_space<vmem>>, vector<1x16xf32>,
      %get3A_421 = arith.constant 199 : i32
      %get3A_422 = arith.constant 0 : i32
      %get3A_423 = arith.constant 0 : i32
      %get3A_424 = tpu.memref_slice %arg12[%rem3A_131, %get3A_422, %get3A_423] : memref<2x200x16xf32, #tpu.memory_space<vmem>> -> memref<1x200x16xf32, #tpu.memory_space<vmem>>
      %get3A_425 = tpu.memref_squeeze %get3A_424 : memref<1x200x16xf32, #tpu.memory_space<vmem>> -> memref<200x16xf32, #tpu.memory_space<vmem>>
      %get3A_426 = arith.index_cast %get3A_421 : i32 to index
      %get3A_427 = arith.constant 0 : index
      %get3A_428 = tpu.vector_load %get3A_425[%get3A_426, %get3A_427] {strides = array<i32>} : memref<200x16xf32, #tpu.memory_space<vmem>>, vector<1x16xf32>,
      %get3A_429 = vector.shape_cast %get3A_428 : vector<1x16xf32> to vector<16xf32>
      %get3A_430 = arith.constant 199 : i32
      %get3A_431 = arith.constant 0 : i32
      %get3A_432 = arith.constant 0 : i32
      %get3A_433 = tpu.memref_slice %arg11[%rem3A_131, %get3A_431, %get3A_432] : memref<2x200x16xf32, #tpu.memory_space<vmem>> -> memref<1x200x16xf32, #tpu.memory_space<vmem>>
      %get3A_434 = tpu.memref_squeeze %get3A_433 : memref<1x200x16xf32, #tpu.memory_space<vmem>> -> memref<200x16xf32, #tpu.memory_space<vmem>>
      %get3A_435 = arith.index_cast %get3A_430 : i32 to index
      %get3A_436 = arith.constant 0 : index
      %get3A_437 = tpu.vector_load %get3A_434[%get3A_435, %get3A_436] {strides = array<i32>} : memref<200x16xf32, #tpu.memory_space<vmem>>, vector<1x16xf32>,
      %get3A_438 = vector.shape_cast %get3A_437 : vector<1x16xf32> to vector<16xf32>
      %sub3A_439 = arith.subf %get3A_429, %get3A_438 : vector<16xf32>
      %slice3A_440 = vector.extract_strided_slice %select_n3A {offsets = [7], sizes = [1], strides = [1]} : vector<16xf32> to vector<1xf32>
      %squeeze3A_441 = vector.extract %slice3A_440[0] : f32 from vector<1xf32>
      %broadcast_in_dim3A_442 = vector.broadcast %squeeze3A_441 : f32 to vector<16xf32>
      %select_n3A_443 = arith.select %eq3A_4, %broadcast_in_dim3A_442, %sub3A_439 : vector<16xi1>, vector<16xf32>
      %swap3A_444 = arith.constant 199 : i32
      %swap3A_445 = arith.constant 0 : i32
      %swap3A_446 = arith.constant 0 : i32
      %swap3A_447 = tpu.memref_slice %arg13[%rem3A_131, %swap3A_445, %swap3A_446] : memref<2x200x16xf32, #tpu.memory_space<vmem>> -> memref<1x200x16xf32, #tpu.memory_space<vmem>>
      %swap3A_448 = tpu.memref_squeeze %swap3A_447 : memref<1x200x16xf32, #tpu.memory_space<vmem>> -> memref<200x16xf32, #tpu.memory_space<vmem>>
      %swap3A_449 = arith.index_cast %swap3A_444 : i32 to index
      %swap3A_450 = arith.constant 0 : index
      %swap3A_451 = tpu.vector_load %swap3A_448[%swap3A_449, %swap3A_450] {strides = array<i32>} : memref<200x16xf32, #tpu.memory_space<vmem>>, vector<1x16xf32>,
      %swap3A_452 = vector.shape_cast %swap3A_451 : vector<1x16xf32> to vector<16xf32>
      %swap3A_453 = vector.shape_cast %select_n3A_443 : vector<16xf32> to vector<1x16xf32>
      tpu.vector_store %swap3A_448[%swap3A_449, %swap3A_450], %swap3A_453 {strides = array<i32>} : memref<200x16xf32, #tpu.memory_space<vmem>>, vector<1x16xf32>,
      %mul3A_454 = arith.constant 200 : i32
      %mul3A_455 = arith.muli %scan3A_129, %mul3A_454 : i32
      %add3A_456 = arith.addi %mul3A_2, %mul3A_455 : i32
      %dma_start3A_457 = arith.constant 0 : i32
      %dma_start3A_458 = arith.constant 0 : i32
      %dma_start3A_459 = tpu.memref_slice %arg10[%rem3A_131, %dma_start3A_457, %dma_start3A_458] : memref<2x200x128xf32, #tpu.memory_space<vmem>> -> memref<1x200x128xf32, #tpu.memory_space<vmem>>
      %dma_start3A_460 = tpu.memref_squeeze %dma_start3A_459 : memref<1x200x128xf32, #tpu.memory_space<vmem>> -> memref<200x128xf32, #tpu.memory_space<vmem>>
      %dma_start3A_461 = arith.constant 0 : i32
      %dma_start3A_462 = tpu.memref_slice %arg6[%add3A_456, %dma_start3A_461] : memref<320000x128xf32, #tpu.memory_space<hbm>> -> memref<200x128xf32, #tpu.memory_space<hbm>>
      %dma_start3A_463 = tpu.memref_slice %arg15[%rem3A_131] : memref<2x!tpu.dma_semaphore, #tpu.memory_space<semaphore_mem>> -> memref<1x!tpu.dma_semaphore, #tpu.memory_space<semaphore_mem>>
      %dma_start3A_464 = tpu.memref_squeeze %dma_start3A_463 : memref<1x!tpu.dma_semaphore, #tpu.memory_space<semaphore_mem>> -> memref<!tpu.dma_semaphore, #tpu.memory_space<semaphore_mem>>
      %dma_start3A_465 = arith.constant 0 : i32
      %dma_start3A_466 = tpu.memref_slice %arg6[%add3A_456, %dma_start3A_465] : memref<320000x128xf32, #tpu.memory_space<hbm>> -> memref<200x128xf32, #tpu.memory_space<hbm>>
      %dma_start3A_467 = arith.constant 0 : i32
      %dma_start3A_468 = arith.constant 0 : i32
      %dma_start3A_469 = tpu.memref_slice %arg10[%rem3A_131, %dma_start3A_467, %dma_start3A_468] : memref<2x200x128xf32, #tpu.memory_space<vmem>> -> memref<1x200x128xf32, #tpu.memory_space<vmem>>
      %dma_start3A_470 = tpu.memref_squeeze %dma_start3A_469 : memref<1x200x128xf32, #tpu.memory_space<vmem>> -> memref<200x128xf32, #tpu.memory_space<vmem>>
      tpu.enqueue_dma source(%dma_start3A_470 : memref<200x128xf32, #tpu.memory_space<vmem>>) target(%dma_start3A_466 : memref<200x128xf32, #tpu.memory_space<hbm>>) target_semaphore(%dma_start3A_464 : memref<!tpu.dma_semaphore, #tpu.memory_space<semaphore_mem>>)
      %dma_start3A_471 = arith.constant 0 : i32
      %dma_start3A_472 = arith.constant 0 : i32
      %dma_start3A_473 = tpu.memref_slice %arg13[%rem3A_131, %dma_start3A_471, %dma_start3A_472] : memref<2x200x16xf32, #tpu.memory_space<vmem>> -> memref<1x200x16xf32, #tpu.memory_space<vmem>>
      %dma_start3A_474 = tpu.memref_squeeze %dma_start3A_473 : memref<1x200x16xf32, #tpu.memory_space<vmem>> -> memref<200x16xf32, #tpu.memory_space<vmem>>
      %dma_start3A_475 = arith.constant 0 : i32
      %dma_start3A_476 = tpu.memref_slice %arg7[%add3A_456, %dma_start3A_475] : memref<320000x16xf32, #tpu.memory_space<hbm>> -> memref<200x16xf32, #tpu.memory_space<hbm>>
      %dma_start3A_477 = tpu.memref_slice %arg15[%rem3A_131] : memref<2x!tpu.dma_semaphore, #tpu.memory_space<semaphore_mem>> -> memref<1x!tpu.dma_semaphore, #tpu.memory_space<semaphore_mem>>
      %dma_start3A_478 = tpu.memref_squeeze %dma_start3A_477 : memref<1x!tpu.dma_semaphore, #tpu.memory_space<semaphore_mem>> -> memref<!tpu.dma_semaphore, #tpu.memory_space<semaphore_mem>>
      %dma_start3A_479 = arith.constant 0 : i32
      %dma_start3A_480 = tpu.memref_slice %arg7[%add3A_456, %dma_start3A_479] : memref<320000x16xf32, #tpu.memory_space<hbm>> -> memref<200x16xf32, #tpu.memory_space<hbm>>
      %dma_start3A_481 = arith.constant 0 : i32
      %dma_start3A_482 = arith.constant 0 : i32
      %dma_start3A_483 = tpu.memref_slice %arg13[%rem3A_131, %dma_start3A_481, %dma_start3A_482] : memref<2x200x16xf32, #tpu.memory_space<vmem>> -> memref<1x200x16xf32, #tpu.memory_space<vmem>>
      %dma_start3A_484 = tpu.memref_squeeze %dma_start3A_483 : memref<1x200x16xf32, #tpu.memory_space<vmem>> -> memref<200x16xf32, #tpu.memory_space<vmem>>
      tpu.enqueue_dma source(%dma_start3A_484 : memref<200x16xf32, #tpu.memory_space<vmem>>) target(%dma_start3A_480 : memref<200x16xf32, #tpu.memory_space<hbm>>) target_semaphore(%dma_start3A_478 : memref<!tpu.dma_semaphore, #tpu.memory_space<semaphore_mem>>)
      %scan3A_485 = arith.constant 0 : i32
      scf.yield %scan3A_485 : i32
    }
    %scan3A_57 = arith.constant 50 : i32
    %dma_wait3A = arith.constant 0 : i32
    %dma_wait3A_58 = arith.constant 0 : i32
    %dma_wait3A_59 = arith.constant 0 : i32
    %dma_wait3A_60 = arith.constant 0 : i32
    %dma_wait3A_61 = tpu.memref_slice %arg10[%dma_wait3A, %dma_wait3A_59, %dma_wait3A_60] : memref<2x200x128xf32, #tpu.memory_space<vmem>> -> memref<1x200x128xf32, #tpu.memory_space<vmem>>
    %dma_wait3A_62 = tpu.memref_squeeze %dma_wait3A_61 : memref<1x200x128xf32, #tpu.memory_space<vmem>> -> memref<200x128xf32, #tpu.memory_space<vmem>>
    %dma_wait3A_63 = arith.constant 0 : i32
    %dma_wait3A_64 = arith.constant 0 : i32
    %dma_wait3A_65 = tpu.memref_slice %arg6[%dma_wait3A_63, %dma_wait3A_64] : memref<320000x128xf32, #tpu.memory_space<hbm>> -> memref<200x128xf32, #tpu.memory_space<hbm>>
    %dma_wait3A_66 = tpu.memref_slice %arg15[%dma_wait3A_58] : memref<2x!tpu.dma_semaphore, #tpu.memory_space<semaphore_mem>> -> memref<1x!tpu.dma_semaphore, #tpu.memory_space<semaphore_mem>>
    %dma_wait3A_67 = tpu.memref_squeeze %dma_wait3A_66 : memref<1x!tpu.dma_semaphore, #tpu.memory_space<semaphore_mem>> -> memref<!tpu.dma_semaphore, #tpu.memory_space<semaphore_mem>>
    %dma_wait3A_68 = arith.constant 0 : i32
    %dma_wait3A_69 = arith.constant 0 : i32
    %dma_wait3A_70 = tpu.memref_slice %arg6[%dma_wait3A_68, %dma_wait3A_69] : memref<320000x128xf32, #tpu.memory_space<hbm>> -> memref<200x128xf32, #tpu.memory_space<hbm>>
    %dma_wait3A_71 = arith.constant 0 : i32
    %dma_wait3A_72 = arith.constant 0 : i32
    %dma_wait3A_73 = tpu.memref_slice %arg10[%dma_wait3A, %dma_wait3A_71, %dma_wait3A_72] : memref<2x200x128xf32, #tpu.memory_space<vmem>> -> memref<1x200x128xf32, #tpu.memory_space<vmem>>
    %dma_wait3A_74 = tpu.memref_squeeze %dma_wait3A_73 : memref<1x200x128xf32, #tpu.memory_space<vmem>> -> memref<200x128xf32, #tpu.memory_space<vmem>>
    tpu.wait_dma2 semaphore(%dma_wait3A_67 : memref<!tpu.dma_semaphore, #tpu.memory_space<semaphore_mem>>) src(%dma_wait3A_74 : memref<200x128xf32, #tpu.memory_space<vmem>>) dst(%dma_wait3A_70 : memref<200x128xf32, #tpu.memory_space<hbm>>)
    %dma_wait3A_75 = arith.constant 0 : i32
    %dma_wait3A_76 = arith.constant 0 : i32
    %dma_wait3A_77 = arith.constant 0 : i32
    %dma_wait3A_78 = arith.constant 0 : i32
    %dma_wait3A_79 = tpu.memref_slice %arg13[%dma_wait3A_75, %dma_wait3A_77, %dma_wait3A_78] : memref<2x200x16xf32, #tpu.memory_space<vmem>> -> memref<1x200x16xf32, #tpu.memory_space<vmem>>
    %dma_wait3A_80 = tpu.memref_squeeze %dma_wait3A_79 : memref<1x200x16xf32, #tpu.memory_space<vmem>> -> memref<200x16xf32, #tpu.memory_space<vmem>>
    %dma_wait3A_81 = arith.constant 0 : i32
    %dma_wait3A_82 = arith.constant 0 : i32
    %dma_wait3A_83 = tpu.memref_slice %arg7[%dma_wait3A_81, %dma_wait3A_82] : memref<320000x16xf32, #tpu.memory_space<hbm>> -> memref<200x16xf32, #tpu.memory_space<hbm>>
    %dma_wait3A_84 = tpu.memref_slice %arg15[%dma_wait3A_76] : memref<2x!tpu.dma_semaphore, #tpu.memory_space<semaphore_mem>> -> memref<1x!tpu.dma_semaphore, #tpu.memory_space<semaphore_mem>>
    %dma_wait3A_85 = tpu.memref_squeeze %dma_wait3A_84 : memref<1x!tpu.dma_semaphore, #tpu.memory_space<semaphore_mem>> -> memref<!tpu.dma_semaphore, #tpu.memory_space<semaphore_mem>>
    %dma_wait3A_86 = arith.constant 0 : i32
    %dma_wait3A_87 = arith.constant 0 : i32
    %dma_wait3A_88 = tpu.memref_slice %arg7[%dma_wait3A_86, %dma_wait3A_87] : memref<320000x16xf32, #tpu.memory_space<hbm>> -> memref<200x16xf32, #tpu.memory_space<hbm>>
    %dma_wait3A_89 = arith.constant 0 : i32
    %dma_wait3A_90 = arith.constant 0 : i32
    %dma_wait3A_91 = tpu.memref_slice %arg13[%dma_wait3A_75, %dma_wait3A_89, %dma_wait3A_90] : memref<2x200x16xf32, #tpu.memory_space<vmem>> -> memref<1x200x16xf32, #tpu.memory_space<vmem>>
    %dma_wait3A_92 = tpu.memref_squeeze %dma_wait3A_91 : memref<1x200x16xf32, #tpu.memory_space<vmem>> -> memref<200x16xf32, #tpu.memory_space<vmem>>
    tpu.wait_dma2 semaphore(%dma_wait3A_85 : memref<!tpu.dma_semaphore, #tpu.memory_space<semaphore_mem>>) src(%dma_wait3A_92 : memref<200x16xf32, #tpu.memory_space<vmem>>) dst(%dma_wait3A_88 : memref<200x16xf32, #tpu.memory_space<hbm>>)
    %dma_wait3A_93 = arith.constant 1 : i32
    %dma_wait3A_94 = arith.constant 1 : i32
    %dma_wait3A_95 = arith.constant 0 : i32
    %dma_wait3A_96 = arith.constant 0 : i32
    %dma_wait3A_97 = tpu.memref_slice %arg10[%dma_wait3A_93, %dma_wait3A_95, %dma_wait3A_96] : memref<2x200x128xf32, #tpu.memory_space<vmem>> -> memref<1x200x128xf32, #tpu.memory_space<vmem>>
    %dma_wait3A_98 = tpu.memref_squeeze %dma_wait3A_97 : memref<1x200x128xf32, #tpu.memory_space<vmem>> -> memref<200x128xf32, #tpu.memory_space<vmem>>
    %dma_wait3A_99 = arith.constant 0 : i32
    %dma_wait3A_100 = arith.constant 0 : i32
    %dma_wait3A_101 = tpu.memref_slice %arg6[%dma_wait3A_99, %dma_wait3A_100] : memref<320000x128xf32, #tpu.memory_space<hbm>> -> memref<200x128xf32, #tpu.memory_space<hbm>>
    %dma_wait3A_102 = tpu.memref_slice %arg15[%dma_wait3A_94] : memref<2x!tpu.dma_semaphore, #tpu.memory_space<semaphore_mem>> -> memref<1x!tpu.dma_semaphore, #tpu.memory_space<semaphore_mem>>
    %dma_wait3A_103 = tpu.memref_squeeze %dma_wait3A_102 : memref<1x!tpu.dma_semaphore, #tpu.memory_space<semaphore_mem>> -> memref<!tpu.dma_semaphore, #tpu.memory_space<semaphore_mem>>
    %dma_wait3A_104 = arith.constant 0 : i32
    %dma_wait3A_105 = arith.constant 0 : i32
    %dma_wait3A_106 = tpu.memref_slice %arg6[%dma_wait3A_104, %dma_wait3A_105] : memref<320000x128xf32, #tpu.memory_space<hbm>> -> memref<200x128xf32, #tpu.memory_space<hbm>>
    %dma_wait3A_107 = arith.constant 0 : i32
    %dma_wait3A_108 = arith.constant 0 : i32
    %dma_wait3A_109 = tpu.memref_slice %arg10[%dma_wait3A_93, %dma_wait3A_107, %dma_wait3A_108] : memref<2x200x128xf32, #tpu.memory_space<vmem>> -> memref<1x200x128xf32, #tpu.memory_space<vmem>>
    %dma_wait3A_110 = tpu.memref_squeeze %dma_wait3A_109 : memref<1x200x128xf32, #tpu.memory_space<vmem>> -> memref<200x128xf32, #tpu.memory_space<vmem>>
    tpu.wait_dma2 semaphore(%dma_wait3A_103 : memref<!tpu.dma_semaphore, #tpu.memory_space<semaphore_mem>>) src(%dma_wait3A_110 : memref<200x128xf32, #tpu.memory_space<vmem>>) dst(%dma_wait3A_106 : memref<200x128xf32, #tpu.memory_space<hbm>>)
    %dma_wait3A_111 = arith.constant 1 : i32
    %dma_wait3A_112 = arith.constant 1 : i32
    %dma_wait3A_113 = arith.constant 0 : i32
    %dma_wait3A_114 = arith.constant 0 : i32
    %dma_wait3A_115 = tpu.memref_slice %arg13[%dma_wait3A_111, %dma_wait3A_113, %dma_wait3A_114] : memref<2x200x16xf32, #tpu.memory_space<vmem>> -> memref<1x200x16xf32, #tpu.memory_space<vmem>>
    %dma_wait3A_116 = tpu.memref_squeeze %dma_wait3A_115 : memref<1x200x16xf32, #tpu.memory_space<vmem>> -> memref<200x16xf32, #tpu.memory_space<vmem>>
    %dma_wait3A_117 = arith.constant 0 : i32
    %dma_wait3A_118 = arith.constant 0 : i32
    %dma_wait3A_119 = tpu.memref_slice %arg7[%dma_wait3A_117, %dma_wait3A_118] : memref<320000x16xf32, #tpu.memory_space<hbm>> -> memref<200x16xf32, #tpu.memory_space<hbm>>
    %dma_wait3A_120 = tpu.memref_slice %arg15[%dma_wait3A_112] : memref<2x!tpu.dma_semaphore, #tpu.memory_space<semaphore_mem>> -> memref<1x!tpu.dma_semaphore, #tpu.memory_space<semaphore_mem>>
    %dma_wait3A_121 = tpu.memref_squeeze %dma_wait3A_120 : memref<1x!tpu.dma_semaphore, #tpu.memory_space<semaphore_mem>> -> memref<!tpu.dma_semaphore, #tpu.memory_space<semaphore_mem>>
    %dma_wait3A_122 = arith.constant 0 : i32
    %dma_wait3A_123 = arith.constant 0 : i32
    %dma_wait3A_124 = tpu.memref_slice %arg7[%dma_wait3A_122, %dma_wait3A_123] : memref<320000x16xf32, #tpu.memory_space<hbm>> -> memref<200x16xf32, #tpu.memory_space<hbm>>
    %dma_wait3A_125 = arith.constant 0 : i32
    %dma_wait3A_126 = arith.constant 0 : i32
    %dma_wait3A_127 = tpu.memref_slice %arg13[%dma_wait3A_111, %dma_wait3A_125, %dma_wait3A_126] : memref<2x200x16xf32, #tpu.memory_space<vmem>> -> memref<1x200x16xf32, #tpu.memory_space<vmem>>
    %dma_wait3A_128 = tpu.memref_squeeze %dma_wait3A_127 : memref<1x200x16xf32, #tpu.memory_space<vmem>> -> memref<200x16xf32, #tpu.memory_space<vmem>>
    tpu.wait_dma2 semaphore(%dma_wait3A_121 : memref<!tpu.dma_semaphore, #tpu.memory_space<semaphore_mem>>) src(%dma_wait3A_128 : memref<200x16xf32, #tpu.memory_space<vmem>>) dst(%dma_wait3A_124 : memref<200x16xf32, #tpu.memory_space<hbm>>)
    return
  }
}

module attributes {stable_mosaic.version = 14 : i64} {
  func.func @_prep_kern(%arg0: i32, %arg1: memref<1000x128xf32, #tpu.memory_space<vmem>>, %arg2: memref<16x128xf32, #tpu.memory_space<vmem>>, %arg3: memref<1536x128xf32, #tpu.memory_space<vmem>>, %arg4: memref<1x16xf32, #tpu.memory_space<vmem>>, %arg5: memref<1000x16xf32, #tpu.memory_space<vmem>>, %arg6: memref<1000x128xf32, #tpu.memory_space<vmem>>) attributes {dimension_semantics = [#tpu.dimension_semantics<arbitrary>], iteration_bounds = array<i64: 10>, scalar_prefetch = 0 : i64, scratch_operands = 0 : i64, tpu.core_type = #tpu.core_type<tc>, window_params = [{transform_indices = @transform_0, window_bounds = array<i64: 1000, 128>}, {pipeline_mode = #tpu.pipeline_mode<synchronous>, transform_indices = @transform_1, window_bounds = array<i64: 16, 128>}, {pipeline_mode = #tpu.pipeline_mode<synchronous>, transform_indices = @transform_2, window_bounds = array<i64: 1536, 128>}, {pipeline_mode = #tpu.pipeline_mode<synchronous>, transform_indices = @transform_3, window_bounds = array<i64: 1, 16>}, {transform_indices = @transform_4, window_bounds = array<i64: 1000, 16>}, {transform_indices = @transform_5, window_bounds = array<i64: 1000, 128>}]} {
    %get3A = arith.constant 0 : index
    %get3A_0 = arith.constant 0 : index
    %get3A_1 = vector.load %arg1[%get3A, %get3A_0] : memref<1000x128xf32, #tpu.memory_space<vmem>>, vector<1000x128xf32>
    %get3A_2 = arith.constant 0 : index
    %get3A_3 = arith.constant 0 : index
    %get3A_4 = vector.load %arg2[%get3A_2, %get3A_3] : memref<16x128xf32, #tpu.memory_space<vmem>>, vector<16x128xf32>
    %dot_general3A = arith.constant dense<0.000000e+00> : vector<1000x16xf32>
    %dot_general3A_5 = tpu.matmul %get3A_1, %get3A_4, %dot_general3A {dimension_numbers = #tpu.dot_dimension_numbers<[1], [1], [0], [0], [0, 0, 1, 0], [], []>, transpose_lhs_hint = false} : vector<1000x128xf32>, vector<16x128xf32>, vector<1000x16xf32> -> vector<1000x16xf32>
    %swap3A = arith.constant 0 : index
    %swap3A_6 = arith.constant 0 : index
    %swap3A_7 = vector.load %arg5[%swap3A, %swap3A_6] : memref<1000x16xf32, #tpu.memory_space<vmem>>, vector<1000x16xf32>
    tpu.vector_store %arg5[%swap3A, %swap3A_6], %dot_general3A_5 {strides = array<i32>} : memref<1000x16xf32, #tpu.memory_space<vmem>>, vector<1000x16xf32>,
    %get3A_8 = arith.constant 0 : index
    %get3A_9 = arith.constant 0 : index
    %get3A_10 = vector.load %arg3[%get3A_8, %get3A_9] : memref<1536x128xf32, #tpu.memory_space<vmem>>, vector<1536x128xf32>
    %get3A_11 = arith.constant 0 : index
    %get3A_12 = arith.constant 0 : index
    %get3A_13 = vector.load %arg4[%get3A_11, %get3A_12] : memref<1x16xf32, #tpu.memory_space<vmem>>, vector<1x16xf32>
    %reduce_max3A = arith.constant dense<0xFF800000> : vector<1xf32>
    %reduce_max3A_14 = vector.multi_reduction <maximumf>, %get3A_13, %reduce_max3A [1] : vector<1x16xf32> to vector<1xf32>
    %broadcast_in_dim3A = vector.shape_cast %reduce_max3A_14 : vector<1xf32> to vector<1x1xf32>
    %sub3A = vector.broadcast %broadcast_in_dim3A : vector<1x1xf32> to vector<1x16xf32>
    %sub3A_15 = arith.subf %get3A_13, %sub3A : vector<1x16xf32>
    %exp3A = math.exp %sub3A_15 : vector<1x16xf32>
    %reduce_sum3A = arith.constant dense<0.000000e+00> : vector<1xf32>
    %reduce_sum3A_16 = vector.multi_reduction <add>, %exp3A, %reduce_sum3A [1] : vector<1x16xf32> to vector<1xf32>
    %broadcast_in_dim3A_17 = vector.shape_cast %reduce_sum3A_16 : vector<1xf32> to vector<1x1xf32>
    %div3A = vector.broadcast %broadcast_in_dim3A_17 : vector<1x1xf32> to vector<1x16xf32>
    %div3A_18 = arith.divf %exp3A, %div3A : vector<1x16xf32>
    %broadcast_in_dim3A_19 = arith.constant 0.000000e+00 : f32
    %broadcast_in_dim3A_20 = vector.broadcast %broadcast_in_dim3A_19 : f32 to vector<128x128xf32>
    %slice3A = vector.extract_strided_slice %div3A_18 {offsets = [0, 0], sizes = [1, 1], strides = [1, 1]} : vector<1x16xf32> to vector<1x1xf32>
    %squeeze3A = vector.extract %slice3A[0, 0] : f32 from vector<1x1xf32>
    %slice3A_21 = vector.extract_strided_slice %get3A_10 {offsets = [0, 0], sizes = [128, 128], strides = [1, 1]} : vector<1536x128xf32> to vector<128x128xf32>
    %mul3A = vector.broadcast %squeeze3A : f32 to vector<128x128xf32>
    %mul3A_22 = arith.mulf %mul3A, %slice3A_21 : vector<128x128xf32>
    %add3A = arith.addf %broadcast_in_dim3A_20, %mul3A_22 : vector<128x128xf32>
    %slice3A_23 = vector.extract_strided_slice %div3A_18 {offsets = [0, 1], sizes = [1, 1], strides = [1, 1]} : vector<1x16xf32> to vector<1x1xf32>
    %squeeze3A_24 = vector.extract %slice3A_23[0, 0] : f32 from vector<1x1xf32>
    %slice3A_25 = vector.extract_strided_slice %get3A_10 {offsets = [128, 0], sizes = [128, 128], strides = [1, 1]} : vector<1536x128xf32> to vector<128x128xf32>
    %mul3A_26 = vector.broadcast %squeeze3A_24 : f32 to vector<128x128xf32>
    %mul3A_27 = arith.mulf %mul3A_26, %slice3A_25 : vector<128x128xf32>
    %add3A_28 = arith.addf %add3A, %mul3A_27 : vector<128x128xf32>
    %slice3A_29 = vector.extract_strided_slice %div3A_18 {offsets = [0, 2], sizes = [1, 1], strides = [1, 1]} : vector<1x16xf32> to vector<1x1xf32>
    %squeeze3A_30 = vector.extract %slice3A_29[0, 0] : f32 from vector<1x1xf32>
    %slice3A_31 = vector.extract_strided_slice %get3A_10 {offsets = [256, 0], sizes = [128, 128], strides = [1, 1]} : vector<1536x128xf32> to vector<128x128xf32>
    %mul3A_32 = vector.broadcast %squeeze3A_30 : f32 to vector<128x128xf32>
    %mul3A_33 = arith.mulf %mul3A_32, %slice3A_31 : vector<128x128xf32>
    %add3A_34 = arith.addf %add3A_28, %mul3A_33 : vector<128x128xf32>
    %slice3A_35 = vector.extract_strided_slice %div3A_18 {offsets = [0, 3], sizes = [1, 1], strides = [1, 1]} : vector<1x16xf32> to vector<1x1xf32>
    %squeeze3A_36 = vector.extract %slice3A_35[0, 0] : f32 from vector<1x1xf32>
    %slice3A_37 = vector.extract_strided_slice %get3A_10 {offsets = [384, 0], sizes = [128, 128], strides = [1, 1]} : vector<1536x128xf32> to vector<128x128xf32>
    %mul3A_38 = vector.broadcast %squeeze3A_36 : f32 to vector<128x128xf32>
    %mul3A_39 = arith.mulf %mul3A_38, %slice3A_37 : vector<128x128xf32>
    %add3A_40 = arith.addf %add3A_34, %mul3A_39 : vector<128x128xf32>
    %slice3A_41 = vector.extract_strided_slice %div3A_18 {offsets = [0, 4], sizes = [1, 1], strides = [1, 1]} : vector<1x16xf32> to vector<1x1xf32>
    %squeeze3A_42 = vector.extract %slice3A_41[0, 0] : f32 from vector<1x1xf32>
    %slice3A_43 = vector.extract_strided_slice %get3A_10 {offsets = [512, 0], sizes = [128, 128], strides = [1, 1]} : vector<1536x128xf32> to vector<128x128xf32>
    %mul3A_44 = vector.broadcast %squeeze3A_42 : f32 to vector<128x128xf32>
    %mul3A_45 = arith.mulf %mul3A_44, %slice3A_43 : vector<128x128xf32>
    %add3A_46 = arith.addf %add3A_40, %mul3A_45 : vector<128x128xf32>
    %slice3A_47 = vector.extract_strided_slice %div3A_18 {offsets = [0, 5], sizes = [1, 1], strides = [1, 1]} : vector<1x16xf32> to vector<1x1xf32>
    %squeeze3A_48 = vector.extract %slice3A_47[0, 0] : f32 from vector<1x1xf32>
    %slice3A_49 = vector.extract_strided_slice %get3A_10 {offsets = [640, 0], sizes = [128, 128], strides = [1, 1]} : vector<1536x128xf32> to vector<128x128xf32>
    %mul3A_50 = vector.broadcast %squeeze3A_48 : f32 to vector<128x128xf32>
    %mul3A_51 = arith.mulf %mul3A_50, %slice3A_49 : vector<128x128xf32>
    %add3A_52 = arith.addf %add3A_46, %mul3A_51 : vector<128x128xf32>
    %slice3A_53 = vector.extract_strided_slice %div3A_18 {offsets = [0, 6], sizes = [1, 1], strides = [1, 1]} : vector<1x16xf32> to vector<1x1xf32>
    %squeeze3A_54 = vector.extract %slice3A_53[0, 0] : f32 from vector<1x1xf32>
    %slice3A_55 = vector.extract_strided_slice %get3A_10 {offsets = [768, 0], sizes = [128, 128], strides = [1, 1]} : vector<1536x128xf32> to vector<128x128xf32>
    %mul3A_56 = vector.broadcast %squeeze3A_54 : f32 to vector<128x128xf32>
    %mul3A_57 = arith.mulf %mul3A_56, %slice3A_55 : vector<128x128xf32>
    %add3A_58 = arith.addf %add3A_52, %mul3A_57 : vector<128x128xf32>
    %slice3A_59 = vector.extract_strided_slice %div3A_18 {offsets = [0, 7], sizes = [1, 1], strides = [1, 1]} : vector<1x16xf32> to vector<1x1xf32>
    %squeeze3A_60 = vector.extract %slice3A_59[0, 0] : f32 from vector<1x1xf32>
    %slice3A_61 = vector.extract_strided_slice %get3A_10 {offsets = [896, 0], sizes = [128, 128], strides = [1, 1]} : vector<1536x128xf32> to vector<128x128xf32>
    %mul3A_62 = vector.broadcast %squeeze3A_60 : f32 to vector<128x128xf32>
    %mul3A_63 = arith.mulf %mul3A_62, %slice3A_61 : vector<128x128xf32>
    %add3A_64 = arith.addf %add3A_58, %mul3A_63 : vector<128x128xf32>
    %slice3A_65 = vector.extract_strided_slice %div3A_18 {offsets = [0, 8], sizes = [1, 1], strides = [1, 1]} : vector<1x16xf32> to vector<1x1xf32>
    %squeeze3A_66 = vector.extract %slice3A_65[0, 0] : f32 from vector<1x1xf32>
    %slice3A_67 = vector.extract_strided_slice %get3A_10 {offsets = [1024, 0], sizes = [128, 128], strides = [1, 1]} : vector<1536x128xf32> to vector<128x128xf32>
    %mul3A_68 = vector.broadcast %squeeze3A_66 : f32 to vector<128x128xf32>
    %mul3A_69 = arith.mulf %mul3A_68, %slice3A_67 : vector<128x128xf32>
    %add3A_70 = arith.addf %add3A_64, %mul3A_69 : vector<128x128xf32>
    %slice3A_71 = vector.extract_strided_slice %div3A_18 {offsets = [0, 9], sizes = [1, 1], strides = [1, 1]} : vector<1x16xf32> to vector<1x1xf32>
    %squeeze3A_72 = vector.extract %slice3A_71[0, 0] : f32 from vector<1x1xf32>
    %slice3A_73 = vector.extract_strided_slice %get3A_10 {offsets = [1152, 0], sizes = [128, 128], strides = [1, 1]} : vector<1536x128xf32> to vector<128x128xf32>
    %mul3A_74 = vector.broadcast %squeeze3A_72 : f32 to vector<128x128xf32>
    %mul3A_75 = arith.mulf %mul3A_74, %slice3A_73 : vector<128x128xf32>
    %add3A_76 = arith.addf %add3A_70, %mul3A_75 : vector<128x128xf32>
    %slice3A_77 = vector.extract_strided_slice %div3A_18 {offsets = [0, 10], sizes = [1, 1], strides = [1, 1]} : vector<1x16xf32> to vector<1x1xf32>
    %squeeze3A_78 = vector.extract %slice3A_77[0, 0] : f32 from vector<1x1xf32>
    %slice3A_79 = vector.extract_strided_slice %get3A_10 {offsets = [1280, 0], sizes = [128, 128], strides = [1, 1]} : vector<1536x128xf32> to vector<128x128xf32>
    %mul3A_80 = vector.broadcast %squeeze3A_78 : f32 to vector<128x128xf32>
    %mul3A_81 = arith.mulf %mul3A_80, %slice3A_79 : vector<128x128xf32>
    %add3A_82 = arith.addf %add3A_76, %mul3A_81 : vector<128x128xf32>
    %slice3A_83 = vector.extract_strided_slice %div3A_18 {offsets = [0, 11], sizes = [1, 1], strides = [1, 1]} : vector<1x16xf32> to vector<1x1xf32>
    %squeeze3A_84 = vector.extract %slice3A_83[0, 0] : f32 from vector<1x1xf32>
    %slice3A_85 = vector.extract_strided_slice %get3A_10 {offsets = [1408, 0], sizes = [128, 128], strides = [1, 1]} : vector<1536x128xf32> to vector<128x128xf32>
    %mul3A_86 = vector.broadcast %squeeze3A_84 : f32 to vector<128x128xf32>
    %mul3A_87 = arith.mulf %mul3A_86, %slice3A_85 : vector<128x128xf32>
    %add3A_88 = arith.addf %add3A_82, %mul3A_87 : vector<128x128xf32>
    %dot_general3A_89 = arith.constant dense<0.000000e+00> : vector<1000x128xf32>
    %dot_general3A_90 = tpu.matmul %get3A_1, %add3A_88, %dot_general3A_89 {dimension_numbers = #tpu.dot_dimension_numbers<[1], [1], [0], [0], [0, 0, 1, 0], [], []>, transpose_lhs_hint = false} : vector<1000x128xf32>, vector<128x128xf32>, vector<1000x128xf32> -> vector<1000x128xf32>
    %swap3A_91 = arith.constant 0 : index
    %swap3A_92 = arith.constant 0 : index
    %swap3A_93 = vector.load %arg6[%swap3A_91, %swap3A_92] : memref<1000x128xf32, #tpu.memory_space<vmem>>, vector<1000x128xf32>
    tpu.vector_store %arg6[%swap3A_91, %swap3A_92], %dot_general3A_90 {strides = array<i32>} : memref<1000x128xf32, #tpu.memory_space<vmem>>, vector<1000x128xf32>,
    return
  }
  func.func @transform_0(%arg0: i32) -> (i32, i32) {
    %c0_i32 = arith.constant 0 : i32
    %c0_i32_0 = arith.constant 0 : i32
    return %arg0, %c0_i32 : i32, i32
  }
  func.func @transform_1(%arg0: i32) -> (i32, i32) {
    %c0_i32 = arith.constant 0 : i32
    %c0_i32_0 = arith.constant 0 : i32
    %c0_i32_1 = arith.constant 0 : i32
    return %c0_i32, %c0_i32_0 : i32, i32
  }
  func.func @transform_2(%arg0: i32) -> (i32, i32) {
    %c0_i32 = arith.constant 0 : i32
    %c0_i32_0 = arith.constant 0 : i32
    %c0_i32_1 = arith.constant 0 : i32
    return %c0_i32, %c0_i32_0 : i32, i32
  }
  func.func @transform_3(%arg0: i32) -> (i32, i32) {
    %c0_i32 = arith.constant 0 : i32
    %c0_i32_0 = arith.constant 0 : i32
    %c0_i32_1 = arith.constant 0 : i32
    return %c0_i32, %c0_i32_0 : i32, i32
  }
  func.func @transform_4(%arg0: i32) -> (i32, i32) {
    %c0_i32 = arith.constant 0 : i32
    %c0_i32_0 = arith.constant 0 : i32
    return %arg0, %c0_i32 : i32, i32
  }
  func.func @transform_5(%arg0: i32) -> (i32, i32) {
    %c0_i32 = arith.constant 0 : i32
    %c0_i32_0 = arith.constant 0 : i32
    return %arg0, %c0_i32 : i32, i32
  }
}

module attributes {stable_mosaic.version = 14 : i64} {
  func.func @_edge_kern(%arg0: i32, %arg1: memref<2000x128xf32, #tpu.memory_space<vmem>>, %arg2: memref<2000x16xf32, #tpu.memory_space<vmem>>, %arg3: memref<1536x128xbf16, #tpu.memory_space<vmem>>, %arg4: memref<1x16xf32, #tpu.memory_space<vmem>>, %arg5: memref<2000x128xf32, #tpu.memory_space<vmem>>, %arg6: memref<2000x16xf32, #tpu.memory_space<vmem>>) attributes {dimension_semantics = [#tpu.dimension_semantics<arbitrary>], iteration_bounds = array<i64: 160>, scalar_prefetch = 0 : i64, scratch_operands = 0 : i64, tpu.core_type = #tpu.core_type<tc>, window_params = [{transform_indices = @transform_0, window_bounds = array<i64: 2000, 128>}, {transform_indices = @transform_1, window_bounds = array<i64: 2000, 16>}, {pipeline_mode = #tpu.pipeline_mode<synchronous>, transform_indices = @transform_2, window_bounds = array<i64: 1536, 128>}, {pipeline_mode = #tpu.pipeline_mode<synchronous>, transform_indices = @transform_3, window_bounds = array<i64: 1, 16>}, {transform_indices = @transform_4, window_bounds = array<i64: 2000, 128>}, {transform_indices = @transform_5, window_bounds = array<i64: 2000, 16>}]} {
    %get3A = arith.constant 0 : index
    %get3A_0 = arith.constant 0 : index
    %get3A_1 = vector.load %arg2[%get3A, %get3A_0] : memref<2000x16xf32, #tpu.memory_space<vmem>>, vector<2000x16xf32>
    %get3A_2 = arith.constant 0 : index
    %get3A_3 = arith.constant 0 : index
    %get3A_4 = vector.load %arg4[%get3A_2, %get3A_3] : memref<1x16xf32, #tpu.memory_space<vmem>>, vector<1x16xf32>
    %add3A = vector.broadcast %get3A_4 : vector<1x16xf32> to vector<2000x16xf32>
    %add3A_5 = arith.addf %get3A_1, %add3A : vector<2000x16xf32>
    %reduce_max3A = arith.constant dense<0xFF800000> : vector<2000xf32>
    %reduce_max3A_6 = vector.multi_reduction <maximumf>, %add3A_5, %reduce_max3A [1] : vector<2000x16xf32> to vector<2000xf32>
    %broadcast_in_dim3A = vector.shape_cast %reduce_max3A_6 : vector<2000xf32> to vector<2000x1xf32>
    %sub3A = vector.broadcast %broadcast_in_dim3A : vector<2000x1xf32> to vector<2000x16xf32>
    %sub3A_7 = arith.subf %add3A_5, %sub3A : vector<2000x16xf32>
    %exp3A = math.exp %sub3A_7 : vector<2000x16xf32>
    %reduce_sum3A = arith.constant dense<0.000000e+00> : vector<2000xf32>
    %reduce_sum3A_8 = vector.multi_reduction <add>, %exp3A, %reduce_sum3A [1] : vector<2000x16xf32> to vector<2000xf32>
    %broadcast_in_dim3A_9 = vector.shape_cast %reduce_sum3A_8 : vector<2000xf32> to vector<2000x1xf32>
    %div3A = vector.broadcast %broadcast_in_dim3A_9 : vector<2000x1xf32> to vector<2000x16xf32>
    %div3A_10 = arith.divf %exp3A, %div3A : vector<2000x16xf32>
    %slice3A = vector.extract_strided_slice %get3A_1 {offsets = [0, 12], sizes = [2000, 1], strides = [1, 1]} : vector<2000x16xf32> to vector<2000x1xf32>
    %mul3A = vector.broadcast %slice3A : vector<2000x1xf32> to vector<2000x16xf32>
    %mul3A_11 = arith.mulf %div3A_10, %mul3A : vector<2000x16xf32>
    %get3A_12 = arith.constant 0 : index
    %get3A_13 = arith.constant 0 : index
    %get3A_14 = vector.load %arg1[%get3A_12, %get3A_13] : memref<2000x128xf32, #tpu.memory_space<vmem>>, vector<2000x128xf32>
    %convert_element_type3A = arith.truncf %get3A_14 : vector<2000x128xf32> to vector<2000x128xbf16>
    %broadcast_in_dim3A_15 = arith.constant 0.000000e+00 : f32
    %broadcast_in_dim3A_16 = vector.broadcast %broadcast_in_dim3A_15 : f32 to vector<2000x128xf32>
    %get3A_17 = arith.constant 0 : index
    %get3A_18 = arith.constant 0 : index
    %get3A_19 = vector.load %arg3[%get3A_17, %get3A_18] : memref<1536x128xbf16, #tpu.memory_space<vmem>>, vector<128x128xbf16>
    %dot_general3A = arith.constant dense<0.000000e+00> : vector<2000x128xf32>
    %dot_general3A_20 = tpu.matmul %convert_element_type3A, %get3A_19, %dot_general3A {dimension_numbers = #tpu.dot_dimension_numbers<[1], [1], [0], [0], [0, 0, 1, 0], [], []>, transpose_lhs_hint = false} : vector<2000x128xbf16>, vector<128x128xbf16>, vector<2000x128xf32> -> vector<2000x128xf32>
    %slice3A_21 = vector.extract_strided_slice %mul3A_11 {offsets = [0, 0], sizes = [2000, 1], strides = [1, 1]} : vector<2000x16xf32> to vector<2000x1xf32>
    %mul3A_22 = vector.broadcast %slice3A_21 : vector<2000x1xf32> to vector<2000x128xf32>
    %mul3A_23 = arith.mulf %mul3A_22, %dot_general3A_20 : vector<2000x128xf32>
    %add3A_24 = arith.addf %broadcast_in_dim3A_16, %mul3A_23 : vector<2000x128xf32>
    %get3A_25 = arith.constant 128 : index
    %get3A_26 = arith.constant 0 : index
    %get3A_27 = vector.load %arg3[%get3A_25, %get3A_26] : memref<1536x128xbf16, #tpu.memory_space<vmem>>, vector<128x128xbf16>
    %dot_general3A_28 = arith.constant dense<0.000000e+00> : vector<2000x128xf32>
    %dot_general3A_29 = tpu.matmul %convert_element_type3A, %get3A_27, %dot_general3A_28 {dimension_numbers = #tpu.dot_dimension_numbers<[1], [1], [0], [0], [0, 0, 1, 0], [], []>, transpose_lhs_hint = false} : vector<2000x128xbf16>, vector<128x128xbf16>, vector<2000x128xf32> -> vector<2000x128xf32>
    %slice3A_30 = vector.extract_strided_slice %mul3A_11 {offsets = [0, 1], sizes = [2000, 1], strides = [1, 1]} : vector<2000x16xf32> to vector<2000x1xf32>
    %mul3A_31 = vector.broadcast %slice3A_30 : vector<2000x1xf32> to vector<2000x128xf32>
    %mul3A_32 = arith.mulf %mul3A_31, %dot_general3A_29 : vector<2000x128xf32>
    %add3A_33 = arith.addf %add3A_24, %mul3A_32 : vector<2000x128xf32>
    %get3A_34 = arith.constant 256 : index
    %get3A_35 = arith.constant 0 : index
    %get3A_36 = vector.load %arg3[%get3A_34, %get3A_35] : memref<1536x128xbf16, #tpu.memory_space<vmem>>, vector<128x128xbf16>
    %dot_general3A_37 = arith.constant dense<0.000000e+00> : vector<2000x128xf32>
    %dot_general3A_38 = tpu.matmul %convert_element_type3A, %get3A_36, %dot_general3A_37 {dimension_numbers = #tpu.dot_dimension_numbers<[1], [1], [0], [0], [0, 0, 1, 0], [], []>, transpose_lhs_hint = false} : vector<2000x128xbf16>, vector<128x128xbf16>, vector<2000x128xf32> -> vector<2000x128xf32>
    %slice3A_39 = vector.extract_strided_slice %mul3A_11 {offsets = [0, 2], sizes = [2000, 1], strides = [1, 1]} : vector<2000x16xf32> to vector<2000x1xf32>
    %mul3A_40 = vector.broadcast %slice3A_39 : vector<2000x1xf32> to vector<2000x128xf32>
    %mul3A_41 = arith.mulf %mul3A_40, %dot_general3A_38 : vector<2000x128xf32>
    %add3A_42 = arith.addf %add3A_33, %mul3A_41 : vector<2000x128xf32>
    %get3A_43 = arith.constant 384 : index
    %get3A_44 = arith.constant 0 : index
    %get3A_45 = vector.load %arg3[%get3A_43, %get3A_44] : memref<1536x128xbf16, #tpu.memory_space<vmem>>, vector<128x128xbf16>
    %dot_general3A_46 = arith.constant dense<0.000000e+00> : vector<2000x128xf32>
    %dot_general3A_47 = tpu.matmul %convert_element_type3A, %get3A_45, %dot_general3A_46 {dimension_numbers = #tpu.dot_dimension_numbers<[1], [1], [0], [0], [0, 0, 1, 0], [], []>, transpose_lhs_hint = false} : vector<2000x128xbf16>, vector<128x128xbf16>, vector<2000x128xf32> -> vector<2000x128xf32>
    %slice3A_48 = vector.extract_strided_slice %mul3A_11 {offsets = [0, 3], sizes = [2000, 1], strides = [1, 1]} : vector<2000x16xf32> to vector<2000x1xf32>
    %mul3A_49 = vector.broadcast %slice3A_48 : vector<2000x1xf32> to vector<2000x128xf32>
    %mul3A_50 = arith.mulf %mul3A_49, %dot_general3A_47 : vector<2000x128xf32>
    %add3A_51 = arith.addf %add3A_42, %mul3A_50 : vector<2000x128xf32>
    %get3A_52 = arith.constant 512 : index
    %get3A_53 = arith.constant 0 : index
    %get3A_54 = vector.load %arg3[%get3A_52, %get3A_53] : memref<1536x128xbf16, #tpu.memory_space<vmem>>, vector<128x128xbf16>
    %dot_general3A_55 = arith.constant dense<0.000000e+00> : vector<2000x128xf32>
    %dot_general3A_56 = tpu.matmul %convert_element_type3A, %get3A_54, %dot_general3A_55 {dimension_numbers = #tpu.dot_dimension_numbers<[1], [1], [0], [0], [0, 0, 1, 0], [], []>, transpose_lhs_hint = false} : vector<2000x128xbf16>, vector<128x128xbf16>, vector<2000x128xf32> -> vector<2000x128xf32>
    %slice3A_57 = vector.extract_strided_slice %mul3A_11 {offsets = [0, 4], sizes = [2000, 1], strides = [1, 1]} : vector<2000x16xf32> to vector<2000x1xf32>
    %mul3A_58 = vector.broadcast %slice3A_57 : vector<2000x1xf32> to vector<2000x128xf32>
    %mul3A_59 = arith.mulf %mul3A_58, %dot_general3A_56 : vector<2000x128xf32>
    %add3A_60 = arith.addf %add3A_51, %mul3A_59 : vector<2000x128xf32>
    %get3A_61 = arith.constant 640 : index
    %get3A_62 = arith.constant 0 : index
    %get3A_63 = vector.load %arg3[%get3A_61, %get3A_62] : memref<1536x128xbf16, #tpu.memory_space<vmem>>, vector<128x128xbf16>
    %dot_general3A_64 = arith.constant dense<0.000000e+00> : vector<2000x128xf32>
    %dot_general3A_65 = tpu.matmul %convert_element_type3A, %get3A_63, %dot_general3A_64 {dimension_numbers = #tpu.dot_dimension_numbers<[1], [1], [0], [0], [0, 0, 1, 0], [], []>, transpose_lhs_hint = false} : vector<2000x128xbf16>, vector<128x128xbf16>, vector<2000x128xf32> -> vector<2000x128xf32>
    %slice3A_66 = vector.extract_strided_slice %mul3A_11 {offsets = [0, 5], sizes = [2000, 1], strides = [1, 1]} : vector<2000x16xf32> to vector<2000x1xf32>
    %mul3A_67 = vector.broadcast %slice3A_66 : vector<2000x1xf32> to vector<2000x128xf32>
    %mul3A_68 = arith.mulf %mul3A_67, %dot_general3A_65 : vector<2000x128xf32>
    %add3A_69 = arith.addf %add3A_60, %mul3A_68 : vector<2000x128xf32>
    %get3A_70 = arith.constant 768 : index
    %get3A_71 = arith.constant 0 : index
    %get3A_72 = vector.load %arg3[%get3A_70, %get3A_71] : memref<1536x128xbf16, #tpu.memory_space<vmem>>, vector<128x128xbf16>
    %dot_general3A_73 = arith.constant dense<0.000000e+00> : vector<2000x128xf32>
    %dot_general3A_74 = tpu.matmul %convert_element_type3A, %get3A_72, %dot_general3A_73 {dimension_numbers = #tpu.dot_dimension_numbers<[1], [1], [0], [0], [0, 0, 1, 0], [], []>, transpose_lhs_hint = false} : vector<2000x128xbf16>, vector<128x128xbf16>, vector<2000x128xf32> -> vector<2000x128xf32>
    %slice3A_75 = vector.extract_strided_slice %mul3A_11 {offsets = [0, 6], sizes = [2000, 1], strides = [1, 1]} : vector<2000x16xf32> to vector<2000x1xf32>
    %mul3A_76 = vector.broadcast %slice3A_75 : vector<2000x1xf32> to vector<2000x128xf32>
    %mul3A_77 = arith.mulf %mul3A_76, %dot_general3A_74 : vector<2000x128xf32>
    %add3A_78 = arith.addf %add3A_69, %mul3A_77 : vector<2000x128xf32>
    %get3A_79 = arith.constant 896 : index
    %get3A_80 = arith.constant 0 : index
    %get3A_81 = vector.load %arg3[%get3A_79, %get3A_80] : memref<1536x128xbf16, #tpu.memory_space<vmem>>, vector<128x128xbf16>
    %dot_general3A_82 = arith.constant dense<0.000000e+00> : vector<2000x128xf32>
    %dot_general3A_83 = tpu.matmul %convert_element_type3A, %get3A_81, %dot_general3A_82 {dimension_numbers = #tpu.dot_dimension_numbers<[1], [1], [0], [0], [0, 0, 1, 0], [], []>, transpose_lhs_hint = false} : vector<2000x128xbf16>, vector<128x128xbf16>, vector<2000x128xf32> -> vector<2000x128xf32>
    %slice3A_84 = vector.extract_strided_slice %mul3A_11 {offsets = [0, 7], sizes = [2000, 1], strides = [1, 1]} : vector<2000x16xf32> to vector<2000x1xf32>
    %mul3A_85 = vector.broadcast %slice3A_84 : vector<2000x1xf32> to vector<2000x128xf32>
    %mul3A_86 = arith.mulf %mul3A_85, %dot_general3A_83 : vector<2000x128xf32>
    %add3A_87 = arith.addf %add3A_78, %mul3A_86 : vector<2000x128xf32>
    %get3A_88 = arith.constant 1024 : index
    %get3A_89 = arith.constant 0 : index
    %get3A_90 = vector.load %arg3[%get3A_88, %get3A_89] : memref<1536x128xbf16, #tpu.memory_space<vmem>>, vector<128x128xbf16>
    %dot_general3A_91 = arith.constant dense<0.000000e+00> : vector<2000x128xf32>
    %dot_general3A_92 = tpu.matmul %convert_element_type3A, %get3A_90, %dot_general3A_91 {dimension_numbers = #tpu.dot_dimension_numbers<[1], [1], [0], [0], [0, 0, 1, 0], [], []>, transpose_lhs_hint = false} : vector<2000x128xbf16>, vector<128x128xbf16>, vector<2000x128xf32> -> vector<2000x128xf32>
    %slice3A_93 = vector.extract_strided_slice %mul3A_11 {offsets = [0, 8], sizes = [2000, 1], strides = [1, 1]} : vector<2000x16xf32> to vector<2000x1xf32>
    %mul3A_94 = vector.broadcast %slice3A_93 : vector<2000x1xf32> to vector<2000x128xf32>
    %mul3A_95 = arith.mulf %mul3A_94, %dot_general3A_92 : vector<2000x128xf32>
    %add3A_96 = arith.addf %add3A_87, %mul3A_95 : vector<2000x128xf32>
    %get3A_97 = arith.constant 1152 : index
    %get3A_98 = arith.constant 0 : index
    %get3A_99 = vector.load %arg3[%get3A_97, %get3A_98] : memref<1536x128xbf16, #tpu.memory_space<vmem>>, vector<128x128xbf16>
    %dot_general3A_100 = arith.constant dense<0.000000e+00> : vector<2000x128xf32>
    %dot_general3A_101 = tpu.matmul %convert_element_type3A, %get3A_99, %dot_general3A_100 {dimension_numbers = #tpu.dot_dimension_numbers<[1], [1], [0], [0], [0, 0, 1, 0], [], []>, transpose_lhs_hint = false} : vector<2000x128xbf16>, vector<128x128xbf16>, vector<2000x128xf32> -> vector<2000x128xf32>
    %slice3A_102 = vector.extract_strided_slice %mul3A_11 {offsets = [0, 9], sizes = [2000, 1], strides = [1, 1]} : vector<2000x16xf32> to vector<2000x1xf32>
    %mul3A_103 = vector.broadcast %slice3A_102 : vector<2000x1xf32> to vector<2000x128xf32>
    %mul3A_104 = arith.mulf %mul3A_103, %dot_general3A_101 : vector<2000x128xf32>
    %add3A_105 = arith.addf %add3A_96, %mul3A_104 : vector<2000x128xf32>
    %get3A_106 = arith.constant 1280 : index
    %get3A_107 = arith.constant 0 : index
    %get3A_108 = vector.load %arg3[%get3A_106, %get3A_107] : memref<1536x128xbf16, #tpu.memory_space<vmem>>, vector<128x128xbf16>
    %dot_general3A_109 = arith.constant dense<0.000000e+00> : vector<2000x128xf32>
    %dot_general3A_110 = tpu.matmul %convert_element_type3A, %get3A_108, %dot_general3A_109 {dimension_numbers = #tpu.dot_dimension_numbers<[1], [1], [0], [0], [0, 0, 1, 0], [], []>, transpose_lhs_hint = false} : vector<2000x128xbf16>, vector<128x128xbf16>, vector<2000x128xf32> -> vector<2000x128xf32>
    %slice3A_111 = vector.extract_strided_slice %mul3A_11 {offsets = [0, 10], sizes = [2000, 1], strides = [1, 1]} : vector<2000x16xf32> to vector<2000x1xf32>
    %mul3A_112 = vector.broadcast %slice3A_111 : vector<2000x1xf32> to vector<2000x128xf32>
    %mul3A_113 = arith.mulf %mul3A_112, %dot_general3A_110 : vector<2000x128xf32>
    %add3A_114 = arith.addf %add3A_105, %mul3A_113 : vector<2000x128xf32>
    %get3A_115 = arith.constant 1408 : index
    %get3A_116 = arith.constant 0 : index
    %get3A_117 = vector.load %arg3[%get3A_115, %get3A_116] : memref<1536x128xbf16, #tpu.memory_space<vmem>>, vector<128x128xbf16>
    %dot_general3A_118 = arith.constant dense<0.000000e+00> : vector<2000x128xf32>
    %dot_general3A_119 = tpu.matmul %convert_element_type3A, %get3A_117, %dot_general3A_118 {dimension_numbers = #tpu.dot_dimension_numbers<[1], [1], [0], [0], [0, 0, 1, 0], [], []>, transpose_lhs_hint = false} : vector<2000x128xbf16>, vector<128x128xbf16>, vector<2000x128xf32> -> vector<2000x128xf32>
    %slice3A_120 = vector.extract_strided_slice %mul3A_11 {offsets = [0, 11], sizes = [2000, 1], strides = [1, 1]} : vector<2000x16xf32> to vector<2000x1xf32>
    %mul3A_121 = vector.broadcast %slice3A_120 : vector<2000x1xf32> to vector<2000x128xf32>
    %mul3A_122 = arith.mulf %mul3A_121, %dot_general3A_119 : vector<2000x128xf32>
    %add3A_123 = arith.addf %add3A_114, %mul3A_122 : vector<2000x128xf32>
    %swap3A = arith.constant 0 : index
    %swap3A_124 = arith.constant 0 : index
    %swap3A_125 = vector.load %arg5[%swap3A, %swap3A_124] : memref<2000x128xf32, #tpu.memory_space<vmem>>, vector<2000x128xf32>
    tpu.vector_store %arg5[%swap3A, %swap3A_124], %add3A_123 {strides = array<i32>} : memref<2000x128xf32, #tpu.memory_space<vmem>>, vector<2000x128xf32>,
    %broadcast_in_dim3A_126 = vector.shape_cast %slice3A : vector<2000x1xf32> to vector<2000x1xf32>
    %broadcast_in_dim3A_127 = vector.broadcast %broadcast_in_dim3A_126 : vector<2000x1xf32> to vector<2000x16xf32>
    %swap3A_128 = arith.constant 0 : index
    %swap3A_129 = arith.constant 0 : index
    %swap3A_130 = vector.load %arg6[%swap3A_128, %swap3A_129] : memref<2000x16xf32, #tpu.memory_space<vmem>>, vector<2000x16xf32>
    tpu.vector_store %arg6[%swap3A_128, %swap3A_129], %broadcast_in_dim3A_127 {strides = array<i32>} : memref<2000x16xf32, #tpu.memory_space<vmem>>, vector<2000x16xf32>,
    return
  }
  func.func @transform_0(%arg0: i32) -> (i32, i32) {
    %c0_i32 = arith.constant 0 : i32
    %c0_i32_0 = arith.constant 0 : i32
    return %arg0, %c0_i32 : i32, i32
  }
  func.func @transform_1(%arg0: i32) -> (i32, i32) {
    %c0_i32 = arith.constant 0 : i32
    %c0_i32_0 = arith.constant 0 : i32
    return %arg0, %c0_i32 : i32, i32
  }
  func.func @transform_2(%arg0: i32) -> (i32, i32) {
    %c0_i32 = arith.constant 0 : i32
    %c0_i32_0 = arith.constant 0 : i32
    %c0_i32_1 = arith.constant 0 : i32
    return %c0_i32, %c0_i32_0 : i32, i32
  }
  func.func @transform_3(%arg0: i32) -> (i32, i32) {
    %c0_i32 = arith.constant 0 : i32
    %c0_i32_0 = arith.constant 0 : i32
    %c0_i32_1 = arith.constant 0 : i32
    return %c0_i32, %c0_i32_0 : i32, i32
  }
  func.func @transform_4(%arg0: i32) -> (i32, i32) {
    %c0_i32 = arith.constant 0 : i32
    %c0_i32_0 = arith.constant 0 : i32
    return %arg0, %c0_i32 : i32, i32
  }
  func.func @transform_5(%arg0: i32) -> (i32, i32) {
    %c0_i32 = arith.constant 0 : i32
    %c0_i32_0 = arith.constant 0 : i32
    return %arg0, %c0_i32 : i32, i32
  }
}

module attributes {stable_mosaic.version = 14 : i64} {
  func.func @_post1_kern(%arg0: i32, %arg1: memref<2x1000x128xf32, #tpu.memory_space<vmem>>, %arg2: memref<2x1000x16xf32, #tpu.memory_space<vmem>>, %arg3: memref<1000x128xf32, #tpu.memory_space<vmem>>, %arg4: memref<1x128xf32, #tpu.memory_space<vmem>>, %arg5: memref<1000x128xf32, #tpu.memory_space<vmem>>, %arg6: memref<8x128xf32, #tpu.memory_space<vmem>>) attributes {dimension_semantics = [#tpu.dimension_semantics<arbitrary>], iteration_bounds = array<i64: 10>, scalar_prefetch = 0 : i64, scratch_operands = 0 : i64, tpu.core_type = #tpu.core_type<tc>, window_params = [{transform_indices = @transform_0, window_bounds = array<i64: 2, 1000, 128>}, {transform_indices = @transform_1, window_bounds = array<i64: 2, 1000, 16>}, {transform_indices = @transform_2, window_bounds = array<i64: 1000, 128>}, {pipeline_mode = #tpu.pipeline_mode<synchronous>, transform_indices = @transform_3, window_bounds = array<i64: 1, 128>}, {transform_indices = @transform_4, window_bounds = array<i64: 1000, 128>}, {pipeline_mode = #tpu.pipeline_mode<synchronous>, transform_indices = @transform_5, window_bounds = array<i64: 8, 128>}]} {
    %get3A = arith.constant 0 : index
    %get3A_0 = arith.constant 0 : index
    %get3A_1 = arith.constant 0 : index
    %get3A_2 = vector.load %arg1[%get3A, %get3A_0, %get3A_1] : memref<2x1000x128xf32, #tpu.memory_space<vmem>>, vector<1x1000x128xf32>
    %get3A_3 = vector.shape_cast %get3A_2 : vector<1x1000x128xf32> to vector<1000x128xf32>
    %get3A_4 = arith.constant 1 : index
    %get3A_5 = arith.constant 0 : index
    %get3A_6 = arith.constant 0 : index
    %get3A_7 = vector.load %arg1[%get3A_4, %get3A_5, %get3A_6] : memref<2x1000x128xf32, #tpu.memory_space<vmem>>, vector<1x1000x128xf32>
    %get3A_8 = vector.shape_cast %get3A_7 : vector<1x1000x128xf32> to vector<1000x128xf32>
    %add3A = arith.addf %get3A_3, %get3A_8 : vector<1000x128xf32>
    %get3A_9 = arith.constant 0 : index
    %get3A_10 = arith.constant 0 : index
    %get3A_11 = vector.load %arg3[%get3A_9, %get3A_10] : memref<1000x128xf32, #tpu.memory_space<vmem>>, vector<1000x128xf32>
    %add3A_12 = arith.addf %add3A, %get3A_11 : vector<1000x128xf32>
    %get3A_13 = arith.constant 0 : index
    %get3A_14 = arith.constant 0 : index
    %get3A_15 = arith.constant 0 : index
    %get3A_16 = vector.load %arg2[%get3A_13, %get3A_14, %get3A_15] : memref<2x1000x16xf32, #tpu.memory_space<vmem>>, vector<1x1000x1xf32>
    %get3A_17 = vector.shape_cast %get3A_16 : vector<1x1000x1xf32> to vector<1000x1xf32>
    %get3A_18 = arith.constant 1 : index
    %get3A_19 = arith.constant 0 : index
    %get3A_20 = arith.constant 0 : index
    %get3A_21 = vector.load %arg2[%get3A_18, %get3A_19, %get3A_20] : memref<2x1000x16xf32, #tpu.memory_space<vmem>>, vector<1x1000x1xf32>
    %get3A_22 = vector.shape_cast %get3A_21 : vector<1x1000x1xf32> to vector<1000x1xf32>
    %add3A_23 = arith.addf %get3A_17, %get3A_22 : vector<1000x1xf32>
    %add3A_24 = arith.constant 1.000000e+00 : f32
    %add3A_25 = vector.broadcast %add3A_24 : f32 to vector<1000x1xf32>
    %add3A_26 = arith.addf %add3A_23, %add3A_25 : vector<1000x1xf32>
    %max3A = arith.constant 1.000000e+00 : f32
    %max3A_27 = vector.broadcast %max3A : f32 to vector<1000x1xf32>
    %max3A_28 = arith.maximumf %add3A_26, %max3A_27 : vector<1000x1xf32>
    %div3A = vector.broadcast %max3A_28 : vector<1000x1xf32> to vector<1000x128xf32>
    %div3A_29 = arith.divf %add3A_12, %div3A : vector<1000x128xf32>
    %get3A_30 = arith.constant 0 : index
    %get3A_31 = arith.constant 0 : index
    %get3A_32 = vector.load %arg4[%get3A_30, %get3A_31] : memref<1x128xf32, #tpu.memory_space<vmem>>, vector<1x128xf32>
    %add3A_33 = vector.broadcast %get3A_32 : vector<1x128xf32> to vector<1000x128xf32>
    %add3A_34 = arith.addf %div3A_29, %add3A_33 : vector<1000x128xf32>
    %max3A_35 = arith.constant 0.000000e+00 : f32
    %max3A_36 = vector.broadcast %max3A_35 : f32 to vector<1000x128xf32>
    %max3A_37 = arith.maximumf %add3A_34, %max3A_36 : vector<1000x128xf32>
    %swap3A = arith.constant 0 : index
    %swap3A_38 = arith.constant 0 : index
    %swap3A_39 = vector.load %arg5[%swap3A, %swap3A_38] : memref<1000x128xf32, #tpu.memory_space<vmem>>, vector<1000x128xf32>
    tpu.vector_store %arg5[%swap3A, %swap3A_38], %max3A_37 {strides = array<i32>} : memref<1000x128xf32, #tpu.memory_space<vmem>>, vector<1000x128xf32>,
    %eq3A = arith.constant 0 : i32
    %eq3A_40 = arith.cmpi eq, %arg0, %eq3A : i32
    %convert_element_type3A = arith.extui %eq3A_40 : i1 to i32
    %cond3A = arith.constant 0 : i32
    %cond3A_41 = arith.cmpi ne, %convert_element_type3A, %cond3A : i32
    scf.if %cond3A_41 {
      %broadcast_in_dim3A_60 = arith.constant 0.000000e+00 : f32
      %broadcast_in_dim3A_61 = vector.broadcast %broadcast_in_dim3A_60 : f32 to vector<8x128xf32>
      %swap3A_62 = arith.constant 0 : index
      %swap3A_63 = arith.constant 0 : index
      %swap3A_64 = vector.load %arg6[%swap3A_62, %swap3A_63] : memref<8x128xf32, #tpu.memory_space<vmem>>, vector<8x128xf32>
      tpu.vector_store %arg6[%swap3A_62, %swap3A_63], %broadcast_in_dim3A_61 {strides = array<i32>} : memref<8x128xf32, #tpu.memory_space<vmem>>, vector<8x128xf32>,
    } else {
    }
    %reduce_sum3A = arith.constant dense<0.000000e+00> : vector<128xf32>
    %reduce_sum3A_42 = vector.multi_reduction <add>, %max3A_37, %reduce_sum3A [0] : vector<1000x128xf32> to vector<128xf32>
    %broadcast_in_dim3A = vector.shape_cast %reduce_sum3A_42 : vector<128xf32> to vector<1x128xf32>
    %mul3A = arith.mulf %max3A_37, %max3A_37 : vector<1000x128xf32>
    %reduce_sum3A_43 = arith.constant dense<0.000000e+00> : vector<128xf32>
    %reduce_sum3A_44 = vector.multi_reduction <add>, %mul3A, %reduce_sum3A_43 [0] : vector<1000x128xf32> to vector<128xf32>
    %broadcast_in_dim3A_45 = vector.shape_cast %reduce_sum3A_44 : vector<128xf32> to vector<1x128xf32>
    %get3A_46 = arith.constant 0 : index
    %get3A_47 = arith.constant 0 : index
    %get3A_48 = vector.load %arg6[%get3A_46, %get3A_47] : memref<8x128xf32, #tpu.memory_space<vmem>>, vector<1x128xf32>
    %add3A_49 = arith.addf %get3A_48, %broadcast_in_dim3A : vector<1x128xf32>
    %swap3A_50 = arith.constant 0 : index
    %swap3A_51 = arith.constant 0 : index
    %swap3A_52 = vector.load %arg6[%swap3A_50, %swap3A_51] : memref<8x128xf32, #tpu.memory_space<vmem>>, vector<1x128xf32>
    tpu.vector_store %arg6[%swap3A_50, %swap3A_51], %add3A_49 {strides = array<i32>} : memref<8x128xf32, #tpu.memory_space<vmem>>, vector<1x128xf32>,
    %get3A_53 = arith.constant 1 : index
    %get3A_54 = arith.constant 0 : index
    %get3A_55 = vector.load %arg6[%get3A_53, %get3A_54] : memref<8x128xf32, #tpu.memory_space<vmem>>, vector<1x128xf32>
    %add3A_56 = arith.addf %get3A_55, %broadcast_in_dim3A_45 : vector<1x128xf32>
    %swap3A_57 = arith.constant 1 : index
    %swap3A_58 = arith.constant 0 : index
    %swap3A_59 = vector.load %arg6[%swap3A_57, %swap3A_58] : memref<8x128xf32, #tpu.memory_space<vmem>>, vector<1x128xf32>
    tpu.vector_store %arg6[%swap3A_57, %swap3A_58], %add3A_56 {strides = array<i32>} : memref<8x128xf32, #tpu.memory_space<vmem>>, vector<1x128xf32>,
    return
  }
  func.func @transform_0(%arg0: i32) -> (i32, i32, i32) {
    %c0_i32 = arith.constant 0 : i32
    %c0_i32_0 = arith.constant 0 : i32
    %c0_i32_1 = arith.constant 0 : i32
    return %c0_i32, %arg0, %c0_i32_0 : i32, i32, i32
  }
  func.func @transform_1(%arg0: i32) -> (i32, i32, i32) {
    %c0_i32 = arith.constant 0 : i32
    %c0_i32_0 = arith.constant 0 : i32
    %c0_i32_1 = arith.constant 0 : i32
    return %c0_i32, %arg0, %c0_i32_0 : i32, i32, i32
  }
  func.func @transform_2(%arg0: i32) -> (i32, i32) {
    %c0_i32 = arith.constant 0 : i32
    %c0_i32_0 = arith.constant 0 : i32
    return %arg0, %c0_i32 : i32, i32
  }
  func.func @transform_3(%arg0: i32) -> (i32, i32) {
    %c0_i32 = arith.constant 0 : i32
    %c0_i32_0 = arith.constant 0 : i32
    %c0_i32_1 = arith.constant 0 : i32
    return %c0_i32, %c0_i32_0 : i32, i32
  }
  func.func @transform_4(%arg0: i32) -> (i32, i32) {
    %c0_i32 = arith.constant 0 : i32
    %c0_i32_0 = arith.constant 0 : i32
    return %arg0, %c0_i32 : i32, i32
  }
  func.func @transform_5(%arg0: i32) -> (i32, i32) {
    %c0_i32 = arith.constant 0 : i32
    %c0_i32_0 = arith.constant 0 : i32
    %c0_i32_1 = arith.constant 0 : i32
    return %c0_i32, %c0_i32_0 : i32, i32
  }
}

module attributes {stable_mosaic.version = 14 : i64} {
  func.func @_bn_kern(%arg0: i32, %arg1: memref<1000x128xf32, #tpu.memory_space<vmem>>, %arg2: memref<8x128xf32, #tpu.memory_space<vmem>>, %arg3: memref<1x128xf32, #tpu.memory_space<vmem>>, %arg4: memref<1x128xf32, #tpu.memory_space<vmem>>, %arg5: memref<16x128xf32, #tpu.memory_space<vmem>>, %arg6: memref<1536x128xf32, #tpu.memory_space<vmem>>, %arg7: memref<1x16xf32, #tpu.memory_space<vmem>>, %arg8: memref<1000x16xf32, #tpu.memory_space<vmem>>, %arg9: memref<1000x128xf32, #tpu.memory_space<vmem>>, %arg10: memref<1000x128xf32, #tpu.memory_space<vmem>>) attributes {dimension_semantics = [#tpu.dimension_semantics<arbitrary>], iteration_bounds = array<i64: 10>, scalar_prefetch = 0 : i64, scratch_operands = 0 : i64, tpu.core_type = #tpu.core_type<tc>, window_params = [{transform_indices = @transform_0, window_bounds = array<i64: 1000, 128>}, {pipeline_mode = #tpu.pipeline_mode<synchronous>, transform_indices = @transform_1, window_bounds = array<i64: 8, 128>}, {pipeline_mode = #tpu.pipeline_mode<synchronous>, transform_indices = @transform_2, window_bounds = array<i64: 1, 128>}, {pipeline_mode = #tpu.pipeline_mode<synchronous>, transform_indices = @transform_3, window_bounds = array<i64: 1, 128>}, {pipeline_mode = #tpu.pipeline_mode<synchronous>, transform_indices = @transform_4, window_bounds = array<i64: 16, 128>}, {pipeline_mode = #tpu.pipeline_mode<synchronous>, transform_indices = @transform_5, window_bounds = array<i64: 1536, 128>}, {pipeline_mode = #tpu.pipeline_mode<synchronous>, transform_indices = @transform_6, window_bounds = array<i64: 1, 16>}, {transform_indices = @transform_7, window_bounds = array<i64: 1000, 16>}, {transform_indices = @transform_8, window_bounds = array<i64: 1000, 128>}, {transform_indices = @transform_9, window_bounds = array<i64: 1000, 128>}]} {
    %get3A = arith.constant 0 : index
    %get3A_0 = arith.constant 0 : index
    %get3A_1 = vector.load %arg2[%get3A, %get3A_0] : memref<8x128xf32, #tpu.memory_space<vmem>>, vector<1x128xf32>
    %div3A = arith.constant 1.000000e+04 : f32
    %div3A_2 = vector.broadcast %div3A : f32 to vector<1x128xf32>
    %div3A_3 = arith.divf %get3A_1, %div3A_2 : vector<1x128xf32>
    %get3A_4 = arith.constant 1 : index
    %get3A_5 = arith.constant 0 : index
    %get3A_6 = vector.load %arg2[%get3A_4, %get3A_5] : memref<8x128xf32, #tpu.memory_space<vmem>>, vector<1x128xf32>
    %div3A_7 = arith.constant 1.000000e+04 : f32
    %div3A_8 = vector.broadcast %div3A_7 : f32 to vector<1x128xf32>
    %div3A_9 = arith.divf %get3A_6, %div3A_8 : vector<1x128xf32>
    %mul3A = arith.mulf %div3A_3, %div3A_3 : vector<1x128xf32>
    %sub3A = arith.subf %div3A_9, %mul3A : vector<1x128xf32>
    %get3A_10 = arith.constant 0 : index
    %get3A_11 = arith.constant 0 : index
    %get3A_12 = vector.load %arg1[%get3A_10, %get3A_11] : memref<1000x128xf32, #tpu.memory_space<vmem>>, vector<1000x128xf32>
    %sub3A_13 = vector.broadcast %div3A_3 : vector<1x128xf32> to vector<1000x128xf32>
    %sub3A_14 = arith.subf %get3A_12, %sub3A_13 : vector<1000x128xf32>
    %add3A = arith.constant 9.99999974E-6 : f32
    %add3A_15 = vector.broadcast %add3A : f32 to vector<1x128xf32>
    %add3A_16 = arith.addf %sub3A, %add3A_15 : vector<1x128xf32>
    %rsqrt3A = math.rsqrt %add3A_16 : vector<1x128xf32>
    %mul3A_17 = vector.broadcast %rsqrt3A : vector<1x128xf32> to vector<1000x128xf32>
    %mul3A_18 = arith.mulf %sub3A_14, %mul3A_17 : vector<1000x128xf32>
    %get3A_19 = arith.constant 0 : index
    %get3A_20 = arith.constant 0 : index
    %get3A_21 = vector.load %arg3[%get3A_19, %get3A_20] : memref<1x128xf32, #tpu.memory_space<vmem>>, vector<1x128xf32>
    %mul3A_22 = vector.broadcast %get3A_21 : vector<1x128xf32> to vector<1000x128xf32>
    %mul3A_23 = arith.mulf %mul3A_18, %mul3A_22 : vector<1000x128xf32>
    %get3A_24 = arith.constant 0 : index
    %get3A_25 = arith.constant 0 : index
    %get3A_26 = vector.load %arg4[%get3A_24, %get3A_25] : memref<1x128xf32, #tpu.memory_space<vmem>>, vector<1x128xf32>
    %add3A_27 = vector.broadcast %get3A_26 : vector<1x128xf32> to vector<1000x128xf32>
    %add3A_28 = arith.addf %mul3A_23, %add3A_27 : vector<1000x128xf32>
    %get3A_29 = arith.constant 0 : index
    %get3A_30 = arith.constant 0 : index
    %get3A_31 = vector.load %arg5[%get3A_29, %get3A_30] : memref<16x128xf32, #tpu.memory_space<vmem>>, vector<16x128xf32>
    %dot_general3A = arith.constant dense<0.000000e+00> : vector<1000x16xf32>
    %dot_general3A_32 = tpu.matmul %add3A_28, %get3A_31, %dot_general3A {dimension_numbers = #tpu.dot_dimension_numbers<[1], [1], [0], [0], [0, 0, 1, 0], [], []>, transpose_lhs_hint = false} : vector<1000x128xf32>, vector<16x128xf32>, vector<1000x16xf32> -> vector<1000x16xf32>
    %swap3A = arith.constant 0 : index
    %swap3A_33 = arith.constant 0 : index
    %swap3A_34 = vector.load %arg8[%swap3A, %swap3A_33] : memref<1000x16xf32, #tpu.memory_space<vmem>>, vector<1000x16xf32>
    tpu.vector_store %arg8[%swap3A, %swap3A_33], %dot_general3A_32 {strides = array<i32>} : memref<1000x16xf32, #tpu.memory_space<vmem>>, vector<1000x16xf32>,
    %get3A_35 = arith.constant 0 : index
    %get3A_36 = arith.constant 0 : index
    %get3A_37 = vector.load %arg6[%get3A_35, %get3A_36] : memref<1536x128xf32, #tpu.memory_space<vmem>>, vector<1536x128xf32>
    %get3A_38 = arith.constant 0 : index
    %get3A_39 = arith.constant 0 : index
    %get3A_40 = vector.load %arg7[%get3A_38, %get3A_39] : memref<1x16xf32, #tpu.memory_space<vmem>>, vector<1x16xf32>
    %reduce_max3A = arith.constant dense<0xFF800000> : vector<1xf32>
    %reduce_max3A_41 = vector.multi_reduction <maximumf>, %get3A_40, %reduce_max3A [1] : vector<1x16xf32> to vector<1xf32>
    %broadcast_in_dim3A = vector.shape_cast %reduce_max3A_41 : vector<1xf32> to vector<1x1xf32>
    %sub3A_42 = vector.broadcast %broadcast_in_dim3A : vector<1x1xf32> to vector<1x16xf32>
    %sub3A_43 = arith.subf %get3A_40, %sub3A_42 : vector<1x16xf32>
    %exp3A = math.exp %sub3A_43 : vector<1x16xf32>
    %reduce_sum3A = arith.constant dense<0.000000e+00> : vector<1xf32>
    %reduce_sum3A_44 = vector.multi_reduction <add>, %exp3A, %reduce_sum3A [1] : vector<1x16xf32> to vector<1xf32>
    %broadcast_in_dim3A_45 = vector.shape_cast %reduce_sum3A_44 : vector<1xf32> to vector<1x1xf32>
    %div3A_46 = vector.broadcast %broadcast_in_dim3A_45 : vector<1x1xf32> to vector<1x16xf32>
    %div3A_47 = arith.divf %exp3A, %div3A_46 : vector<1x16xf32>
    %broadcast_in_dim3A_48 = arith.constant 0.000000e+00 : f32
    %broadcast_in_dim3A_49 = vector.broadcast %broadcast_in_dim3A_48 : f32 to vector<128x128xf32>
    %slice3A = vector.extract_strided_slice %div3A_47 {offsets = [0, 0], sizes = [1, 1], strides = [1, 1]} : vector<1x16xf32> to vector<1x1xf32>
    %squeeze3A = vector.extract %slice3A[0, 0] : f32 from vector<1x1xf32>
    %slice3A_50 = vector.extract_strided_slice %get3A_37 {offsets = [0, 0], sizes = [128, 128], strides = [1, 1]} : vector<1536x128xf32> to vector<128x128xf32>
    %mul3A_51 = vector.broadcast %squeeze3A : f32 to vector<128x128xf32>
    %mul3A_52 = arith.mulf %mul3A_51, %slice3A_50 : vector<128x128xf32>
    %add3A_53 = arith.addf %broadcast_in_dim3A_49, %mul3A_52 : vector<128x128xf32>
    %slice3A_54 = vector.extract_strided_slice %div3A_47 {offsets = [0, 1], sizes = [1, 1], strides = [1, 1]} : vector<1x16xf32> to vector<1x1xf32>
    %squeeze3A_55 = vector.extract %slice3A_54[0, 0] : f32 from vector<1x1xf32>
    %slice3A_56 = vector.extract_strided_slice %get3A_37 {offsets = [128, 0], sizes = [128, 128], strides = [1, 1]} : vector<1536x128xf32> to vector<128x128xf32>
    %mul3A_57 = vector.broadcast %squeeze3A_55 : f32 to vector<128x128xf32>
    %mul3A_58 = arith.mulf %mul3A_57, %slice3A_56 : vector<128x128xf32>
    %add3A_59 = arith.addf %add3A_53, %mul3A_58 : vector<128x128xf32>
    %slice3A_60 = vector.extract_strided_slice %div3A_47 {offsets = [0, 2], sizes = [1, 1], strides = [1, 1]} : vector<1x16xf32> to vector<1x1xf32>
    %squeeze3A_61 = vector.extract %slice3A_60[0, 0] : f32 from vector<1x1xf32>
    %slice3A_62 = vector.extract_strided_slice %get3A_37 {offsets = [256, 0], sizes = [128, 128], strides = [1, 1]} : vector<1536x128xf32> to vector<128x128xf32>
    %mul3A_63 = vector.broadcast %squeeze3A_61 : f32 to vector<128x128xf32>
    %mul3A_64 = arith.mulf %mul3A_63, %slice3A_62 : vector<128x128xf32>
    %add3A_65 = arith.addf %add3A_59, %mul3A_64 : vector<128x128xf32>
    %slice3A_66 = vector.extract_strided_slice %div3A_47 {offsets = [0, 3], sizes = [1, 1], strides = [1, 1]} : vector<1x16xf32> to vector<1x1xf32>
    %squeeze3A_67 = vector.extract %slice3A_66[0, 0] : f32 from vector<1x1xf32>
    %slice3A_68 = vector.extract_strided_slice %get3A_37 {offsets = [384, 0], sizes = [128, 128], strides = [1, 1]} : vector<1536x128xf32> to vector<128x128xf32>
    %mul3A_69 = vector.broadcast %squeeze3A_67 : f32 to vector<128x128xf32>
    %mul3A_70 = arith.mulf %mul3A_69, %slice3A_68 : vector<128x128xf32>
    %add3A_71 = arith.addf %add3A_65, %mul3A_70 : vector<128x128xf32>
    %slice3A_72 = vector.extract_strided_slice %div3A_47 {offsets = [0, 4], sizes = [1, 1], strides = [1, 1]} : vector<1x16xf32> to vector<1x1xf32>
    %squeeze3A_73 = vector.extract %slice3A_72[0, 0] : f32 from vector<1x1xf32>
    %slice3A_74 = vector.extract_strided_slice %get3A_37 {offsets = [512, 0], sizes = [128, 128], strides = [1, 1]} : vector<1536x128xf32> to vector<128x128xf32>
    %mul3A_75 = vector.broadcast %squeeze3A_73 : f32 to vector<128x128xf32>
    %mul3A_76 = arith.mulf %mul3A_75, %slice3A_74 : vector<128x128xf32>
    %add3A_77 = arith.addf %add3A_71, %mul3A_76 : vector<128x128xf32>
    %slice3A_78 = vector.extract_strided_slice %div3A_47 {offsets = [0, 5], sizes = [1, 1], strides = [1, 1]} : vector<1x16xf32> to vector<1x1xf32>
    %squeeze3A_79 = vector.extract %slice3A_78[0, 0] : f32 from vector<1x1xf32>
    %slice3A_80 = vector.extract_strided_slice %get3A_37 {offsets = [640, 0], sizes = [128, 128], strides = [1, 1]} : vector<1536x128xf32> to vector<128x128xf32>
    %mul3A_81 = vector.broadcast %squeeze3A_79 : f32 to vector<128x128xf32>
    %mul3A_82 = arith.mulf %mul3A_81, %slice3A_80 : vector<128x128xf32>
    %add3A_83 = arith.addf %add3A_77, %mul3A_82 : vector<128x128xf32>
    %slice3A_84 = vector.extract_strided_slice %div3A_47 {offsets = [0, 6], sizes = [1, 1], strides = [1, 1]} : vector<1x16xf32> to vector<1x1xf32>
    %squeeze3A_85 = vector.extract %slice3A_84[0, 0] : f32 from vector<1x1xf32>
    %slice3A_86 = vector.extract_strided_slice %get3A_37 {offsets = [768, 0], sizes = [128, 128], strides = [1, 1]} : vector<1536x128xf32> to vector<128x128xf32>
    %mul3A_87 = vector.broadcast %squeeze3A_85 : f32 to vector<128x128xf32>
    %mul3A_88 = arith.mulf %mul3A_87, %slice3A_86 : vector<128x128xf32>
    %add3A_89 = arith.addf %add3A_83, %mul3A_88 : vector<128x128xf32>
    %slice3A_90 = vector.extract_strided_slice %div3A_47 {offsets = [0, 7], sizes = [1, 1], strides = [1, 1]} : vector<1x16xf32> to vector<1x1xf32>
    %squeeze3A_91 = vector.extract %slice3A_90[0, 0] : f32 from vector<1x1xf32>
    %slice3A_92 = vector.extract_strided_slice %get3A_37 {offsets = [896, 0], sizes = [128, 128], strides = [1, 1]} : vector<1536x128xf32> to vector<128x128xf32>
    %mul3A_93 = vector.broadcast %squeeze3A_91 : f32 to vector<128x128xf32>
    %mul3A_94 = arith.mulf %mul3A_93, %slice3A_92 : vector<128x128xf32>
    %add3A_95 = arith.addf %add3A_89, %mul3A_94 : vector<128x128xf32>
    %slice3A_96 = vector.extract_strided_slice %div3A_47 {offsets = [0, 8], sizes = [1, 1], strides = [1, 1]} : vector<1x16xf32> to vector<1x1xf32>
    %squeeze3A_97 = vector.extract %slice3A_96[0, 0] : f32 from vector<1x1xf32>
    %slice3A_98 = vector.extract_strided_slice %get3A_37 {offsets = [1024, 0], sizes = [128, 128], strides = [1, 1]} : vector<1536x128xf32> to vector<128x128xf32>
    %mul3A_99 = vector.broadcast %squeeze3A_97 : f32 to vector<128x128xf32>
    %mul3A_100 = arith.mulf %mul3A_99, %slice3A_98 : vector<128x128xf32>
    %add3A_101 = arith.addf %add3A_95, %mul3A_100 : vector<128x128xf32>
    %slice3A_102 = vector.extract_strided_slice %div3A_47 {offsets = [0, 9], sizes = [1, 1], strides = [1, 1]} : vector<1x16xf32> to vector<1x1xf32>
    %squeeze3A_103 = vector.extract %slice3A_102[0, 0] : f32 from vector<1x1xf32>
    %slice3A_104 = vector.extract_strided_slice %get3A_37 {offsets = [1152, 0], sizes = [128, 128], strides = [1, 1]} : vector<1536x128xf32> to vector<128x128xf32>
    %mul3A_105 = vector.broadcast %squeeze3A_103 : f32 to vector<128x128xf32>
    %mul3A_106 = arith.mulf %mul3A_105, %slice3A_104 : vector<128x128xf32>
    %add3A_107 = arith.addf %add3A_101, %mul3A_106 : vector<128x128xf32>
    %slice3A_108 = vector.extract_strided_slice %div3A_47 {offsets = [0, 10], sizes = [1, 1], strides = [1, 1]} : vector<1x16xf32> to vector<1x1xf32>
    %squeeze3A_109 = vector.extract %slice3A_108[0, 0] : f32 from vector<1x1xf32>
    %slice3A_110 = vector.extract_strided_slice %get3A_37 {offsets = [1280, 0], sizes = [128, 128], strides = [1, 1]} : vector<1536x128xf32> to vector<128x128xf32>
    %mul3A_111 = vector.broadcast %squeeze3A_109 : f32 to vector<128x128xf32>
    %mul3A_112 = arith.mulf %mul3A_111, %slice3A_110 : vector<128x128xf32>
    %add3A_113 = arith.addf %add3A_107, %mul3A_112 : vector<128x128xf32>
    %slice3A_114 = vector.extract_strided_slice %div3A_47 {offsets = [0, 11], sizes = [1, 1], strides = [1, 1]} : vector<1x16xf32> to vector<1x1xf32>
    %squeeze3A_115 = vector.extract %slice3A_114[0, 0] : f32 from vector<1x1xf32>
    %slice3A_116 = vector.extract_strided_slice %get3A_37 {offsets = [1408, 0], sizes = [128, 128], strides = [1, 1]} : vector<1536x128xf32> to vector<128x128xf32>
    %mul3A_117 = vector.broadcast %squeeze3A_115 : f32 to vector<128x128xf32>
    %mul3A_118 = arith.mulf %mul3A_117, %slice3A_116 : vector<128x128xf32>
    %add3A_119 = arith.addf %add3A_113, %mul3A_118 : vector<128x128xf32>
    %dot_general3A_120 = arith.constant dense<0.000000e+00> : vector<1000x128xf32>
    %dot_general3A_121 = tpu.matmul %add3A_28, %add3A_119, %dot_general3A_120 {dimension_numbers = #tpu.dot_dimension_numbers<[1], [1], [0], [0], [0, 0, 1, 0], [], []>, transpose_lhs_hint = false} : vector<1000x128xf32>, vector<128x128xf32>, vector<1000x128xf32> -> vector<1000x128xf32>
    %swap3A_122 = arith.constant 0 : index
    %swap3A_123 = arith.constant 0 : index
    %swap3A_124 = vector.load %arg9[%swap3A_122, %swap3A_123] : memref<1000x128xf32, #tpu.memory_space<vmem>>, vector<1000x128xf32>
    tpu.vector_store %arg9[%swap3A_122, %swap3A_123], %dot_general3A_121 {strides = array<i32>} : memref<1000x128xf32, #tpu.memory_space<vmem>>, vector<1000x128xf32>,
    %swap3A_125 = arith.constant 0 : index
    %swap3A_126 = arith.constant 0 : index
    %swap3A_127 = vector.load %arg10[%swap3A_125, %swap3A_126] : memref<1000x128xf32, #tpu.memory_space<vmem>>, vector<1000x128xf32>
    tpu.vector_store %arg10[%swap3A_125, %swap3A_126], %add3A_28 {strides = array<i32>} : memref<1000x128xf32, #tpu.memory_space<vmem>>, vector<1000x128xf32>,
    return
  }
  func.func @transform_0(%arg0: i32) -> (i32, i32) {
    %c0_i32 = arith.constant 0 : i32
    %c0_i32_0 = arith.constant 0 : i32
    return %arg0, %c0_i32 : i32, i32
  }
  func.func @transform_1(%arg0: i32) -> (i32, i32) {
    %c0_i32 = arith.constant 0 : i32
    %c0_i32_0 = arith.constant 0 : i32
    %c0_i32_1 = arith.constant 0 : i32
    return %c0_i32, %c0_i32_0 : i32, i32
  }
  func.func @transform_2(%arg0: i32) -> (i32, i32) {
    %c0_i32 = arith.constant 0 : i32
    %c0_i32_0 = arith.constant 0 : i32
    %c0_i32_1 = arith.constant 0 : i32
    return %c0_i32, %c0_i32_0 : i32, i32
  }
  func.func @transform_3(%arg0: i32) -> (i32, i32) {
    %c0_i32 = arith.constant 0 : i32
    %c0_i32_0 = arith.constant 0 : i32
    %c0_i32_1 = arith.constant 0 : i32
    return %c0_i32, %c0_i32_0 : i32, i32
  }
  func.func @transform_4(%arg0: i32) -> (i32, i32) {
    %c0_i32 = arith.constant 0 : i32
    %c0_i32_0 = arith.constant 0 : i32
    %c0_i32_1 = arith.constant 0 : i32
    return %c0_i32, %c0_i32_0 : i32, i32
  }
  func.func @transform_5(%arg0: i32) -> (i32, i32) {
    %c0_i32 = arith.constant 0 : i32
    %c0_i32_0 = arith.constant 0 : i32
    %c0_i32_1 = arith.constant 0 : i32
    return %c0_i32, %c0_i32_0 : i32, i32
  }
  func.func @transform_6(%arg0: i32) -> (i32, i32) {
    %c0_i32 = arith.constant 0 : i32
    %c0_i32_0 = arith.constant 0 : i32
    %c0_i32_1 = arith.constant 0 : i32
    return %c0_i32, %c0_i32_0 : i32, i32
  }
  func.func @transform_7(%arg0: i32) -> (i32, i32) {
    %c0_i32 = arith.constant 0 : i32
    %c0_i32_0 = arith.constant 0 : i32
    return %arg0, %c0_i32 : i32, i32
  }
  func.func @transform_8(%arg0: i32) -> (i32, i32) {
    %c0_i32 = arith.constant 0 : i32
    %c0_i32_0 = arith.constant 0 : i32
    return %arg0, %c0_i32 : i32, i32
  }
  func.func @transform_9(%arg0: i32) -> (i32, i32) {
    %c0_i32 = arith.constant 0 : i32
    %c0_i32_0 = arith.constant 0 : i32
    return %arg0, %c0_i32 : i32, i32
  }
}

module attributes {stable_mosaic.version = 14 : i64} {
  func.func @_edge_kern(%arg0: i32, %arg1: memref<2000x128xf32, #tpu.memory_space<vmem>>, %arg2: memref<2000x16xf32, #tpu.memory_space<vmem>>, %arg3: memref<1536x128xbf16, #tpu.memory_space<vmem>>, %arg4: memref<1x16xf32, #tpu.memory_space<vmem>>, %arg5: memref<2000x128xf32, #tpu.memory_space<vmem>>) attributes {dimension_semantics = [#tpu.dimension_semantics<arbitrary>], iteration_bounds = array<i64: 160>, scalar_prefetch = 0 : i64, scratch_operands = 0 : i64, tpu.core_type = #tpu.core_type<tc>, window_params = [{transform_indices = @transform_0, window_bounds = array<i64: 2000, 128>}, {transform_indices = @transform_1, window_bounds = array<i64: 2000, 16>}, {pipeline_mode = #tpu.pipeline_mode<synchronous>, transform_indices = @transform_2, window_bounds = array<i64: 1536, 128>}, {pipeline_mode = #tpu.pipeline_mode<synchronous>, transform_indices = @transform_3, window_bounds = array<i64: 1, 16>}, {transform_indices = @transform_4, window_bounds = array<i64: 2000, 128>}]} {
    %get3A = arith.constant 0 : index
    %get3A_0 = arith.constant 0 : index
    %get3A_1 = vector.load %arg2[%get3A, %get3A_0] : memref<2000x16xf32, #tpu.memory_space<vmem>>, vector<2000x16xf32>
    %get3A_2 = arith.constant 0 : index
    %get3A_3 = arith.constant 0 : index
    %get3A_4 = vector.load %arg4[%get3A_2, %get3A_3] : memref<1x16xf32, #tpu.memory_space<vmem>>, vector<1x16xf32>
    %add3A = vector.broadcast %get3A_4 : vector<1x16xf32> to vector<2000x16xf32>
    %add3A_5 = arith.addf %get3A_1, %add3A : vector<2000x16xf32>
    %reduce_max3A = arith.constant dense<0xFF800000> : vector<2000xf32>
    %reduce_max3A_6 = vector.multi_reduction <maximumf>, %add3A_5, %reduce_max3A [1] : vector<2000x16xf32> to vector<2000xf32>
    %broadcast_in_dim3A = vector.shape_cast %reduce_max3A_6 : vector<2000xf32> to vector<2000x1xf32>
    %sub3A = vector.broadcast %broadcast_in_dim3A : vector<2000x1xf32> to vector<2000x16xf32>
    %sub3A_7 = arith.subf %add3A_5, %sub3A : vector<2000x16xf32>
    %exp3A = math.exp %sub3A_7 : vector<2000x16xf32>
    %reduce_sum3A = arith.constant dense<0.000000e+00> : vector<2000xf32>
    %reduce_sum3A_8 = vector.multi_reduction <add>, %exp3A, %reduce_sum3A [1] : vector<2000x16xf32> to vector<2000xf32>
    %broadcast_in_dim3A_9 = vector.shape_cast %reduce_sum3A_8 : vector<2000xf32> to vector<2000x1xf32>
    %div3A = vector.broadcast %broadcast_in_dim3A_9 : vector<2000x1xf32> to vector<2000x16xf32>
    %div3A_10 = arith.divf %exp3A, %div3A : vector<2000x16xf32>
    %slice3A = vector.extract_strided_slice %get3A_1 {offsets = [0, 12], sizes = [2000, 1], strides = [1, 1]} : vector<2000x16xf32> to vector<2000x1xf32>
    %mul3A = vector.broadcast %slice3A : vector<2000x1xf32> to vector<2000x16xf32>
    %mul3A_11 = arith.mulf %div3A_10, %mul3A : vector<2000x16xf32>
    %get3A_12 = arith.constant 0 : index
    %get3A_13 = arith.constant 0 : index
    %get3A_14 = vector.load %arg1[%get3A_12, %get3A_13] : memref<2000x128xf32, #tpu.memory_space<vmem>>, vector<2000x128xf32>
    %convert_element_type3A = arith.truncf %get3A_14 : vector<2000x128xf32> to vector<2000x128xbf16>
    %broadcast_in_dim3A_15 = arith.constant 0.000000e+00 : f32
    %broadcast_in_dim3A_16 = vector.broadcast %broadcast_in_dim3A_15 : f32 to vector<2000x128xf32>
    %get3A_17 = arith.constant 0 : index
    %get3A_18 = arith.constant 0 : index
    %get3A_19 = vector.load %arg3[%get3A_17, %get3A_18] : memref<1536x128xbf16, #tpu.memory_space<vmem>>, vector<128x128xbf16>
    %dot_general3A = arith.constant dense<0.000000e+00> : vector<2000x128xf32>
    %dot_general3A_20 = tpu.matmul %convert_element_type3A, %get3A_19, %dot_general3A {dimension_numbers = #tpu.dot_dimension_numbers<[1], [1], [0], [0], [0, 0, 1, 0], [], []>, transpose_lhs_hint = false} : vector<2000x128xbf16>, vector<128x128xbf16>, vector<2000x128xf32> -> vector<2000x128xf32>
    %slice3A_21 = vector.extract_strided_slice %mul3A_11 {offsets = [0, 0], sizes = [2000, 1], strides = [1, 1]} : vector<2000x16xf32> to vector<2000x1xf32>
    %mul3A_22 = vector.broadcast %slice3A_21 : vector<2000x1xf32> to vector<2000x128xf32>
    %mul3A_23 = arith.mulf %mul3A_22, %dot_general3A_20 : vector<2000x128xf32>
    %add3A_24 = arith.addf %broadcast_in_dim3A_16, %mul3A_23 : vector<2000x128xf32>
    %get3A_25 = arith.constant 128 : index
    %get3A_26 = arith.constant 0 : index
    %get3A_27 = vector.load %arg3[%get3A_25, %get3A_26] : memref<1536x128xbf16, #tpu.memory_space<vmem>>, vector<128x128xbf16>
    %dot_general3A_28 = arith.constant dense<0.000000e+00> : vector<2000x128xf32>
    %dot_general3A_29 = tpu.matmul %convert_element_type3A, %get3A_27, %dot_general3A_28 {dimension_numbers = #tpu.dot_dimension_numbers<[1], [1], [0], [0], [0, 0, 1, 0], [], []>, transpose_lhs_hint = false} : vector<2000x128xbf16>, vector<128x128xbf16>, vector<2000x128xf32> -> vector<2000x128xf32>
    %slice3A_30 = vector.extract_strided_slice %mul3A_11 {offsets = [0, 1], sizes = [2000, 1], strides = [1, 1]} : vector<2000x16xf32> to vector<2000x1xf32>
    %mul3A_31 = vector.broadcast %slice3A_30 : vector<2000x1xf32> to vector<2000x128xf32>
    %mul3A_32 = arith.mulf %mul3A_31, %dot_general3A_29 : vector<2000x128xf32>
    %add3A_33 = arith.addf %add3A_24, %mul3A_32 : vector<2000x128xf32>
    %get3A_34 = arith.constant 256 : index
    %get3A_35 = arith.constant 0 : index
    %get3A_36 = vector.load %arg3[%get3A_34, %get3A_35] : memref<1536x128xbf16, #tpu.memory_space<vmem>>, vector<128x128xbf16>
    %dot_general3A_37 = arith.constant dense<0.000000e+00> : vector<2000x128xf32>
    %dot_general3A_38 = tpu.matmul %convert_element_type3A, %get3A_36, %dot_general3A_37 {dimension_numbers = #tpu.dot_dimension_numbers<[1], [1], [0], [0], [0, 0, 1, 0], [], []>, transpose_lhs_hint = false} : vector<2000x128xbf16>, vector<128x128xbf16>, vector<2000x128xf32> -> vector<2000x128xf32>
    %slice3A_39 = vector.extract_strided_slice %mul3A_11 {offsets = [0, 2], sizes = [2000, 1], strides = [1, 1]} : vector<2000x16xf32> to vector<2000x1xf32>
    %mul3A_40 = vector.broadcast %slice3A_39 : vector<2000x1xf32> to vector<2000x128xf32>
    %mul3A_41 = arith.mulf %mul3A_40, %dot_general3A_38 : vector<2000x128xf32>
    %add3A_42 = arith.addf %add3A_33, %mul3A_41 : vector<2000x128xf32>
    %get3A_43 = arith.constant 384 : index
    %get3A_44 = arith.constant 0 : index
    %get3A_45 = vector.load %arg3[%get3A_43, %get3A_44] : memref<1536x128xbf16, #tpu.memory_space<vmem>>, vector<128x128xbf16>
    %dot_general3A_46 = arith.constant dense<0.000000e+00> : vector<2000x128xf32>
    %dot_general3A_47 = tpu.matmul %convert_element_type3A, %get3A_45, %dot_general3A_46 {dimension_numbers = #tpu.dot_dimension_numbers<[1], [1], [0], [0], [0, 0, 1, 0], [], []>, transpose_lhs_hint = false} : vector<2000x128xbf16>, vector<128x128xbf16>, vector<2000x128xf32> -> vector<2000x128xf32>
    %slice3A_48 = vector.extract_strided_slice %mul3A_11 {offsets = [0, 3], sizes = [2000, 1], strides = [1, 1]} : vector<2000x16xf32> to vector<2000x1xf32>
    %mul3A_49 = vector.broadcast %slice3A_48 : vector<2000x1xf32> to vector<2000x128xf32>
    %mul3A_50 = arith.mulf %mul3A_49, %dot_general3A_47 : vector<2000x128xf32>
    %add3A_51 = arith.addf %add3A_42, %mul3A_50 : vector<2000x128xf32>
    %get3A_52 = arith.constant 512 : index
    %get3A_53 = arith.constant 0 : index
    %get3A_54 = vector.load %arg3[%get3A_52, %get3A_53] : memref<1536x128xbf16, #tpu.memory_space<vmem>>, vector<128x128xbf16>
    %dot_general3A_55 = arith.constant dense<0.000000e+00> : vector<2000x128xf32>
    %dot_general3A_56 = tpu.matmul %convert_element_type3A, %get3A_54, %dot_general3A_55 {dimension_numbers = #tpu.dot_dimension_numbers<[1], [1], [0], [0], [0, 0, 1, 0], [], []>, transpose_lhs_hint = false} : vector<2000x128xbf16>, vector<128x128xbf16>, vector<2000x128xf32> -> vector<2000x128xf32>
    %slice3A_57 = vector.extract_strided_slice %mul3A_11 {offsets = [0, 4], sizes = [2000, 1], strides = [1, 1]} : vector<2000x16xf32> to vector<2000x1xf32>
    %mul3A_58 = vector.broadcast %slice3A_57 : vector<2000x1xf32> to vector<2000x128xf32>
    %mul3A_59 = arith.mulf %mul3A_58, %dot_general3A_56 : vector<2000x128xf32>
    %add3A_60 = arith.addf %add3A_51, %mul3A_59 : vector<2000x128xf32>
    %get3A_61 = arith.constant 640 : index
    %get3A_62 = arith.constant 0 : index
    %get3A_63 = vector.load %arg3[%get3A_61, %get3A_62] : memref<1536x128xbf16, #tpu.memory_space<vmem>>, vector<128x128xbf16>
    %dot_general3A_64 = arith.constant dense<0.000000e+00> : vector<2000x128xf32>
    %dot_general3A_65 = tpu.matmul %convert_element_type3A, %get3A_63, %dot_general3A_64 {dimension_numbers = #tpu.dot_dimension_numbers<[1], [1], [0], [0], [0, 0, 1, 0], [], []>, transpose_lhs_hint = false} : vector<2000x128xbf16>, vector<128x128xbf16>, vector<2000x128xf32> -> vector<2000x128xf32>
    %slice3A_66 = vector.extract_strided_slice %mul3A_11 {offsets = [0, 5], sizes = [2000, 1], strides = [1, 1]} : vector<2000x16xf32> to vector<2000x1xf32>
    %mul3A_67 = vector.broadcast %slice3A_66 : vector<2000x1xf32> to vector<2000x128xf32>
    %mul3A_68 = arith.mulf %mul3A_67, %dot_general3A_65 : vector<2000x128xf32>
    %add3A_69 = arith.addf %add3A_60, %mul3A_68 : vector<2000x128xf32>
    %get3A_70 = arith.constant 768 : index
    %get3A_71 = arith.constant 0 : index
    %get3A_72 = vector.load %arg3[%get3A_70, %get3A_71] : memref<1536x128xbf16, #tpu.memory_space<vmem>>, vector<128x128xbf16>
    %dot_general3A_73 = arith.constant dense<0.000000e+00> : vector<2000x128xf32>
    %dot_general3A_74 = tpu.matmul %convert_element_type3A, %get3A_72, %dot_general3A_73 {dimension_numbers = #tpu.dot_dimension_numbers<[1], [1], [0], [0], [0, 0, 1, 0], [], []>, transpose_lhs_hint = false} : vector<2000x128xbf16>, vector<128x128xbf16>, vector<2000x128xf32> -> vector<2000x128xf32>
    %slice3A_75 = vector.extract_strided_slice %mul3A_11 {offsets = [0, 6], sizes = [2000, 1], strides = [1, 1]} : vector<2000x16xf32> to vector<2000x1xf32>
    %mul3A_76 = vector.broadcast %slice3A_75 : vector<2000x1xf32> to vector<2000x128xf32>
    %mul3A_77 = arith.mulf %mul3A_76, %dot_general3A_74 : vector<2000x128xf32>
    %add3A_78 = arith.addf %add3A_69, %mul3A_77 : vector<2000x128xf32>
    %get3A_79 = arith.constant 896 : index
    %get3A_80 = arith.constant 0 : index
    %get3A_81 = vector.load %arg3[%get3A_79, %get3A_80] : memref<1536x128xbf16, #tpu.memory_space<vmem>>, vector<128x128xbf16>
    %dot_general3A_82 = arith.constant dense<0.000000e+00> : vector<2000x128xf32>
    %dot_general3A_83 = tpu.matmul %convert_element_type3A, %get3A_81, %dot_general3A_82 {dimension_numbers = #tpu.dot_dimension_numbers<[1], [1], [0], [0], [0, 0, 1, 0], [], []>, transpose_lhs_hint = false} : vector<2000x128xbf16>, vector<128x128xbf16>, vector<2000x128xf32> -> vector<2000x128xf32>
    %slice3A_84 = vector.extract_strided_slice %mul3A_11 {offsets = [0, 7], sizes = [2000, 1], strides = [1, 1]} : vector<2000x16xf32> to vector<2000x1xf32>
    %mul3A_85 = vector.broadcast %slice3A_84 : vector<2000x1xf32> to vector<2000x128xf32>
    %mul3A_86 = arith.mulf %mul3A_85, %dot_general3A_83 : vector<2000x128xf32>
    %add3A_87 = arith.addf %add3A_78, %mul3A_86 : vector<2000x128xf32>
    %get3A_88 = arith.constant 1024 : index
    %get3A_89 = arith.constant 0 : index
    %get3A_90 = vector.load %arg3[%get3A_88, %get3A_89] : memref<1536x128xbf16, #tpu.memory_space<vmem>>, vector<128x128xbf16>
    %dot_general3A_91 = arith.constant dense<0.000000e+00> : vector<2000x128xf32>
    %dot_general3A_92 = tpu.matmul %convert_element_type3A, %get3A_90, %dot_general3A_91 {dimension_numbers = #tpu.dot_dimension_numbers<[1], [1], [0], [0], [0, 0, 1, 0], [], []>, transpose_lhs_hint = false} : vector<2000x128xbf16>, vector<128x128xbf16>, vector<2000x128xf32> -> vector<2000x128xf32>
    %slice3A_93 = vector.extract_strided_slice %mul3A_11 {offsets = [0, 8], sizes = [2000, 1], strides = [1, 1]} : vector<2000x16xf32> to vector<2000x1xf32>
    %mul3A_94 = vector.broadcast %slice3A_93 : vector<2000x1xf32> to vector<2000x128xf32>
    %mul3A_95 = arith.mulf %mul3A_94, %dot_general3A_92 : vector<2000x128xf32>
    %add3A_96 = arith.addf %add3A_87, %mul3A_95 : vector<2000x128xf32>
    %get3A_97 = arith.constant 1152 : index
    %get3A_98 = arith.constant 0 : index
    %get3A_99 = vector.load %arg3[%get3A_97, %get3A_98] : memref<1536x128xbf16, #tpu.memory_space<vmem>>, vector<128x128xbf16>
    %dot_general3A_100 = arith.constant dense<0.000000e+00> : vector<2000x128xf32>
    %dot_general3A_101 = tpu.matmul %convert_element_type3A, %get3A_99, %dot_general3A_100 {dimension_numbers = #tpu.dot_dimension_numbers<[1], [1], [0], [0], [0, 0, 1, 0], [], []>, transpose_lhs_hint = false} : vector<2000x128xbf16>, vector<128x128xbf16>, vector<2000x128xf32> -> vector<2000x128xf32>
    %slice3A_102 = vector.extract_strided_slice %mul3A_11 {offsets = [0, 9], sizes = [2000, 1], strides = [1, 1]} : vector<2000x16xf32> to vector<2000x1xf32>
    %mul3A_103 = vector.broadcast %slice3A_102 : vector<2000x1xf32> to vector<2000x128xf32>
    %mul3A_104 = arith.mulf %mul3A_103, %dot_general3A_101 : vector<2000x128xf32>
    %add3A_105 = arith.addf %add3A_96, %mul3A_104 : vector<2000x128xf32>
    %get3A_106 = arith.constant 1280 : index
    %get3A_107 = arith.constant 0 : index
    %get3A_108 = vector.load %arg3[%get3A_106, %get3A_107] : memref<1536x128xbf16, #tpu.memory_space<vmem>>, vector<128x128xbf16>
    %dot_general3A_109 = arith.constant dense<0.000000e+00> : vector<2000x128xf32>
    %dot_general3A_110 = tpu.matmul %convert_element_type3A, %get3A_108, %dot_general3A_109 {dimension_numbers = #tpu.dot_dimension_numbers<[1], [1], [0], [0], [0, 0, 1, 0], [], []>, transpose_lhs_hint = false} : vector<2000x128xbf16>, vector<128x128xbf16>, vector<2000x128xf32> -> vector<2000x128xf32>
    %slice3A_111 = vector.extract_strided_slice %mul3A_11 {offsets = [0, 10], sizes = [2000, 1], strides = [1, 1]} : vector<2000x16xf32> to vector<2000x1xf32>
    %mul3A_112 = vector.broadcast %slice3A_111 : vector<2000x1xf32> to vector<2000x128xf32>
    %mul3A_113 = arith.mulf %mul3A_112, %dot_general3A_110 : vector<2000x128xf32>
    %add3A_114 = arith.addf %add3A_105, %mul3A_113 : vector<2000x128xf32>
    %get3A_115 = arith.constant 1408 : index
    %get3A_116 = arith.constant 0 : index
    %get3A_117 = vector.load %arg3[%get3A_115, %get3A_116] : memref<1536x128xbf16, #tpu.memory_space<vmem>>, vector<128x128xbf16>
    %dot_general3A_118 = arith.constant dense<0.000000e+00> : vector<2000x128xf32>
    %dot_general3A_119 = tpu.matmul %convert_element_type3A, %get3A_117, %dot_general3A_118 {dimension_numbers = #tpu.dot_dimension_numbers<[1], [1], [0], [0], [0, 0, 1, 0], [], []>, transpose_lhs_hint = false} : vector<2000x128xbf16>, vector<128x128xbf16>, vector<2000x128xf32> -> vector<2000x128xf32>
    %slice3A_120 = vector.extract_strided_slice %mul3A_11 {offsets = [0, 11], sizes = [2000, 1], strides = [1, 1]} : vector<2000x16xf32> to vector<2000x1xf32>
    %mul3A_121 = vector.broadcast %slice3A_120 : vector<2000x1xf32> to vector<2000x128xf32>
    %mul3A_122 = arith.mulf %mul3A_121, %dot_general3A_119 : vector<2000x128xf32>
    %add3A_123 = arith.addf %add3A_114, %mul3A_122 : vector<2000x128xf32>
    %swap3A = arith.constant 0 : index
    %swap3A_124 = arith.constant 0 : index
    %swap3A_125 = vector.load %arg5[%swap3A, %swap3A_124] : memref<2000x128xf32, #tpu.memory_space<vmem>>, vector<2000x128xf32>
    tpu.vector_store %arg5[%swap3A, %swap3A_124], %add3A_123 {strides = array<i32>} : memref<2000x128xf32, #tpu.memory_space<vmem>>, vector<2000x128xf32>,
    return
  }
  func.func @transform_0(%arg0: i32) -> (i32, i32) {
    %c0_i32 = arith.constant 0 : i32
    %c0_i32_0 = arith.constant 0 : i32
    return %arg0, %c0_i32 : i32, i32
  }
  func.func @transform_1(%arg0: i32) -> (i32, i32) {
    %c0_i32 = arith.constant 0 : i32
    %c0_i32_0 = arith.constant 0 : i32
    return %arg0, %c0_i32 : i32, i32
  }
  func.func @transform_2(%arg0: i32) -> (i32, i32) {
    %c0_i32 = arith.constant 0 : i32
    %c0_i32_0 = arith.constant 0 : i32
    %c0_i32_1 = arith.constant 0 : i32
    return %c0_i32, %c0_i32_0 : i32, i32
  }
  func.func @transform_3(%arg0: i32) -> (i32, i32) {
    %c0_i32 = arith.constant 0 : i32
    %c0_i32_0 = arith.constant 0 : i32
    %c0_i32_1 = arith.constant 0 : i32
    return %c0_i32, %c0_i32_0 : i32, i32
  }
  func.func @transform_4(%arg0: i32) -> (i32, i32) {
    %c0_i32 = arith.constant 0 : i32
    %c0_i32_0 = arith.constant 0 : i32
    return %arg0, %c0_i32 : i32, i32
  }
}

module attributes {stable_mosaic.version = 14 : i64} {
  func.func @_post2_kern(%arg0: i32, %arg1: memref<2x1000x128xf32, #tpu.memory_space<vmem>>, %arg2: memref<2x1000x16xf32, #tpu.memory_space<vmem>>, %arg3: memref<1000x128xf32, #tpu.memory_space<vmem>>, %arg4: memref<1x128xf32, #tpu.memory_space<vmem>>, %arg5: memref<1000x128xf32, #tpu.memory_space<vmem>>) attributes {dimension_semantics = [#tpu.dimension_semantics<arbitrary>], iteration_bounds = array<i64: 10>, scalar_prefetch = 0 : i64, scratch_operands = 0 : i64, tpu.core_type = #tpu.core_type<tc>, window_params = [{transform_indices = @transform_0, window_bounds = array<i64: 2, 1000, 128>}, {transform_indices = @transform_1, window_bounds = array<i64: 2, 1000, 16>}, {transform_indices = @transform_2, window_bounds = array<i64: 1000, 128>}, {pipeline_mode = #tpu.pipeline_mode<synchronous>, transform_indices = @transform_3, window_bounds = array<i64: 1, 128>}, {transform_indices = @transform_4, window_bounds = array<i64: 1000, 128>}]} {
    %get3A = arith.constant 0 : index
    %get3A_0 = arith.constant 0 : index
    %get3A_1 = arith.constant 0 : index
    %get3A_2 = vector.load %arg1[%get3A, %get3A_0, %get3A_1] : memref<2x1000x128xf32, #tpu.memory_space<vmem>>, vector<1x1000x128xf32>
    %get3A_3 = vector.shape_cast %get3A_2 : vector<1x1000x128xf32> to vector<1000x128xf32>
    %get3A_4 = arith.constant 1 : index
    %get3A_5 = arith.constant 0 : index
    %get3A_6 = arith.constant 0 : index
    %get3A_7 = vector.load %arg1[%get3A_4, %get3A_5, %get3A_6] : memref<2x1000x128xf32, #tpu.memory_space<vmem>>, vector<1x1000x128xf32>
    %get3A_8 = vector.shape_cast %get3A_7 : vector<1x1000x128xf32> to vector<1000x128xf32>
    %add3A = arith.addf %get3A_3, %get3A_8 : vector<1000x128xf32>
    %get3A_9 = arith.constant 0 : index
    %get3A_10 = arith.constant 0 : index
    %get3A_11 = vector.load %arg3[%get3A_9, %get3A_10] : memref<1000x128xf32, #tpu.memory_space<vmem>>, vector<1000x128xf32>
    %add3A_12 = arith.addf %add3A, %get3A_11 : vector<1000x128xf32>
    %get3A_13 = arith.constant 0 : index
    %get3A_14 = arith.constant 0 : index
    %get3A_15 = arith.constant 0 : index
    %get3A_16 = vector.load %arg2[%get3A_13, %get3A_14, %get3A_15] : memref<2x1000x16xf32, #tpu.memory_space<vmem>>, vector<1x1000x1xf32>
    %get3A_17 = vector.shape_cast %get3A_16 : vector<1x1000x1xf32> to vector<1000x1xf32>
    %get3A_18 = arith.constant 1 : index
    %get3A_19 = arith.constant 0 : index
    %get3A_20 = arith.constant 0 : index
    %get3A_21 = vector.load %arg2[%get3A_18, %get3A_19, %get3A_20] : memref<2x1000x16xf32, #tpu.memory_space<vmem>>, vector<1x1000x1xf32>
    %get3A_22 = vector.shape_cast %get3A_21 : vector<1x1000x1xf32> to vector<1000x1xf32>
    %add3A_23 = arith.addf %get3A_17, %get3A_22 : vector<1000x1xf32>
    %add3A_24 = arith.constant 1.000000e+00 : f32
    %add3A_25 = vector.broadcast %add3A_24 : f32 to vector<1000x1xf32>
    %add3A_26 = arith.addf %add3A_23, %add3A_25 : vector<1000x1xf32>
    %max3A = arith.constant 1.000000e+00 : f32
    %max3A_27 = vector.broadcast %max3A : f32 to vector<1000x1xf32>
    %max3A_28 = arith.maximumf %add3A_26, %max3A_27 : vector<1000x1xf32>
    %div3A = vector.broadcast %max3A_28 : vector<1000x1xf32> to vector<1000x128xf32>
    %div3A_29 = arith.divf %add3A_12, %div3A : vector<1000x128xf32>
    %get3A_30 = arith.constant 0 : index
    %get3A_31 = arith.constant 0 : index
    %get3A_32 = vector.load %arg4[%get3A_30, %get3A_31] : memref<1x128xf32, #tpu.memory_space<vmem>>, vector<1x128xf32>
    %add3A_33 = vector.broadcast %get3A_32 : vector<1x128xf32> to vector<1000x128xf32>
    %add3A_34 = arith.addf %div3A_29, %add3A_33 : vector<1000x128xf32>
    %swap3A = arith.constant 0 : index
    %swap3A_35 = arith.constant 0 : index
    %swap3A_36 = vector.load %arg5[%swap3A, %swap3A_35] : memref<1000x128xf32, #tpu.memory_space<vmem>>, vector<1000x128xf32>
    tpu.vector_store %arg5[%swap3A, %swap3A_35], %add3A_34 {strides = array<i32>} : memref<1000x128xf32, #tpu.memory_space<vmem>>, vector<1000x128xf32>,
    return
  }
  func.func @transform_0(%arg0: i32) -> (i32, i32, i32) {
    %c0_i32 = arith.constant 0 : i32
    %c0_i32_0 = arith.constant 0 : i32
    %c0_i32_1 = arith.constant 0 : i32
    return %c0_i32, %arg0, %c0_i32_0 : i32, i32, i32
  }
  func.func @transform_1(%arg0: i32) -> (i32, i32, i32) {
    %c0_i32 = arith.constant 0 : i32
    %c0_i32_0 = arith.constant 0 : i32
    %c0_i32_1 = arith.constant 0 : i32
    return %c0_i32, %arg0, %c0_i32_0 : i32, i32, i32
  }
  func.func @transform_2(%arg0: i32) -> (i32, i32) {
    %c0_i32 = arith.constant 0 : i32
    %c0_i32_0 = arith.constant 0 : i32
    return %arg0, %c0_i32 : i32, i32
  }
  func.func @transform_3(%arg0: i32) -> (i32, i32) {
    %c0_i32 = arith.constant 0 : i32
    %c0_i32_0 = arith.constant 0 : i32
    %c0_i32_1 = arith.constant 0 : i32
    return %c0_i32, %c0_i32_0 : i32, i32
  }
  func.func @transform_4(%arg0: i32) -> (i32, i32) {
    %c0_i32 = arith.constant 0 : i32
    %c0_i32_0 = arith.constant 0 : i32
    return %arg0, %c0_i32 : i32, i32
  }
}

</mosaic_0001>

<sc_bundles>
// kernel: kernel.12.cloned.1.call-start
scs
__scs_entry_jumppad:
0x0: {  	(pc) =	sbr.rel $0x88, $3  }
0x1: {  	(tag) =	ssettag $0x0;
	lr =	simm.s32 $0x1  }
0x2: {  	[smem:$0x3F95] =	sst lr;
	_ =	strace $0xD0000000  }
0x3: {  	_ = 	snop  }
0x4: {  	_ = 	snop  }
0x5: {  	_ = 	snop  }
0x6: {  	_ = 	snop  }
0x7: {  	_ = 	snop  }
__scs_overlays_trampoline_lowered:
0x8: {  	[smem:$0x3FA4] =	sst s0  }
0x9: {  	[smem:$0x3FA5] =	sst s1  }
0xa: {  	[smem:$0x3FA6] =	sst s2  }
0xb: {  	[smem:$0x3FA7] =	sst s3  }
0xc: {  	[smem:$0x3FA8] =	sst s4  }
0xd: {  	[smem:$0x3FA9] =	sst s5  }
0xe: {  	[smem:$0x3FAA] =	sst s6  }
0xf: {  	[smem:$0x3FAB] =	sst s7  }
0x10: {  	[smem:$0x3FAC] =	sst s8  }
0x11: {  	[smem:$0x3FAD] =	sst s9;
	s0 =	simm.s32 @!p0 $0x0  }
0x12: {  	s1 =	sld [smem:$0x3F93];
	s0 =	simm.s32 @p0 $0x1  }
0x13: {  	[smem:$0x3FAE] =	sst s0;
	s0 =	simm.s32 @!p1 $0x0  }
0x14: {  	s2 =	sld [smem:$0x3F92];
	s0 =	simm.s32 @p1 $0x1  }
0x15: {  	[smem:$0x3FAF] =	sst s0;
	s0 =	simm.s32 @!p2 $0x0  }
0x16: {  	s3 =	sld [smem:$0x3FDB];
	s0 =	simm.s32 @p2 $0x1  }
0x17: {  	s4 =	simm.s32 $0x1BF5;
	[smem:$0x3FB1] =	sst s0  }
0x18: {  	s0 =	sld [smem:$0x3F94];
	_ =	swait.ge [sflag:s4], $0x0  }
0x19: {  	s7 =	sld [smem:$0x3F95]  }
0x1a: {  	s8 =	sadd.s32 $0xFFFFE003, lr  }
0x1b: {  	s9 =	sadd.s32 $0xFFFFFEF7, lr;
	s5 =	simm.s32 $0xFFFFFFFF;
	p2 =	slt.u32 s8, $0xFFFFF086  }
0x1c: {  	p1 =	slt.u32 s9, $0xF7A;
	s5 =	simm.s32 @!p2 $0x0  }
0x1d: {  	s5 =	simm.s32 @p1 $0x1;
	p0 =	seq.s32 s7, s2  }
0x1e: {  	s7 =	smul.u32 @!p0 $0xF7A, s2;
	p2 =	seq.s32 @!p0 s5, $0x0  }
0x1f: {  	s9 =	smul.u32 $0xF7A, s1;
	s8 =	simm.s32 @!p0 $0x1BF5;
	p2 =	por !p2, p0  }
0x20: {  	[sflag:s8] =	ssyncset.s32 @!p0 $0xFFFFF086;
	s6 =	sadd.s32 @!p0 s3, s7;
	s7 =	simm.s32 @!p0 $0x108  }
0x21: {  	s3 =	sadd.s32 s3, s9;
	s6 =	sadd.s32 @!p0 $0x88, s6;
	s7 =	simm.s32 @p2 $0x1082  }
0x22: {  	[simem:s7], [sflag:s8] =	dma.local @!p0 [hbm:s6], $0xF7A  }
0x23: {  	s9 =	sor.u32 $0xD0000000, s2;
	s6 =	simm.s32 $0x108;
	_ =	swait.ge @!p0 [sflag:s8], $0x0  }
0x24: {  	s3 =	sadd.s32 $0x88, s3;
	s6 =	simm.s32 @!p1 $0x1082;
	[sflag:s4] =	ssyncset.s32 $0xFFFFF086  }
0x25: {  	[simem:s6], [sflag:s4] =	dma.local [hbm:s3], $0xF7A  }
0x26: {  	[smem:$0x3F95] =	sst s1;
	(tag) =	ssettag s2;
	_ =	strace s9  }
0x27: {  	s1 =	sld [smem:$0x3FA5]  }
0x28: {  	s2 =	sld [smem:$0x3FA6]  }
0x29: {  	s4 =	sld [smem:$0x3FA8]  }
0x2a: {  	p0 =	seq.s32 s5, $0x0;
	s5 =	sld [smem:$0x3FA9]  }
0x2b: {  	s6 =	sld [smem:$0x3FAA]  }
0x2c: {  	s7 =	sld [smem:$0x3FAB]  }
0x2d: {  	s3 =	simm.s32 $0x108;
	s8 =	sld [smem:$0x3FAC]  }
0x2e: {  	s3 =	simm.s32 @!p0 $0x1082;
	s9 =	sld [smem:$0x3FAD]  }
0x2f: {  	lr =	sadd.s32 s0, s3;
	s0 =	sld [smem:$0x3FA4]  }
0x30: {  	s3 =	sld [smem:$0x3FA7]  }
0x31: {  	[smem:$0x3FB0] =	sst s10  }
0x32: {  	s10 =	sld [smem:$0x3FAE];
	_ =	sdelay $0x3  }
0x33: {  	p0 =	seq.s32 s10, $0x1;
	s10 =	sld [smem:$0x3FB0];
	_ =	sdelay $0x3  }
0x34: {  	[smem:$0x3FB0] =	sst s10  }
0x35: {  	s10 =	sld [smem:$0x3FAF];
	_ =	sdelay $0x3  }
0x36: {  	p1 =	seq.s32 s10, $0x1;
	s10 =	sld [smem:$0x3FB0];
	_ =	sdelay $0x3  }
0x37: {  	[smem:$0x3FB0] =	sst s10  }
0x38: {  	s10 =	sld [smem:$0x3FB1]  }
0x39: {  	_ = 	snop;
	(pc) =	sbr.ind lr, $3  }
0x3a: {  	_ = 	snop  }
0x3b: {  	_ = 	snop  }
0x3c: {  	p2 =	seq.s32 s10, $0x1;
	s10 =	sld [smem:$0x3FB0]  }
0x3d: {  	_ =	shalt  }
0x3e: {  	_ =	shalt  }
0x3f: {  	_ =	shalt  }
0x40: {  	_ =	shalt  }
0x41: {  	_ =	shalt  }
0x42: {  	_ =	shalt  }
0x43: {  	_ =	shalt  }
0x44: {  	_ =	shalt  }
0x45: {  	_ =	shalt  }
0x46: {  	_ =	shalt  }
0x47: {  	_ =	shalt  }
0x48: {  	_ =	shalt  }
0x49: {  	_ =	shalt  }
0x4a: {  	_ =	shalt  }
0x4b: {  	_ =	shalt  }
0x4c: {  	_ =	shalt  }
0x4d: {  	_ =	shalt  }
0x4e: {  	_ =	shalt  }
0x4f: {  	_ =	shalt  }
0x50: {  	_ =	shalt  }
0x51: {  	_ =	shalt  }
0x52: {  	_ =	shalt  }
0x53: {  	_ =	shalt  }
0x54: {  	_ =	shalt  }
0x55: {  	_ =	shalt  }
0x56: {  	_ =	shalt  }
0x57: {  	_ =	shalt  }
0x58: {  	_ =	shalt  }
0x59: {  	_ =	shalt  }
0x5a: {  	_ =	shalt  }
0x5b: {  	_ =	shalt  }
0x5c: {  	_ =	shalt  }
0x5d: {  	_ =	shalt  }
0x5e: {  	_ =	shalt  }
0x5f: {  	_ =	shalt  }
0x60: {  	_ =	shalt  }
0x61: {  	_ =	shalt  }
0x62: {  	_ =	shalt  }
0x63: {  	_ =	shalt  }
0x64: {  	_ =	shalt  }
0x65: {  	_ =	shalt  }
0x66: {  	_ =	shalt  }
0x67: {  	_ =	shalt  }
0x68: {  	_ =	shalt  }
0x69: {  	_ =	shalt  }
0x6a: {  	_ =	shalt  }
0x6b: {  	_ =	shalt  }
0x6c: {  	_ =	shalt  }
0x6d: {  	_ =	shalt  }
0x6e: {  	_ =	shalt  }
0x6f: {  	_ =	shalt  }
0x70: {  	_ =	shalt  }
0x71: {  	_ =	shalt  }
0x72: {  	_ =	shalt  }
0x73: {  	_ =	shalt  }
0x74: {  	_ =	shalt  }
0x75: {  	_ =	shalt  }
0x76: {  	_ =	shalt  }
0x77: {  	_ =	shalt  }
0x78: {  	_ =	shalt  }
0x79: {  	_ =	shalt  }
0x7a: {  	_ =	shalt  }
0x7b: {  	_ =	shalt  }
0x7c: {  	_ =	shalt  }
0x7d: {  	_ =	shalt  }
0x7e: {  	_ =	shalt  }
0x7f: {  	_ =	shalt  }
0x80: {  	_ =	shalt  }
0x81: {  	_ =	shalt  }
0x82: {  	_ =	shalt  }
0x83: {  	_ =	shalt  }
0x84: {  	_ =	shalt  }
0x85: {  	_ =	shalt  }
0x86: {  	_ =	shalt  }
0x87: {  	_ =	shalt  }
.Lfunc_end0:
.L_simem_size_0:
called_computation_lowered:
.L_overlay_start_0:
0x88: {  	s2 =	sld [smem:$0x3FD9]  }
0x89: {  	s3 =	sld [smem:$0x3FFE];
	_ =	sdelay $0x1  }
0x8a: {  	s1 =	srdreg.scid  }
0x8b: {  	s0 =	sand.u32 $0x1, s1  }
0x8c: {  	s17 =	sshll.u32 s0, $0xA;
	s2 =	sadd.s32 s3, s2  }
0x8d: {  	s2 =	sadd.s32 s2, s17  }
0x8e: {  	[smem:$0x3FBC] =	sst s2  }
0x8f: {  	_ = 	snop  }
0x90: {  	s2 =	sld [smem:$0x3FC9];
	(tm) =	ssettm $0x1  }
0x91: {  	s18 =	sld [smem:$0x3FFB];
	_ =	sdelay $0x3  }
0x92: {  	_ =	strace s18  }
0x93: {  	s3 =	sld [smem:$0x3FFC];
	_ =	sdelay $0x3  }
0x94: {  	_ =	strace s3  }
0x95: {  	s3 =	sld [smem:$0x3FFD];
	_ =	sdelay $0x3  }
0x96: {  	_ =	strace s3  }
0x97: {  	_ =	strace $0x8FFFFFFF  }
0x98: {  	s19 =	sld [smem:$0x3FDB];
	_ =	sdelay $0x1  }
0x99: {  	s4 =	simm.s32 $_scs_section_size  }
0x9a: {  	s5 =	simm.s32 $_size__tile_overlayer_lowered;
	s6 =	simm.s32 $_tile_overlayer_lowered  }
0x9b: {  	s22 =	simm.s32 $0x1BFF;
	s21 =	sshll.u32 s6, $0x1;
	s3 =	sadd.s32 s4, s19  }
0x9c: {  	s7 =	simm.s32 $0x0;
	s20 =	sshll.u32 s5, $0x1;
	s5 =	sadd.s32 s21, s3  }
0x9d: {  	[timem:s7], [sflag:s22] =	dma.local [hbm:s5], s20  }
0x9e: {  	_ =	swait.ge [sflag:s22], s20  }
0x9f: {  	s4 =	ssub.s32 $0x0, s20;
	[sflag:s22] =	ssyncset.done $0x0  }
0xa0: {  	[sflag:s22] =	ssyncadd.s32 s4;
	_ =	sdelay $0x1  }
0xa1: {  	s23 =	simm.s32 $0x1B8B  }
0xa2: {  	_ =	swait.ge [sflag:s23], $0x1  }
0xa3: {  	[sflag:s23] =	ssyncset.done $0x0  }
0xa4: {  	s25 =	simm.s32 $0x1B8E;
	s24 =	sld [smem:$0x3FFE];
	[sflag:s23] =	ssyncadd.s32 $0xFFFFFFFF  }
0xa5: {  	s26 =	simm.s32 $execute0_lowered;
	[smem:$0x3FD2] =	sst s25  }
0xa6: {  	s5 =	sshll.u32 s26, $0x1;
	_ =	strace $0x80000046;
	[dreg:$0x1] =	wrdreg $0xFFFFFFFF  }
0xa7: {  	s28 =	simm.s32 $_size_execute0_lowered;
	s3 =	sadd.s32 s3, s5;
	[dreg:$0x0] =	wrdreg $0x0  }
0xa8: {  	s5 =	sshll.u32 s28, $0x1;
	[dreg:$0x2] =	wrdreg s3  }
0xa9: {  	[dreg:$0x3] =	wrdreg s5  }
0xaa: {  	[dreg:$0x4] =	wrdreg $0xC0  }
0xab: {  	_ =	task [dreg:s7], $0x5FFFF  }
0xac: {  	[dreg:$0x1] =	wrdreg $0xFFFFFFFF  }
0xad: {  	[dreg:$0x0] =	wrdreg $0x60  }
0xae: {  	[dreg:$0x2] =	wrdreg s2  }
0xaf: {  	[dreg:$0x3] =	wrdreg s24  }
0xb0: {  	[dreg:$0x4] =	wrdreg $0x9  }
0xb1: {  	_ =	task.clear_ibuf [dreg:s7], $0x5FFFF;
	_ =	strace $0x90000046  }
0xb2: {  	s29 =	simm.s32 $0x9;
	_ =	strace $0x80000048  }
0xb3: {  	_ =	swait.ge [sflag:s29], $0x1  }
0xb4: {  	[sflag:s29] =	ssyncadd.s32 $0xFFFFFFFF  }
0xb5: {  	_ =	strace $0x90000048  }
0xb6: {  	_ =	sfence  }
0xb7: {  	s30 =	sld [smem:$0x0];
	_ =	sdelay $0x2  }
0xb8: {  	s31 =	sshll.u32 s1, $0xD;
	s1 =	sshrl.u32 s1, $0x2  }
0xb9: {  	s3 =	sand.u32 $0x4000, s31;
	s1 =	sadd.s32 s1, s30  }
0xba: {  	s0 =	sor.u32 s3, s0;
	s1 =	sshll.u32 s1, $0x11  }
0xbb: {  	s0 =	sor.u32 s1, s0  }
0xbc: {  	s0 =	sadd.s32 $0x8F2B, s0  }
0xbd: {  	[sflag:s0] =	ssyncadd.remote.s32 $0x1  }
0xbe: {  	_ =	sfence.sel $0xFFFF  }
0xbf: {  	[dreg:$0x0] =	wrdreg $0xFFFFFFFF;
	(pc) =	sbr.abs _section_cstart, $3  }
0xc0: {  	[dreg:$0x1] =	wrdreg $0xFFFFFFFF  }
0xc1: {  	_ =	task.clear_ibuf [dreg:s7], $0x2FFFF;
	_ =	strace $0x9FFFFFFF  }
0xc2: {  	(tm) =	ssettm $0x7FFFFFFF  }
0xc3: {  	_ =	shalt  }
tec
execute0_lowered:
.L_overlay_start_1:
0x0: {  	(tag) =	ssettag $0x1  }
0x1: {  	s1 =	rddreg [dreg:$0x0]  }
0x2: {  	s0 =	rddreg [dreg:$0x1]  }
0x3: {  	s3 =	simm.s32 $0x0;
	s4 =	srdreg.scid;
	s2 =	stileid.u32  }
0x4: {  	s13 =	simm.s32 $0x5;
	s14 =	simm.s32 $0x1B0;
	s15 =	simm.s32 $0xC8  }
0x5: {  	s16 =	simm.s32 $0x360;
	s17 =	simm.s32 $0xCB60;
	s18 =	simm.s32 $0xE460  }
0x6: {  	s19 =	simm.s32 $0x3;
	s20 =	simm.s32 $0x4;
	s21 =	simm.s32 $0x0  }
0x7: {  	[smem:$0x7FF] =	sst s3;
	s6 =	sand.u32 $0x1, s4;
	s5 =	sshll.u32 s2, $0x1  }
0x8: {  	s4 =	sadd.s32 $0x18000, s0;
	s8 =	sadd.s32 $0xB9400, s0;
	s7 =	sor.u32 s6, s5  }
0x9: {  	s9 =	sadd.s32 $0x1D000, s0;
	s10 =	ssub.s32 $0x2, s6;
	s6 =	smul.u32 $0x2710, s7  }
0xa: {  	_ =	strace $0x80000047;
	s5 =	sadd.s32 $0x4400, s0;
	s11 =	sshrl.u32 s10, $0x1  }
0xb: {  	s7 =	sadd.s32 $0xE200, s0;
	s30 =	ssub.s32 s10, s11;
	s31 =	sshrl.u32 s6, $0x3  }
0xc: {  	v0 =	vimm.f32 $1.000000000e+00;
	vm0 =	vcmask $0x3330;
	vm1 =	vcmask $0x2F34;
	s12 =	smax.u32 s30, $0x1;
	s10 =	sadd.s32 s5, s31;
	s11 =	sadd.s32 s7, s31  }
.LBB2_1:
0xd: {  	[tilespmem:s3], [sflag:$0x5] =	stream.linear.gather [hbm4b:s10+s3], $0xC8, $0x38;
	[tilespmem:$0x11660] =	vst v63  }
0xe: {  	_ =	swait.ge [sflag:s13], $0xC8  }
0xf: {  	[sflag:s13] =	ssyncset.done $0x0  }
0x10: {  	[sflag:s13] =	ssyncadd.s32 $0xFFFFFF38  }
0x11: {  	[tilespmem:s14], [sflag:$0x5] =	stream.linear.gather [hbm4b:s11+s3], $0xC8, $0x38;
	[tilespmem:$0x11660] =	vst v63  }
0x12: {  	_ =	swait.ge [sflag:s13], $0xC8  }
0x13: {  	[sflag:s13] =	ssyncset.done $0x0  }
0x14: {  	[sflag:s13] =	ssyncadd.s32 $0xFFFFFF38  }
0x15: {  	[tilespmem:s16], [sflag:$0x1] =	stream.indirect.gather [hbm4b:s1+s15], $0x80, s3, s15, $0xb8;
	[tilespmem:$0x11660] =	vst v63  }
0x16: {  	_ = 	snop  }
0x17: {  	[tilespmem:s17], [sflag:$0x1] =	stream.indirect.gather [hbm4b:s4+s15], $0x10, s3, s15, $0xb8;
	[tilespmem:$0x11660] =	vst v63  }
0x18: {  	p0 =	por $0x0, $0x0;
	s24 =	simm.s32 $0x0  }
0x19: {  	[tilespmem:s18], [sflag:$0x1] =	stream.indirect.gather [hbm4b:s4+s15], $0x10, s14, s15, $0xb8;
	[tilespmem:$0x11660] =	vst v63  }
.LBB2_2:
0x1a: {  	p1 =	seq.s32 s24, $0x0  }
.Ltmp0:
0x1b: {  	_ = 	snop;
	(pc) =	sbr.rel @p1 .LBB2_5-.Ltmp0, $3  }
0x1c: {  	_ =	sdelay $0x1  }
0x1d: {  	s23 =	sand.u32 $0x1, s24  }
0x1e: {  	s22 =	sadd.s32 $0x1, s24;
	s0 =	sxor.u32 $0x1, s23  }
0x1f: {  	p1 =	seq.s32 s24, $0x31  }
.Ltmp1:
0x20: {  	_ = 	snop;
	(pc) =	sbr.rel @p1 .LBB2_6-.Ltmp1, $1  }
0x21: {  	_ =	sdelay $0x3  }
0x22: {  	s25 =	sadd.s32 $0x3, s0  }
0x23: {  	_ =	swait.ge [sflag:s25], $0x6400  }
0x24: {  	[sflag:s25] =	ssyncset.done $0x0  }
0x25: {  	[sflag:s25] =	ssyncadd.s32 $0xFFFF9C00  }
0x26: {  	_ =	swait.ge [sflag:s25], $0xC80  }
0x27: {  	[sflag:s25] =	ssyncset.done $0x0  }
0x28: {  	[sflag:s25] =	ssyncadd.s32 $0xFFFFF380  }
.LBB2_5:
0x29: {  	s25 =	smul.u32 $0xC8, s22;
	_ =	sdelay $0x1  }
0x2a: {  	s25 =	sadd.s32 s6, s25  }
0x2b: {  	s26 =	smul.u32 $0xD8, s0;
	s25 =	sshrl.u32 s25, $0x3  }
0x2c: {  	s28 =	sadd.s32 s5, s25  }
0x2d: {  	[tilespmem:s26], [sflag:$0x5] =	stream.linear.gather [hbm4b:s28+s3], $0xC8, $0x38;
	[tilespmem:$0x11660] =	vst v63  }
0x2e: {  	_ =	swait.ge [sflag:s13], $0xC8  }
0x2f: {  	s29 =	smul.u32 $0x19000, s0;
	[sflag:s13] =	ssyncset.done $0x0  }
0x30: {  	s2 =	sadd.s32 $0x1B0, s26;
	s25 =	sadd.s32 s7, s25;
	[sflag:s13] =	ssyncadd.s32 $0xFFFFFF38  }
0x31: {  	[tilespmem:s2], [sflag:$0x5] =	stream.linear.gather [hbm4b:s25+s3], $0xC8, $0x38;
	[tilespmem:$0x11660] =	vst v63  }
0x32: {  	_ =	swait.ge [sflag:s13], $0xC8  }
0x33: {  	s30 =	smul.u32 $0xC80, s0;
	s25 =	sshrl.u32 s29, $0x2;
	[sflag:s13] =	ssyncset.done $0x0  }
0x34: {  	s29 =	sadd.s32 $0x1, s0;
	s25 =	sor.u32 $0x360, s25;
	[sflag:s13] =	ssyncadd.s32 $0xFFFFFF38  }
0x35: {  	[tilespmem:s25], [sflag:s29] =	stream.indirect.gather [hbm4b:s1+s15], $0x80, s26, s15, $0xb8;
	[tilespmem:$0x11660] =	vst v63  }
0x36: {  	s31 =	sadd.s32 $0xCB60, s30  }
0x37: {  	[tilespmem:s31], [sflag:s29] =	stream.indirect.gather [hbm4b:s4+s15], $0x10, s26, s15, $0xb8;
	[tilespmem:$0x11660] =	vst v63  }
0x38: {  	s0 =	sadd.s32 $0xE460, s30  }
0x39: {  	[tilespmem:s0], [sflag:s29] =	stream.indirect.gather [hbm4b:s4+s15], $0x10, s2, s15, $0xb8;
	[tilespmem:$0x11660] =	vst v63  }
.LBB2_6:
0x3a: {  	s0 =	sadd.s32 $0x1, s23  }
0x3b: {  	s25 =	simm.s32 $0x1;
	_ =	swait.ge [sflag:s0], $0x6400  }
0x3c: {  	s25 =	simm.s32 @!p0 $0x0;
	[sflag:s0] =	ssyncset.done $0x0  }
0x3d: {  	s26 =	smul.u32 $0x3200, s25;
	[sflag:s0] =	ssyncadd.s32 $0xFFFF9C00  }
0x3e: {  	_ =	swait.ge [sflag:s0], $0xC80  }
0x3f: {  	s29 =	sshrl.u32 s26, $0x2;
	[sflag:s0] =	ssyncset.done $0x0  }
0x40: {  	s26 =	sadd.s32 $0xE4E0, s29;
	[sflag:s0] =	ssyncadd.s32 $0xFFFFF380  }
0x41: {  	s25 =	smul.u32 $0x360, s25;
	s28 =	sadd.s32 $0xCBE0, s29;
	v1 =	vmov s26;
	_ =	swait.ge [sflag:s0], $0xC80  }
0x42: {  	v2 =	vmov s28;
	[sflag:s0] =	ssyncset.done $0x0  }
0x43: {  	s25 =	sshrl.u32 s25, $0x2;
	[sflag:s0] =	ssyncadd.s32 $0xFFFFF380  }
0x44: {  	s28 =	sadd.s32 $0x1B0, s25;
	v4 =	vld [tilespmem:s25+$0x0]  }
0x45: {  	s26 =	simm.s32 $0x0;
	v5 =	vld [tilespmem:s28+$0x0]  }
0x46: {  	v6 =	vld.idx.msk [tilespmem:v1+s26+$0xFFFFFF80 ss:$0x1], $0xffff  }
0x47: {  	v7 =	vld.idx.msk [tilespmem:v2+s26+$0xFFFFFF80 ss:$0x1], $0xffff;
	_ =	sdelay $0x1  }
0x48: {  	s2 =	sadd.s32 $0xFDE0, s29  }
0x49: {  	v3 =	vmov s2;
	vm2 =	veq.s32 v4, v5  }
0x4a: {  	v4 =	vsel vm2, $0x0, v0  }
0x4b: {  	v6 =	vsub.f32 v6, v7;
	v5 =	vbroadcast v4, $0x0;
	_ =	sdelay $0x1  }
0x4c: {  	v5 =	vsel vm0, v5, v6  }
0x4d: {  	[tilespmem:v3+s26+$0xFFFFFF80 ss:$0x1] =	vst.idx.msk $0xffff, v5  }
0x4e: {  	v5 =	vld.idx.msk [tilespmem:v1+s26+$0xFFFFFF90 ss:$0x1], $0xffff  }
0x4f: {  	v6 =	vld.idx.msk [tilespmem:v2+s26+$0xFFFFFF90 ss:$0x1], $0xffff;
	_ =	sdelay $0x4  }
0x50: {  	v7 =	vbroadcast v4, $0x1;
	v5 =	vsub.f32 v5, v6;
	_ =	sdelay $0x1  }
0x51: {  	v5 =	vsel vm0, v7, v5  }
0x52: {  	[tilespmem:v3+s26+$0xFFFFFF90 ss:$0x1] =	vst.idx.msk $0xffff, v5  }
0x53: {  	v5 =	vld.idx.msk [tilespmem:v1+s26+$0xFFFFFFA0 ss:$0x1], $0xffff  }
0x54: {  	v6 =	vld.idx.msk [tilespmem:v2+s26+$0xFFFFFFA0 ss:$0x1], $0xffff;
	_ =	sdelay $0x4  }
0x55: {  	v7 =	vbroadcast v4, $0x2;
	v5 =	vsub.f32 v5, v6;
	_ =	sdelay $0x1  }
0x56: {  	v5 =	vsel vm0, v7, v5  }
0x57: {  	[tilespmem:v3+s26+$0xFFFFFFA0 ss:$0x1] =	vst.idx.msk $0xffff, v5  }
0x58: {  	v5 =	vld.idx.msk [tilespmem:v1+s26+$0xFFFFFFB0 ss:$0x1], $0xffff  }
0x59: {  	v6 =	vld.idx.msk [tilespmem:v2+s26+$0xFFFFFFB0 ss:$0x1], $0xffff;
	_ =	sdelay $0x4  }
0x5a: {  	v7 =	vbroadcast v4, $0x3;
	v5 =	vsub.f32 v5, v6;
	_ =	sdelay $0x1  }
0x5b: {  	v5 =	vsel vm0, v7, v5  }
0x5c: {  	[tilespmem:v3+s26+$0xFFFFFFB0 ss:$0x1] =	vst.idx.msk $0xffff, v5  }
0x5d: {  	v5 =	vld.idx.msk [tilespmem:v1+s26+$0xFFFFFFC0 ss:$0x1], $0xffff  }
0x5e: {  	v6 =	vld.idx.msk [tilespmem:v2+s26+$0xFFFFFFC0 ss:$0x1], $0xffff;
	_ =	sdelay $0x4  }
0x5f: {  	v7 =	vbroadcast v4, $0x4;
	v5 =	vsub.f32 v5, v6;
	_ =	sdelay $0x1  }
0x60: {  	v5 =	vsel vm0, v7, v5  }
0x61: {  	[tilespmem:v3+s26+$0xFFFFFFC0 ss:$0x1] =	vst.idx.msk $0xffff, v5  }
0x62: {  	v5 =	vld.idx.msk [tilespmem:v1+s26+$0xFFFFFFD0 ss:$0x1], $0xffff  }
0x63: {  	v6 =	vld.idx.msk [tilespmem:v2+s26+$0xFFFFFFD0 ss:$0x1], $0xffff;
	_ =	sdelay $0x4  }
0x64: {  	v7 =	vbroadcast v4, $0x5;
	v5 =	vsub.f32 v5, v6;
	_ =	sdelay $0x1  }
0x65: {  	v5 =	vsel vm0, v7, v5  }
0x66: {  	[tilespmem:v3+s26+$0xFFFFFFD0 ss:$0x1] =	vst.idx.msk $0xffff, v5  }
0x67: {  	v5 =	vld.idx.msk [tilespmem:v1+s26+$0xFFFFFFE0 ss:$0x1], $0xffff  }
0x68: {  	v6 =	vld.idx.msk [tilespmem:v2+s26+$0xFFFFFFE0 ss:$0x1], $0xffff;
	_ =	sdelay $0x4  }
0x69: {  	v7 =	vbroadcast v4, $0x6;
	v5 =	vsub.f32 v5, v6;
	_ =	sdelay $0x1  }
0x6a: {  	v5 =	vsel vm0, v7, v5  }
0x6b: {  	[tilespmem:v3+s26+$0xFFFFFFE0 ss:$0x1] =	vst.idx.msk $0xffff, v5  }
0x6c: {  	v5 =	vld.idx.msk [tilespmem:v1+s26+$0xFFFFFFF0 ss:$0x1], $0xffff  }
0x6d: {  	v6 =	vld.idx.msk [tilespmem:v2+s26+$0xFFFFFFF0 ss:$0x1], $0xffff;
	_ =	sdelay $0x4  }
0x6e: {  	v7 =	vbroadcast v4, $0x7;
	v5 =	vsub.f32 v5, v6;
	_ =	sdelay $0x1  }
0x6f: {  	v5 =	vsel vm0, v7, v5  }
0x70: {  	[tilespmem:v3+s26+$0xFFFFFFF0 ss:$0x1] =	vst.idx.msk $0xffff, v5  }
0x71: {  	v5 =	vld.idx.msk [tilespmem:v1+s26+$0x0 ss:$0x1], $0xffff  }
0x72: {  	v6 =	vld.idx.msk [tilespmem:v2+s26+$0x0 ss:$0x1], $0xffff;
	_ =	sdelay $0x4  }
0x73: {  	v7 =	vbroadcast v4, $0x8;
	v5 =	vsub.f32 v5, v6;
	_ =	sdelay $0x1  }
0x74: {  	v5 =	vsel vm0, v7, v5  }
0x75: {  	[tilespmem:v3+s26+$0x0 ss:$0x1] =	vst.idx.msk $0xffff, v5  }
0x76: {  	v5 =	vld.idx.msk [tilespmem:v1+s26+$0x10 ss:$0x1], $0xffff  }
0x77: {  	v6 =	vld.idx.msk [tilespmem:v2+s26+$0x10 ss:$0x1], $0xffff;
	_ =	sdelay $0x4  }
0x78: {  	v7 =	vbroadcast v4, $0x9;
	v5 =	vsub.f32 v5, v6;
	_ =	sdelay $0x1  }
0x79: {  	v5 =	vsel vm0, v7, v5  }
0x7a: {  	[tilespmem:v3+s26+$0x10 ss:$0x1] =	vst.idx.msk $0xffff, v5  }
0x7b: {  	v5 =	vld.idx.msk [tilespmem:v1+s26+$0x20 ss:$0x1], $0xffff  }
0x7c: {  	v6 =	vld.idx.msk [tilespmem:v2+s26+$0x20 ss:$0x1], $0xffff;
	_ =	sdelay $0x4  }
0x7d: {  	v7 =	vbroadcast v4, $0xA;
	v5 =	vsub.f32 v5, v6;
	_ =	sdelay $0x1  }
0x7e: {  	v5 =	vsel vm0, v7, v5  }
0x7f: {  	[tilespmem:v3+s26+$0x20 ss:$0x1] =	vst.idx.msk $0xffff, v5  }
0x80: {  	v5 =	vld.idx.msk [tilespmem:v1+s26+$0x30 ss:$0x1], $0xffff  }
0x81: {  	v6 =	vld.idx.msk [tilespmem:v2+s26+$0x30 ss:$0x1], $0xffff;
	_ =	sdelay $0x4  }
0x82: {  	v7 =	vbroadcast v4, $0xB;
	v5 =	vsub.f32 v5, v6;
	_ =	sdelay $0x1  }
0x83: {  	v5 =	vsel vm0, v7, v5  }
0x84: {  	[tilespmem:v3+s26+$0x30 ss:$0x1] =	vst.idx.msk $0xffff, v5  }
0x85: {  	v5 =	vld.idx.msk [tilespmem:v1+s26+$0x40 ss:$0x1], $0xffff  }
0x86: {  	v6 =	vld.idx.msk [tilespmem:v2+s26+$0x40 ss:$0x1], $0xffff;
	_ =	sdelay $0x4  }
0x87: {  	v5 =	vsub.f32 v5, v6;
	_ =	sdelay $0x1  }
0x88: {  	v5 =	vsel vm1, v5, v4  }
0x89: {  	[tilespmem:v3+s26+$0x40 ss:$0x1] =	vst.idx.msk $0xffff, v5  }
0x8a: {  	v5 =	vld.idx.msk [tilespmem:v1+s26+$0x50 ss:$0x1], $0xffff  }
0x8b: {  	v6 =	vld.idx.msk [tilespmem:v2+s26+$0x50 ss:$0x1], $0xffff;
	_ =	sdelay $0x4  }
0x8c: {  	v7 =	vbroadcast v4, $0xD;
	v5 =	vsub.f32 v5, v6;
	_ =	sdelay $0x1  }
0x8d: {  	v5 =	vsel vm0, v7, v5  }
0x8e: {  	[tilespmem:v3+s26+$0x50 ss:$0x1] =	vst.idx.msk $0xffff, v5  }
0x8f: {  	s30 =	smul.u32 $0xC80, s23;
	v6 =	vld.idx.msk [tilespmem:v1+s26+$0x60 ss:$0x1], $0xffff  }
0x90: {  	v7 =	vld.idx.msk [tilespmem:v2+s26+$0x60 ss:$0x1], $0xffff  }
0x91: {  	s31 =	smul.u32 $0xD8, s23;
	s29 =	sadd.s32 $0xFD60, s30;
	s0 =	simm.s32 $0x400;
	v5 =	vbroadcast v4, $0xE;
	v4 =	vbroadcast v4, $0xF  }
.LBB2_7:
0x92: {  	_ = 	snop  }
0x93: {  	p1 =	sne.s32 s0, $0x2C00;
	s28 =	sadd.s32 $0x10, s28;
	s25 =	sadd.s32 $0x10, s25  }
0x94: {  	s2 =	smov.u32 s0;
	s0 =	sadd.s32 $0x400, s0  }
0x95: {  	v6 =	vsub.f32 v6, v7;
	_ =	sdelay $0x1  }
0x96: {  	v5 =	vsel vm0, v5, v6  }
0x97: {  	[tilespmem:v3+s26+$0x60 ss:$0x1] =	vst.idx.msk $0xffff, v5  }
0x98: {  	v5 =	vld.idx.msk [tilespmem:v1+s26+$0x70 ss:$0x1], $0xffff  }
0x99: {  	v6 =	vld.idx.msk [tilespmem:v2+s26+$0x70 ss:$0x1], $0xffff;
	_ =	sdelay $0x5  }
0x9a: {  	v5 =	vsub.f32 v5, v6;
	_ =	sdelay $0x1  }
0x9b: {  	v4 =	vsel vm0, v4, v5  }
0x9c: {  	[tilespmem:v3+s26+$0x70 ss:$0x1] =	vst.idx.msk $0xffff, v4  }
0x9d: {  	v4 =	vld [tilespmem:s25+$0x0]  }
0x9e: {  	s26 =	sshra.s32 s2, $0x2;
	v5 =	vld [tilespmem:s28+$0x0]  }
0x9f: {  	v6 =	vld.idx.msk [tilespmem:v1+s26+$0xFFFFFF80 ss:$0x1], $0xffff  }
0xa0: {  	v7 =	vld.idx.msk [tilespmem:v2+s26+$0xFFFFFF80 ss:$0x1], $0xffff;
	_ =	sdelay $0x2  }
0xa1: {  	vm2 =	veq.s32 v4, v5  }
0xa2: {  	v4 =	vsel vm2, $0x0, v0  }
0xa3: {  	v5 =	vbroadcast v4, $0x0  }
0xa4: {  	v6 =	vsub.f32 v6, v7;
	_ =	sdelay $0x1  }
0xa5: {  	v5 =	vsel vm0, v5, v6  }
0xa6: {  	[tilespmem:v3+s26+$0xFFFFFF80 ss:$0x1] =	vst.idx.msk $0xffff, v5  }
0xa7: {  	v5 =	vld.idx.msk [tilespmem:v1+s26+$0xFFFFFF90 ss:$0x1], $0xffff  }
0xa8: {  	v6 =	vld.idx.msk [tilespmem:v2+s26+$0xFFFFFF90 ss:$0x1], $0xffff;
	_ =	sdelay $0x3  }
0xa9: {  	v7 =	vbroadcast v4, $0x1;
	_ =	sdelay $0x1  }
0xaa: {  	v5 =	vsub.f32 v5, v6;
	_ =	sdelay $0x1  }
0xab: {  	v5 =	vsel vm0, v7, v5  }
0xac: {  	[tilespmem:v3+s26+$0xFFFFFF90 ss:$0x1] =	vst.idx.msk $0xffff, v5  }
0xad: {  	v5 =	vld.idx.msk [tilespmem:v1+s26+$0xFFFFFFA0 ss:$0x1], $0xffff  }
0xae: {  	v6 =	vld.idx.msk [tilespmem:v2+s26+$0xFFFFFFA0 ss:$0x1], $0xffff;
	_ =	sdelay $0x2  }
0xaf: {  	v7 =	vbroadcast v4, $0x2;
	_ =	sdelay $0x2  }
0xb0: {  	v5 =	vsub.f32 v5, v6;
	_ =	sdelay $0x1  }
0xb1: {  	v5 =	vsel vm0, v7, v5  }
0xb2: {  	[tilespmem:v3+s26+$0xFFFFFFA0 ss:$0x1] =	vst.idx.msk $0xffff, v5  }
0xb3: {  	v5 =	vld.idx.msk [tilespmem:v1+s26+$0xFFFFFFB0 ss:$0x1], $0xffff  }
0xb4: {  	v6 =	vld.idx.msk [tilespmem:v2+s26+$0xFFFFFFB0 ss:$0x1], $0xffff;
	_ =	sdelay $0x1  }
0xb5: {  	v7 =	vbroadcast v4, $0x3;
	_ =	sdelay $0x3  }
0xb6: {  	v5 =	vsub.f32 v5, v6;
	_ =	sdelay $0x1  }
0xb7: {  	v5 =	vsel vm0, v7, v5  }
0xb8: {  	[tilespmem:v3+s26+$0xFFFFFFB0 ss:$0x1] =	vst.idx.msk $0xffff, v5  }
0xb9: {  	v5 =	vld.idx.msk [tilespmem:v1+s26+$0xFFFFFFC0 ss:$0x1], $0xffff  }
0xba: {  	v6 =	vld.idx.msk [tilespmem:v2+s26+$0xFFFFFFC0 ss:$0x1], $0xffff  }
0xbb: {  	v7 =	vbroadcast v4, $0x4;
	_ =	sdelay $0x4  }
0xbc: {  	v5 =	vsub.f32 v5, v6;
	_ =	sdelay $0x1  }
0xbd: {  	v5 =	vsel vm0, v7, v5  }
0xbe: {  	[tilespmem:v3+s26+$0xFFFFFFC0 ss:$0x1] =	vst.idx.msk $0xffff, v5  }
0xbf: {  	v5 =	vld.idx.msk [tilespmem:v1+s26+$0xFFFFFFD0 ss:$0x1], $0xffff  }
0xc0: {  	v7 =	vbroadcast v4, $0x5;
	v6 =	vld.idx.msk [tilespmem:v2+s26+$0xFFFFFFD0 ss:$0x1], $0xffff;
	_ =	sdelay $0x5  }
0xc1: {  	v5 =	vsub.f32 v5, v6;
	_ =	sdelay $0x1  }
0xc2: {  	v5 =	vsel vm0, v7, v5  }
0xc3: {  	[tilespmem:v3+s26+$0xFFFFFFD0 ss:$0x1] =	vst.idx.msk $0xffff, v5  }
0xc4: {  	v6 =	vbroadcast v4, $0x6;
	v5 =	vld.idx.msk [tilespmem:v1+s26+$0xFFFFFFE0 ss:$0x1], $0xffff  }
0xc5: {  	v7 =	vld.idx.msk [tilespmem:v2+s26+$0xFFFFFFE0 ss:$0x1], $0xffff;
	_ =	sdelay $0x5  }
0xc6: {  	v5 =	vsub.f32 v5, v7;
	_ =	sdelay $0x1  }
0xc7: {  	v5 =	vsel vm0, v6, v5  }
0xc8: {  	[tilespmem:v3+s26+$0xFFFFFFE0 ss:$0x1] =	vst.idx.msk $0xffff, v5;
	v5 =	vbroadcast v4, $0x7  }
0xc9: {  	v6 =	vld.idx.msk [tilespmem:v1+s26+$0xFFFFFFF0 ss:$0x1], $0xffff  }
0xca: {  	v7 =	vld.idx.msk [tilespmem:v2+s26+$0xFFFFFFF0 ss:$0x1], $0xffff;
	_ =	sdelay $0x5  }
0xcb: {  	v6 =	vsub.f32 v6, v7;
	_ =	sdelay $0x1  }
0xcc: {  	v5 =	vsel vm0, v5, v6;
	v6 =	vbroadcast v4, $0x8  }
0xcd: {  	[tilespmem:v3+s26+$0xFFFFFFF0 ss:$0x1] =	vst.idx.msk $0xffff, v5  }
0xce: {  	v5 =	vld.idx.msk [tilespmem:v1+s26+$0x0 ss:$0x1], $0xffff  }
0xcf: {  	v7 =	vld.idx.msk [tilespmem:v2+s26+$0x0 ss:$0x1], $0xffff;
	_ =	sdelay $0x5  }
0xd0: {  	v5 =	vsub.f32 v5, v7  }
0xd1: {  	v7 =	vbroadcast v4, $0x9  }
0xd2: {  	v5 =	vsel vm0, v6, v5  }
0xd3: {  	[tilespmem:v3+s26+$0x0 ss:$0x1] =	vst.idx.msk $0xffff, v5  }
0xd4: {  	v5 =	vld.idx.msk [tilespmem:v1+s26+$0x10 ss:$0x1], $0xffff  }
0xd5: {  	v6 =	vld.idx.msk [tilespmem:v2+s26+$0x10 ss:$0x1], $0xffff;
	_ =	sdelay $0x5  }
0xd6: {  	v5 =	vsub.f32 v5, v6;
	v6 =	vbroadcast v4, $0xA;
	_ =	sdelay $0x1  }
0xd7: {  	v5 =	vsel vm0, v7, v5  }
0xd8: {  	[tilespmem:v3+s26+$0x10 ss:$0x1] =	vst.idx.msk $0xffff, v5  }
0xd9: {  	v5 =	vld.idx.msk [tilespmem:v1+s26+$0x20 ss:$0x1], $0xffff  }
0xda: {  	v7 =	vld.idx.msk [tilespmem:v2+s26+$0x20 ss:$0x1], $0xffff;
	_ =	sdelay $0x4  }
0xdb: {  	v8 =	vbroadcast v4, $0xB  }
0xdc: {  	v5 =	vsub.f32 v5, v7;
	_ =	sdelay $0x1  }
0xdd: {  	v5 =	vsel vm0, v6, v5  }
0xde: {  	[tilespmem:v3+s26+$0x20 ss:$0x1] =	vst.idx.msk $0xffff, v5  }
0xdf: {  	v5 =	vld.idx.msk [tilespmem:v1+s26+$0x30 ss:$0x1], $0xffff  }
0xe0: {  	v6 =	vld.idx.msk [tilespmem:v2+s26+$0x30 ss:$0x1], $0xffff;
	_ =	sdelay $0x5  }
0xe1: {  	v5 =	vsub.f32 v5, v6;
	_ =	sdelay $0x1  }
0xe2: {  	v5 =	vsel vm0, v8, v5  }
0xe3: {  	[tilespmem:v3+s26+$0x30 ss:$0x1] =	vst.idx.msk $0xffff, v5  }
0xe4: {  	v5 =	vld.idx.msk [tilespmem:v1+s26+$0x40 ss:$0x1], $0xffff  }
0xe5: {  	v6 =	vld.idx.msk [tilespmem:v2+s26+$0x40 ss:$0x1], $0xffff;
	_ =	sdelay $0x2  }
0xe6: {  	v7 =	vbroadcast v4, $0xD;
	_ =	sdelay $0x2  }
0xe7: {  	v5 =	vsub.f32 v5, v6;
	_ =	sdelay $0x1  }
0xe8: {  	v5 =	vsel vm1, v5, v4  }
0xe9: {  	[tilespmem:v3+s26+$0x40 ss:$0x1] =	vst.idx.msk $0xffff, v5  }
0xea: {  	v6 =	vld.idx.msk [tilespmem:v1+s26+$0x50 ss:$0x1], $0xffff  }
0xeb: {  	v8 =	vld.idx.msk [tilespmem:v2+s26+$0x50 ss:$0x1], $0xffff;
	_ =	sdelay $0x1  }
0xec: {  	v5 =	vbroadcast v4, $0xE;
	_ =	sdelay $0x3  }
0xed: {  	v6 =	vsub.f32 v6, v8;
	_ =	sdelay $0x1  }
.Ltmp2:
0xee: {  	v6 =	vsel vm0, v7, v6;
	(pc) =	sbr.rel @p1 .LBB2_7-.Ltmp2, $4  }
0xef: {  	[tilespmem:v3+s26+$0x50 ss:$0x1] =	vst.idx.msk $0xffff, v6  }
0xf0: {  	v6 =	vld.idx.msk [tilespmem:v1+s26+$0x60 ss:$0x1], $0xffff  }
0xf1: {  	v7 =	vld.idx.msk [tilespmem:v2+s26+$0x60 ss:$0x1], $0xffff  }
0xf2: {  	v4 =	vbroadcast v4, $0xF  }
0xf3: {  	_ =	sdelay $0x2  }
0xf4: {  	v6 =	vsub.f32 v6, v7;
	_ =	sdelay $0x1  }
0xf5: {  	v5 =	vsel vm0, v5, v6  }
0xf6: {  	[tilespmem:v3+s26+$0x60 ss:$0x1] =	vst.idx.msk $0xffff, v5  }
0xf7: {  	v1 =	vld.idx.msk [tilespmem:v1+s26+$0x70 ss:$0x1], $0xffff  }
0xf8: {  	v2 =	vld.idx.msk [tilespmem:v2+s26+$0x70 ss:$0x1], $0xffff;
	_ =	sdelay $0x4  }
0xf9: {  	v1 =	vsub.f32 v1, v2;
	_ =	sdelay $0x1  }
0xfa: {  	v1 =	vsel vm0, v4, v1  }
0xfb: {  	[tilespmem:v3+s26+$0x70 ss:$0x1] =	vst.idx.msk $0xffff, v1  }
0xfc: {  	v1 =	vld [tilespmem:s31+$0xC0]  }
0xfd: {  	v2 =	vld [tilespmem:s31+$0x270]  }
0xfe: {  	v3 =	vld [tilespmem:s30+$0xF060]  }
0xff: {  	v49 =	vld [tilespmem:s30+$0xD760]  }
0x100: {  	v5 =	vld [tilespmem:s30+$0xF070]  }
0x101: {  	v50 =	vld [tilespmem:s30+$0xD770]  }
0x102: {  	v51 =	vld [tilespmem:s30+$0xF080]  }
0x103: {  	v8 =	vld [tilespmem:s30+$0xD780]  }
0x104: {  	v9 =	vld [tilespmem:s30+$0xF090]  }
0x105: {  	v10 =	vld [tilespmem:s30+$0xD790]  }
0x106: {  	v11 =	vld [tilespmem:s30+$0xF0A0]  }
0x107: {  	v12 =	vld [tilespmem:s30+$0xD7A0]  }
0x108: {  	v13 =	vld [tilespmem:s30+$0xF0B0]  }
0x109: {  	v14 =	vld [tilespmem:s30+$0xF0C0];
	vm2 =	veq.s32 v1, v2  }
0x10a: {  	v15 =	vld [tilespmem:s30+$0xD7C0];
	v2 =	vsel vm2, $0x0, v0  }
0x10b: {  	v1 =	vld [tilespmem:s30+$0xD7B0];
	v3 =	vsub.f32 v3, v49;
	v52 =	vbroadcast v2, $0x0  }
0x10c: {  	v16 =	vld [tilespmem:s30+$0xF0D0];
	v5 =	vsub.f32 v5, v50;
	v53 =	vbroadcast v2, $0x1  }
0x10d: {  	v56 =	vld [tilespmem:s30+$0xD7D0];
	v54 =	vsub.f32 v51, v8;
	v55 =	vbroadcast v2, $0x2;
	v3 =	vsel vm0, v52, v3  }
0x10e: {  	v57 =	vsub.f32 v9, v10;
	v58 =	vbroadcast v2, $0x3;
	[tilespmem:s30+$0x10960] =	vst v3;
	v3 =	vsel vm0, v53, v5  }
0x10f: {  	v59 =	vsub.f32 v11, v12;
	v60 =	vbroadcast v2, $0x4;
	[tilespmem:s30+$0x10970] =	vst v3;
	v3 =	vsel vm0, v55, v54  }
0x110: {  	s0 =	smul.u32 $0xC8, s24;
	v61 =	vbroadcast v2, $0x5;
	v1 =	vsub.f32 v13, v1;
	[tilespmem:s30+$0x10980] =	vst v3;
	v3 =	vsel vm0, v58, v57  }
0x111: {  	s2 =	smul.u32 $0x19000, s23;
	v62 =	vsub.f32 v14, v15;
	v63 =	vbroadcast v2, $0x6;
	[tilespmem:s30+$0x10990] =	vst v3;
	v3 =	vsel vm0, v60, v59  }
0x112: {  	v2 =	vbroadcast v2, $0x7;
	v1 =	vsel vm0, v61, v1;
	[tilespmem:s30+$0x109A0] =	vst v3;
	v3 =	vsub.f32 v16, v56  }
0x113: {  	p1 =	sne.s32 s22, $0x32;
	s0 =	sadd.s32 s6, s0;
	s2 =	sshrl.u32 s2, $0x2;
	[tilespmem:s30+$0x109B0] =	vst v1;
	v1 =	vsel vm0, v63, v62  }
.Ltmp3:
0x114: {  	s28 =	sshll.u32 s0, $0x4;
	s2 =	sor.u32 $0x360, s2;
	[tilespmem:s30+$0x109C0] =	vst v1;
	v1 =	vsel vm0, v2, v3;
	(pc) =	sbr.rel @p1 .LBB2_2-.Ltmp3, $4  }
0x115: {  	s0 =	sshll.u32 s0, $0x1;
	s24 =	sadd.s32 s8, s28;
	s31 =	sadd.s32 $0x3, s23;
	[tilespmem:s30+$0x109D0] =	vst v1  }
0x116: {  	[hbm4b:s24+s3] =	stream.linear.scatter [tilespmem:s2], [sflag:s31], $0x6400, $0x38;
	[tilespmem:$0x11660] =	vst v63  }
0x117: {  	p0 =	por !p0, !p0;
	s0 =	sadd.s32 s9, s0;
	s24 =	smov.u32 s22  }
0x118: {  	[hbm4b:s0+s3] =	stream.linear.scatter [tilespmem:s29], [sflag:s31], $0xC80, $0x38;
	[tilespmem:$0x11660] =	vst v63  }
0x119: {  	_ =	swait.ge [sflag:s19], $0x6400  }
0x11a: {  	[sflag:s19] =	ssyncset.done $0x0  }
0x11b: {  	[sflag:s19] =	ssyncadd.s32 $0xFFFF9C00  }
0x11c: {  	_ =	swait.ge [sflag:s19], $0xC80  }
0x11d: {  	[sflag:s19] =	ssyncset.done $0x0  }
0x11e: {  	s21 =	sadd.s32 $0x1, s21;
	[sflag:s19] =	ssyncadd.s32 $0xFFFFF380  }
0x11f: {  	p0 =	sne.s32 s21, s12;
	_ =	swait.ge [sflag:s20], $0x6400  }
.Ltmp4:
0x120: {  	[sflag:s20] =	ssyncset.done $0x0;
	(pc) =	sbr.rel @p0 .LBB2_1-.Ltmp4, $4  }
0x121: {  	[sflag:s20] =	ssyncadd.s32 $0xFFFF9C00  }
0x122: {  	_ =	swait.ge [sflag:s20], $0xC80  }
0x123: {  	[sflag:s20] =	ssyncset.done $0x0  }
0x124: {  	[sflag:s20] =	ssyncadd.s32 $0xFFFFF380  }
0x125: {  	_ =	sfence.sel $0x180000  }
0x126: {  	[bflag:$0x0] =	sbarrier.arrive $0xFFFF  }
0x127: {  	_ =	strace $0x90000047  }
0x128: {  	s0 =	stileid.u32;
	[bflag:$0x2] =	sbarrier.arrive $0xFFFF  }
0x129: {  	p0 =	sne.s32 s0, $0x0;
	s0 =	rddreg [dreg:$0x2]  }
0x12a: {  	s0 =	sadd.s32 @!p0 $0x100000, s0  }
0x12b: {  	[sflag:s0] =	ssyncadd.tile.s32 @!p0 $0x1;
	_ =	shalt  }
.Lfunc_end2:
_tile_overlayer_lowered:
.L_overlay_start_2:
0x12c: {  	(tag) =	ssettag $0x2  }
0x12d: {  	s0 =	rddreg [dreg:$0x0];
	s2 =	stileid.u32  }
0x12e: {  	s1 =	rddreg [dreg:$0x1];
	p0 =	sne.s32 s2, $0x0  }
0x12f: {  	s3 =	rddreg [dreg:$0x2];
	[bflag:$0x3] =	sbarrier.arrive $0xFFFF;
	s2 =	simm.s32 @!p0 $0x1C05  }
0x130: {  	[timem:s3], [sflag:s2] =	dma.local @!p0 [hbm:s0], s1  }
0x131: {  	s0 =	simm.s32 @!p0 $0x5  }
0x132: {  	_ =	swait.ge @!p0 [sflag:s0], s1  }
0x133: {  	s1 =	ssub.s32 @!p0 $0x0, s1;
	[sflag:s0] =	ssyncset.done @!p0 $0x0  }
0x134: {  	[sflag:s0] =	ssyncadd.s32 @!p0 s1  }
0x135: {  	[bflag:$0x3] =	sbarrier.arrive $0xFFFF  }
0x136: {  	_ =	shalt  }

// kernel: kernel.15.cloned.1.call-start
scs
__scs_entry_jumppad:
0x0: {  	(pc) =	sbr.rel $0x88, $3  }
0x1: {  	(tag) =	ssettag $0x0;
	lr =	simm.s32 $0x1  }
0x2: {  	[smem:$0x3F95] =	sst lr;
	_ =	strace $0xD0000000  }
0x3: {  	_ = 	snop  }
0x4: {  	_ = 	snop  }
0x5: {  	_ = 	snop  }
0x6: {  	_ = 	snop  }
0x7: {  	_ = 	snop  }
__scs_overlays_trampoline_lowered:
0x8: {  	[smem:$0x3FA4] =	sst s0  }
0x9: {  	[smem:$0x3FA5] =	sst s1  }
0xa: {  	[smem:$0x3FA6] =	sst s2  }
0xb: {  	[smem:$0x3FA7] =	sst s3  }
0xc: {  	[smem:$0x3FA8] =	sst s4  }
0xd: {  	[smem:$0x3FA9] =	sst s5  }
0xe: {  	[smem:$0x3FAA] =	sst s6  }
0xf: {  	[smem:$0x3FAB] =	sst s7  }
0x10: {  	[smem:$0x3FAC] =	sst s8  }
0x11: {  	[smem:$0x3FAD] =	sst s9;
	s0 =	simm.s32 @!p0 $0x0  }
0x12: {  	s1 =	sld [smem:$0x3F93];
	s0 =	simm.s32 @p0 $0x1  }
0x13: {  	[smem:$0x3FAE] =	sst s0;
	s0 =	simm.s32 @!p1 $0x0  }
0x14: {  	s2 =	sld [smem:$0x3F92];
	s0 =	simm.s32 @p1 $0x1  }
0x15: {  	[smem:$0x3FAF] =	sst s0;
	s0 =	simm.s32 @!p2 $0x0  }
0x16: {  	s3 =	sld [smem:$0x3FDB];
	s0 =	simm.s32 @p2 $0x1  }
0x17: {  	s4 =	simm.s32 $0x1BF5;
	[smem:$0x3FB1] =	sst s0  }
0x18: {  	s0 =	sld [smem:$0x3F94];
	_ =	swait.ge [sflag:s4], $0x0  }
0x19: {  	s7 =	sld [smem:$0x3F95]  }
0x1a: {  	s8 =	sadd.s32 $0xFFFFE003, lr  }
0x1b: {  	s9 =	sadd.s32 $0xFFFFFEF7, lr;
	s5 =	simm.s32 $0xFFFFFFFF;
	p2 =	slt.u32 s8, $0xFFFFF086  }
0x1c: {  	p1 =	slt.u32 s9, $0xF7A;
	s5 =	simm.s32 @!p2 $0x0  }
0x1d: {  	s5 =	simm.s32 @p1 $0x1;
	p0 =	seq.s32 s7, s2  }
0x1e: {  	s7 =	smul.u32 @!p0 $0xF7A, s2;
	p2 =	seq.s32 @!p0 s5, $0x0  }
0x1f: {  	s9 =	smul.u32 $0xF7A, s1;
	s8 =	simm.s32 @!p0 $0x1BF5;
	p2 =	por !p2, p0  }
0x20: {  	[sflag:s8] =	ssyncset.s32 @!p0 $0xFFFFF086;
	s6 =	sadd.s32 @!p0 s3, s7;
	s7 =	simm.s32 @!p0 $0x108  }
0x21: {  	s3 =	sadd.s32 s3, s9;
	s6 =	sadd.s32 @!p0 $0x88, s6;
	s7 =	simm.s32 @p2 $0x1082  }
0x22: {  	[simem:s7], [sflag:s8] =	dma.local @!p0 [hbm:s6], $0xF7A  }
0x23: {  	s9 =	sor.u32 $0xD0000000, s2;
	s6 =	simm.s32 $0x108;
	_ =	swait.ge @!p0 [sflag:s8], $0x0  }
0x24: {  	s3 =	sadd.s32 $0x88, s3;
	s6 =	simm.s32 @!p1 $0x1082;
	[sflag:s4] =	ssyncset.s32 $0xFFFFF086  }
0x25: {  	[simem:s6], [sflag:s4] =	dma.local [hbm:s3], $0xF7A  }
0x26: {  	[smem:$0x3F95] =	sst s1;
	(tag) =	ssettag s2;
	_ =	strace s9  }
0x27: {  	s1 =	sld [smem:$0x3FA5]  }
0x28: {  	s2 =	sld [smem:$0x3FA6]  }
0x29: {  	s4 =	sld [smem:$0x3FA8]  }
0x2a: {  	p0 =	seq.s32 s5, $0x0;
	s5 =	sld [smem:$0x3FA9]  }
0x2b: {  	s6 =	sld [smem:$0x3FAA]  }
0x2c: {  	s7 =	sld [smem:$0x3FAB]  }
0x2d: {  	s3 =	simm.s32 $0x108;
	s8 =	sld [smem:$0x3FAC]  }
0x2e: {  	s3 =	simm.s32 @!p0 $0x1082;
	s9 =	sld [smem:$0x3FAD]  }
0x2f: {  	lr =	sadd.s32 s0, s3;
	s0 =	sld [smem:$0x3FA4]  }
0x30: {  	s3 =	sld [smem:$0x3FA7]  }
0x31: {  	[smem:$0x3FB0] =	sst s10  }
0x32: {  	s10 =	sld [smem:$0x3FAE];
	_ =	sdelay $0x3  }
0x33: {  	p0 =	seq.s32 s10, $0x1;
	s10 =	sld [smem:$0x3FB0];
	_ =	sdelay $0x3  }
0x34: {  	[smem:$0x3FB0] =	sst s10  }
0x35: {  	s10 =	sld [smem:$0x3FAF];
	_ =	sdelay $0x3  }
0x36: {  	p1 =	seq.s32 s10, $0x1;
	s10 =	sld [smem:$0x3FB0];
	_ =	sdelay $0x3  }
0x37: {  	[smem:$0x3FB0] =	sst s10  }
0x38: {  	s10 =	sld [smem:$0x3FB1]  }
0x39: {  	_ = 	snop;
	(pc) =	sbr.ind lr, $3  }
0x3a: {  	_ = 	snop  }
0x3b: {  	_ = 	snop  }
0x3c: {  	p2 =	seq.s32 s10, $0x1;
	s10 =	sld [smem:$0x3FB0]  }
0x3d: {  	_ =	shalt  }
0x3e: {  	_ =	shalt  }
0x3f: {  	_ =	shalt  }
0x40: {  	_ =	shalt  }
0x41: {  	_ =	shalt  }
0x42: {  	_ =	shalt  }
0x43: {  	_ =	shalt  }
0x44: {  	_ =	shalt  }
0x45: {  	_ =	shalt  }
0x46: {  	_ =	shalt  }
0x47: {  	_ =	shalt  }
0x48: {  	_ =	shalt  }
0x49: {  	_ =	shalt  }
0x4a: {  	_ =	shalt  }
0x4b: {  	_ =	shalt  }
0x4c: {  	_ =	shalt  }
0x4d: {  	_ =	shalt  }
0x4e: {  	_ =	shalt  }
0x4f: {  	_ =	shalt  }
0x50: {  	_ =	shalt  }
0x51: {  	_ =	shalt  }
0x52: {  	_ =	shalt  }
0x53: {  	_ =	shalt  }
0x54: {  	_ =	shalt  }
0x55: {  	_ =	shalt  }
0x56: {  	_ =	shalt  }
0x57: {  	_ =	shalt  }
0x58: {  	_ =	shalt  }
0x59: {  	_ =	shalt  }
0x5a: {  	_ =	shalt  }
0x5b: {  	_ =	shalt  }
0x5c: {  	_ =	shalt  }
0x5d: {  	_ =	shalt  }
0x5e: {  	_ =	shalt  }
0x5f: {  	_ =	shalt  }
0x60: {  	_ =	shalt  }
0x61: {  	_ =	shalt  }
0x62: {  	_ =	shalt  }
0x63: {  	_ =	shalt  }
0x64: {  	_ =	shalt  }
0x65: {  	_ =	shalt  }
0x66: {  	_ =	shalt  }
0x67: {  	_ =	shalt  }
0x68: {  	_ =	shalt  }
0x69: {  	_ =	shalt  }
0x6a: {  	_ =	shalt  }
0x6b: {  	_ =	shalt  }
0x6c: {  	_ =	shalt  }
0x6d: {  	_ =	shalt  }
0x6e: {  	_ =	shalt  }
0x6f: {  	_ =	shalt  }
0x70: {  	_ =	shalt  }
0x71: {  	_ =	shalt  }
0x72: {  	_ =	shalt  }
0x73: {  	_ =	shalt  }
0x74: {  	_ =	shalt  }
0x75: {  	_ =	shalt  }
0x76: {  	_ =	shalt  }
0x77: {  	_ =	shalt  }
0x78: {  	_ =	shalt  }
0x79: {  	_ =	shalt  }
0x7a: {  	_ =	shalt  }
0x7b: {  	_ =	shalt  }
0x7c: {  	_ =	shalt  }
0x7d: {  	_ =	shalt  }
0x7e: {  	_ =	shalt  }
0x7f: {  	_ =	shalt  }
0x80: {  	_ =	shalt  }
0x81: {  	_ =	shalt  }
0x82: {  	_ =	shalt  }
0x83: {  	_ =	shalt  }
0x84: {  	_ =	shalt  }
0x85: {  	_ =	shalt  }
0x86: {  	_ =	shalt  }
0x87: {  	_ =	shalt  }
.Lfunc_end0:
.L_simem_size_0:
called_computation.1_lowered:
.L_overlay_start_0:
0x88: {  	s2 =	sld [smem:$0x3FD9]  }
0x89: {  	s3 =	sld [smem:$0x3FFE];
	_ =	sdelay $0x1  }
0x8a: {  	s1 =	srdreg.scid  }
0x8b: {  	s0 =	sand.u32 $0x1, s1  }
0x8c: {  	s16 =	sshll.u32 s0, $0xA;
	s2 =	sadd.s32 s3, s2  }
0x8d: {  	s2 =	sadd.s32 s2, s16  }
0x8e: {  	[smem:$0x3FBC] =	sst s2  }
0x8f: {  	_ = 	snop  }
0x90: {  	(tm) =	ssettm $0x1  }
0x91: {  	s17 =	sld [smem:$0x3FFB];
	_ =	sdelay $0x3  }
0x92: {  	_ =	strace s17  }
0x93: {  	s2 =	sld [smem:$0x3FFC];
	_ =	sdelay $0x3  }
0x94: {  	_ =	strace s2  }
0x95: {  	s2 =	sld [smem:$0x3FFD];
	_ =	sdelay $0x3  }
0x96: {  	_ =	strace s2  }
0x97: {  	_ =	strace $0x8FFFFFFF  }
0x98: {  	s18 =	sld [smem:$0x3FDB];
	_ =	sdelay $0x1  }
0x99: {  	s19 =	simm.s32 $_scs_section_size  }
0x9a: {  	s4 =	simm.s32 $_size__tile_overlayer_lowered;
	s5 =	simm.s32 $_tile_overlayer_lowered  }
0x9b: {  	s22 =	simm.s32 $0x1BFF;
	s21 =	sshll.u32 s5, $0x1;
	s2 =	sadd.s32 s19, s18  }
0x9c: {  	s6 =	simm.s32 $0x0;
	s20 =	sshll.u32 s4, $0x1;
	s4 =	sadd.s32 s21, s2  }
0x9d: {  	[timem:s6], [sflag:s22] =	dma.local [hbm:s4], s20  }
0x9e: {  	_ =	swait.ge [sflag:s22], s20  }
0x9f: {  	s3 =	ssub.s32 $0x0, s20;
	[sflag:s22] =	ssyncset.done $0x0  }
0xa0: {  	[sflag:s22] =	ssyncadd.s32 s3;
	_ =	sdelay $0x1  }
0xa1: {  	s23 =	simm.s32 $0x1B8B  }
0xa2: {  	_ =	swait.ge [sflag:s23], $0x1  }
0xa3: {  	[sflag:s23] =	ssyncset.done $0x0  }
0xa4: {  	s25 =	simm.s32 $0x1B8E;
	s24 =	sld [smem:$0x3FFE];
	[sflag:s23] =	ssyncadd.s32 $0xFFFFFFFF  }
0xa5: {  	s26 =	simm.s32 $execute0_lowered;
	[smem:$0x3FD2] =	sst s25  }
0xa6: {  	s4 =	sshll.u32 s26, $0x1;
	_ =	strace $0x80000049;
	[dreg:$0x1] =	wrdreg $0xFFFFFFFF  }
0xa7: {  	s28 =	simm.s32 $_size_execute0_lowered;
	s2 =	sadd.s32 s2, s4;
	[dreg:$0x0] =	wrdreg $0x0  }
0xa8: {  	s4 =	sshll.u32 s28, $0x1;
	[dreg:$0x2] =	wrdreg s2  }
0xa9: {  	[dreg:$0x3] =	wrdreg s4  }
0xaa: {  	[dreg:$0x4] =	wrdreg $0xC0  }
0xab: {  	_ =	task [dreg:s6], $0x5FFFF  }
0xac: {  	[dreg:$0x1] =	wrdreg $0xFFFFFFFF  }
0xad: {  	[dreg:$0x0] =	wrdreg $0x60  }
0xae: {  	[dreg:$0x2] =	wrdreg s24  }
0xaf: {  	[dreg:$0x3] =	wrdreg $0x71200  }
0xb0: {  	[dreg:$0x4] =	wrdreg $0x1A9A00  }
0xb1: {  	[dreg:$0x5] =	wrdreg $0x9  }
0xb2: {  	_ =	task.clear_ibuf [dreg:s6], $0x6FFFF;
	_ =	strace $0x90000049  }
0xb3: {  	s29 =	simm.s32 $0x9;
	_ =	strace $0x8000004B  }
0xb4: {  	_ =	swait.ge [sflag:s29], $0x1  }
0xb5: {  	[sflag:s29] =	ssyncadd.s32 $0xFFFFFFFF  }
0xb6: {  	_ =	strace $0x9000004B  }
0xb7: {  	_ =	sfence  }
0xb8: {  	s30 =	sld [smem:$0x0];
	_ =	sdelay $0x2  }
0xb9: {  	s31 =	sshll.u32 s1, $0xD;
	s1 =	sshrl.u32 s1, $0x2  }
0xba: {  	s3 =	sand.u32 $0x4000, s31;
	s1 =	sadd.s32 s1, s30  }
0xbb: {  	s0 =	sor.u32 s3, s0;
	s1 =	sshll.u32 s1, $0x11  }
0xbc: {  	s0 =	sor.u32 s1, s0  }
0xbd: {  	s0 =	sadd.s32 $0x8F2B, s0  }
0xbe: {  	[sflag:s0] =	ssyncadd.remote.s32 $0x1  }
0xbf: {  	_ =	sfence.sel $0xFFFF  }
0xc0: {  	[dreg:$0x0] =	wrdreg $0xFFFFFFFF;
	(pc) =	sbr.abs _section_cstart, $3  }
0xc1: {  	[dreg:$0x1] =	wrdreg $0xFFFFFFFF  }
0xc2: {  	_ =	task.clear_ibuf [dreg:s6], $0x2FFFF;
	_ =	strace $0x9FFFFFFF  }
0xc3: {  	(tm) =	ssettm $0x7FFFFFFF  }
tec
execute0_lowered:
.L_overlay_start_1:
0x0: {  	(tag) =	ssettag $0x1  }
0x1: {  	s0 =	rddreg [dreg:$0x0]  }
0x2: {  	s1 =	rddreg [dreg:$0x1]  }
0x3: {  	s2 =	rddreg [dreg:$0x2]  }
0x4: {  	s3 =	simm.s32 $0x0;
	s4 =	srdreg.scid;
	s17 =	simm.s32 $0x5000  }
0x5: {  	s18 =	simm.s32 $0x50A0;
	s19 =	simm.s32 $0x50;
	s6 =	sand.u32 $0x1, s4  }
0x6: {  	s20 =	simm.s32 $0x3;
	s21 =	simm.s32 $0x1;
	s7 =	smul.u32 $0x27100, s6  }
0x7: {  	s22 =	simm.s32 $0x0;
	s4 =	stileid.u32;
	s8 =	smul.u32 $0x4E20, s6  }
0x8: {  	[smem:$0x7FF] =	sst s3;
	s16 =	sadd.s32 $0xF5F400, s0;
	s13 =	smul.u32 $0x4E20, s4  }
0x9: {  	s15 =	sadd.s32 $0x18000, s0;
	_ =	strace $0x8000004A;
	s29 =	smul.u32 $0x5000, s4  }
0xa: {  	s5 =	sshll.u32 s4, $0x1;
	s11 =	ssub.s32 $0x2, s6;
	s30 =	smul.u32 $0xA00, s4  }
0xb: {  	p0 =	sne.s32 s4, $0x0;
	s9 =	sor.u32 s6, s5;
	s6 =	smul.u32 $0x2710, s6  }
0xc: {  	s5 =	sadd.s32 $0xE200, s0;
	s24 =	sshrl.u32 s11, $0x1;
	s10 =	smul.u32 $0x2710, s9  }
0xd: {  	s7 =	sadd.s32 s7, s0;
	s12 =	smul.u32 $0x27100, s9;
	s0 =	sadd.s32 s8, s0  }
0xe: {  	s9 =	smul.u32 $0x4E20, s9;
	s11 =	ssub.s32 s11, s24;
	s7 =	sadd.s32 $0xBE200, s7  }
0xf: {  	s6 =	sadd.s32 s6, s13;
	s11 =	smax.u32 s11, $0x1;
	s25 =	sshrl.u32 s10, $0x3  }
0x10: {  	s26 =	sadd.s32 s16, s12;
	s28 =	sadd.s32 s15, s9;
	[dreg:$0x7] =	wrdreg s7  }
0x11: {  	s10 =	sadd.s32 $0xB4400, s0;
	s7 =	sshrl.u32 s29, $0x2;
	s12 =	sadd.s32 $0x50, s6  }
0x12: {  	s0 =	sshrl.u32 s30, $0x2;
	[dreg:$0x4] =	wrdreg s26;
	s8 =	sadd.s32 s5, s25  }
0x13: {  	[dreg:$0x6] =	wrdreg s28;
	s13 =	sadd.s32 s7, s1;
	s6 =	sshrl.u32 s12, $0x4  }
0x14: {  	s14 =	sadd.s32 s0, s2;
	s31 =	sshll.u32 s6, $0x5;
	s6 =	sshll.u32 s6, $0x8  }
0x15: {  	v0 =	vimm.f32 $0.0e+00;
	[dreg:$0x5] =	wrdreg s8;
	s15 =	sadd.s32 s31, s15;
	s16 =	sadd.s32 s6, s16  }
.LBB2_1:
0x16: {  	s0 =	sand.u32 $0x7E00, s3  }
0x17: {  	s6 =	sand.u32 $0x70, s3;
	s7 =	sshrl.u32 s0, $0x2  }
0x18: {  	s0 =	simm.s32 $0x40;
	s7 =	sor.u32 s6, s7;
	s6 =	simm.s32 $0x0  }
.LBB2_2:
0x19: {  	p1 =	sne.s32 s0, $0x4FC0  }
0x1a: {  	[tilespmem:s7+$0x5AA0] =	vst v0;
	s6 =	sadd.s32 $0x10, s6;
	s7 =	smov.u32 s0;
	s0 =	sadd.s32 $0x40, s0  }
.Ltmp0:
0x1b: {  	(pc) =	sbr.rel @p1 .LBB2_2-.Ltmp0, $4  }
0x1c: {  	_ = 	snop  }
0x1d: {  	s7 =	sand.u32 $0x7E00, s7  }
0x1e: {  	s23 =	sand.u32 $0x70, s6;
	s7 =	sshrl.u32 s7, $0x2  }
0x1f: {  	s7 =	sor.u32 s23, s7  }
0x20: {  	[tilespmem:s7+$0x5AA0] =	vst v0  }
0x21: {  	[tilespmem:$0x6EA0] =	vst v0  }
0x22: {  	[tilespmem:$0x6EB0] =	vst v0  }
0x23: {  	[tilespmem:$0x6EC0] =	vst v0  }
0x24: {  	[tilespmem:$0x6ED0] =	vst v0  }
0x25: {  	[tilespmem:$0x6EE0] =	vst v0  }
0x26: {  	[tilespmem:$0x6EF0] =	vst v0  }
0x27: {  	[tilespmem:$0x6F00] =	vst v0  }
0x28: {  	[tilespmem:$0x6F10] =	vst v0  }
0x29: {  	[tilespmem:$0x6F20] =	vst v0  }
0x2a: {  	[tilespmem:$0x6F30] =	vst v0  }
0x2b: {  	[tilespmem:$0x6F40] =	vst v0  }
0x2c: {  	[tilespmem:$0x6F50] =	vst v0  }
0x2d: {  	[tilespmem:$0x6F60] =	vst v0  }
0x2e: {  	[tilespmem:$0x6F70] =	vst v0  }
0x2f: {  	[tilespmem:$0x6F80] =	vst v0  }
0x30: {  	[tilespmem:$0x6F90] =	vst v0  }
0x31: {  	[tilespmem:$0x6FA0] =	vst v0  }
0x32: {  	[tilespmem:$0x6FB0] =	vst v0  }
0x33: {  	[tilespmem:$0x6FC0] =	vst v0  }
0x34: {  	[tilespmem:$0x6FD0] =	vst v0  }
0x35: {  	[tilespmem:$0x6FE0] =	vst v0  }
0x36: {  	[tilespmem:$0x6FF0] =	vst v0  }
0x37: {  	[tilespmem:$0x7000] =	vst v0  }
0x38: {  	[tilespmem:$0x7010] =	vst v0  }
0x39: {  	[tilespmem:$0x7020] =	vst v0  }
0x3a: {  	[tilespmem:$0x7030] =	vst v0  }
0x3b: {  	[tilespmem:$0x7040] =	vst v0  }
0x3c: {  	[tilespmem:$0x7050] =	vst v0  }
0x3d: {  	[tilespmem:$0x7060] =	vst v0  }
0x3e: {  	[tilespmem:$0x7070] =	vst v0  }
0x3f: {  	[tilespmem:$0x7080] =	vst v0  }
0x40: {  	[tilespmem:$0x7090] =	vst v0  }
0x41: {  	[tilespmem:$0x70A0] =	vst v0  }
0x42: {  	[tilespmem:$0x70B0] =	vst v0  }
0x43: {  	[tilespmem:$0x70C0] =	vst v0  }
0x44: {  	[tilespmem:$0x70D0] =	vst v0  }
0x45: {  	[tilespmem:$0x70E0] =	vst v0  }
0x46: {  	s0 =	sadd.s32 $0x0, s4;
	[tilespmem:$0x70F0] =	vst v0  }
0x47: {  	[tilespmem:$0x7100] =	vst v0;
	p1 =	sgt.u32 s0, $0xF9  }
0x48: {  	[tilespmem:$0x7110] =	vst v0;
	s0 =	simm.s32 @!p1 $0x5AA0;
	s6 =	simm.s32 @!p1 $0x4;
	p1 =	por p1, p1  }
0x49: {  	[spmem:s13] =	stream.linear.scatter @!p1 [tilespmem:s0], [sflag:$0x4], $0x1400, $0x38;
	[tilespmem:$0x1D0B0] =	vst v63  }
0x4a: {  	_ =	swait.ge @!p1 [sflag:s6], $0x1400  }
0x4b: {  	s24 =	simm.s32 $0x20;
	[sflag:s6] =	ssyncset.done @!p1 $0x0  }
0x4c: {  	s0 =	simm.s32 @!p1 $0x6EA0;
	s25 =	simm.s32 @!p1 $0x3;
	[sflag:s6] =	ssyncadd.s32 @!p1 $0xFFFFEC00  }
0x4d: {  	[spmem:s14] =	stream.linear.scatter @!p1 [tilespmem:s0], [sflag:$0x3], $0x280, $0x38;
	[tilespmem:$0x1D0B0] =	vst v63  }
0x4e: {  	s31 =	sadd.s32 $0x10, s4;
	s23 =	sadd.s32 $0x2800, s14;
	_ =	swait.ge @!p1 [sflag:s25], $0x280  }
0x4f: {  	p2 =	sgt.u32 s31, $0xF9;
	s0 =	sadd.s32 $0x14000, s13;
	[sflag:s25] =	ssyncset.done @!p1 $0x0  }
.LBB2_4:
0x50: {  	s6 =	simm.s32 @!p2 $0x5AA0;
	s7 =	simm.s32 @!p2 $0x4;
	[sflag:s25] =	ssyncadd.s32 @!p1 $0xFFFFFD80  }
0x51: {  	s26 =	smov.u32 s24;
	p1 =	por p2, p2;
	s24 =	sadd.s32 $0x10, s24  }
0x52: {  	[spmem:s0] =	stream.linear.scatter @!p1 [tilespmem:s6], [sflag:$0x4], $0x1400, $0x38;
	[tilespmem:$0x1D0B0] =	vst v63  }
0x53: {  	p3 =	sne.s32 s24, $0x100;
	_ =	swait.ge @!p1 [sflag:s7], $0x1400  }
.Ltmp1:
0x54: {  	[sflag:s7] =	ssyncset.done @!p1 $0x0;
	(pc) =	sbr.rel @p3 .LBB2_4-.Ltmp1, $4  }
0x55: {  	s6 =	simm.s32 @!p1 $0x6EA0;
	s25 =	simm.s32 @!p1 $0x3;
	[sflag:s7] =	ssyncadd.s32 @!p1 $0xFFFFEC00  }
0x56: {  	[spmem:s23] =	stream.linear.scatter @!p1 [tilespmem:s6], [sflag:$0x3], $0x280, $0x38;
	[tilespmem:$0x1D0B0] =	vst v63  }
0x57: {  	s6 =	sadd.s32 s26, s4;
	s23 =	sadd.s32 $0x2800, s23;
	_ =	swait.ge @!p1 [sflag:s25], $0x280  }
0x58: {  	s0 =	sadd.s32 $0x14000, s0;
	p2 =	sgt.u32 s6, $0xF9;
	[sflag:s25] =	ssyncset.done @!p1 $0x0  }
0x59: {  	s6 =	simm.s32 @!p2 $0x5AA0  }
0x5a: {  	s7 =	simm.s32 @!p2 $0x4;
	[sflag:s25] =	ssyncadd.s32 @!p1 $0xFFFFFD80;
	p1 =	por p2, p2  }
0x5b: {  	[spmem:s0] =	stream.linear.scatter @!p1 [tilespmem:s6], [sflag:$0x4], $0x1400, $0x38;
	[tilespmem:$0x1D0B0] =	vst v63  }
0x5c: {  	_ =	swait.ge @!p1 [sflag:s7], $0x1400  }
0x5d: {  	[sflag:s7] =	ssyncset.done @!p1 $0x0  }
0x5e: {  	s0 =	simm.s32 @!p1 $0x6EA0;
	s6 =	simm.s32 @!p1 $0x3;
	[sflag:s7] =	ssyncadd.s32 @!p1 $0xFFFFEC00  }
0x5f: {  	[spmem:s23] =	stream.linear.scatter @!p1 [tilespmem:s0], [sflag:$0x3], $0x280, $0x38;
	[tilespmem:$0x1D0B0] =	vst v63  }
0x60: {  	_ =	swait.ge @!p1 [sflag:s6], $0x280  }
0x61: {  	[sflag:s6] =	ssyncset.done @!p1 $0x0  }
0x62: {  	[sflag:s6] =	ssyncadd.s32 @!p1 $0xFFFFFD80  }
0x63: {  	s9 =	simm.s32 $0x0;
	[bflag:$0x0] =	sbarrier.arrive $0xFFFF  }
0x64: {  	s6 =	sand.u32 $0x1, s9;
	s23 =	rddreg [dreg:$0x4]  }
0x65: {  	s25 =	sxor.u32 $0x1, s6;
	s24 =	rddreg [dreg:$0x5]  }
0x66: {  	[tilespmem:s9], [sflag:$0x1] =	stream.linear.gather [hbm4b:s23+s9], $0x2800, $0x38;
	[tilespmem:$0x1D0B0] =	vst v63  }
0x67: {  	s26 =	smul.u32 $0x140, s25;
	s8 =	rddreg [dreg:$0x6]  }
0x68: {  	[tilespmem:s17], [sflag:$0x1] =	stream.linear.gather [hbm4b:s24+s9], $0x50, $0x38;
	[tilespmem:$0x1D0B0] =	vst v63  }
0x69: {  	s7 =	sadd.s32 $0x1, s25;
	s23 =	sshrl.u32 s26, $0x2;
	s24 =	smul.u32 $0xA000, s25  }
0x6a: {  	[tilespmem:s18], [sflag:$0x1] =	stream.linear.gather [hbm4b:s8+s9], $0x500, $0x38;
	[tilespmem:$0x1D0B0] =	vst v63  }
0x6b: {  	s29 =	sshrl.u32 s24, $0x2;
	s8 =	sshrl.u32 s12, $0x3;
	s9 =	smul.u32 $0x1400, s25  }
0x6c: {  	[tilespmem:s29], [sflag:s7] =	stream.linear.gather [hbm4b:s16+s3], $0x2800, $0x38;
	[tilespmem:$0x1D0B0] =	vst v63  }
0x6d: {  	s23 =	sor.u32 $0x5000, s23;
	s24 =	sadd.s32 s5, s8;
	s26 =	sshrl.u32 s9, $0x2  }
0x6e: {  	[tilespmem:s23], [sflag:s7] =	stream.linear.gather [hbm4b:s24+s3], $0x50, $0x38;
	[tilespmem:$0x1D0B0] =	vst v63  }
0x6f: {  	s8 =	sadd.s32 $0x1, s6;
	s29 =	sor.u32 $0x50A0, s26  }
0x70: {  	[tilespmem:s29], [sflag:s7] =	stream.linear.gather [hbm4b:s15+s3], $0x500, $0x38;
	[tilespmem:$0x1D0B0] =	vst v63  }
0x71: {  	_ =	swait.ge [sflag:s8], $0x2800  }
0x72: {  	[sflag:s8] =	ssyncset.done $0x0  }
0x73: {  	s25 =	smul.u32 $0x140, s6;
	[sflag:s8] =	ssyncadd.s32 $0xFFFFD800  }
0x74: {  	s30 =	simm.s32 $0x2;
	s9 =	simm.s32 $0x1;
	_ =	swait.ge [sflag:s8], $0x50  }
0x75: {  	s26 =	sshrl.u32 s25, $0x2;
	s23 =	smul.u32 $0x1400, s6;
	[sflag:s8] =	ssyncset.done $0x0  }
0x76: {  	s28 =	sand.u32 $0x1, s9;
	s6 =	smul.u32 $0xA000, s6;
	[sflag:s8] =	ssyncadd.s32 $0xFFFFFFB0  }
0x77: {  	s0 =	sor.u32 $0x5000, s26;
	s26 =	sadd.s32 $0x50, s12;
	_ =	swait.ge [sflag:s8], $0x500  }
0x78: {  	s31 =	sxor.u32 $0x1, s28;
	s25 =	smul.u32 $0x140, s28;
	[sflag:s8] =	ssyncset.done $0x0  }
0x79: {  	s24 =	sadd.s32 $0xA0, s15;
	s6 =	sshrl.u32 s6, $0x2;
	[sflag:s8] =	ssyncadd.s32 $0xFFFFFB00  }
0x7a: {  	[spmem:s1] =	stream.indirect.scatter.add.f32 [tilespmem:s6], [sflag:$0x3], $0x80, s0, s19, $0xb8;
	[tilespmem:$0x1D0B0] =	vst v63  }
0x7b: {  	s29 =	sshrl.u32 s23, $0x2;
	s23 =	sadd.s32 $0x500, s16;
	_ =	swait.ge [sflag:s20], $0x2800  }
0x7c: {  	s7 =	sor.u32 $0x50A0, s29;
	s6 =	smul.u32 $0x140, s31;
	[sflag:s20] =	ssyncset.done $0x0  }
.LBB2_6:
0x7d: {  	s8 =	smul.u32 $0xA000, s31  }
0x7e: {  	[sflag:s20] =	ssyncadd.s32 $0xFFFFD800;
	s9 =	smov.u32 s30;
	s29 =	sadd.s32 $0x1, s30  }
0x7f: {  	[spmem:s2] =	stream.indirect.scatter.add.f32 [tilespmem:s7], [sflag:$0x3], $0x10, s0, s19, $0xb8;
	[tilespmem:$0x1D0B0] =	vst v63  }
0x80: {  	s6 =	sshrl.u32 s6, $0x2;
	s0 =	sshrl.u32 s8, $0x2;
	_ =	swait.ge [sflag:s20], $0x500  }
0x81: {  	s7 =	sshrl.u32 s26, $0x3;
	s8 =	smul.u32 $0x1400, s31;
	[sflag:s20] =	ssyncset.done $0x0  }
0x82: {  	s31 =	sadd.s32 $0x1, s31;
	s6 =	sor.u32 $0x5000, s6;
	[sflag:s20] =	ssyncadd.s32 $0xFFFFFB00  }
0x83: {  	[tilespmem:s0], [sflag:s31] =	stream.linear.gather [hbm4b:s23+s3], $0x2800, $0x38;
	[tilespmem:$0x1D0B0] =	vst v63  }
0x84: {  	s0 =	sadd.s32 s5, s7;
	s7 =	sshrl.u32 s8, $0x2;
	s8 =	smul.u32 $0xA000, s28  }
0x85: {  	[tilespmem:s6], [sflag:s31] =	stream.linear.gather [hbm4b:s0+s3], $0x50, $0x38;
	[tilespmem:$0x1D0B0] =	vst v63  }
0x86: {  	s0 =	sor.u32 $0x50A0, s7;
	s6 =	sadd.s32 $0x1, s28;
	s7 =	smul.u32 $0x1400, s28  }
0x87: {  	[tilespmem:s0], [sflag:s31] =	stream.linear.gather [hbm4b:s24+s3], $0x500, $0x38;
	[tilespmem:$0x1D0B0] =	vst v63  }
0x88: {  	p1 =	sne.s32 s30, $0x7B;
	s7 =	sshrl.u32 s7, $0x2;
	_ =	swait.ge [sflag:s6], $0x2800  }
0x89: {  	[sflag:s6] =	ssyncset.done $0x0  }
0x8a: {  	[sflag:s6] =	ssyncadd.s32 $0xFFFFD800  }
0x8b: {  	_ =	swait.ge [sflag:s6], $0x50  }
0x8c: {  	[sflag:s6] =	ssyncset.done $0x0  }
0x8d: {  	[sflag:s6] =	ssyncadd.s32 $0xFFFFFFB0  }
0x8e: {  	s26 =	sadd.s32 $0x50, s26;
	s23 =	sadd.s32 $0x500, s23;
	_ =	swait.ge [sflag:s6], $0x500  }
0x8f: {  	s8 =	sshrl.u32 s8, $0x2;
	s0 =	sshrl.u32 s25, $0x2;
	[sflag:s6] =	ssyncset.done $0x0  }
.Ltmp2:
0x90: {  	s0 =	sor.u32 $0x5000, s0;
	[sflag:s6] =	ssyncadd.s32 $0xFFFFFB00;
	(pc) =	sbr.rel @p1 .LBB2_6-.Ltmp2, $4  }
0x91: {  	[spmem:s1] =	stream.indirect.scatter.add.f32 [tilespmem:s8], [sflag:$0x3], $0x80, s0, s19, $0xb8;
	[tilespmem:$0x1D0B0] =	vst v63  }
0x92: {  	s30 =	smov.u32 s29;
	s28 =	sand.u32 $0x1, s9;
	_ =	swait.ge [sflag:s20], $0x2800  }
0x93: {  	s31 =	sxor.u32 $0x1, s28;
	s25 =	smul.u32 $0x140, s28;
	s7 =	sor.u32 $0x50A0, s7  }
0x94: {  	s24 =	sadd.s32 $0xA0, s24;
	s6 =	smul.u32 $0x140, s31;
	[sflag:s20] =	ssyncset.done $0x0  }
0x95: {  	s8 =	smul.u32 $0xA000, s31;
	[sflag:s20] =	ssyncadd.s32 $0xFFFFD800  }
0x96: {  	[spmem:s2] =	stream.indirect.scatter.add.f32 [tilespmem:s7], [sflag:$0x3], $0x10, s0, s19, $0xb8;
	[tilespmem:$0x1D0B0] =	vst v63  }
0x97: {  	s9 =	sadd.s32 $0x1, s31;
	_ =	swait.ge [sflag:s20], $0x500  }
0x98: {  	s6 =	sshrl.u32 s6, $0x2;
	s7 =	sshrl.u32 s8, $0x2;
	[sflag:s20] =	ssyncset.done $0x0  }
0x99: {  	s8 =	sshrl.u32 s26, $0x3;
	s26 =	smul.u32 $0x1400, s31;
	[sflag:s20] =	ssyncadd.s32 $0xFFFFFB00  }
0x9a: {  	[tilespmem:s7], [sflag:s9] =	stream.linear.gather [hbm4b:s23+s3], $0x2800, $0x38;
	[tilespmem:$0x1D0B0] =	vst v63  }
0x9b: {  	s29 =	sor.u32 $0x5000, s6;
	s30 =	sadd.s32 s5, s8;
	s31 =	sshrl.u32 s26, $0x2  }
0x9c: {  	[tilespmem:s29], [sflag:s9] =	stream.linear.gather [hbm4b:s30+s3], $0x50, $0x38;
	[tilespmem:$0x1D0B0] =	vst v63  }
0x9d: {  	s8 =	sor.u32 $0x50A0, s31;
	s23 =	sadd.s32 $0x1, s28  }
0x9e: {  	[tilespmem:s8], [sflag:s9] =	stream.linear.gather [hbm4b:s24+s3], $0x500, $0x38;
	[tilespmem:$0x1D0B0] =	vst v63  }
0x9f: {  	_ =	swait.ge [sflag:s23], $0x2800  }
0xa0: {  	[sflag:s23] =	ssyncset.done $0x0  }
0xa1: {  	[sflag:s23] =	ssyncadd.s32 $0xFFFFD800  }
0xa2: {  	_ =	swait.ge [sflag:s23], $0x50  }
0xa3: {  	[sflag:s23] =	ssyncset.done $0x0  }
0xa4: {  	s26 =	smul.u32 $0xA000, s28;
	[sflag:s23] =	ssyncadd.s32 $0xFFFFFFB0  }
0xa5: {  	_ =	swait.ge [sflag:s23], $0x500  }
0xa6: {  	s0 =	sshrl.u32 s26, $0x2;
	s30 =	sshrl.u32 s25, $0x2;
	[sflag:s23] =	ssyncset.done $0x0  }
0xa7: {  	s29 =	smul.u32 $0x1400, s28;
	s8 =	sor.u32 $0x5000, s30;
	[sflag:s23] =	ssyncadd.s32 $0xFFFFFB00  }
0xa8: {  	[spmem:s1] =	stream.indirect.scatter.add.f32 [tilespmem:s0], [sflag:$0x3], $0x80, s8, s19, $0xb8;
	[tilespmem:$0x1D0B0] =	vst v63  }
0xa9: {  	_ =	swait.ge [sflag:s20], $0x2800  }
0xaa: {  	s31 =	sshrl.u32 s29, $0x2;
	[sflag:s20] =	ssyncset.done $0x0  }
0xab: {  	s0 =	sor.u32 $0x50A0, s31;
	[sflag:s20] =	ssyncadd.s32 $0xFFFFD800  }
0xac: {  	[spmem:s2] =	stream.indirect.scatter.add.f32 [tilespmem:s0], [sflag:$0x3], $0x10, s8, s19, $0xb8;
	[tilespmem:$0x1D0B0] =	vst v63  }
0xad: {  	_ =	swait.ge [sflag:s20], $0x500  }
0xae: {  	[sflag:s20] =	ssyncset.done $0x0  }
0xaf: {  	[sflag:s20] =	ssyncadd.s32 $0xFFFFFB00  }
0xb0: {  	_ =	swait.ge [sflag:s21], $0x2800  }
0xb1: {  	[sflag:s21] =	ssyncset.done $0x0  }
0xb2: {  	[sflag:s21] =	ssyncadd.s32 $0xFFFFD800  }
0xb3: {  	_ =	swait.ge [sflag:s21], $0x50  }
0xb4: {  	[sflag:s21] =	ssyncset.done $0x0  }
0xb5: {  	[sflag:s21] =	ssyncadd.s32 $0xFFFFFFB0  }
0xb6: {  	_ =	swait.ge [sflag:s21], $0x500  }
0xb7: {  	[sflag:s21] =	ssyncset.done $0x0  }
0xb8: {  	[sflag:s21] =	ssyncadd.s32 $0xFFFFFB00  }
0xb9: {  	[spmem:s1] =	stream.indirect.scatter.add.f32 [tilespmem:s3], [sflag:$0x3], $0x80, s17, s19, $0xb8;
	[tilespmem:$0x1D0B0] =	vst v63  }
0xba: {  	_ =	swait.ge [sflag:s20], $0x2800  }
0xbb: {  	[sflag:s20] =	ssyncset.done $0x0  }
0xbc: {  	[sflag:s20] =	ssyncadd.s32 $0xFFFFD800  }
0xbd: {  	[spmem:s2] =	stream.indirect.scatter.add.f32 [tilespmem:s18], [sflag:$0x3], $0x10, s17, s19, $0xb8;
	[tilespmem:$0x1D0B0] =	vst v63  }
0xbe: {  	_ =	swait.ge [sflag:s20], $0x500  }
0xbf: {  	[sflag:s20] =	ssyncset.done $0x0  }
0xc0: {  	[sflag:s20] =	ssyncadd.s32 $0xFFFFFB00  }
0xc1: {  	[bflag:$0x0] =	sbarrier.arrive $0xFFFF  }
0xc2: {  	s6 =	simm.s32 @!p0 $0x1C03;
	s0 =	sshrl.u32 @!p0 s1, $0x3;
	s7 =	rddreg [dreg:$0x7]  }
0xc3: {  	[hbm:s7], [sflag:s6] =	dma.local @!p0 [spmem:s0], $0x27100  }
0xc4: {  	s0 =	simm.s32 @!p0 $0x3  }
0xc5: {  	s22 =	sadd.s32 $0x1, s22;
	_ =	swait.ge @!p0 [sflag:s0], $0x27100  }
0xc6: {  	p1 =	sne.s32 s22, s11;
	[sflag:s0] =	ssyncset.done @!p0 $0x0  }
.Ltmp3:
0xc7: {  	s7 =	sshrl.u32 @!p0 s2, $0x3;
	[sflag:s0] =	ssyncadd.s32 @!p0 $0xFFFD8F00;
	(pc) =	sbr.rel @p1 .LBB2_1-.Ltmp3, $4  }
0xc8: {  	[hbm:s10], [sflag:s6] =	dma.local @!p0 [spmem:s7], $0x4E20  }
0xc9: {  	_ =	swait.ge @!p0 [sflag:s0], $0x4E20  }
0xca: {  	[sflag:s0] =	ssyncset.done @!p0 $0x0  }
0xcb: {  	[sflag:s0] =	ssyncadd.s32 @!p0 $0xFFFFB1E0  }
0xcc: {  	_ =	sfence.sel $0x180000  }
0xcd: {  	[bflag:$0x0] =	sbarrier.arrive $0xFFFF  }
0xce: {  	_ =	strace $0x9000004A  }
0xcf: {  	[bflag:$0x2] =	sbarrier.arrive $0xFFFF  }
0xd0: {  	s0 =	rddreg [dreg:$0x3]  }
0xd1: {  	s0 =	sadd.s32 @!p0 $0x100000, s0  }
0xd2: {  	[sflag:s0] =	ssyncadd.tile.s32 @!p0 $0x1;
	_ =	shalt  }
.Lfunc_end2:
_tile_overlayer_lowered:
.L_overlay_start_2:
0xd3: {  	(tag) =	ssettag $0x2  }
0xd4: {  	s0 =	rddreg [dreg:$0x0];
	s2 =	stileid.u32  }
0xd5: {  	s1 =	rddreg [dreg:$0x1];
	p0 =	sne.s32 s2, $0x0  }
0xd6: {  	s3 =	rddreg [dreg:$0x2];
	[bflag:$0x3] =	sbarrier.arrive $0xFFFF;
	s2 =	simm.s32 @!p0 $0x1C03  }
0xd7: {  	[timem:s3], [sflag:s2] =	dma.local @!p0 [hbm:s0], s1  }
0xd8: {  	s0 =	simm.s32 @!p0 $0x3  }
0xd9: {  	_ =	swait.ge @!p0 [sflag:s0], s1  }
0xda: {  	s1 =	ssub.s32 @!p0 $0x0, s1;
	[sflag:s0] =	ssyncset.done @!p0 $0x0  }
0xdb: {  	[sflag:s0] =	ssyncadd.s32 @!p0 s1  }
0xdc: {  	[bflag:$0x3] =	sbarrier.arrive $0xFFFF  }
0xdd: {  	_ =	shalt  }

// kernel: kernel.18.cloned.1.call-start
scs
__scs_entry_jumppad:
0x0: {  	(pc) =	sbr.rel $0x88, $3  }
0x1: {  	(tag) =	ssettag $0x0;
	lr =	simm.s32 $0x1  }
0x2: {  	[smem:$0x3F95] =	sst lr;
	_ =	strace $0xD0000000  }
0x3: {  	_ = 	snop  }
0x4: {  	_ = 	snop  }
0x5: {  	_ = 	snop  }
0x6: {  	_ = 	snop  }
0x7: {  	_ = 	snop  }
__scs_overlays_trampoline_lowered:
0x8: {  	[smem:$0x3FA4] =	sst s0  }
0x9: {  	[smem:$0x3FA5] =	sst s1  }
0xa: {  	[smem:$0x3FA6] =	sst s2  }
0xb: {  	[smem:$0x3FA7] =	sst s3  }
0xc: {  	[smem:$0x3FA8] =	sst s4  }
0xd: {  	[smem:$0x3FA9] =	sst s5  }
0xe: {  	[smem:$0x3FAA] =	sst s6  }
0xf: {  	[smem:$0x3FAB] =	sst s7  }
0x10: {  	[smem:$0x3FAC] =	sst s8  }
0x11: {  	[smem:$0x3FAD] =	sst s9;
	s0 =	simm.s32 @!p0 $0x0  }
0x12: {  	s1 =	sld [smem:$0x3F93];
	s0 =	simm.s32 @p0 $0x1  }
0x13: {  	[smem:$0x3FAE] =	sst s0;
	s0 =	simm.s32 @!p1 $0x0  }
0x14: {  	s2 =	sld [smem:$0x3F92];
	s0 =	simm.s32 @p1 $0x1  }
0x15: {  	[smem:$0x3FAF] =	sst s0;
	s0 =	simm.s32 @!p2 $0x0  }
0x16: {  	s3 =	sld [smem:$0x3FDB];
	s0 =	simm.s32 @p2 $0x1  }
0x17: {  	s4 =	simm.s32 $0x1BF5;
	[smem:$0x3FB1] =	sst s0  }
0x18: {  	s0 =	sld [smem:$0x3F94];
	_ =	swait.ge [sflag:s4], $0x0  }
0x19: {  	s7 =	sld [smem:$0x3F95]  }
0x1a: {  	s8 =	sadd.s32 $0xFFFFE003, lr  }
0x1b: {  	s9 =	sadd.s32 $0xFFFFFEF7, lr;
	s5 =	simm.s32 $0xFFFFFFFF;
	p2 =	slt.u32 s8, $0xFFFFF086  }
0x1c: {  	p1 =	slt.u32 s9, $0xF7A;
	s5 =	simm.s32 @!p2 $0x0  }
0x1d: {  	s5 =	simm.s32 @p1 $0x1;
	p0 =	seq.s32 s7, s2  }
0x1e: {  	s7 =	smul.u32 @!p0 $0xF7A, s2;
	p2 =	seq.s32 @!p0 s5, $0x0  }
0x1f: {  	s9 =	smul.u32 $0xF7A, s1;
	s8 =	simm.s32 @!p0 $0x1BF5;
	p2 =	por !p2, p0  }
0x20: {  	[sflag:s8] =	ssyncset.s32 @!p0 $0xFFFFF086;
	s6 =	sadd.s32 @!p0 s3, s7;
	s7 =	simm.s32 @!p0 $0x108  }
0x21: {  	s3 =	sadd.s32 s3, s9;
	s6 =	sadd.s32 @!p0 $0x88, s6;
	s7 =	simm.s32 @p2 $0x1082  }
0x22: {  	[simem:s7], [sflag:s8] =	dma.local @!p0 [hbm:s6], $0xF7A  }
0x23: {  	s9 =	sor.u32 $0xD0000000, s2;
	s6 =	simm.s32 $0x108;
	_ =	swait.ge @!p0 [sflag:s8], $0x0  }
0x24: {  	s3 =	sadd.s32 $0x88, s3;
	s6 =	simm.s32 @!p1 $0x1082;
	[sflag:s4] =	ssyncset.s32 $0xFFFFF086  }
0x25: {  	[simem:s6], [sflag:s4] =	dma.local [hbm:s3], $0xF7A  }
0x26: {  	[smem:$0x3F95] =	sst s1;
	(tag) =	ssettag s2;
	_ =	strace s9  }
0x27: {  	s1 =	sld [smem:$0x3FA5]  }
0x28: {  	s2 =	sld [smem:$0x3FA6]  }
0x29: {  	s4 =	sld [smem:$0x3FA8]  }
0x2a: {  	p0 =	seq.s32 s5, $0x0;
	s5 =	sld [smem:$0x3FA9]  }
0x2b: {  	s6 =	sld [smem:$0x3FAA]  }
0x2c: {  	s7 =	sld [smem:$0x3FAB]  }
0x2d: {  	s3 =	simm.s32 $0x108;
	s8 =	sld [smem:$0x3FAC]  }
0x2e: {  	s3 =	simm.s32 @!p0 $0x1082;
	s9 =	sld [smem:$0x3FAD]  }
0x2f: {  	lr =	sadd.s32 s0, s3;
	s0 =	sld [smem:$0x3FA4]  }
0x30: {  	s3 =	sld [smem:$0x3FA7]  }
0x31: {  	[smem:$0x3FB0] =	sst s10  }
0x32: {  	s10 =	sld [smem:$0x3FAE];
	_ =	sdelay $0x3  }
0x33: {  	p0 =	seq.s32 s10, $0x1;
	s10 =	sld [smem:$0x3FB0];
	_ =	sdelay $0x3  }
0x34: {  	[smem:$0x3FB0] =	sst s10  }
0x35: {  	s10 =	sld [smem:$0x3FAF];
	_ =	sdelay $0x3  }
0x36: {  	p1 =	seq.s32 s10, $0x1;
	s10 =	sld [smem:$0x3FB0];
	_ =	sdelay $0x3  }
0x37: {  	[smem:$0x3FB0] =	sst s10  }
0x38: {  	s10 =	sld [smem:$0x3FB1]  }
0x39: {  	_ = 	snop;
	(pc) =	sbr.ind lr, $3  }
0x3a: {  	_ = 	snop  }
0x3b: {  	_ = 	snop  }
0x3c: {  	p2 =	seq.s32 s10, $0x1;
	s10 =	sld [smem:$0x3FB0]  }
0x3d: {  	_ =	shalt  }
0x3e: {  	_ =	shalt  }
0x3f: {  	_ =	shalt  }
0x40: {  	_ =	shalt  }
0x41: {  	_ =	shalt  }
0x42: {  	_ =	shalt  }
0x43: {  	_ =	shalt  }
0x44: {  	_ =	shalt  }
0x45: {  	_ =	shalt  }
0x46: {  	_ =	shalt  }
0x47: {  	_ =	shalt  }
0x48: {  	_ =	shalt  }
0x49: {  	_ =	shalt  }
0x4a: {  	_ =	shalt  }
0x4b: {  	_ =	shalt  }
0x4c: {  	_ =	shalt  }
0x4d: {  	_ =	shalt  }
0x4e: {  	_ =	shalt  }
0x4f: {  	_ =	shalt  }
0x50: {  	_ =	shalt  }
0x51: {  	_ =	shalt  }
0x52: {  	_ =	shalt  }
0x53: {  	_ =	shalt  }
0x54: {  	_ =	shalt  }
0x55: {  	_ =	shalt  }
0x56: {  	_ =	shalt  }
0x57: {  	_ =	shalt  }
0x58: {  	_ =	shalt  }
0x59: {  	_ =	shalt  }
0x5a: {  	_ =	shalt  }
0x5b: {  	_ =	shalt  }
0x5c: {  	_ =	shalt  }
0x5d: {  	_ =	shalt  }
0x5e: {  	_ =	shalt  }
0x5f: {  	_ =	shalt  }
0x60: {  	_ =	shalt  }
0x61: {  	_ =	shalt  }
0x62: {  	_ =	shalt  }
0x63: {  	_ =	shalt  }
0x64: {  	_ =	shalt  }
0x65: {  	_ =	shalt  }
0x66: {  	_ =	shalt  }
0x67: {  	_ =	shalt  }
0x68: {  	_ =	shalt  }
0x69: {  	_ =	shalt  }
0x6a: {  	_ =	shalt  }
0x6b: {  	_ =	shalt  }
0x6c: {  	_ =	shalt  }
0x6d: {  	_ =	shalt  }
0x6e: {  	_ =	shalt  }
0x6f: {  	_ =	shalt  }
0x70: {  	_ =	shalt  }
0x71: {  	_ =	shalt  }
0x72: {  	_ =	shalt  }
0x73: {  	_ =	shalt  }
0x74: {  	_ =	shalt  }
0x75: {  	_ =	shalt  }
0x76: {  	_ =	shalt  }
0x77: {  	_ =	shalt  }
0x78: {  	_ =	shalt  }
0x79: {  	_ =	shalt  }
0x7a: {  	_ =	shalt  }
0x7b: {  	_ =	shalt  }
0x7c: {  	_ =	shalt  }
0x7d: {  	_ =	shalt  }
0x7e: {  	_ =	shalt  }
0x7f: {  	_ =	shalt  }
0x80: {  	_ =	shalt  }
0x81: {  	_ =	shalt  }
0x82: {  	_ =	shalt  }
0x83: {  	_ =	shalt  }
0x84: {  	_ =	shalt  }
0x85: {  	_ =	shalt  }
0x86: {  	_ =	shalt  }
0x87: {  	_ =	shalt  }
.Lfunc_end0:
.L_simem_size_0:
called_computation.2_lowered:
.L_overlay_start_0:
0x88: {  	s2 =	sld [smem:$0x3FD9]  }
0x89: {  	s3 =	sld [smem:$0x3FFE];
	_ =	sdelay $0x1  }
0x8a: {  	s1 =	srdreg.scid  }
0x8b: {  	s0 =	sand.u32 $0x1, s1  }
0x8c: {  	s17 =	sshll.u32 s0, $0xA;
	s2 =	sadd.s32 s3, s2  }
0x8d: {  	s2 =	sadd.s32 s2, s17  }
0x8e: {  	[smem:$0x3FBC] =	sst s2  }
0x8f: {  	_ = 	snop  }
0x90: {  	s2 =	sld [smem:$0x3FD0];
	(tm) =	ssettm $0x1  }
0x91: {  	s18 =	sld [smem:$0x3FFB];
	_ =	sdelay $0x3  }
0x92: {  	_ =	strace s18  }
0x93: {  	s3 =	sld [smem:$0x3FFC];
	_ =	sdelay $0x3  }
0x94: {  	_ =	strace s3  }
0x95: {  	s3 =	sld [smem:$0x3FFD];
	_ =	sdelay $0x3  }
0x96: {  	_ =	strace s3  }
0x97: {  	_ =	strace $0x8FFFFFFF  }
0x98: {  	s19 =	sld [smem:$0x3FDB];
	_ =	sdelay $0x1  }
0x99: {  	s4 =	simm.s32 $_scs_section_size  }
0x9a: {  	s5 =	simm.s32 $_size__tile_overlayer_lowered;
	s6 =	simm.s32 $_tile_overlayer_lowered  }
0x9b: {  	s22 =	simm.s32 $0x1BFF;
	s21 =	sshll.u32 s6, $0x1;
	s3 =	sadd.s32 s4, s19  }
0x9c: {  	s7 =	simm.s32 $0x0;
	s20 =	sshll.u32 s5, $0x1;
	s5 =	sadd.s32 s21, s3  }
0x9d: {  	[timem:s7], [sflag:s22] =	dma.local [hbm:s5], s20  }
0x9e: {  	_ =	swait.ge [sflag:s22], s20  }
0x9f: {  	s4 =	ssub.s32 $0x0, s20;
	[sflag:s22] =	ssyncset.done $0x0  }
0xa0: {  	[sflag:s22] =	ssyncadd.s32 s4;
	_ =	sdelay $0x1  }
0xa1: {  	s23 =	simm.s32 $0x1B8B  }
0xa2: {  	_ =	swait.ge [sflag:s23], $0x1  }
0xa3: {  	[sflag:s23] =	ssyncset.done $0x0  }
0xa4: {  	s25 =	simm.s32 $0x1B8E;
	s24 =	sld [smem:$0x3FFE];
	[sflag:s23] =	ssyncadd.s32 $0xFFFFFFFF  }
0xa5: {  	s26 =	simm.s32 $execute0_lowered;
	[smem:$0x3FD2] =	sst s25  }
0xa6: {  	s5 =	sshll.u32 s26, $0x1;
	_ =	strace $0x8000004C;
	[dreg:$0x1] =	wrdreg $0xFFFFFFFF  }
0xa7: {  	s28 =	simm.s32 $_size_execute0_lowered;
	s3 =	sadd.s32 s3, s5;
	[dreg:$0x0] =	wrdreg $0x0  }
0xa8: {  	s5 =	sshll.u32 s28, $0x1;
	[dreg:$0x2] =	wrdreg s3  }
0xa9: {  	[dreg:$0x3] =	wrdreg s5  }
0xaa: {  	[dreg:$0x4] =	wrdreg $0xC0  }
0xab: {  	_ =	task [dreg:s7], $0x5FFFF  }
0xac: {  	[dreg:$0x1] =	wrdreg $0xFFFFFFFF  }
0xad: {  	[dreg:$0x0] =	wrdreg $0x60  }
0xae: {  	[dreg:$0x2] =	wrdreg s2  }
0xaf: {  	[dreg:$0x3] =	wrdreg s24  }
0xb0: {  	[dreg:$0x4] =	wrdreg $0x9  }
0xb1: {  	_ =	task.clear_ibuf [dreg:s7], $0x5FFFF;
	_ =	strace $0x9000004C  }
0xb2: {  	s29 =	simm.s32 $0x9;
	_ =	strace $0x8000004E  }
0xb3: {  	_ =	swait.ge [sflag:s29], $0x1  }
0xb4: {  	[sflag:s29] =	ssyncadd.s32 $0xFFFFFFFF  }
0xb5: {  	_ =	strace $0x9000004E  }
0xb6: {  	_ =	sfence  }
0xb7: {  	s30 =	sld [smem:$0x0];
	_ =	sdelay $0x2  }
0xb8: {  	s31 =	sshll.u32 s1, $0xD;
	s1 =	sshrl.u32 s1, $0x2  }
0xb9: {  	s3 =	sand.u32 $0x4000, s31;
	s1 =	sadd.s32 s1, s30  }
0xba: {  	s0 =	sor.u32 s3, s0;
	s1 =	sshll.u32 s1, $0x11  }
0xbb: {  	s0 =	sor.u32 s1, s0  }
0xbc: {  	s0 =	sadd.s32 $0x8F2B, s0  }
0xbd: {  	[sflag:s0] =	ssyncadd.remote.s32 $0x1  }
0xbe: {  	_ =	sfence.sel $0xFFFF  }
0xbf: {  	[dreg:$0x0] =	wrdreg $0xFFFFFFFF;
	(pc) =	sbr.abs _section_cstart, $3  }
0xc0: {  	[dreg:$0x1] =	wrdreg $0xFFFFFFFF  }
0xc1: {  	_ =	task.clear_ibuf [dreg:s7], $0x2FFFF;
	_ =	strace $0x9FFFFFFF  }
0xc2: {  	(tm) =	ssettm $0x7FFFFFFF  }
0xc3: {  	_ =	shalt  }
tec
execute0_lowered:
.L_overlay_start_1:
0x0: {  	(tag) =	ssettag $0x1  }
0x1: {  	s1 =	rddreg [dreg:$0x0]  }
0x2: {  	s0 =	rddreg [dreg:$0x1]  }
0x3: {  	s3 =	simm.s32 $0x0;
	s4 =	srdreg.scid;
	s2 =	stileid.u32  }
0x4: {  	s13 =	simm.s32 $0x5;
	s14 =	simm.s32 $0x1B0;
	s15 =	simm.s32 $0xC8  }
0x5: {  	s16 =	simm.s32 $0x360;
	s17 =	simm.s32 $0xCB60;
	s18 =	simm.s32 $0xE460  }
0x6: {  	s19 =	simm.s32 $0x3;
	s20 =	simm.s32 $0x4;
	s21 =	simm.s32 $0x0  }
0x7: {  	[smem:$0x7FF] =	sst s3;
	s6 =	sand.u32 $0x1, s4;
	s5 =	sshll.u32 s2, $0x1  }
0x8: {  	s4 =	sadd.s32 $0xDB600, s0;
	s8 =	sadd.s32 $0x1F6A00, s0;
	s7 =	sor.u32 s6, s5  }
0x9: {  	s9 =	sadd.s32 $0x15A600, s0;
	s10 =	ssub.s32 $0x2, s6;
	s6 =	smul.u32 $0x2710, s7  }
0xa: {  	_ =	strace $0x8000004D;
	s5 =	sadd.s32 $0x4400, s0;
	s11 =	sshrl.u32 s10, $0x1  }
0xb: {  	s7 =	sadd.s32 $0xE200, s0;
	s30 =	ssub.s32 s10, s11;
	s31 =	sshrl.u32 s6, $0x3  }
0xc: {  	v0 =	vimm.f32 $1.000000000e+00;
	vm0 =	vcmask $0x3330;
	vm1 =	vcmask $0x2F34;
	s12 =	smax.u32 s30, $0x1;
	s10 =	sadd.s32 s5, s31;
	s11 =	sadd.s32 s7, s31  }
.LBB2_1:
0xd: {  	[tilespmem:s3], [sflag:$0x5] =	stream.linear.gather [hbm4b:s10+s3], $0xC8, $0x38;
	[tilespmem:$0x11660] =	vst v63  }
0xe: {  	_ =	swait.ge [sflag:s13], $0xC8  }
0xf: {  	[sflag:s13] =	ssyncset.done $0x0  }
0x10: {  	[sflag:s13] =	ssyncadd.s32 $0xFFFFFF38  }
0x11: {  	[tilespmem:s14], [sflag:$0x5] =	stream.linear.gather [hbm4b:s11+s3], $0xC8, $0x38;
	[tilespmem:$0x11660] =	vst v63  }
0x12: {  	_ =	swait.ge [sflag:s13], $0xC8  }
0x13: {  	[sflag:s13] =	ssyncset.done $0x0  }
0x14: {  	[sflag:s13] =	ssyncadd.s32 $0xFFFFFF38  }
0x15: {  	[tilespmem:s16], [sflag:$0x1] =	stream.indirect.gather [hbm4b:s1+s15], $0x80, s3, s15, $0xb8;
	[tilespmem:$0x11660] =	vst v63  }
0x16: {  	_ = 	snop  }
0x17: {  	[tilespmem:s17], [sflag:$0x1] =	stream.indirect.gather [hbm4b:s4+s15], $0x10, s3, s15, $0xb8;
	[tilespmem:$0x11660] =	vst v63  }
0x18: {  	p0 =	por $0x0, $0x0;
	s24 =	simm.s32 $0x0  }
0x19: {  	[tilespmem:s18], [sflag:$0x1] =	stream.indirect.gather [hbm4b:s4+s15], $0x10, s14, s15, $0xb8;
	[tilespmem:$0x11660] =	vst v63  }
.LBB2_2:
0x1a: {  	p1 =	seq.s32 s24, $0x0  }
.Ltmp0:
0x1b: {  	_ = 	snop;
	(pc) =	sbr.rel @p1 .LBB2_5-.Ltmp0, $3  }
0x1c: {  	_ =	sdelay $0x1  }
0x1d: {  	s23 =	sand.u32 $0x1, s24  }
0x1e: {  	s22 =	sadd.s32 $0x1, s24;
	s0 =	sxor.u32 $0x1, s23  }
0x1f: {  	p1 =	seq.s32 s24, $0x31  }
.Ltmp1:
0x20: {  	_ = 	snop;
	(pc) =	sbr.rel @p1 .LBB2_6-.Ltmp1, $1  }
0x21: {  	_ =	sdelay $0x3  }
0x22: {  	s25 =	sadd.s32 $0x3, s0  }
0x23: {  	_ =	swait.ge [sflag:s25], $0x6400  }
0x24: {  	[sflag:s25] =	ssyncset.done $0x0  }
0x25: {  	[sflag:s25] =	ssyncadd.s32 $0xFFFF9C00  }
0x26: {  	_ =	swait.ge [sflag:s25], $0xC80  }
0x27: {  	[sflag:s25] =	ssyncset.done $0x0  }
0x28: {  	[sflag:s25] =	ssyncadd.s32 $0xFFFFF380  }
.LBB2_5:
0x29: {  	s25 =	smul.u32 $0xC8, s22;
	_ =	sdelay $0x1  }
0x2a: {  	s25 =	sadd.s32 s6, s25  }
0x2b: {  	s26 =	smul.u32 $0xD8, s0;
	s25 =	sshrl.u32 s25, $0x3  }
0x2c: {  	s28 =	sadd.s32 s5, s25  }
0x2d: {  	[tilespmem:s26], [sflag:$0x5] =	stream.linear.gather [hbm4b:s28+s3], $0xC8, $0x38;
	[tilespmem:$0x11660] =	vst v63  }
0x2e: {  	_ =	swait.ge [sflag:s13], $0xC8  }
0x2f: {  	s29 =	smul.u32 $0x19000, s0;
	[sflag:s13] =	ssyncset.done $0x0  }
0x30: {  	s2 =	sadd.s32 $0x1B0, s26;
	s25 =	sadd.s32 s7, s25;
	[sflag:s13] =	ssyncadd.s32 $0xFFFFFF38  }
0x31: {  	[tilespmem:s2], [sflag:$0x5] =	stream.linear.gather [hbm4b:s25+s3], $0xC8, $0x38;
	[tilespmem:$0x11660] =	vst v63  }
0x32: {  	_ =	swait.ge [sflag:s13], $0xC8  }
0x33: {  	s30 =	smul.u32 $0xC80, s0;
	s25 =	sshrl.u32 s29, $0x2;
	[sflag:s13] =	ssyncset.done $0x0  }
0x34: {  	s29 =	sadd.s32 $0x1, s0;
	s25 =	sor.u32 $0x360, s25;
	[sflag:s13] =	ssyncadd.s32 $0xFFFFFF38  }
0x35: {  	[tilespmem:s25], [sflag:s29] =	stream.indirect.gather [hbm4b:s1+s15], $0x80, s26, s15, $0xb8;
	[tilespmem:$0x11660] =	vst v63  }
0x36: {  	s31 =	sadd.s32 $0xCB60, s30  }
0x37: {  	[tilespmem:s31], [sflag:s29] =	stream.indirect.gather [hbm4b:s4+s15], $0x10, s26, s15, $0xb8;
	[tilespmem:$0x11660] =	vst v63  }
0x38: {  	s0 =	sadd.s32 $0xE460, s30  }
0x39: {  	[tilespmem:s0], [sflag:s29] =	stream.indirect.gather [hbm4b:s4+s15], $0x10, s2, s15, $0xb8;
	[tilespmem:$0x11660] =	vst v63  }
.LBB2_6:
0x3a: {  	s0 =	sadd.s32 $0x1, s23  }
0x3b: {  	s25 =	simm.s32 $0x1;
	_ =	swait.ge [sflag:s0], $0x6400  }
0x3c: {  	s25 =	simm.s32 @!p0 $0x0;
	[sflag:s0] =	ssyncset.done $0x0  }
0x3d: {  	s26 =	smul.u32 $0x3200, s25;
	[sflag:s0] =	ssyncadd.s32 $0xFFFF9C00  }
0x3e: {  	_ =	swait.ge [sflag:s0], $0xC80  }
0x3f: {  	s29 =	sshrl.u32 s26, $0x2;
	[sflag:s0] =	ssyncset.done $0x0  }
0x40: {  	s26 =	sadd.s32 $0xE4E0, s29;
	[sflag:s0] =	ssyncadd.s32 $0xFFFFF380  }
0x41: {  	s25 =	smul.u32 $0x360, s25;
	s28 =	sadd.s32 $0xCBE0, s29;
	v1 =	vmov s26;
	_ =	swait.ge [sflag:s0], $0xC80  }
0x42: {  	v2 =	vmov s28;
	[sflag:s0] =	ssyncset.done $0x0  }
0x43: {  	s25 =	sshrl.u32 s25, $0x2;
	[sflag:s0] =	ssyncadd.s32 $0xFFFFF380  }
0x44: {  	s28 =	sadd.s32 $0x1B0, s25;
	v4 =	vld [tilespmem:s25+$0x0]  }
0x45: {  	s26 =	simm.s32 $0x0;
	v5 =	vld [tilespmem:s28+$0x0]  }
0x46: {  	v6 =	vld.idx.msk [tilespmem:v1+s26+$0xFFFFFF80 ss:$0x1], $0xffff  }
0x47: {  	v7 =	vld.idx.msk [tilespmem:v2+s26+$0xFFFFFF80 ss:$0x1], $0xffff;
	_ =	sdelay $0x1  }
0x48: {  	s2 =	sadd.s32 $0xFDE0, s29  }
0x49: {  	v3 =	vmov s2;
	vm2 =	veq.s32 v4, v5  }
0x4a: {  	v4 =	vsel vm2, $0x0, v0  }
0x4b: {  	v6 =	vsub.f32 v6, v7;
	v5 =	vbroadcast v4, $0x0;
	_ =	sdelay $0x1  }
0x4c: {  	v5 =	vsel vm0, v5, v6  }
0x4d: {  	[tilespmem:v3+s26+$0xFFFFFF80 ss:$0x1] =	vst.idx.msk $0xffff, v5  }
0x4e: {  	v5 =	vld.idx.msk [tilespmem:v1+s26+$0xFFFFFF90 ss:$0x1], $0xffff  }
0x4f: {  	v6 =	vld.idx.msk [tilespmem:v2+s26+$0xFFFFFF90 ss:$0x1], $0xffff;
	_ =	sdelay $0x4  }
0x50: {  	v7 =	vbroadcast v4, $0x1;
	v5 =	vsub.f32 v5, v6;
	_ =	sdelay $0x1  }
0x51: {  	v5 =	vsel vm0, v7, v5  }
0x52: {  	[tilespmem:v3+s26+$0xFFFFFF90 ss:$0x1] =	vst.idx.msk $0xffff, v5  }
0x53: {  	v5 =	vld.idx.msk [tilespmem:v1+s26+$0xFFFFFFA0 ss:$0x1], $0xffff  }
0x54: {  	v6 =	vld.idx.msk [tilespmem:v2+s26+$0xFFFFFFA0 ss:$0x1], $0xffff;
	_ =	sdelay $0x4  }
0x55: {  	v7 =	vbroadcast v4, $0x2;
	v5 =	vsub.f32 v5, v6;
	_ =	sdelay $0x1  }
0x56: {  	v5 =	vsel vm0, v7, v5  }
0x57: {  	[tilespmem:v3+s26+$0xFFFFFFA0 ss:$0x1] =	vst.idx.msk $0xffff, v5  }
0x58: {  	v5 =	vld.idx.msk [tilespmem:v1+s26+$0xFFFFFFB0 ss:$0x1], $0xffff  }
0x59: {  	v6 =	vld.idx.msk [tilespmem:v2+s26+$0xFFFFFFB0 ss:$0x1], $0xffff;
	_ =	sdelay $0x4  }
0x5a: {  	v7 =	vbroadcast v4, $0x3;
	v5 =	vsub.f32 v5, v6;
	_ =	sdelay $0x1  }
0x5b: {  	v5 =	vsel vm0, v7, v5  }
0x5c: {  	[tilespmem:v3+s26+$0xFFFFFFB0 ss:$0x1] =	vst.idx.msk $0xffff, v5  }
0x5d: {  	v5 =	vld.idx.msk [tilespmem:v1+s26+$0xFFFFFFC0 ss:$0x1], $0xffff  }
0x5e: {  	v6 =	vld.idx.msk [tilespmem:v2+s26+$0xFFFFFFC0 ss:$0x1], $0xffff;
	_ =	sdelay $0x4  }
0x5f: {  	v7 =	vbroadcast v4, $0x4;
	v5 =	vsub.f32 v5, v6;
	_ =	sdelay $0x1  }
0x60: {  	v5 =	vsel vm0, v7, v5  }
0x61: {  	[tilespmem:v3+s26+$0xFFFFFFC0 ss:$0x1] =	vst.idx.msk $0xffff, v5  }
0x62: {  	v5 =	vld.idx.msk [tilespmem:v1+s26+$0xFFFFFFD0 ss:$0x1], $0xffff  }
0x63: {  	v6 =	vld.idx.msk [tilespmem:v2+s26+$0xFFFFFFD0 ss:$0x1], $0xffff;
	_ =	sdelay $0x4  }
0x64: {  	v7 =	vbroadcast v4, $0x5;
	v5 =	vsub.f32 v5, v6;
	_ =	sdelay $0x1  }
0x65: {  	v5 =	vsel vm0, v7, v5  }
0x66: {  	[tilespmem:v3+s26+$0xFFFFFFD0 ss:$0x1] =	vst.idx.msk $0xffff, v5  }
0x67: {  	v5 =	vld.idx.msk [tilespmem:v1+s26+$0xFFFFFFE0 ss:$0x1], $0xffff  }
0x68: {  	v6 =	vld.idx.msk [tilespmem:v2+s26+$0xFFFFFFE0 ss:$0x1], $0xffff;
	_ =	sdelay $0x4  }
0x69: {  	v7 =	vbroadcast v4, $0x6;
	v5 =	vsub.f32 v5, v6;
	_ =	sdelay $0x1  }
0x6a: {  	v5 =	vsel vm0, v7, v5  }
0x6b: {  	[tilespmem:v3+s26+$0xFFFFFFE0 ss:$0x1] =	vst.idx.msk $0xffff, v5  }
0x6c: {  	v5 =	vld.idx.msk [tilespmem:v1+s26+$0xFFFFFFF0 ss:$0x1], $0xffff  }
0x6d: {  	v6 =	vld.idx.msk [tilespmem:v2+s26+$0xFFFFFFF0 ss:$0x1], $0xffff;
	_ =	sdelay $0x4  }
0x6e: {  	v7 =	vbroadcast v4, $0x7;
	v5 =	vsub.f32 v5, v6;
	_ =	sdelay $0x1  }
0x6f: {  	v5 =	vsel vm0, v7, v5  }
0x70: {  	[tilespmem:v3+s26+$0xFFFFFFF0 ss:$0x1] =	vst.idx.msk $0xffff, v5  }
0x71: {  	v5 =	vld.idx.msk [tilespmem:v1+s26+$0x0 ss:$0x1], $0xffff  }
0x72: {  	v6 =	vld.idx.msk [tilespmem:v2+s26+$0x0 ss:$0x1], $0xffff;
	_ =	sdelay $0x4  }
0x73: {  	v7 =	vbroadcast v4, $0x8;
	v5 =	vsub.f32 v5, v6;
	_ =	sdelay $0x1  }
0x74: {  	v5 =	vsel vm0, v7, v5  }
0x75: {  	[tilespmem:v3+s26+$0x0 ss:$0x1] =	vst.idx.msk $0xffff, v5  }
0x76: {  	v5 =	vld.idx.msk [tilespmem:v1+s26+$0x10 ss:$0x1], $0xffff  }
0x77: {  	v6 =	vld.idx.msk [tilespmem:v2+s26+$0x10 ss:$0x1], $0xffff;
	_ =	sdelay $0x4  }
0x78: {  	v7 =	vbroadcast v4, $0x9;
	v5 =	vsub.f32 v5, v6;
	_ =	sdelay $0x1  }
0x79: {  	v5 =	vsel vm0, v7, v5  }
0x7a: {  	[tilespmem:v3+s26+$0x10 ss:$0x1] =	vst.idx.msk $0xffff, v5  }
0x7b: {  	v5 =	vld.idx.msk [tilespmem:v1+s26+$0x20 ss:$0x1], $0xffff  }
0x7c: {  	v6 =	vld.idx.msk [tilespmem:v2+s26+$0x20 ss:$0x1], $0xffff;
	_ =	sdelay $0x4  }
0x7d: {  	v7 =	vbroadcast v4, $0xA;
	v5 =	vsub.f32 v5, v6;
	_ =	sdelay $0x1  }
0x7e: {  	v5 =	vsel vm0, v7, v5  }
0x7f: {  	[tilespmem:v3+s26+$0x20 ss:$0x1] =	vst.idx.msk $0xffff, v5  }
0x80: {  	v5 =	vld.idx.msk [tilespmem:v1+s26+$0x30 ss:$0x1], $0xffff  }
0x81: {  	v6 =	vld.idx.msk [tilespmem:v2+s26+$0x30 ss:$0x1], $0xffff;
	_ =	sdelay $0x4  }
0x82: {  	v7 =	vbroadcast v4, $0xB;
	v5 =	vsub.f32 v5, v6;
	_ =	sdelay $0x1  }
0x83: {  	v5 =	vsel vm0, v7, v5  }
0x84: {  	[tilespmem:v3+s26+$0x30 ss:$0x1] =	vst.idx.msk $0xffff, v5  }
0x85: {  	v5 =	vld.idx.msk [tilespmem:v1+s26+$0x40 ss:$0x1], $0xffff  }
0x86: {  	v6 =	vld.idx.msk [tilespmem:v2+s26+$0x40 ss:$0x1], $0xffff;
	_ =	sdelay $0x4  }
0x87: {  	v5 =	vsub.f32 v5, v6;
	_ =	sdelay $0x1  }
0x88: {  	v5 =	vsel vm1, v5, v4  }
0x89: {  	[tilespmem:v3+s26+$0x40 ss:$0x1] =	vst.idx.msk $0xffff, v5  }
0x8a: {  	v5 =	vld.idx.msk [tilespmem:v1+s26+$0x50 ss:$0x1], $0xffff  }
0x8b: {  	v6 =	vld.idx.msk [tilespmem:v2+s26+$0x50 ss:$0x1], $0xffff;
	_ =	sdelay $0x4  }
0x8c: {  	v7 =	vbroadcast v4, $0xD;
	v5 =	vsub.f32 v5, v6;
	_ =	sdelay $0x1  }
0x8d: {  	v5 =	vsel vm0, v7, v5  }
0x8e: {  	[tilespmem:v3+s26+$0x50 ss:$0x1] =	vst.idx.msk $0xffff, v5  }
0x8f: {  	s30 =	smul.u32 $0xC80, s23;
	v6 =	vld.idx.msk [tilespmem:v1+s26+$0x60 ss:$0x1], $0xffff  }
0x90: {  	v7 =	vld.idx.msk [tilespmem:v2+s26+$0x60 ss:$0x1], $0xffff  }
0x91: {  	s31 =	smul.u32 $0xD8, s23;
	s29 =	sadd.s32 $0xFD60, s30;
	s0 =	simm.s32 $0x400;
	v5 =	vbroadcast v4, $0xE;
	v4 =	vbroadcast v4, $0xF  }
.LBB2_7:
0x92: {  	_ = 	snop  }
0x93: {  	p1 =	sne.s32 s0, $0x2C00;
	s28 =	sadd.s32 $0x10, s28;
	s25 =	sadd.s32 $0x10, s25  }
0x94: {  	s2 =	smov.u32 s0;
	s0 =	sadd.s32 $0x400, s0  }
0x95: {  	v6 =	vsub.f32 v6, v7;
	_ =	sdelay $0x1  }
0x96: {  	v5 =	vsel vm0, v5, v6  }
0x97: {  	[tilespmem:v3+s26+$0x60 ss:$0x1] =	vst.idx.msk $0xffff, v5  }
0x98: {  	v5 =	vld.idx.msk [tilespmem:v1+s26+$0x70 ss:$0x1], $0xffff  }
0x99: {  	v6 =	vld.idx.msk [tilespmem:v2+s26+$0x70 ss:$0x1], $0xffff;
	_ =	sdelay $0x5  }
0x9a: {  	v5 =	vsub.f32 v5, v6;
	_ =	sdelay $0x1  }
0x9b: {  	v4 =	vsel vm0, v4, v5  }
0x9c: {  	[tilespmem:v3+s26+$0x70 ss:$0x1] =	vst.idx.msk $0xffff, v4  }
0x9d: {  	v4 =	vld [tilespmem:s25+$0x0]  }
0x9e: {  	s26 =	sshra.s32 s2, $0x2;
	v5 =	vld [tilespmem:s28+$0x0]  }
0x9f: {  	v6 =	vld.idx.msk [tilespmem:v1+s26+$0xFFFFFF80 ss:$0x1], $0xffff  }
0xa0: {  	v7 =	vld.idx.msk [tilespmem:v2+s26+$0xFFFFFF80 ss:$0x1], $0xffff;
	_ =	sdelay $0x2  }
0xa1: {  	vm2 =	veq.s32 v4, v5  }
0xa2: {  	v4 =	vsel vm2, $0x0, v0  }
0xa3: {  	v5 =	vbroadcast v4, $0x0  }
0xa4: {  	v6 =	vsub.f32 v6, v7;
	_ =	sdelay $0x1  }
0xa5: {  	v5 =	vsel vm0, v5, v6  }
0xa6: {  	[tilespmem:v3+s26+$0xFFFFFF80 ss:$0x1] =	vst.idx.msk $0xffff, v5  }
0xa7: {  	v5 =	vld.idx.msk [tilespmem:v1+s26+$0xFFFFFF90 ss:$0x1], $0xffff  }
0xa8: {  	v6 =	vld.idx.msk [tilespmem:v2+s26+$0xFFFFFF90 ss:$0x1], $0xffff;
	_ =	sdelay $0x3  }
0xa9: {  	v7 =	vbroadcast v4, $0x1;
	_ =	sdelay $0x1  }
0xaa: {  	v5 =	vsub.f32 v5, v6;
	_ =	sdelay $0x1  }
0xab: {  	v5 =	vsel vm0, v7, v5  }
0xac: {  	[tilespmem:v3+s26+$0xFFFFFF90 ss:$0x1] =	vst.idx.msk $0xffff, v5  }
0xad: {  	v5 =	vld.idx.msk [tilespmem:v1+s26+$0xFFFFFFA0 ss:$0x1], $0xffff  }
0xae: {  	v6 =	vld.idx.msk [tilespmem:v2+s26+$0xFFFFFFA0 ss:$0x1], $0xffff;
	_ =	sdelay $0x2  }
0xaf: {  	v7 =	vbroadcast v4, $0x2;
	_ =	sdelay $0x2  }
0xb0: {  	v5 =	vsub.f32 v5, v6;
	_ =	sdelay $0x1  }
0xb1: {  	v5 =	vsel vm0, v7, v5  }
0xb2: {  	[tilespmem:v3+s26+$0xFFFFFFA0 ss:$0x1] =	vst.idx.msk $0xffff, v5  }
0xb3: {  	v5 =	vld.idx.msk [tilespmem:v1+s26+$0xFFFFFFB0 ss:$0x1], $0xffff  }
0xb4: {  	v6 =	vld.idx.msk [tilespmem:v2+s26+$0xFFFFFFB0 ss:$0x1], $0xffff;
	_ =	sdelay $0x1  }
0xb5: {  	v7 =	vbroadcast v4, $0x3;
	_ =	sdelay $0x3  }
0xb6: {  	v5 =	vsub.f32 v5, v6;
	_ =	sdelay $0x1  }
0xb7: {  	v5 =	vsel vm0, v7, v5  }
0xb8: {  	[tilespmem:v3+s26+$0xFFFFFFB0 ss:$0x1] =	vst.idx.msk $0xffff, v5  }
0xb9: {  	v5 =	vld.idx.msk [tilespmem:v1+s26+$0xFFFFFFC0 ss:$0x1], $0xffff  }
0xba: {  	v6 =	vld.idx.msk [tilespmem:v2+s26+$0xFFFFFFC0 ss:$0x1], $0xffff  }
0xbb: {  	v7 =	vbroadcast v4, $0x4;
	_ =	sdelay $0x4  }
0xbc: {  	v5 =	vsub.f32 v5, v6;
	_ =	sdelay $0x1  }
0xbd: {  	v5 =	vsel vm0, v7, v5  }
0xbe: {  	[tilespmem:v3+s26+$0xFFFFFFC0 ss:$0x1] =	vst.idx.msk $0xffff, v5  }
0xbf: {  	v5 =	vld.idx.msk [tilespmem:v1+s26+$0xFFFFFFD0 ss:$0x1], $0xffff  }
0xc0: {  	v7 =	vbroadcast v4, $0x5;
	v6 =	vld.idx.msk [tilespmem:v2+s26+$0xFFFFFFD0 ss:$0x1], $0xffff;
	_ =	sdelay $0x5  }
0xc1: {  	v5 =	vsub.f32 v5, v6;
	_ =	sdelay $0x1  }
0xc2: {  	v5 =	vsel vm0, v7, v5  }
0xc3: {  	[tilespmem:v3+s26+$0xFFFFFFD0 ss:$0x1] =	vst.idx.msk $0xffff, v5  }
0xc4: {  	v6 =	vbroadcast v4, $0x6;
	v5 =	vld.idx.msk [tilespmem:v1+s26+$0xFFFFFFE0 ss:$0x1], $0xffff  }
0xc5: {  	v7 =	vld.idx.msk [tilespmem:v2+s26+$0xFFFFFFE0 ss:$0x1], $0xffff;
	_ =	sdelay $0x5  }
0xc6: {  	v5 =	vsub.f32 v5, v7;
	_ =	sdelay $0x1  }
0xc7: {  	v5 =	vsel vm0, v6, v5  }
0xc8: {  	[tilespmem:v3+s26+$0xFFFFFFE0 ss:$0x1] =	vst.idx.msk $0xffff, v5;
	v5 =	vbroadcast v4, $0x7  }
0xc9: {  	v6 =	vld.idx.msk [tilespmem:v1+s26+$0xFFFFFFF0 ss:$0x1], $0xffff  }
0xca: {  	v7 =	vld.idx.msk [tilespmem:v2+s26+$0xFFFFFFF0 ss:$0x1], $0xffff;
	_ =	sdelay $0x5  }
0xcb: {  	v6 =	vsub.f32 v6, v7;
	_ =	sdelay $0x1  }
0xcc: {  	v5 =	vsel vm0, v5, v6;
	v6 =	vbroadcast v4, $0x8  }
0xcd: {  	[tilespmem:v3+s26+$0xFFFFFFF0 ss:$0x1] =	vst.idx.msk $0xffff, v5  }
0xce: {  	v5 =	vld.idx.msk [tilespmem:v1+s26+$0x0 ss:$0x1], $0xffff  }
0xcf: {  	v7 =	vld.idx.msk [tilespmem:v2+s26+$0x0 ss:$0x1], $0xffff;
	_ =	sdelay $0x5  }
0xd0: {  	v5 =	vsub.f32 v5, v7  }
0xd1: {  	v7 =	vbroadcast v4, $0x9  }
0xd2: {  	v5 =	vsel vm0, v6, v5  }
0xd3: {  	[tilespmem:v3+s26+$0x0 ss:$0x1] =	vst.idx.msk $0xffff, v5  }
0xd4: {  	v5 =	vld.idx.msk [tilespmem:v1+s26+$0x10 ss:$0x1], $0xffff  }
0xd5: {  	v6 =	vld.idx.msk [tilespmem:v2+s26+$0x10 ss:$0x1], $0xffff;
	_ =	sdelay $0x5  }
0xd6: {  	v5 =	vsub.f32 v5, v6;
	v6 =	vbroadcast v4, $0xA;
	_ =	sdelay $0x1  }
0xd7: {  	v5 =	vsel vm0, v7, v5  }
0xd8: {  	[tilespmem:v3+s26+$0x10 ss:$0x1] =	vst.idx.msk $0xffff, v5  }
0xd9: {  	v5 =	vld.idx.msk [tilespmem:v1+s26+$0x20 ss:$0x1], $0xffff  }
0xda: {  	v7 =	vld.idx.msk [tilespmem:v2+s26+$0x20 ss:$0x1], $0xffff;
	_ =	sdelay $0x4  }
0xdb: {  	v8 =	vbroadcast v4, $0xB  }
0xdc: {  	v5 =	vsub.f32 v5, v7;
	_ =	sdelay $0x1  }
0xdd: {  	v5 =	vsel vm0, v6, v5  }
0xde: {  	[tilespmem:v3+s26+$0x20 ss:$0x1] =	vst.idx.msk $0xffff, v5  }
0xdf: {  	v5 =	vld.idx.msk [tilespmem:v1+s26+$0x30 ss:$0x1], $0xffff  }
0xe0: {  	v6 =	vld.idx.msk [tilespmem:v2+s26+$0x30 ss:$0x1], $0xffff;
	_ =	sdelay $0x5  }
0xe1: {  	v5 =	vsub.f32 v5, v6;
	_ =	sdelay $0x1  }
0xe2: {  	v5 =	vsel vm0, v8, v5  }
0xe3: {  	[tilespmem:v3+s26+$0x30 ss:$0x1] =	vst.idx.msk $0xffff, v5  }
0xe4: {  	v5 =	vld.idx.msk [tilespmem:v1+s26+$0x40 ss:$0x1], $0xffff  }
0xe5: {  	v6 =	vld.idx.msk [tilespmem:v2+s26+$0x40 ss:$0x1], $0xffff;
	_ =	sdelay $0x2  }
0xe6: {  	v7 =	vbroadcast v4, $0xD;
	_ =	sdelay $0x2  }
0xe7: {  	v5 =	vsub.f32 v5, v6;
	_ =	sdelay $0x1  }
0xe8: {  	v5 =	vsel vm1, v5, v4  }
0xe9: {  	[tilespmem:v3+s26+$0x40 ss:$0x1] =	vst.idx.msk $0xffff, v5  }
0xea: {  	v6 =	vld.idx.msk [tilespmem:v1+s26+$0x50 ss:$0x1], $0xffff  }
0xeb: {  	v8 =	vld.idx.msk [tilespmem:v2+s26+$0x50 ss:$0x1], $0xffff;
	_ =	sdelay $0x1  }
0xec: {  	v5 =	vbroadcast v4, $0xE;
	_ =	sdelay $0x3  }
0xed: {  	v6 =	vsub.f32 v6, v8;
	_ =	sdelay $0x1  }
.Ltmp2:
0xee: {  	v6 =	vsel vm0, v7, v6;
	(pc) =	sbr.rel @p1 .LBB2_7-.Ltmp2, $4  }
0xef: {  	[tilespmem:v3+s26+$0x50 ss:$0x1] =	vst.idx.msk $0xffff, v6  }
0xf0: {  	v6 =	vld.idx.msk [tilespmem:v1+s26+$0x60 ss:$0x1], $0xffff  }
0xf1: {  	v7 =	vld.idx.msk [tilespmem:v2+s26+$0x60 ss:$0x1], $0xffff  }
0xf2: {  	v4 =	vbroadcast v4, $0xF  }
0xf3: {  	_ =	sdelay $0x2  }
0xf4: {  	v6 =	vsub.f32 v6, v7;
	_ =	sdelay $0x1  }
0xf5: {  	v5 =	vsel vm0, v5, v6  }
0xf6: {  	[tilespmem:v3+s26+$0x60 ss:$0x1] =	vst.idx.msk $0xffff, v5  }
0xf7: {  	v1 =	vld.idx.msk [tilespmem:v1+s26+$0x70 ss:$0x1], $0xffff  }
0xf8: {  	v2 =	vld.idx.msk [tilespmem:v2+s26+$0x70 ss:$0x1], $0xffff;
	_ =	sdelay $0x4  }
0xf9: {  	v1 =	vsub.f32 v1, v2;
	_ =	sdelay $0x1  }
0xfa: {  	v1 =	vsel vm0, v4, v1  }
0xfb: {  	[tilespmem:v3+s26+$0x70 ss:$0x1] =	vst.idx.msk $0xffff, v1  }
0xfc: {  	v1 =	vld [tilespmem:s31+$0xC0]  }
0xfd: {  	v2 =	vld [tilespmem:s31+$0x270]  }
0xfe: {  	v3 =	vld [tilespmem:s30+$0xF060]  }
0xff: {  	v49 =	vld [tilespmem:s30+$0xD760]  }
0x100: {  	v5 =	vld [tilespmem:s30+$0xF070]  }
0x101: {  	v50 =	vld [tilespmem:s30+$0xD770]  }
0x102: {  	v51 =	vld [tilespmem:s30+$0xF080]  }
0x103: {  	v8 =	vld [tilespmem:s30+$0xD780]  }
0x104: {  	v9 =	vld [tilespmem:s30+$0xF090]  }
0x105: {  	v10 =	vld [tilespmem:s30+$0xD790]  }
0x106: {  	v11 =	vld [tilespmem:s30+$0xF0A0]  }
0x107: {  	v12 =	vld [tilespmem:s30+$0xD7A0]  }
0x108: {  	v13 =	vld [tilespmem:s30+$0xF0B0]  }
0x109: {  	v14 =	vld [tilespmem:s30+$0xF0C0];
	vm2 =	veq.s32 v1, v2  }
0x10a: {  	v15 =	vld [tilespmem:s30+$0xD7C0];
	v2 =	vsel vm2, $0x0, v0  }
0x10b: {  	v1 =	vld [tilespmem:s30+$0xD7B0];
	v3 =	vsub.f32 v3, v49;
	v52 =	vbroadcast v2, $0x0  }
0x10c: {  	v16 =	vld [tilespmem:s30+$0xF0D0];
	v5 =	vsub.f32 v5, v50;
	v53 =	vbroadcast v2, $0x1  }
0x10d: {  	v56 =	vld [tilespmem:s30+$0xD7D0];
	v54 =	vsub.f32 v51, v8;
	v55 =	vbroadcast v2, $0x2;
	v3 =	vsel vm0, v52, v3  }
0x10e: {  	v57 =	vsub.f32 v9, v10;
	v58 =	vbroadcast v2, $0x3;
	[tilespmem:s30+$0x10960] =	vst v3;
	v3 =	vsel vm0, v53, v5  }
0x10f: {  	v59 =	vsub.f32 v11, v12;
	v60 =	vbroadcast v2, $0x4;
	[tilespmem:s30+$0x10970] =	vst v3;
	v3 =	vsel vm0, v55, v54  }
0x110: {  	s0 =	smul.u32 $0xC8, s24;
	v61 =	vbroadcast v2, $0x5;
	v1 =	vsub.f32 v13, v1;
	[tilespmem:s30+$0x10980] =	vst v3;
	v3 =	vsel vm0, v58, v57  }
0x111: {  	s2 =	smul.u32 $0x19000, s23;
	v62 =	vsub.f32 v14, v15;
	v63 =	vbroadcast v2, $0x6;
	[tilespmem:s30+$0x10990] =	vst v3;
	v3 =	vsel vm0, v60, v59  }
0x112: {  	v2 =	vbroadcast v2, $0x7;
	v1 =	vsel vm0, v61, v1;
	[tilespmem:s30+$0x109A0] =	vst v3;
	v3 =	vsub.f32 v16, v56  }
0x113: {  	p1 =	sne.s32 s22, $0x32;
	s0 =	sadd.s32 s6, s0;
	s2 =	sshrl.u32 s2, $0x2;
	[tilespmem:s30+$0x109B0] =	vst v1;
	v1 =	vsel vm0, v63, v62  }
.Ltmp3:
0x114: {  	s28 =	sshll.u32 s0, $0x4;
	s2 =	sor.u32 $0x360, s2;
	[tilespmem:s30+$0x109C0] =	vst v1;
	v1 =	vsel vm0, v2, v3;
	(pc) =	sbr.rel @p1 .LBB2_2-.Ltmp3, $4  }
0x115: {  	s0 =	sshll.u32 s0, $0x1;
	s24 =	sadd.s32 s8, s28;
	s31 =	sadd.s32 $0x3, s23;
	[tilespmem:s30+$0x109D0] =	vst v1  }
0x116: {  	[hbm4b:s24+s3] =	stream.linear.scatter [tilespmem:s2], [sflag:s31], $0x6400, $0x38;
	[tilespmem:$0x11660] =	vst v63  }
0x117: {  	p0 =	por !p0, !p0;
	s0 =	sadd.s32 s9, s0;
	s24 =	smov.u32 s22  }
0x118: {  	[hbm4b:s0+s3] =	stream.linear.scatter [tilespmem:s29], [sflag:s31], $0xC80, $0x38;
	[tilespmem:$0x11660] =	vst v63  }
0x119: {  	_ =	swait.ge [sflag:s19], $0x6400  }
0x11a: {  	[sflag:s19] =	ssyncset.done $0x0  }
0x11b: {  	[sflag:s19] =	ssyncadd.s32 $0xFFFF9C00  }
0x11c: {  	_ =	swait.ge [sflag:s19], $0xC80  }
0x11d: {  	[sflag:s19] =	ssyncset.done $0x0  }
0x11e: {  	s21 =	sadd.s32 $0x1, s21;
	[sflag:s19] =	ssyncadd.s32 $0xFFFFF380  }
0x11f: {  	p0 =	sne.s32 s21, s12;
	_ =	swait.ge [sflag:s20], $0x6400  }
.Ltmp4:
0x120: {  	[sflag:s20] =	ssyncset.done $0x0;
	(pc) =	sbr.rel @p0 .LBB2_1-.Ltmp4, $4  }
0x121: {  	[sflag:s20] =	ssyncadd.s32 $0xFFFF9C00  }
0x122: {  	_ =	swait.ge [sflag:s20], $0xC80  }
0x123: {  	[sflag:s20] =	ssyncset.done $0x0  }
0x124: {  	[sflag:s20] =	ssyncadd.s32 $0xFFFFF380  }
0x125: {  	_ =	sfence.sel $0x180000  }
0x126: {  	[bflag:$0x0] =	sbarrier.arrive $0xFFFF  }
0x127: {  	_ =	strace $0x9000004D  }
0x128: {  	s0 =	stileid.u32;
	[bflag:$0x2] =	sbarrier.arrive $0xFFFF  }
0x129: {  	p0 =	sne.s32 s0, $0x0;
	s0 =	rddreg [dreg:$0x2]  }
0x12a: {  	s0 =	sadd.s32 @!p0 $0x100000, s0  }
0x12b: {  	[sflag:s0] =	ssyncadd.tile.s32 @!p0 $0x1;
	_ =	shalt  }
.Lfunc_end2:
_tile_overlayer_lowered:
.L_overlay_start_2:
0x12c: {  	(tag) =	ssettag $0x2  }
0x12d: {  	s0 =	rddreg [dreg:$0x0];
	s2 =	stileid.u32  }
0x12e: {  	s1 =	rddreg [dreg:$0x1];
	p0 =	sne.s32 s2, $0x0  }
0x12f: {  	s3 =	rddreg [dreg:$0x2];
	[bflag:$0x3] =	sbarrier.arrive $0xFFFF;
	s2 =	simm.s32 @!p0 $0x1C05  }
0x130: {  	[timem:s3], [sflag:s2] =	dma.local @!p0 [hbm:s0], s1  }
0x131: {  	s0 =	simm.s32 @!p0 $0x5  }
0x132: {  	_ =	swait.ge @!p0 [sflag:s0], s1  }
0x133: {  	s1 =	ssub.s32 @!p0 $0x0, s1;
	[sflag:s0] =	ssyncset.done @!p0 $0x0  }
0x134: {  	[sflag:s0] =	ssyncadd.s32 @!p0 s1  }
0x135: {  	[bflag:$0x3] =	sbarrier.arrive $0xFFFF  }
0x136: {  	_ =	shalt  }

// kernel: kernel.21.cloned.1.call-start
scs
__scs_entry_jumppad:
0x0: {  	(pc) =	sbr.rel $0x88, $3  }
0x1: {  	(tag) =	ssettag $0x0;
	lr =	simm.s32 $0x1  }
0x2: {  	[smem:$0x3F95] =	sst lr;
	_ =	strace $0xD0000000  }
0x3: {  	_ = 	snop  }
0x4: {  	_ = 	snop  }
0x5: {  	_ = 	snop  }
0x6: {  	_ = 	snop  }
0x7: {  	_ = 	snop  }
__scs_overlays_trampoline_lowered:
0x8: {  	[smem:$0x3FA4] =	sst s0  }
0x9: {  	[smem:$0x3FA5] =	sst s1  }
0xa: {  	[smem:$0x3FA6] =	sst s2  }
0xb: {  	[smem:$0x3FA7] =	sst s3  }
0xc: {  	[smem:$0x3FA8] =	sst s4  }
0xd: {  	[smem:$0x3FA9] =	sst s5  }
0xe: {  	[smem:$0x3FAA] =	sst s6  }
0xf: {  	[smem:$0x3FAB] =	sst s7  }
0x10: {  	[smem:$0x3FAC] =	sst s8  }
0x11: {  	[smem:$0x3FAD] =	sst s9;
	s0 =	simm.s32 @!p0 $0x0  }
0x12: {  	s1 =	sld [smem:$0x3F93];
	s0 =	simm.s32 @p0 $0x1  }
0x13: {  	[smem:$0x3FAE] =	sst s0;
	s0 =	simm.s32 @!p1 $0x0  }
0x14: {  	s2 =	sld [smem:$0x3F92];
	s0 =	simm.s32 @p1 $0x1  }
0x15: {  	[smem:$0x3FAF] =	sst s0;
	s0 =	simm.s32 @!p2 $0x0  }
0x16: {  	s3 =	sld [smem:$0x3FDB];
	s0 =	simm.s32 @p2 $0x1  }
0x17: {  	s4 =	simm.s32 $0x1BF5;
	[smem:$0x3FB1] =	sst s0  }
0x18: {  	s0 =	sld [smem:$0x3F94];
	_ =	swait.ge [sflag:s4], $0x0  }
0x19: {  	s7 =	sld [smem:$0x3F95]  }
0x1a: {  	s8 =	sadd.s32 $0xFFFFE003, lr  }
0x1b: {  	s9 =	sadd.s32 $0xFFFFFEF7, lr;
	s5 =	simm.s32 $0xFFFFFFFF;
	p2 =	slt.u32 s8, $0xFFFFF086  }
0x1c: {  	p1 =	slt.u32 s9, $0xF7A;
	s5 =	simm.s32 @!p2 $0x0  }
0x1d: {  	s5 =	simm.s32 @p1 $0x1;
	p0 =	seq.s32 s7, s2  }
0x1e: {  	s7 =	smul.u32 @!p0 $0xF7A, s2;
	p2 =	seq.s32 @!p0 s5, $0x0  }
0x1f: {  	s9 =	smul.u32 $0xF7A, s1;
	s8 =	simm.s32 @!p0 $0x1BF5;
	p2 =	por !p2, p0  }
0x20: {  	[sflag:s8] =	ssyncset.s32 @!p0 $0xFFFFF086;
	s6 =	sadd.s32 @!p0 s3, s7;
	s7 =	simm.s32 @!p0 $0x108  }
0x21: {  	s3 =	sadd.s32 s3, s9;
	s6 =	sadd.s32 @!p0 $0x88, s6;
	s7 =	simm.s32 @p2 $0x1082  }
0x22: {  	[simem:s7], [sflag:s8] =	dma.local @!p0 [hbm:s6], $0xF7A  }
0x23: {  	s9 =	sor.u32 $0xD0000000, s2;
	s6 =	simm.s32 $0x108;
	_ =	swait.ge @!p0 [sflag:s8], $0x0  }
0x24: {  	s3 =	sadd.s32 $0x88, s3;
	s6 =	simm.s32 @!p1 $0x1082;
	[sflag:s4] =	ssyncset.s32 $0xFFFFF086  }
0x25: {  	[simem:s6], [sflag:s4] =	dma.local [hbm:s3], $0xF7A  }
0x26: {  	[smem:$0x3F95] =	sst s1;
	(tag) =	ssettag s2;
	_ =	strace s9  }
0x27: {  	s1 =	sld [smem:$0x3FA5]  }
0x28: {  	s2 =	sld [smem:$0x3FA6]  }
0x29: {  	s4 =	sld [smem:$0x3FA8]  }
0x2a: {  	p0 =	seq.s32 s5, $0x0;
	s5 =	sld [smem:$0x3FA9]  }
0x2b: {  	s6 =	sld [smem:$0x3FAA]  }
0x2c: {  	s7 =	sld [smem:$0x3FAB]  }
0x2d: {  	s3 =	simm.s32 $0x108;
	s8 =	sld [smem:$0x3FAC]  }
0x2e: {  	s3 =	simm.s32 @!p0 $0x1082;
	s9 =	sld [smem:$0x3FAD]  }
0x2f: {  	lr =	sadd.s32 s0, s3;
	s0 =	sld [smem:$0x3FA4]  }
0x30: {  	s3 =	sld [smem:$0x3FA7]  }
0x31: {  	[smem:$0x3FB0] =	sst s10  }
0x32: {  	s10 =	sld [smem:$0x3FAE];
	_ =	sdelay $0x3  }
0x33: {  	p0 =	seq.s32 s10, $0x1;
	s10 =	sld [smem:$0x3FB0];
	_ =	sdelay $0x3  }
0x34: {  	[smem:$0x3FB0] =	sst s10  }
0x35: {  	s10 =	sld [smem:$0x3FAF];
	_ =	sdelay $0x3  }
0x36: {  	p1 =	seq.s32 s10, $0x1;
	s10 =	sld [smem:$0x3FB0];
	_ =	sdelay $0x3  }
0x37: {  	[smem:$0x3FB0] =	sst s10  }
0x38: {  	s10 =	sld [smem:$0x3FB1]  }
0x39: {  	_ = 	snop;
	(pc) =	sbr.ind lr, $3  }
0x3a: {  	_ = 	snop  }
0x3b: {  	_ = 	snop  }
0x3c: {  	p2 =	seq.s32 s10, $0x1;
	s10 =	sld [smem:$0x3FB0]  }
0x3d: {  	_ =	shalt  }
0x3e: {  	_ =	shalt  }
0x3f: {  	_ =	shalt  }
0x40: {  	_ =	shalt  }
0x41: {  	_ =	shalt  }
0x42: {  	_ =	shalt  }
0x43: {  	_ =	shalt  }
0x44: {  	_ =	shalt  }
0x45: {  	_ =	shalt  }
0x46: {  	_ =	shalt  }
0x47: {  	_ =	shalt  }
0x48: {  	_ =	shalt  }
0x49: {  	_ =	shalt  }
0x4a: {  	_ =	shalt  }
0x4b: {  	_ =	shalt  }
0x4c: {  	_ =	shalt  }
0x4d: {  	_ =	shalt  }
0x4e: {  	_ =	shalt  }
0x4f: {  	_ =	shalt  }
0x50: {  	_ =	shalt  }
0x51: {  	_ =	shalt  }
0x52: {  	_ =	shalt  }
0x53: {  	_ =	shalt  }
0x54: {  	_ =	shalt  }
0x55: {  	_ =	shalt  }
0x56: {  	_ =	shalt  }
0x57: {  	_ =	shalt  }
0x58: {  	_ =	shalt  }
0x59: {  	_ =	shalt  }
0x5a: {  	_ =	shalt  }
0x5b: {  	_ =	shalt  }
0x5c: {  	_ =	shalt  }
0x5d: {  	_ =	shalt  }
0x5e: {  	_ =	shalt  }
0x5f: {  	_ =	shalt  }
0x60: {  	_ =	shalt  }
0x61: {  	_ =	shalt  }
0x62: {  	_ =	shalt  }
0x63: {  	_ =	shalt  }
0x64: {  	_ =	shalt  }
0x65: {  	_ =	shalt  }
0x66: {  	_ =	shalt  }
0x67: {  	_ =	shalt  }
0x68: {  	_ =	shalt  }
0x69: {  	_ =	shalt  }
0x6a: {  	_ =	shalt  }
0x6b: {  	_ =	shalt  }
0x6c: {  	_ =	shalt  }
0x6d: {  	_ =	shalt  }
0x6e: {  	_ =	shalt  }
0x6f: {  	_ =	shalt  }
0x70: {  	_ =	shalt  }
0x71: {  	_ =	shalt  }
0x72: {  	_ =	shalt  }
0x73: {  	_ =	shalt  }
0x74: {  	_ =	shalt  }
0x75: {  	_ =	shalt  }
0x76: {  	_ =	shalt  }
0x77: {  	_ =	shalt  }
0x78: {  	_ =	shalt  }
0x79: {  	_ =	shalt  }
0x7a: {  	_ =	shalt  }
0x7b: {  	_ =	shalt  }
0x7c: {  	_ =	shalt  }
0x7d: {  	_ =	shalt  }
0x7e: {  	_ =	shalt  }
0x7f: {  	_ =	shalt  }
0x80: {  	_ =	shalt  }
0x81: {  	_ =	shalt  }
0x82: {  	_ =	shalt  }
0x83: {  	_ =	shalt  }
0x84: {  	_ =	shalt  }
0x85: {  	_ =	shalt  }
0x86: {  	_ =	shalt  }
0x87: {  	_ =	shalt  }
.Lfunc_end0:
.L_simem_size_0:
called_computation.3_lowered:
.L_overlay_start_0:
0x88: {  	s2 =	sld [smem:$0x3FD9]  }
0x89: {  	s3 =	sld [smem:$0x3FFE];
	_ =	sdelay $0x1  }
0x8a: {  	s1 =	srdreg.scid  }
0x8b: {  	s0 =	sand.u32 $0x1, s1  }
0x8c: {  	s16 =	sshll.u32 s0, $0xA;
	s2 =	sadd.s32 s3, s2  }
0x8d: {  	s2 =	sadd.s32 s2, s16  }
0x8e: {  	[smem:$0x3FBC] =	sst s2  }
0x8f: {  	_ = 	snop  }
0x90: {  	(tm) =	ssettm $0x1  }
0x91: {  	s17 =	sld [smem:$0x3FFB];
	_ =	sdelay $0x3  }
0x92: {  	_ =	strace s17  }
0x93: {  	s2 =	sld [smem:$0x3FFC];
	_ =	sdelay $0x3  }
0x94: {  	_ =	strace s2  }
0x95: {  	s2 =	sld [smem:$0x3FFD];
	_ =	sdelay $0x3  }
0x96: {  	_ =	strace s2  }
0x97: {  	_ =	strace $0x8FFFFFFF  }
0x98: {  	s18 =	sld [smem:$0x3FDB];
	_ =	sdelay $0x1  }
0x99: {  	s19 =	simm.s32 $_scs_section_size  }
0x9a: {  	s4 =	simm.s32 $_size__tile_overlayer_lowered;
	s5 =	simm.s32 $_tile_overlayer_lowered  }
0x9b: {  	s22 =	simm.s32 $0x1BFF;
	s21 =	sshll.u32 s5, $0x1;
	s2 =	sadd.s32 s19, s18  }
0x9c: {  	s6 =	simm.s32 $0x0;
	s20 =	sshll.u32 s4, $0x1;
	s4 =	sadd.s32 s21, s2  }
0x9d: {  	[timem:s6], [sflag:s22] =	dma.local [hbm:s4], s20  }
0x9e: {  	_ =	swait.ge [sflag:s22], s20  }
0x9f: {  	s3 =	ssub.s32 $0x0, s20;
	[sflag:s22] =	ssyncset.done $0x0  }
0xa0: {  	[sflag:s22] =	ssyncadd.s32 s3;
	_ =	sdelay $0x1  }
0xa1: {  	s23 =	simm.s32 $0x1B8B  }
0xa2: {  	_ =	swait.ge [sflag:s23], $0x1  }
0xa3: {  	[sflag:s23] =	ssyncset.done $0x0  }
0xa4: {  	s25 =	simm.s32 $0x1B8E;
	s24 =	sld [smem:$0x3FFE];
	[sflag:s23] =	ssyncadd.s32 $0xFFFFFFFF  }
0xa5: {  	s26 =	simm.s32 $execute0_lowered;
	[smem:$0x3FD2] =	sst s25  }
0xa6: {  	s4 =	sshll.u32 s26, $0x1;
	_ =	strace $0x8000004F;
	[dreg:$0x1] =	wrdreg $0xFFFFFFFF  }
0xa7: {  	s28 =	simm.s32 $_size_execute0_lowered;
	s2 =	sadd.s32 s2, s4;
	[dreg:$0x0] =	wrdreg $0x0  }
0xa8: {  	s4 =	sshll.u32 s28, $0x1;
	[dreg:$0x2] =	wrdreg s2  }
0xa9: {  	[dreg:$0x3] =	wrdreg s4  }
0xaa: {  	[dreg:$0x4] =	wrdreg $0xC0  }
0xab: {  	_ =	task [dreg:s6], $0x5FFFF  }
0xac: {  	[dreg:$0x1] =	wrdreg $0xFFFFFFFF  }
0xad: {  	[dreg:$0x0] =	wrdreg $0x60  }
0xae: {  	[dreg:$0x2] =	wrdreg s24  }
0xaf: {  	[dreg:$0x3] =	wrdreg $0x64A00  }
0xb0: {  	[dreg:$0x4] =	wrdreg $0x9  }
0xb1: {  	_ =	task.clear_ibuf [dreg:s6], $0x5FFFF;
	_ =	strace $0x9000004F  }
0xb2: {  	s29 =	simm.s32 $0x9;
	_ =	strace $0x80000051  }
0xb3: {  	_ =	swait.ge [sflag:s29], $0x1  }
0xb4: {  	[sflag:s29] =	ssyncadd.s32 $0xFFFFFFFF  }
0xb5: {  	_ =	strace $0x90000051  }
0xb6: {  	_ =	sfence  }
0xb7: {  	s30 =	sld [smem:$0x0];
	_ =	sdelay $0x2  }
0xb8: {  	s31 =	sshll.u32 s1, $0xD;
	s1 =	sshrl.u32 s1, $0x2  }
0xb9: {  	s3 =	sand.u32 $0x4000, s31;
	s1 =	sadd.s32 s1, s30  }
0xba: {  	s0 =	sor.u32 s3, s0;
	s1 =	sshll.u32 s1, $0x11  }
0xbb: {  	s0 =	sor.u32 s1, s0  }
0xbc: {  	s0 =	sadd.s32 $0x8F2B, s0  }
0xbd: {  	[sflag:s0] =	ssyncadd.remote.s32 $0x1  }
0xbe: {  	_ =	sfence.sel $0xFFFF  }
0xbf: {  	[dreg:$0x0] =	wrdreg $0xFFFFFFFF;
	(pc) =	sbr.abs _section_cstart, $3  }
0xc0: {  	[dreg:$0x1] =	wrdreg $0xFFFFFFFF  }
0xc1: {  	_ =	task.clear_ibuf [dreg:s6], $0x2FFFF;
	_ =	strace $0x9FFFFFFF  }
0xc2: {  	(tm) =	ssettm $0x7FFFFFFF  }
0xc3: {  	_ =	shalt  }
tec
execute0_lowered:
.L_overlay_start_1:
0x0: {  	(tag) =	ssettag $0x1  }
0x1: {  	s5 =	rddreg [dreg:$0x0]  }
0x2: {  	s1 =	rddreg [dreg:$0x1]  }
0x3: {  	s0 =	rddreg [dreg:$0x2];
	s4 =	srdreg.scid  }
0x4: {  	s2 =	stileid.u32;
	s3 =	simm.s32 $0x0;
	s15 =	simm.s32 $0x1  }
0x5: {  	s16 =	simm.s32 $0x0;
	s6 =	sand.u32 $0x1, s4;
	s12 =	smul.u32 $0x4E20, s2  }
0x6: {  	s24 =	sshll.u32 s2, $0x1;
	[smem:$0x7FF] =	sst s3;
	s28 =	smul.u32 $0x5000, s2  }
0x7: {  	s11 =	sadd.s32 $0xBBAA00, s5;
	s4 =	sadd.s32 $0xE200, s5;
	s7 =	smul.u32 $0x27100, s6  }
0x8: {  	s8 =	sor.u32 s6, s24;
	s10 =	ssub.s32 $0x2, s6;
	s6 =	smul.u32 $0x2710, s6  }
0x9: {  	p0 =	sne.s32 s2, $0x0;
	_ =	strace $0x80000050;
	s9 =	smul.u32 $0x2710, s8  }
0xa: {  	s13 =	sshrl.u32 s10, $0x1;
	s25 =	smul.u32 $0x27100, s8;
	s30 =	sshrl.u32 s28, $0x2  }
0xb: {  	s14 =	sadd.s32 s7, s5;
	s10 =	ssub.s32 s10, s13;
	s29 =	sadd.s32 s6, s12  }
0xc: {  	s12 =	simm.s32 $0x5000;
	s13 =	simm.s32 $0x50;
	s26 =	sshrl.u32 s9, $0x3  }
0xd: {  	s5 =	sadd.s32 s11, s25;
	s7 =	sadd.s32 $0x50, s29;
	s8 =	sadd.s32 $0x15A600, s14  }
0xe: {  	s9 =	smax.u32 s10, $0x1;
	s10 =	sadd.s32 s30, s1;
	s31 =	sshll.u32 s7, $0x4  }
0xf: {  	v0 =	vimm.f32 $0.0e+00;
	s14 =	simm.s32 $0x3;
	s6 =	sadd.s32 s4, s26;
	s11 =	sadd.s32 s31, s11  }
.LBB2_1:
0x10: {  	s17 =	simm.s32 $0x0;
	s18 =	simm.s32 $0x0  }
.LBB2_2:
0x11: {  	p1 =	sne.s32 s18, $0x4FC0  }
.Ltmp0:
0x12: {  	_ = 	snop;
	(pc) =	sbr.rel @p1 .LBB2_2-.Ltmp0, $4  }
0x13: {  	s19 =	sand.u32 $0x7E00, s18  }
0x14: {  	s20 =	sand.u32 $0x70, s17;
	s19 =	sshrl.u32 s19, $0x2  }
0x15: {  	s19 =	sor.u32 s20, s19  }
0x16: {  	s17 =	sadd.s32 $0x10, s17;
	s18 =	sadd.s32 $0x40, s18;
	[tilespmem:s19+$0x50A0] =	vst v0  }
0x17: {  	s17 =	sadd.s32 $0x0, s2  }
0x18: {  	p1 =	sgt.u32 s17, $0xF9  }
0x19: {  	s17 =	simm.s32 @!p1 $0x50A0;
	s20 =	simm.s32 @!p1 $0x3  }
0x1a: {  	[spmem:s10] =	stream.linear.scatter @!p1 [tilespmem:s17], [sflag:$0x3], $0x1400, $0x38;
	[tilespmem:$0x19D20] =	vst v63  }
0x1b: {  	s18 =	simm.s32 $0x10;
	_ =	swait.ge @!p1 [sflag:s20], $0x1400  }
0x1c: {  	s19 =	simm.s32 $0x20;
	s17 =	sadd.s32 $0x14000, s10;
	[sflag:s20] =	ssyncset.done @!p1 $0x0  }
.LBB2_4:
0x1d: {  	s21 =	sadd.s32 s18, s2;
	s18 =	smov.u32 s19;
	s19 =	sadd.s32 $0x10, s19  }
0x1e: {  	[sflag:s20] =	ssyncadd.s32 @!p1 $0xFFFFEC00;
	p2 =	sne.s32 s19, $0x100  }
.Ltmp1:
0x1f: {  	p1 =	sgt.u32 s21, $0xF9;
	(pc) =	sbr.rel @p2 .LBB2_4-.Ltmp1, $4  }
0x20: {  	s21 =	simm.s32 @!p1 $0x50A0;
	s20 =	simm.s32 @!p1 $0x3  }
0x21: {  	[spmem:s17] =	stream.linear.scatter @!p1 [tilespmem:s21], [sflag:$0x3], $0x1400, $0x38;
	[tilespmem:$0x19D20] =	vst v63  }
0x22: {  	_ =	swait.ge @!p1 [sflag:s20], $0x1400  }
0x23: {  	s17 =	sadd.s32 $0x14000, s17;
	[sflag:s20] =	ssyncset.done @!p1 $0x0  }
0x24: {  	s18 =	sadd.s32 s18, s2  }
0x25: {  	p2 =	sgt.u32 s18, $0xF9  }
0x26: {  	[sflag:s20] =	ssyncadd.s32 @!p1 $0xFFFFEC00;
	s18 =	simm.s32 @!p2 $0x50A0;
	s19 =	simm.s32 @!p2 $0x3  }
0x27: {  	[spmem:s17] =	stream.linear.scatter @!p2 [tilespmem:s18], [sflag:$0x3], $0x1400, $0x38;
	[tilespmem:$0x19D20] =	vst v63  }
0x28: {  	s21 =	simm.s32 $0x0;
	_ =	swait.ge @!p2 [sflag:s19], $0x1400  }
0x29: {  	s17 =	sand.u32 $0x1, s21;
	[sflag:s19] =	ssyncset.done @!p2 $0x0  }
0x2a: {  	s22 =	sxor.u32 $0x1, s17;
	[sflag:s19] =	ssyncadd.s32 @!p2 $0xFFFFEC00  }
0x2b: {  	s23 =	smul.u32 $0x140, s22;
	[bflag:$0x0] =	sbarrier.arrive $0xFFFF  }
0x2c: {  	[tilespmem:s21], [sflag:$0x1] =	stream.linear.gather [hbm4b:s5+s21], $0x2800, $0x38;
	[tilespmem:$0x19D20] =	vst v63  }
0x2d: {  	s24 =	smul.u32 $0xA000, s22;
	s18 =	sadd.s32 $0x1, s22  }
0x2e: {  	[tilespmem:s12], [sflag:$0x1] =	stream.linear.gather [hbm4b:s6+s21], $0x50, $0x38;
	[tilespmem:$0x19D20] =	vst v63  }
0x2f: {  	s19 =	sshrl.u32 s23, $0x2;
	s20 =	sshrl.u32 s24, $0x2;
	s21 =	sshrl.u32 s7, $0x3  }
0x30: {  	[tilespmem:s20], [sflag:s18] =	stream.linear.gather [hbm4b:s11+s3], $0x2800, $0x38;
	[tilespmem:$0x19D20] =	vst v63  }
0x31: {  	s26 =	sadd.s32 $0x1, s17;
	s19 =	sor.u32 $0x5000, s19;
	s25 =	sadd.s32 s4, s21  }
0x32: {  	[tilespmem:s19], [sflag:s18] =	stream.linear.gather [hbm4b:s25+s3], $0x50, $0x38;
	[tilespmem:$0x19D20] =	vst v63  }
0x33: {  	_ =	swait.ge [sflag:s26], $0x2800  }
0x34: {  	s28 =	smul.u32 $0x140, s17;
	[sflag:s26] =	ssyncset.done $0x0  }
0x35: {  	s29 =	simm.s32 $0x1;
	s22 =	smul.u32 $0xA000, s17;
	[sflag:s26] =	ssyncadd.s32 $0xFFFFD800  }
0x36: {  	s17 =	sand.u32 $0x1, s29;
	s30 =	sshrl.u32 s28, $0x2;
	_ =	swait.ge [sflag:s26], $0x50  }
0x37: {  	s31 =	sshrl.u32 s22, $0x2;
	s23 =	sxor.u32 $0x1, s17;
	[sflag:s26] =	ssyncset.done $0x0  }
0x38: {  	s22 =	smul.u32 $0x140, s17;
	s20 =	sor.u32 $0x5000, s30;
	[sflag:s26] =	ssyncadd.s32 $0xFFFFFFB0  }
0x39: {  	[spmem:s1] =	stream.indirect.scatter.add.f32 [tilespmem:s31], [sflag:$0x3], $0x80, s20, s13, $0xb8;
	[tilespmem:$0x19D20] =	vst v63  }
0x3a: {  	s24 =	smul.u32 $0x140, s23;
	s20 =	sadd.s32 $0x50, s7  }
0x3b: {  	s18 =	simm.s32 $0x2;
	s19 =	sadd.s32 $0x500, s11;
	s21 =	sshrl.u32 s20, $0x3  }
.LBB2_6:
0x3c: {  	s25 =	smul.u32 $0xA000, s23  }
0x3d: {  	s26 =	sshrl.u32 s22, $0x2;
	_ =	swait.ge [sflag:s14], $0x2800;
	s22 =	smov.u32 s18  }
0x3e: {  	s24 =	sshrl.u32 s24, $0x2;
	s28 =	smul.u32 $0xA000, s17;
	[sflag:s14] =	ssyncset.done $0x0  }
0x3f: {  	s23 =	sadd.s32 $0x1, s23;
	s25 =	sshrl.u32 s25, $0x2;
	[sflag:s14] =	ssyncadd.s32 $0xFFFFD800  }
0x40: {  	[tilespmem:s25], [sflag:s23] =	stream.linear.gather [hbm4b:s19+s3], $0x2800, $0x38;
	[tilespmem:$0x19D20] =	vst v63  }
0x41: {  	s21 =	sadd.s32 s4, s21;
	s24 =	sor.u32 $0x5000, s24;
	s25 =	sadd.s32 $0x1, s17  }
0x42: {  	[tilespmem:s24], [sflag:s23] =	stream.linear.gather [hbm4b:s21+s3], $0x50, $0x38;
	[tilespmem:$0x19D20] =	vst v63  }
0x43: {  	p1 =	sne.s32 s18, $0x7B;
	s18 =	sadd.s32 $0x1, s18;
	_ =	swait.ge [sflag:s25], $0x2800  }
0x44: {  	s20 =	sadd.s32 $0x50, s20;
	s19 =	sadd.s32 $0x500, s19;
	[sflag:s25] =	ssyncset.done $0x0  }
.Ltmp2:
0x45: {  	s21 =	sshrl.u32 s20, $0x3;
	[sflag:s25] =	ssyncadd.s32 $0xFFFFD800;
	(pc) =	sbr.rel @p1 .LBB2_6-.Ltmp2, $4  }
0x46: {  	s28 =	sshrl.u32 s28, $0x2;
	s17 =	sand.u32 $0x1, s22;
	_ =	swait.ge [sflag:s25], $0x50  }
0x47: {  	s22 =	smul.u32 $0x140, s17;
	s23 =	sxor.u32 $0x1, s17;
	[sflag:s25] =	ssyncset.done $0x0  }
0x48: {  	s26 =	sor.u32 $0x5000, s26;
	s24 =	smul.u32 $0x140, s23;
	[sflag:s25] =	ssyncadd.s32 $0xFFFFFFB0  }
0x49: {  	[spmem:s1] =	stream.indirect.scatter.add.f32 [tilespmem:s28], [sflag:$0x3], $0x80, s26, s13, $0xb8;
	[tilespmem:$0x19D20] =	vst v63  }
0x4a: {  	s18 =	smul.u32 $0xA000, s23;
	_ =	swait.ge [sflag:s14], $0x2800  }
0x4b: {  	s20 =	sshrl.u32 s24, $0x2;
	[sflag:s14] =	ssyncset.done $0x0  }
0x4c: {  	s25 =	sadd.s32 $0x1, s23;
	s18 =	sshrl.u32 s18, $0x2;
	[sflag:s14] =	ssyncadd.s32 $0xFFFFD800  }
0x4d: {  	[tilespmem:s18], [sflag:s25] =	stream.linear.gather [hbm4b:s19+s3], $0x2800, $0x38;
	[tilespmem:$0x19D20] =	vst v63  }
0x4e: {  	s28 =	sadd.s32 s4, s21;
	s29 =	sadd.s32 $0x1, s17;
	s26 =	sor.u32 $0x5000, s20  }
0x4f: {  	[tilespmem:s26], [sflag:s25] =	stream.linear.gather [hbm4b:s28+s3], $0x50, $0x38;
	[tilespmem:$0x19D20] =	vst v63  }
0x50: {  	_ =	swait.ge [sflag:s29], $0x2800  }
0x51: {  	[sflag:s29] =	ssyncset.done $0x0  }
0x52: {  	[sflag:s29] =	ssyncadd.s32 $0xFFFFD800  }
0x53: {  	s30 =	smul.u32 $0xA000, s17;
	_ =	swait.ge [sflag:s29], $0x50  }
0x54: {  	s31 =	sshrl.u32 s22, $0x2;
	[sflag:s29] =	ssyncset.done $0x0  }
0x55: {  	s17 =	sshrl.u32 s30, $0x2;
	s18 =	sor.u32 $0x5000, s31;
	[sflag:s29] =	ssyncadd.s32 $0xFFFFFFB0  }
0x56: {  	[spmem:s1] =	stream.indirect.scatter.add.f32 [tilespmem:s17], [sflag:$0x3], $0x80, s18, s13, $0xb8;
	[tilespmem:$0x19D20] =	vst v63  }
0x57: {  	_ =	swait.ge [sflag:s14], $0x2800  }
0x58: {  	[sflag:s14] =	ssyncset.done $0x0  }
0x59: {  	[sflag:s14] =	ssyncadd.s32 $0xFFFFD800  }
0x5a: {  	_ =	swait.ge [sflag:s15], $0x2800  }
0x5b: {  	[sflag:s15] =	ssyncset.done $0x0  }
0x5c: {  	[sflag:s15] =	ssyncadd.s32 $0xFFFFD800  }
0x5d: {  	_ =	swait.ge [sflag:s15], $0x50  }
0x5e: {  	[sflag:s15] =	ssyncset.done $0x0  }
0x5f: {  	[sflag:s15] =	ssyncadd.s32 $0xFFFFFFB0  }
0x60: {  	[spmem:s1] =	stream.indirect.scatter.add.f32 [tilespmem:s3], [sflag:$0x3], $0x80, s12, s13, $0xb8;
	[tilespmem:$0x19D20] =	vst v63  }
0x61: {  	_ =	swait.ge [sflag:s14], $0x2800  }
0x62: {  	s16 =	sadd.s32 $0x1, s16;
	[sflag:s14] =	ssyncset.done $0x0  }
0x63: {  	p1 =	sne.s32 s16, s9;
	[sflag:s14] =	ssyncadd.s32 $0xFFFFD800  }
0x64: {  	s17 =	sshrl.u32 @!p0 s1, $0x3;
	s18 =	simm.s32 @!p0 $0x1C03;
	[bflag:$0x0] =	sbarrier.arrive $0xFFFF  }
0x65: {  	[hbm:s8], [sflag:s18] =	dma.local @!p0 [spmem:s17], $0x27100  }
.Ltmp3:
0x66: {  	_ = 	snop;
	(pc) =	sbr.rel @p1 .LBB2_1-.Ltmp3, $4  }
0x67: {  	s17 =	simm.s32 @!p0 $0x3  }
0x68: {  	_ =	swait.ge @!p0 [sflag:s17], $0x27100  }
0x69: {  	[sflag:s17] =	ssyncset.done @!p0 $0x0  }
0x6a: {  	[sflag:s17] =	ssyncadd.s32 @!p0 $0xFFFD8F00  }
0x6b: {  	_ =	sfence.sel $0x180000  }
0x6c: {  	[bflag:$0x0] =	sbarrier.arrive $0xFFFF  }
0x6d: {  	_ =	strace $0x90000050  }
0x6e: {  	s0 =	sadd.s32 @!p0 $0x100000, s0;
	[bflag:$0x2] =	sbarrier.arrive $0xFFFF  }
0x6f: {  	[sflag:s0] =	ssyncadd.tile.s32 @!p0 $0x1;
	_ =	shalt  }
.Lfunc_end2:
_tile_overlayer_lowered:
.L_overlay_start_2:
0x70: {  	(tag) =	ssettag $0x2  }
0x71: {  	s0 =	rddreg [dreg:$0x0];
	s2 =	stileid.u32  }
0x72: {  	s1 =	rddreg [dreg:$0x1];
	p0 =	sne.s32 s2, $0x0  }
0x73: {  	s3 =	rddreg [dreg:$0x2];
	[bflag:$0x3] =	sbarrier.arrive $0xFFFF;
	s2 =	simm.s32 @!p0 $0x1C03  }
0x74: {  	[timem:s3], [sflag:s2] =	dma.local @!p0 [hbm:s0], s1  }
0x75: {  	s0 =	simm.s32 @!p0 $0x3  }
0x76: {  	_ =	swait.ge @!p0 [sflag:s0], s1  }
0x77: {  	s1 =	ssub.s32 @!p0 $0x0, s1;
	[sflag:s0] =	ssyncset.done @!p0 $0x0  }
0x78: {  	[sflag:s0] =	ssyncadd.s32 @!p0 s1  }
0x79: {  	[bflag:$0x3] =	sbarrier.arrive $0xFFFF  }
0x7a: {  	_ =	shalt  }

</sc_bundles>
